<compile_context>
chip_gen: v7x
topology: tpu7x:2x2x1
jax: 0.10.2.dev20260603
libtpu: 0.0.44.dev20260713+nightly
codegen_flags: <defaults>
</compile_context>

<pallas_src>
import functools
import math

import jax
import jax.numpy as jnp
from jax import lax
from jax.experimental import pallas as pl
from jax.experimental.pallas import tpu as pltpu
from jax.experimental.pallas import tpu_sc as plsc

_N = 10000
_E = 320000
_D = 128
_BN_EPS = 1e-5
_INV = 1.0 / math.sqrt(1.0 + _BN_EPS)

_NC = 2
_NS = 16
_NW = _NC * _NS
_CHUNK = 128
_EPT = 10240
_EPAD = _NW * _EPT
_NROWS = 10016
_RPT = _NROWS // _NS
_NCHUNKS = _EPT // _CHUNK
_SLAB = 4
_CH0 = 144
_CH1 = 2 * _NCHUNKS - _CH0

_BLK = 400
_GRID = _N // _BLK


def _make_sc_agg(width):
  mesh = plsc.VectorSubcoreMesh(core_axis_name="c", subcore_axis_name="s")

  @functools.partial(
      pl.kernel,
      out_type=jax.ShapeDtypeStruct((_NC, _NROWS, width), jnp.float32),
      mesh=mesh,
      scratch_types=[
          pltpu.VMEM((_SLAB, _CHUNK), jnp.int32),
          pltpu.VMEM((_SLAB, _CHUNK), jnp.int32),
          pltpu.VMEM((_SLAB, _CHUNK), jnp.int32),
          pltpu.VMEM((_SLAB, _CHUNK), jnp.int32),
          pltpu.VMEM((_CHUNK, width), jnp.float32),
          pltpu.VMEM((_CHUNK, width), jnp.float32),
          pltpu.SemaphoreType.DMA,
          pltpu.SemaphoreType.DMA,
          pltpu.SemaphoreType.DMA,
          pltpu.SemaphoreType.DMA,
          pltpu.SemaphoreType.DMA,
          pltpu.SemaphoreType.DMA,
          pltpu.SemaphoreType.DMA,
          pltpu.SemaphoreType.DMA,
          pltpu.VMEM_SHARED((_NROWS, width), jnp.float32),
      ],
      compiler_params=pltpu.CompilerParams(use_tc_tiling_on_sc=False),
  )
  def agg(table, srcp, dstp, zrows, out,
          sslab0, sslab1, dslab0, dslab1, rows0, rows1,
          ss0, ss1, ds0, ds1, ga0, ga1, gb0, gb1, acc):
    c = lax.axis_index("c")
    s = lax.axis_index("s")
    nslabs = jnp.where(c == 0, _CH0 // _SLAB, _CH1 // _SLAB)
    base = jnp.where(c == 0, s * _CH0, _NS * _CH0 + s * _CH1)
    sslab = (sslab0, sslab1)
    dslab = (dslab0, dslab1)
    rows = (rows0, rows1)
    ss = (ss0, ss1)
    ds = (ds0, ds1)
    ga = (ga0, ga1)
    gb = (gb0, gb1)
    half = _CHUNK // 2

    def start_slab(t, p):
      off = base + t * _SLAB
      pltpu.async_copy(srcp.at[pl.ds(off, _SLAB)], sslab[p], ss[p])
      pltpu.async_copy(dstp.at[pl.ds(off, _SLAB)], dslab[p], ds[p])

    def wait_sslab(p):
      pltpu.make_async_copy(srcp.at[pl.ds(0, _SLAB)], sslab[p], ss[p]).wait()

    def wait_dslab(p):
      pltpu.make_async_copy(dstp.at[pl.ds(0, _SLAB)], dslab[p], ds[p]).wait()

    def start_gather(b, p, k):
      pltpu.async_copy(table.at[sslab[p].at[k, pl.ds(0, half)]],
                       rows[b].at[pl.ds(0, half)], ga[b])
      pltpu.async_copy(table.at[sslab[p].at[k, pl.ds(half, half)]],
                       rows[b].at[pl.ds(half, half)], gb[b])

    def wait_gather(b):
      pltpu.make_async_copy(table.at[sslab[0].at[0, pl.ds(0, half)]],
                            rows[b].at[pl.ds(0, half)], ga[b]).wait()
      pltpu.make_async_copy(table.at[sslab[0].at[0, pl.ds(half, half)]],
                            rows[b].at[pl.ds(half, half)], gb[b]).wait()

    with jax.named_scope("agg_zero"):
      pltpu.sync_copy(zrows, acc.at[pl.ds(s * _RPT, _RPT)])
      plsc.subcore_barrier()

    with jax.named_scope("agg_prime"):
      start_slab(0, 0)
      start_slab(1, 1)
      wait_sslab(0)
      start_gather(0, 0, 0)

    def slab_body(t, p, po):
      wait_dslab(p)
      for k in range(_SLAB):
        b = k % 2
        wait_gather(b)
        pltpu.sync_copy(rows[b], acc.at[dslab[p].at[k]], add=True)
        if k < _SLAB - 1:
          start_gather(1 - b, p, k + 1)
        else:
          @pl.when(t + 1 < nslabs)
          def _():
            wait_sslab(po)
            start_gather(1 - b, po, 0)

      @pl.when(t + 2 < nslabs)
      def _():
        start_slab(t + 2, p)

    def body(q, carry):
      slab_body(2 * q, 0, 1)
      slab_body(2 * q + 1, 1, 0)
      return carry

    with jax.named_scope("agg_loop"):
      lax.fori_loop(0, nslabs // 2, body, 0)
      plsc.subcore_barrier()
    with jax.named_scope("agg_out"):
      pltpu.sync_copy(acc.at[pl.ds(s * _RPT, _RPT)],
                      out.at[c, pl.ds(s * _RPT, _RPT)])

  return agg


_sc_agg_wide = _make_sc_agg(_D + 16)
_sc_agg = _make_sc_agg(_D)


def _dot_t(x, w):
  return lax.dot_general(x, w, (((1,), (1,)), ((), ())),
                         preferred_element_type=jnp.float32,
                         precision=lax.Precision.HIGHEST)


def _row_spec():
  return pl.BlockSpec((_BLK, _D), lambda i: (i, 0))


def _full_spec(r=1):
  return pl.BlockSpec((r, _D), lambda i: (0, 0))


def _k1_body(h, w1, b1, g1, be1, o):
  x = _dot_t(h[...], w1[...]) + b1[...]
  x = x * (g1[...] * _INV) + be1[...]
  o[...] = jnp.maximum(x, 0.0)


def _k1(h, w1, b1, g1, be1):
  return pl.pallas_call(
      _k1_body,
      grid=(_GRID,),
      in_specs=[_row_spec(), _full_spec(_D), _full_spec(), _full_spec(),
                _full_spec()],
      out_specs=_row_spec(),
      out_shape=jax.ShapeDtypeStruct((_N, _D), jnp.float32),
  )(h, w1, b1, g1, be1)


def _k3_body(x1, ns0, ns1, dg0, dg1, ws, bs, wn, w2, b2, g2, be2, o):
  deg = jnp.maximum(dg0[...][:, :1] + dg1[...][:, :1], 1.0)
  neigh = (ns0[...] + ns1[...]) / deg
  x2 = jnp.maximum(_dot_t(x1[...], ws[...]) + bs[...] + _dot_t(neigh, wn[...]),
                   0.0)
  x3 = (_dot_t(x2, w2[...]) + b2[...]) * (g2[...] * _INV) + be2[...]
  o[...] = jnp.maximum(x3, 0.0)


def _k3(x1, ns0, ns1, dg0, dg1, ws, bs, wn, w2, b2, g2, be2):
  dspec = pl.BlockSpec((_BLK, 16), lambda i: (i, 0))
  return pl.pallas_call(
      _k3_body,
      grid=(_GRID,),
      in_specs=[_row_spec(), _row_spec(), _row_spec(), dspec, dspec,
                _full_spec(_D), _full_spec(), _full_spec(_D), _full_spec(_D),
                _full_spec(), _full_spec(), _full_spec()],
      out_specs=_row_spec(),
      out_shape=jax.ShapeDtypeStruct((_N, _D), jnp.float32),
  )(x1, ns0, ns1, dg0, dg1, ws, bs, wn, w2, b2, g2, be2)


def _k6_body(x3, ns0, ns1, dg0, dg1, ws, bs, wn, w3, b3, o):
  deg = jnp.maximum(dg0[...][:, :1] + dg1[...][:, :1], 1.0)
  neigh = (ns0[...] + ns1[...]) / deg
  x4 = jnp.maximum(_dot_t(x3[...], ws[...]) + bs[...] + _dot_t(neigh, wn[...]),
                   0.0)
  o[...] = jnp.maximum(_dot_t(x4, w3[...]) + b3[...], 0.0)


def _k6(x3, ns0, ns1, dg0, dg1, ws, bs, wn, w3, b3):
  dspec = pl.BlockSpec((_BLK, 16), lambda i: (i, 0))
  return pl.pallas_call(
      _k6_body,
      grid=(_GRID,),
      in_specs=[_row_spec(), _row_spec(), _row_spec(), dspec, dspec,
                _full_spec(_D), _full_spec(), _full_spec(_D), _full_spec(_D),
                _full_spec()],
      out_specs=_row_spec(),
      out_shape=jax.ShapeDtypeStruct((_N, _D), jnp.float32),
  )(x3, ns0, ns1, dg0, dg1, ws, bs, wn, w3, b3)


def kernel(h, edge_index, W1, b1, g1, be1, Ws1_self, bs1, Ws1_neigh,
           W2, b2, g2, be2, Ws2_self, bs2, Ws2_neigh, W3, b3):
  src = edge_index[0]
  dst = edge_index[1]
  pad = _EPAD - _E
  srcp = jnp.concatenate([src, jnp.zeros((pad,), jnp.int32)])
  srcp = srcp.reshape(_NW * _NCHUNKS, _CHUNK)
  dstp = jnp.concatenate([dst, jnp.full((pad,), _N, jnp.int32)])
  dstp = dstp.reshape(_NW * _NCHUNKS, _CHUNK)
  zw = jnp.zeros((_RPT, _D + 16), jnp.float32)
  zn = jnp.zeros((_RPT, _D), jnp.float32)

  r = lambda v: v.reshape(1, _D)

  x1 = _k1(h, W1, r(b1), r(g1), r(be1))
  tab1 = jnp.concatenate([x1, jnp.ones((_N, 16), jnp.float32)], axis=1)
  acc1 = _sc_agg_wide(tab1, srcp, dstp, zw)
  ns0, ns1 = acc1[0, :_N, :_D], acc1[1, :_N, :_D]
  dg0, dg1 = acc1[0, :_N, _D:], acc1[1, :_N, _D:]
  x3 = _k3(x1, ns0, ns1, dg0, dg1, Ws1_self, r(bs1), Ws1_neigh,
           W2, r(b2), r(g2), r(be2))
  acc2 = _sc_agg(x3, srcp, dstp, zn)
  return _k6(x3, acc2[0, :_N], acc2[1, :_N], dg0, dg1, Ws2_self, r(bs2),
             Ws2_neigh, W3, r(b3))

# --- scband reference (transcript-rebuilt; emitter-appended) ---
"""Pipeline reference for scband-gcn-45646912422072 (READ-ONLY COPY).

The authoritative reference and input builder live on the scoring server;
editing this copy changes nothing except your own understanding.
"""

import jax, jax.numpy as jnp
import numpy as np

N = 10000
E = 320000
D = 128
BN_EPS = 1e-5


def setup_inputs(seed: int = 0) -> dict:
    key = jax.random.key(seed)
    ks = jax.random.split(key, 24)
    s = 1.0 / np.sqrt(D)
    inp = {}
    inp['h'] = jax.random.normal(ks[0], (N, D), dtype=jnp.float32)
    inp['edge_index'] = jax.random.randint(ks[1], (2, E), 0, N, dtype=jnp.int32)
    # d_layer1
    inp['W1'] = jax.random.normal(ks[2], (D, D), dtype=jnp.float32) * s
    inp['b1'] = jax.random.normal(ks[3], (D,), dtype=jnp.float32) * s
    # n1 (BatchNorm1d affine params; eval mode with running_mean=0, running_var=1)
    inp['g1'] = jnp.ones((D,), dtype=jnp.float32)
    inp['be1'] = jnp.zeros((D,), dtype=jnp.float32)
    # g_layer1 SAGEConv(mean): fc_self (with bias), fc_neigh (no bias)
    inp['Ws1_self'] = jax.random.normal(ks[4], (D, D), dtype=jnp.float32) * s
    inp['bs1'] = jax.random.normal(ks[5], (D,), dtype=jnp.float32) * s
    inp['Ws1_neigh'] = jax.random.normal(ks[6], (D, D), dtype=jnp.float32) * s
    # d_layer2
    inp['W2'] = jax.random.normal(ks[7], (D, D), dtype=jnp.float32) * s
    inp['b2'] = jax.random.normal(ks[8], (D,), dtype=jnp.float32) * s
    # n2
    inp['g2'] = jnp.ones((D,), dtype=jnp.float32)
    inp['be2'] = jnp.zeros((D,), dtype=jnp.float32)
    # g_layer2
    inp['Ws2_self'] = jax.random.normal(ks[9], (D, D), dtype=jnp.float32) * s
    inp['bs2'] = jax.random.normal(ks[10], (D,), dtype=jnp.float32) * s
    inp['Ws2_neigh'] = jax.random.normal(ks[11], (D, D), dtype=jnp.float32) * s
    # d_layer3
    inp['W3'] = jax.random.normal(ks[12], (D, D), dtype=jnp.float32) * s
    inp['b3'] = jax.random.normal(ks[13], (D,), dtype=jnp.float32) * s
    return inp


def _bn_eval(x, g, b):
    # BatchNorm1d at init in eval mode: running_mean=0, running_var=1
    return x / jnp.sqrt(1.0 + BN_EPS) * g + b


def _sage_mean(h, src, dst, W_self, b_self, W_neigh):
    # DGL SAGEConv(aggregator_type='mean'): neigh = mean of in-neighbor feats,
    # rst = fc_self(h) + fc_neigh(neigh); activation relu applied by caller
    neigh_sum = jax.ops.segment_sum(h[src], dst, num_segments=N)
    deg = jax.ops.segment_sum(jnp.ones((src.shape[0],), dtype=jnp.float32), dst, num_segments=N)
    neigh = neigh_sum / jnp.clip(deg, 1.0, None)[:, None]
    return h @ W_self.T + b_self + neigh @ W_neigh.T


def reference(h, edge_index, W1, b1, g1, be1, Ws1_self, bs1, Ws1_neigh, W2, b2, g2, be2, Ws2_self, bs2, Ws2_neigh, W3, b3):
    src = edge_index[0]
    dst = edge_index[1]
    x = h @ W1.T + b1
    x = _bn_eval(x, g1, be1)
    x = jax.nn.relu(x)
    # dropout: identity in eval mode
    x = jax.nn.relu(_sage_mean(x, src, dst, Ws1_self, bs1, Ws1_neigh))
    x = x @ W2.T + b2
    x = _bn_eval(x, g2, be2)
    x = jax.nn.relu(x)
    x = jax.nn.relu(_sage_mean(x, src, dst, Ws2_self, bs2, Ws2_neigh))
    x = jax.nn.relu(x @ W3.T + b3)
    return x

if __name__ == "__main__":
    import jax
    _d = setup_inputs()
    print(jax.jit(kernel)(*tuple(_d.values())))

</pallas_src>

<mosaic_0001>
#map = affine_map<(d0, d1) -> (0, 0)>
#map1 = affine_map<(d0, d1) -> (0, 0, 0)>
module attributes {stable_mosaic.version = 14 : i64} {
  func.func @agg(%arg0: i32, %arg1: i32, %arg2: memref<10000x144xf32, #tpu.memory_space<hbm>>, %arg3: memref<2560x128xi32, #tpu.memory_space<hbm>>, %arg4: memref<2560x128xi32, #tpu.memory_space<hbm>>, %arg5: memref<626x144xf32, #tpu.memory_space<hbm>>, %arg6: memref<2x10016x144xf32, #tpu.memory_space<hbm>>, %arg7: memref<4x128xi32, #tpu.memory_space<vmem>>, %arg8: memref<4x128xi32, #tpu.memory_space<vmem>>, %arg9: memref<4x128xi32, #tpu.memory_space<vmem>>, %arg10: memref<4x128xi32, #tpu.memory_space<vmem>>, %arg11: memref<128x144xf32, #tpu.memory_space<vmem>>, %arg12: memref<128x144xf32, #tpu.memory_space<vmem>>, %arg13: memref<!tpu.dma_semaphore, #tpu.memory_space<semaphore_mem>>, %arg14: memref<!tpu.dma_semaphore, #tpu.memory_space<semaphore_mem>>, %arg15: memref<!tpu.dma_semaphore, #tpu.memory_space<semaphore_mem>>, %arg16: memref<!tpu.dma_semaphore, #tpu.memory_space<semaphore_mem>>, %arg17: memref<!tpu.dma_semaphore, #tpu.memory_space<semaphore_mem>>, %arg18: memref<!tpu.dma_semaphore, #tpu.memory_space<semaphore_mem>>, %arg19: memref<!tpu.dma_semaphore, #tpu.memory_space<semaphore_mem>>, %arg20: memref<!tpu.dma_semaphore, #tpu.memory_space<semaphore_mem>>, %arg21: memref<10016x144xf32, #tpu.memory_space<vmem_shared>>) attributes {dimension_semantics = [#tpu.dimension_semantics<core_parallel>, #tpu.dimension_semantics<subcore_parallel>], iteration_bounds = array<i64: 2, 16>, scalar_prefetch = 0 : i64, scratch_operands = 15 : i64, tpu.core_type = #tpu.core_type<sc_vector_subcore>, window_params = [{transform_indices = #map}, {transform_indices = #map}, {transform_indices = #map}, {transform_indices = #map}, {transform_indices = #map1}]} {
    %eq3A = arith.constant 0 : i32
    %eq3A_0 = arith.cmpi eq, %arg0, %eq3A : i32
    %jit3A = arith.constant 36 : i32
    %jit3A_1 = arith.constant 4 : i32
    %select_n3A = arith.select %eq3A_0, %jit3A, %jit3A_1 : i32
    %eq3A_2 = arith.constant 0 : i32
    %eq3A_3 = arith.cmpi eq, %arg0, %eq3A_2 : i32
    %mul3A = arith.constant 144 : i32
    %mul3A_4 = arith.muli %arg1, %mul3A : i32
    %mul3A_5 = arith.constant 16 : i32
    %mul3A_6 = arith.muli %arg1, %mul3A_5 : i32
    %add3A = arith.constant 2304 : i32
    %add3A_7 = arith.addi %add3A, %mul3A_6 : i32
    %select_n3A_8 = arith.select %eq3A_3, %mul3A_4, %add3A_7 : i32
    "tpu.trace_start"() <{level = 10 : i32, message = "agg_zero"}> : () -> ()
    %mul3A_9 = arith.constant 626 : i32
    %mul3A_10 = arith.muli %arg1, %mul3A_9 : i32
    "tpu.region"() ({
      %run_scoped3A = tpu.sem_alloc : memref<!tpu.dma_semaphore, #tpu.memory_space<semaphore_mem>>
      %dma_start3A_87 = arith.constant 0 : i32
      %dma_start3A_88 = tpu.memref_slice %arg21[%mul3A_10, %dma_start3A_87] : memref<10016x144xf32, #tpu.memory_space<vmem_shared>> -> memref<626x144xf32, #tpu.memory_space<vmem_shared>>
      tpu.enqueue_dma source(%arg5 : memref<626x144xf32, #tpu.memory_space<hbm>>) target(%dma_start3A_88 : memref<626x144xf32, #tpu.memory_space<vmem_shared>>) target_semaphore(%run_scoped3A : memref<!tpu.dma_semaphore, #tpu.memory_space<semaphore_mem>>)
      %dma_wait3A_89 = arith.constant 0 : i32
      %dma_wait3A_90 = tpu.memref_slice %arg21[%mul3A_10, %dma_wait3A_89] : memref<10016x144xf32, #tpu.memory_space<vmem_shared>> -> memref<626x144xf32, #tpu.memory_space<vmem_shared>>
      tpu.wait_dma2 semaphore(%run_scoped3A : memref<!tpu.dma_semaphore, #tpu.memory_space<semaphore_mem>>) src(%arg5 : memref<626x144xf32, #tpu.memory_space<hbm>>) dst(%dma_wait3A_90 : memref<626x144xf32, #tpu.memory_space<vmem_shared>>)
      tpu.yield
    }) : () -> ()
    %barrier3A = arith.constant 0 : index
    tpu.barrier barrier_id(%barrier3A)
    "tpu.trace_stop"() : () -> ()
    "tpu.trace_start"() <{level = 10 : i32, message = "agg_prime"}> : () -> ()
    %add3A_11 = arith.constant 0 : i32
    %add3A_12 = arith.addi %select_n3A_8, %add3A_11 : i32
    %dma_start3A = arith.constant 0 : i32
    %dma_start3A_13 = tpu.memref_slice %arg3[%add3A_12, %dma_start3A] : memref<2560x128xi32, #tpu.memory_space<hbm>> -> memref<4x128xi32, #tpu.memory_space<hbm>>
    %dma_start3A_14 = arith.constant 0 : i32
    %dma_start3A_15 = tpu.memref_slice %arg3[%add3A_12, %dma_start3A_14] : memref<2560x128xi32, #tpu.memory_space<hbm>> -> memref<4x128xi32, #tpu.memory_space<hbm>>
    tpu.enqueue_dma source(%dma_start3A_15 : memref<4x128xi32, #tpu.memory_space<hbm>>) target(%arg7 : memref<4x128xi32, #tpu.memory_space<vmem>>) target_semaphore(%arg13 : memref<!tpu.dma_semaphore, #tpu.memory_space<semaphore_mem>>)
    %dma_start3A_16 = arith.constant 0 : i32
    %dma_start3A_17 = tpu.memref_slice %arg4[%add3A_12, %dma_start3A_16] : memref<2560x128xi32, #tpu.memory_space<hbm>> -> memref<4x128xi32, #tpu.memory_space<hbm>>
    %dma_start3A_18 = arith.constant 0 : i32
    %dma_start3A_19 = tpu.memref_slice %arg4[%add3A_12, %dma_start3A_18] : memref<2560x128xi32, #tpu.memory_space<hbm>> -> memref<4x128xi32, #tpu.memory_space<hbm>>
    tpu.enqueue_dma source(%dma_start3A_19 : memref<4x128xi32, #tpu.memory_space<hbm>>) target(%arg9 : memref<4x128xi32, #tpu.memory_space<vmem>>) target_semaphore(%arg15 : memref<!tpu.dma_semaphore, #tpu.memory_space<semaphore_mem>>)
    %add3A_20 = arith.constant 4 : i32
    %add3A_21 = arith.addi %select_n3A_8, %add3A_20 : i32
    %dma_start3A_22 = arith.constant 0 : i32
    %dma_start3A_23 = tpu.memref_slice %arg3[%add3A_21, %dma_start3A_22] : memref<2560x128xi32, #tpu.memory_space<hbm>> -> memref<4x128xi32, #tpu.memory_space<hbm>>
    %dma_start3A_24 = arith.constant 0 : i32
    %dma_start3A_25 = tpu.memref_slice %arg3[%add3A_21, %dma_start3A_24] : memref<2560x128xi32, #tpu.memory_space<hbm>> -> memref<4x128xi32, #tpu.memory_space<hbm>>
    tpu.enqueue_dma source(%dma_start3A_25 : memref<4x128xi32, #tpu.memory_space<hbm>>) target(%arg8 : memref<4x128xi32, #tpu.memory_space<vmem>>) target_semaphore(%arg14 : memref<!tpu.dma_semaphore, #tpu.memory_space<semaphore_mem>>)
    %dma_start3A_26 = arith.constant 0 : i32
    %dma_start3A_27 = tpu.memref_slice %arg4[%add3A_21, %dma_start3A_26] : memref<2560x128xi32, #tpu.memory_space<hbm>> -> memref<4x128xi32, #tpu.memory_space<hbm>>
    %dma_start3A_28 = arith.constant 0 : i32
    %dma_start3A_29 = tpu.memref_slice %arg4[%add3A_21, %dma_start3A_28] : memref<2560x128xi32, #tpu.memory_space<hbm>> -> memref<4x128xi32, #tpu.memory_space<hbm>>
    tpu.enqueue_dma source(%dma_start3A_29 : memref<4x128xi32, #tpu.memory_space<hbm>>) target(%arg10 : memref<4x128xi32, #tpu.memory_space<vmem>>) target_semaphore(%arg16 : memref<!tpu.dma_semaphore, #tpu.memory_space<semaphore_mem>>)
    %dma_wait3A = arith.constant 0 : i32
    %dma_wait3A_30 = arith.constant 0 : i32
    %dma_wait3A_31 = tpu.memref_slice %arg3[%dma_wait3A, %dma_wait3A_30] : memref<2560x128xi32, #tpu.memory_space<hbm>> -> memref<4x128xi32, #tpu.memory_space<hbm>>
    %dma_wait3A_32 = arith.constant 0 : i32
    %dma_wait3A_33 = arith.constant 0 : i32
    %dma_wait3A_34 = tpu.memref_slice %arg3[%dma_wait3A_32, %dma_wait3A_33] : memref<2560x128xi32, #tpu.memory_space<hbm>> -> memref<4x128xi32, #tpu.memory_space<hbm>>
    tpu.wait_dma2 semaphore(%arg13 : memref<!tpu.dma_semaphore, #tpu.memory_space<semaphore_mem>>) src(%dma_wait3A_34 : memref<4x128xi32, #tpu.memory_space<hbm>>) dst(%arg7 : memref<4x128xi32, #tpu.memory_space<vmem>>)
    %dma_start3A_35 = arith.constant 0 : i32
    %dma_start3A_36 = arith.constant 0 : i32
    %dma_start3A_37 = arith.constant 0 : i32
    %dma_start3A_38 = tpu.memref_slice %arg11[%dma_start3A_36, %dma_start3A_37] : memref<128x144xf32, #tpu.memory_space<vmem>> -> memref<64x144xf32, #tpu.memory_space<vmem>>
    %dma_start3A_39 = arith.constant 0 : i32
    %dma_start3A_40 = tpu.memref_slice %arg7[%dma_start3A_35, %dma_start3A_39] : memref<4x128xi32, #tpu.memory_space<vmem>> -> memref<1x64xi32, #tpu.memory_space<vmem>>
    %dma_start3A_41 = tpu.memref_squeeze %dma_start3A_40 : memref<1x64xi32, #tpu.memory_space<vmem>> -> memref<64xi32, #tpu.memory_space<vmem>>
    %dma_start3A_42 = arith.constant 0 : i32
    %dma_start3A_43 = arith.constant 0 : i32
    %dma_start3A_44 = tpu.memref_slice %arg2[%dma_start3A_42, %dma_start3A_43] : memref<10000x144xf32, #tpu.memory_space<hbm>> -> memref<10000x144xf32, #tpu.memory_space<hbm>>
    tpu.enqueue_indirect_dma source(%dma_start3A_44 : memref<10000x144xf32, #tpu.memory_space<hbm>>) target(%dma_start3A_38 : memref<64x144xf32, #tpu.memory_space<vmem>>) offsets(%dma_start3A_41 : memref<64xi32, #tpu.memory_space<vmem>>) semaphore(%arg17 : memref<!tpu.dma_semaphore, #tpu.memory_space<semaphore_mem>>)
    %dma_start3A_45 = arith.constant 0 : i32
    %dma_start3A_46 = arith.constant 64 : i32
    %dma_start3A_47 = arith.constant 0 : i32
    %dma_start3A_48 = tpu.memref_slice %arg11[%dma_start3A_46, %dma_start3A_47] : memref<128x144xf32, #tpu.memory_space<vmem>> -> memref<64x144xf32, #tpu.memory_space<vmem>>
    %dma_start3A_49 = arith.constant 64 : i32
    %dma_start3A_50 = tpu.memref_slice %arg7[%dma_start3A_45, %dma_start3A_49] : memref<4x128xi32, #tpu.memory_space<vmem>> -> memref<1x64xi32, #tpu.memory_space<vmem>>
    %dma_start3A_51 = tpu.memref_squeeze %dma_start3A_50 : memref<1x64xi32, #tpu.memory_space<vmem>> -> memref<64xi32, #tpu.memory_space<vmem>>
    %dma_start3A_52 = arith.constant 0 : i32
    %dma_start3A_53 = arith.constant 0 : i32
    %dma_start3A_54 = tpu.memref_slice %arg2[%dma_start3A_52, %dma_start3A_53] : memref<10000x144xf32, #tpu.memory_space<hbm>> -> memref<10000x144xf32, #tpu.memory_space<hbm>>
    tpu.enqueue_indirect_dma source(%dma_start3A_54 : memref<10000x144xf32, #tpu.memory_space<hbm>>) target(%dma_start3A_48 : memref<64x144xf32, #tpu.memory_space<vmem>>) offsets(%dma_start3A_51 : memref<64xi32, #tpu.memory_space<vmem>>) semaphore(%arg19 : memref<!tpu.dma_semaphore, #tpu.memory_space<semaphore_mem>>)
    %jit3A_55 = arith.constant 2 : i32
    "tpu.trace_stop"() : () -> ()
    "tpu.trace_start"() <{level = 10 : i32, message = "agg_loop"}> : () -> ()
    %div3A = arith.divsi %select_n3A, %jit3A_55 : i32
    %sign3A = arith.constant 0 : i32
    %sign3A_56 = arith.cmpi sgt, %select_n3A, %sign3A : i32
    %sign3A_57 = arith.extui %sign3A_56 : i1 to i32
    %sign3A_58 = arith.constant 0 : i32
    %sign3A_59 = arith.cmpi slt, %select_n3A, %sign3A_58 : i32
    %sign3A_60 = arith.extui %sign3A_59 : i1 to i32
    %sign3A_61 = arith.subi %sign3A_57, %sign3A_60 : i32
    %sign3A_62 = arith.constant 0 : i32
    %sign3A_63 = arith.cmpi sgt, %jit3A_55, %sign3A_62 : i32
    %sign3A_64 = arith.extui %sign3A_63 : i1 to i32
    %sign3A_65 = arith.constant 0 : i32
    %sign3A_66 = arith.cmpi slt, %jit3A_55, %sign3A_65 : i32
    %sign3A_67 = arith.extui %sign3A_66 : i1 to i32
    %sign3A_68 = arith.subi %sign3A_64, %sign3A_67 : i32
    %ne3A = arith.cmpi ne, %sign3A_61, %sign3A_68 : i32
    %rem3A = arith.remsi %select_n3A, %jit3A_55 : i32
    %ne3A_69 = arith.constant 0 : i32
    %ne3A_70 = arith.cmpi ne, %rem3A, %ne3A_69 : i32
    %and3A = arith.andi %ne3A, %ne3A_70 : i1
    %sub3A = arith.constant 1 : i32
    %sub3A_71 = arith.subi %div3A, %sub3A : i32
    %select_n3A_72 = arith.select %and3A, %sub3A_71, %div3A : i32
    %while3A = arith.constant 0 : i32
    %while3A_73 = arith.constant 0 : i32
    %while3A_74 = arith.subi %select_n3A_72, %while3A_73 : i32
    %while3A_75 = arith.addi %while3A_73, %while3A_74 : i32
    %while3A_76 = arith.constant 1 : i32
    %while3A_77 = arith.divsi %while3A_74, %while3A_76 : i32
    %while3A_78 = arith.muli %while3A_77, %while3A_76 : i32
    %while3A_79 = arith.addi %while3A_73, %while3A_78 : i32
    %while3A_80 = arith.constant 1 : i32
    scf.for %while3A_87 = %while3A_73 to %while3A_79 step %while3A_80  : i32 {
      %mul3A_88 = arith.constant 2 : i32
      %mul3A_89 = arith.muli %mul3A_88, %while3A_87 : i32
      %dma_wait3A_90 = arith.constant 0 : i32
      %dma_wait3A_91 = arith.constant 0 : i32
      %dma_wait3A_92 = tpu.memref_slice %arg4[%dma_wait3A_90, %dma_wait3A_91] : memref<2560x128xi32, #tpu.memory_space<hbm>> -> memref<4x128xi32, #tpu.memory_space<hbm>>
      %dma_wait3A_93 = arith.constant 0 : i32
      %dma_wait3A_94 = arith.constant 0 : i32
      %dma_wait3A_95 = tpu.memref_slice %arg4[%dma_wait3A_93, %dma_wait3A_94] : memref<2560x128xi32, #tpu.memory_space<hbm>> -> memref<4x128xi32, #tpu.memory_space<hbm>>
      tpu.wait_dma2 semaphore(%arg15 : memref<!tpu.dma_semaphore, #tpu.memory_space<semaphore_mem>>) src(%dma_wait3A_95 : memref<4x128xi32, #tpu.memory_space<hbm>>) dst(%arg9 : memref<4x128xi32, #tpu.memory_space<vmem>>)
      %dma_wait3A_96 = arith.constant 0 : i32
      %dma_wait3A_97 = arith.constant 0 : i32
      %dma_wait3A_98 = arith.constant 0 : i32
      %dma_wait3A_99 = tpu.memref_slice %arg11[%dma_wait3A_97, %dma_wait3A_98] : memref<128x144xf32, #tpu.memory_space<vmem>> -> memref<64x144xf32, #tpu.memory_space<vmem>>
      %dma_wait3A_100 = arith.constant 0 : i32
      %dma_wait3A_101 = tpu.memref_slice %arg7[%dma_wait3A_96, %dma_wait3A_100] : memref<4x128xi32, #tpu.memory_space<vmem>> -> memref<1x64xi32, #tpu.memory_space<vmem>>
      %dma_wait3A_102 = tpu.memref_squeeze %dma_wait3A_101 : memref<1x64xi32, #tpu.memory_space<vmem>> -> memref<64xi32, #tpu.memory_space<vmem>>
      %dma_wait3A_103 = arith.constant 0 : i32
      %dma_wait3A_104 = arith.constant 0 : i32
      %dma_wait3A_105 = tpu.memref_slice %arg2[%dma_wait3A_103, %dma_wait3A_104] : memref<10000x144xf32, #tpu.memory_space<hbm>> -> memref<10000x144xf32, #tpu.memory_space<hbm>>
      tpu.wait_indirect_dma semaphore(%arg17 : memref<!tpu.dma_semaphore, #tpu.memory_space<semaphore_mem>>) src(%dma_wait3A_105 : memref<10000x144xf32, #tpu.memory_space<hbm>>) dst(%dma_wait3A_99 : memref<64x144xf32, #tpu.memory_space<vmem>>)
      %dma_wait3A_106 = arith.constant 0 : i32
      %dma_wait3A_107 = arith.constant 64 : i32
      %dma_wait3A_108 = arith.constant 0 : i32
      %dma_wait3A_109 = tpu.memref_slice %arg11[%dma_wait3A_107, %dma_wait3A_108] : memref<128x144xf32, #tpu.memory_space<vmem>> -> memref<64x144xf32, #tpu.memory_space<vmem>>
      %dma_wait3A_110 = arith.constant 64 : i32
      %dma_wait3A_111 = tpu.memref_slice %arg7[%dma_wait3A_106, %dma_wait3A_110] : memref<4x128xi32, #tpu.memory_space<vmem>> -> memref<1x64xi32, #tpu.memory_space<vmem>>
      %dma_wait3A_112 = tpu.memref_squeeze %dma_wait3A_111 : memref<1x64xi32, #tpu.memory_space<vmem>> -> memref<64xi32, #tpu.memory_space<vmem>>
      %dma_wait3A_113 = arith.constant 0 : i32
      %dma_wait3A_114 = arith.constant 0 : i32
      %dma_wait3A_115 = tpu.memref_slice %arg2[%dma_wait3A_113, %dma_wait3A_114] : memref<10000x144xf32, #tpu.memory_space<hbm>> -> memref<10000x144xf32, #tpu.memory_space<hbm>>
      tpu.wait_indirect_dma semaphore(%arg19 : memref<!tpu.dma_semaphore, #tpu.memory_space<semaphore_mem>>) src(%dma_wait3A_115 : memref<10000x144xf32, #tpu.memory_space<hbm>>) dst(%dma_wait3A_109 : memref<64x144xf32, #tpu.memory_space<vmem>>)
      %run_scoped3A = arith.constant 0 : i32
      "tpu.region"() ({
        %run_scoped3A_414 = tpu.sem_alloc : memref<!tpu.dma_semaphore, #tpu.memory_space<semaphore_mem>>
        %dma_start3A_415 = arith.constant 0 : i32
        %dma_start3A_416 = tpu.memref_slice %arg9[%run_scoped3A, %dma_start3A_415] : memref<4x128xi32, #tpu.memory_space<vmem>> -> memref<1x128xi32, #tpu.memory_space<vmem>>
        %dma_start3A_417 = tpu.memref_squeeze %dma_start3A_416 : memref<1x128xi32, #tpu.memory_space<vmem>> -> memref<128xi32, #tpu.memory_space<vmem>>
        %dma_start3A_418 = arith.constant 0 : i32
        %dma_start3A_419 = arith.constant 0 : i32
        %dma_start3A_420 = tpu.memref_slice %arg21[%dma_start3A_418, %dma_start3A_419] : memref<10016x144xf32, #tpu.memory_space<vmem_shared>> -> memref<10016x144xf32, #tpu.memory_space<vmem_shared>>
        tpu.enqueue_indirect_dma source(%arg11 : memref<128x144xf32, #tpu.memory_space<vmem>>) target(%dma_start3A_420 : memref<10016x144xf32, #tpu.memory_space<vmem_shared>>) offsets(%dma_start3A_417 : memref<128xi32, #tpu.memory_space<vmem>>) semaphore(%run_scoped3A_414 : memref<!tpu.dma_semaphore, #tpu.memory_space<semaphore_mem>>) {add = true}
        %dma_wait3A_421 = arith.constant 0 : i32
        %dma_wait3A_422 = tpu.memref_slice %arg9[%run_scoped3A, %dma_wait3A_421] : memref<4x128xi32, #tpu.memory_space<vmem>> -> memref<1x128xi32, #tpu.memory_space<vmem>>
        %dma_wait3A_423 = tpu.memref_squeeze %dma_wait3A_422 : memref<1x128xi32, #tpu.memory_space<vmem>> -> memref<128xi32, #tpu.memory_space<vmem>>
        %dma_wait3A_424 = arith.constant 0 : i32
        %dma_wait3A_425 = arith.constant 0 : i32
        %dma_wait3A_426 = tpu.memref_slice %arg21[%dma_wait3A_424, %dma_wait3A_425] : memref<10016x144xf32, #tpu.memory_space<vmem_shared>> -> memref<10016x144xf32, #tpu.memory_space<vmem_shared>>
        tpu.wait_indirect_dma semaphore(%run_scoped3A_414 : memref<!tpu.dma_semaphore, #tpu.memory_space<semaphore_mem>>) src(%arg11 : memref<128x144xf32, #tpu.memory_space<vmem>>) dst(%dma_wait3A_426 : memref<10016x144xf32, #tpu.memory_space<vmem_shared>>)
        tpu.yield
      }) : () -> ()
      %dma_start3A_116 = arith.constant 1 : i32
      %dma_start3A_117 = arith.constant 0 : i32
      %dma_start3A_118 = arith.constant 0 : i32
      %dma_start3A_119 = tpu.memref_slice %arg12[%dma_start3A_117, %dma_start3A_118] : memref<128x144xf32, #tpu.memory_space<vmem>> -> memref<64x144xf32, #tpu.memory_space<vmem>>
      %dma_start3A_120 = arith.constant 0 : i32
      %dma_start3A_121 = tpu.memref_slice %arg7[%dma_start3A_116, %dma_start3A_120] : memref<4x128xi32, #tpu.memory_space<vmem>> -> memref<1x64xi32, #tpu.memory_space<vmem>>
      %dma_start3A_122 = tpu.memref_squeeze %dma_start3A_121 : memref<1x64xi32, #tpu.memory_space<vmem>> -> memref<64xi32, #tpu.memory_space<vmem>>
      %dma_start3A_123 = arith.constant 0 : i32
      %dma_start3A_124 = arith.constant 0 : i32
      %dma_start3A_125 = tpu.memref_slice %arg2[%dma_start3A_123, %dma_start3A_124] : memref<10000x144xf32, #tpu.memory_space<hbm>> -> memref<10000x144xf32, #tpu.memory_space<hbm>>
      tpu.enqueue_indirect_dma source(%dma_start3A_125 : memref<10000x144xf32, #tpu.memory_space<hbm>>) target(%dma_start3A_119 : memref<64x144xf32, #tpu.memory_space<vmem>>) offsets(%dma_start3A_122 : memref<64xi32, #tpu.memory_space<vmem>>) semaphore(%arg18 : memref<!tpu.dma_semaphore, #tpu.memory_space<semaphore_mem>>)
      %dma_start3A_126 = arith.constant 1 : i32
      %dma_start3A_127 = arith.constant 64 : i32
      %dma_start3A_128 = arith.constant 0 : i32
      %dma_start3A_129 = tpu.memref_slice %arg12[%dma_start3A_127, %dma_start3A_128] : memref<128x144xf32, #tpu.memory_space<vmem>> -> memref<64x144xf32, #tpu.memory_space<vmem>>
      %dma_start3A_130 = arith.constant 64 : i32
      %dma_start3A_131 = tpu.memref_slice %arg7[%dma_start3A_126, %dma_start3A_130] : memref<4x128xi32, #tpu.memory_space<vmem>> -> memref<1x64xi32, #tpu.memory_space<vmem>>
      %dma_start3A_132 = tpu.memref_squeeze %dma_start3A_131 : memref<1x64xi32, #tpu.memory_space<vmem>> -> memref<64xi32, #tpu.memory_space<vmem>>
      %dma_start3A_133 = arith.constant 0 : i32
      %dma_start3A_134 = arith.constant 0 : i32
      %dma_start3A_135 = tpu.memref_slice %arg2[%dma_start3A_133, %dma_start3A_134] : memref<10000x144xf32, #tpu.memory_space<hbm>> -> memref<10000x144xf32, #tpu.memory_space<hbm>>
      tpu.enqueue_indirect_dma source(%dma_start3A_135 : memref<10000x144xf32, #tpu.memory_space<hbm>>) target(%dma_start3A_129 : memref<64x144xf32, #tpu.memory_space<vmem>>) offsets(%dma_start3A_132 : memref<64xi32, #tpu.memory_space<vmem>>) semaphore(%arg20 : memref<!tpu.dma_semaphore, #tpu.memory_space<semaphore_mem>>)
      %dma_wait3A_136 = arith.constant 0 : i32
      %dma_wait3A_137 = arith.constant 0 : i32
      %dma_wait3A_138 = arith.constant 0 : i32
      %dma_wait3A_139 = tpu.memref_slice %arg12[%dma_wait3A_137, %dma_wait3A_138] : memref<128x144xf32, #tpu.memory_space<vmem>> -> memref<64x144xf32, #tpu.memory_space<vmem>>
      %dma_wait3A_140 = arith.constant 0 : i32
      %dma_wait3A_141 = tpu.memref_slice %arg7[%dma_wait3A_136, %dma_wait3A_140] : memref<4x128xi32, #tpu.memory_space<vmem>> -> memref<1x64xi32, #tpu.memory_space<vmem>>
      %dma_wait3A_142 = tpu.memref_squeeze %dma_wait3A_141 : memref<1x64xi32, #tpu.memory_space<vmem>> -> memref<64xi32, #tpu.memory_space<vmem>>
      %dma_wait3A_143 = arith.constant 0 : i32
      %dma_wait3A_144 = arith.constant 0 : i32
      %dma_wait3A_145 = tpu.memref_slice %arg2[%dma_wait3A_143, %dma_wait3A_144] : memref<10000x144xf32, #tpu.memory_space<hbm>> -> memref<10000x144xf32, #tpu.memory_space<hbm>>
      tpu.wait_indirect_dma semaphore(%arg18 : memref<!tpu.dma_semaphore, #tpu.memory_space<semaphore_mem>>) src(%dma_wait3A_145 : memref<10000x144xf32, #tpu.memory_space<hbm>>) dst(%dma_wait3A_139 : memref<64x144xf32, #tpu.memory_space<vmem>>)
      %dma_wait3A_146 = arith.constant 0 : i32
      %dma_wait3A_147 = arith.constant 64 : i32
      %dma_wait3A_148 = arith.constant 0 : i32
      %dma_wait3A_149 = tpu.memref_slice %arg12[%dma_wait3A_147, %dma_wait3A_148] : memref<128x144xf32, #tpu.memory_space<vmem>> -> memref<64x144xf32, #tpu.memory_space<vmem>>
      %dma_wait3A_150 = arith.constant 64 : i32
      %dma_wait3A_151 = tpu.memref_slice %arg7[%dma_wait3A_146, %dma_wait3A_150] : memref<4x128xi32, #tpu.memory_space<vmem>> -> memref<1x64xi32, #tpu.memory_space<vmem>>
      %dma_wait3A_152 = tpu.memref_squeeze %dma_wait3A_151 : memref<1x64xi32, #tpu.memory_space<vmem>> -> memref<64xi32, #tpu.memory_space<vmem>>
      %dma_wait3A_153 = arith.constant 0 : i32
      %dma_wait3A_154 = arith.constant 0 : i32
      %dma_wait3A_155 = tpu.memref_slice %arg2[%dma_wait3A_153, %dma_wait3A_154] : memref<10000x144xf32, #tpu.memory_space<hbm>> -> memref<10000x144xf32, #tpu.memory_space<hbm>>
      tpu.wait_indirect_dma semaphore(%arg20 : memref<!tpu.dma_semaphore, #tpu.memory_space<semaphore_mem>>) src(%dma_wait3A_155 : memref<10000x144xf32, #tpu.memory_space<hbm>>) dst(%dma_wait3A_149 : memref<64x144xf32, #tpu.memory_space<vmem>>)
      %run_scoped3A_156 = arith.constant 1 : i32
      "tpu.region"() ({
        %run_scoped3A_414 = tpu.sem_alloc : memref<!tpu.dma_semaphore, #tpu.memory_space<semaphore_mem>>
        %dma_start3A_415 = arith.constant 0 : i32
        %dma_start3A_416 = tpu.memref_slice %arg9[%run_scoped3A_156, %dma_start3A_415] : memref<4x128xi32, #tpu.memory_space<vmem>> -> memref<1x128xi32, #tpu.memory_space<vmem>>
        %dma_start3A_417 = tpu.memref_squeeze %dma_start3A_416 : memref<1x128xi32, #tpu.memory_space<vmem>> -> memref<128xi32, #tpu.memory_space<vmem>>
        %dma_start3A_418 = arith.constant 0 : i32
        %dma_start3A_419 = arith.constant 0 : i32
        %dma_start3A_420 = tpu.memref_slice %arg21[%dma_start3A_418, %dma_start3A_419] : memref<10016x144xf32, #tpu.memory_space<vmem_shared>> -> memref<10016x144xf32, #tpu.memory_space<vmem_shared>>
        tpu.enqueue_indirect_dma source(%arg12 : memref<128x144xf32, #tpu.memory_space<vmem>>) target(%dma_start3A_420 : memref<10016x144xf32, #tpu.memory_space<vmem_shared>>) offsets(%dma_start3A_417 : memref<128xi32, #tpu.memory_space<vmem>>) semaphore(%run_scoped3A_414 : memref<!tpu.dma_semaphore, #tpu.memory_space<semaphore_mem>>) {add = true}
        %dma_wait3A_421 = arith.constant 0 : i32
        %dma_wait3A_422 = tpu.memref_slice %arg9[%run_scoped3A_156, %dma_wait3A_421] : memref<4x128xi32, #tpu.memory_space<vmem>> -> memref<1x128xi32, #tpu.memory_space<vmem>>
        %dma_wait3A_423 = tpu.memref_squeeze %dma_wait3A_422 : memref<1x128xi32, #tpu.memory_space<vmem>> -> memref<128xi32, #tpu.memory_space<vmem>>
        %dma_wait3A_424 = arith.constant 0 : i32
        %dma_wait3A_425 = arith.constant 0 : i32
        %dma_wait3A_426 = tpu.memref_slice %arg21[%dma_wait3A_424, %dma_wait3A_425] : memref<10016x144xf32, #tpu.memory_space<vmem_shared>> -> memref<10016x144xf32, #tpu.memory_space<vmem_shared>>
        tpu.wait_indirect_dma semaphore(%run_scoped3A_414 : memref<!tpu.dma_semaphore, #tpu.memory_space<semaphore_mem>>) src(%arg12 : memref<128x144xf32, #tpu.memory_space<vmem>>) dst(%dma_wait3A_426 : memref<10016x144xf32, #tpu.memory_space<vmem_shared>>)
        tpu.yield
      }) : () -> ()
      %dma_start3A_157 = arith.constant 2 : i32
      %dma_start3A_158 = arith.constant 0 : i32
      %dma_start3A_159 = arith.constant 0 : i32
      %dma_start3A_160 = tpu.memref_slice %arg11[%dma_start3A_158, %dma_start3A_159] : memref<128x144xf32, #tpu.memory_space<vmem>> -> memref<64x144xf32, #tpu.memory_space<vmem>>
      %dma_start3A_161 = arith.constant 0 : i32
      %dma_start3A_162 = tpu.memref_slice %arg7[%dma_start3A_157, %dma_start3A_161] : memref<4x128xi32, #tpu.memory_space<vmem>> -> memref<1x64xi32, #tpu.memory_space<vmem>>
      %dma_start3A_163 = tpu.memref_squeeze %dma_start3A_162 : memref<1x64xi32, #tpu.memory_space<vmem>> -> memref<64xi32, #tpu.memory_space<vmem>>
      %dma_start3A_164 = arith.constant 0 : i32
      %dma_start3A_165 = arith.constant 0 : i32
      %dma_start3A_166 = tpu.memref_slice %arg2[%dma_start3A_164, %dma_start3A_165] : memref<10000x144xf32, #tpu.memory_space<hbm>> -> memref<10000x144xf32, #tpu.memory_space<hbm>>
      tpu.enqueue_indirect_dma source(%dma_start3A_166 : memref<10000x144xf32, #tpu.memory_space<hbm>>) target(%dma_start3A_160 : memref<64x144xf32, #tpu.memory_space<vmem>>) offsets(%dma_start3A_163 : memref<64xi32, #tpu.memory_space<vmem>>) semaphore(%arg17 : memref<!tpu.dma_semaphore, #tpu.memory_space<semaphore_mem>>)
      %dma_start3A_167 = arith.constant 2 : i32
      %dma_start3A_168 = arith.constant 64 : i32
      %dma_start3A_169 = arith.constant 0 : i32
      %dma_start3A_170 = tpu.memref_slice %arg11[%dma_start3A_168, %dma_start3A_169] : memref<128x144xf32, #tpu.memory_space<vmem>> -> memref<64x144xf32, #tpu.memory_space<vmem>>
      %dma_start3A_171 = arith.constant 64 : i32
      %dma_start3A_172 = tpu.memref_slice %arg7[%dma_start3A_167, %dma_start3A_171] : memref<4x128xi32, #tpu.memory_space<vmem>> -> memref<1x64xi32, #tpu.memory_space<vmem>>
      %dma_start3A_173 = tpu.memref_squeeze %dma_start3A_172 : memref<1x64xi32, #tpu.memory_space<vmem>> -> memref<64xi32, #tpu.memory_space<vmem>>
      %dma_start3A_174 = arith.constant 0 : i32
      %dma_start3A_175 = arith.constant 0 : i32
      %dma_start3A_176 = tpu.memref_slice %arg2[%dma_start3A_174, %dma_start3A_175] : memref<10000x144xf32, #tpu.memory_space<hbm>> -> memref<10000x144xf32, #tpu.memory_space<hbm>>
      tpu.enqueue_indirect_dma source(%dma_start3A_176 : memref<10000x144xf32, #tpu.memory_space<hbm>>) target(%dma_start3A_170 : memref<64x144xf32, #tpu.memory_space<vmem>>) offsets(%dma_start3A_173 : memref<64xi32, #tpu.memory_space<vmem>>) semaphore(%arg19 : memref<!tpu.dma_semaphore, #tpu.memory_space<semaphore_mem>>)
      %dma_wait3A_177 = arith.constant 0 : i32
      %dma_wait3A_178 = arith.constant 0 : i32
      %dma_wait3A_179 = arith.constant 0 : i32
      %dma_wait3A_180 = tpu.memref_slice %arg11[%dma_wait3A_178, %dma_wait3A_179] : memref<128x144xf32, #tpu.memory_space<vmem>> -> memref<64x144xf32, #tpu.memory_space<vmem>>
      %dma_wait3A_181 = arith.constant 0 : i32
      %dma_wait3A_182 = tpu.memref_slice %arg7[%dma_wait3A_177, %dma_wait3A_181] : memref<4x128xi32, #tpu.memory_space<vmem>> -> memref<1x64xi32, #tpu.memory_space<vmem>>
      %dma_wait3A_183 = tpu.memref_squeeze %dma_wait3A_182 : memref<1x64xi32, #tpu.memory_space<vmem>> -> memref<64xi32, #tpu.memory_space<vmem>>
      %dma_wait3A_184 = arith.constant 0 : i32
      %dma_wait3A_185 = arith.constant 0 : i32
      %dma_wait3A_186 = tpu.memref_slice %arg2[%dma_wait3A_184, %dma_wait3A_185] : memref<10000x144xf32, #tpu.memory_space<hbm>> -> memref<10000x144xf32, #tpu.memory_space<hbm>>
      tpu.wait_indirect_dma semaphore(%arg17 : memref<!tpu.dma_semaphore, #tpu.memory_space<semaphore_mem>>) src(%dma_wait3A_186 : memref<10000x144xf32, #tpu.memory_space<hbm>>) dst(%dma_wait3A_180 : memref<64x144xf32, #tpu.memory_space<vmem>>)
      %dma_wait3A_187 = arith.constant 0 : i32
      %dma_wait3A_188 = arith.constant 64 : i32
      %dma_wait3A_189 = arith.constant 0 : i32
      %dma_wait3A_190 = tpu.memref_slice %arg11[%dma_wait3A_188, %dma_wait3A_189] : memref<128x144xf32, #tpu.memory_space<vmem>> -> memref<64x144xf32, #tpu.memory_space<vmem>>
      %dma_wait3A_191 = arith.constant 64 : i32
      %dma_wait3A_192 = tpu.memref_slice %arg7[%dma_wait3A_187, %dma_wait3A_191] : memref<4x128xi32, #tpu.memory_space<vmem>> -> memref<1x64xi32, #tpu.memory_space<vmem>>
      %dma_wait3A_193 = tpu.memref_squeeze %dma_wait3A_192 : memref<1x64xi32, #tpu.memory_space<vmem>> -> memref<64xi32, #tpu.memory_space<vmem>>
      %dma_wait3A_194 = arith.constant 0 : i32
      %dma_wait3A_195 = arith.constant 0 : i32
      %dma_wait3A_196 = tpu.memref_slice %arg2[%dma_wait3A_194, %dma_wait3A_195] : memref<10000x144xf32, #tpu.memory_space<hbm>> -> memref<10000x144xf32, #tpu.memory_space<hbm>>
      tpu.wait_indirect_dma semaphore(%arg19 : memref<!tpu.dma_semaphore, #tpu.memory_space<semaphore_mem>>) src(%dma_wait3A_196 : memref<10000x144xf32, #tpu.memory_space<hbm>>) dst(%dma_wait3A_190 : memref<64x144xf32, #tpu.memory_space<vmem>>)
      %run_scoped3A_197 = arith.constant 2 : i32
      "tpu.region"() ({
        %run_scoped3A_414 = tpu.sem_alloc : memref<!tpu.dma_semaphore, #tpu.memory_space<semaphore_mem>>
        %dma_start3A_415 = arith.constant 0 : i32
        %dma_start3A_416 = tpu.memref_slice %arg9[%run_scoped3A_197, %dma_start3A_415] : memref<4x128xi32, #tpu.memory_space<vmem>> -> memref<1x128xi32, #tpu.memory_space<vmem>>
        %dma_start3A_417 = tpu.memref_squeeze %dma_start3A_416 : memref<1x128xi32, #tpu.memory_space<vmem>> -> memref<128xi32, #tpu.memory_space<vmem>>
        %dma_start3A_418 = arith.constant 0 : i32
        %dma_start3A_419 = arith.constant 0 : i32
        %dma_start3A_420 = tpu.memref_slice %arg21[%dma_start3A_418, %dma_start3A_419] : memref<10016x144xf32, #tpu.memory_space<vmem_shared>> -> memref<10016x144xf32, #tpu.memory_space<vmem_shared>>
        tpu.enqueue_indirect_dma source(%arg11 : memref<128x144xf32, #tpu.memory_space<vmem>>) target(%dma_start3A_420 : memref<10016x144xf32, #tpu.memory_space<vmem_shared>>) offsets(%dma_start3A_417 : memref<128xi32, #tpu.memory_space<vmem>>) semaphore(%run_scoped3A_414 : memref<!tpu.dma_semaphore, #tpu.memory_space<semaphore_mem>>) {add = true}
        %dma_wait3A_421 = arith.constant 0 : i32
        %dma_wait3A_422 = tpu.memref_slice %arg9[%run_scoped3A_197, %dma_wait3A_421] : memref<4x128xi32, #tpu.memory_space<vmem>> -> memref<1x128xi32, #tpu.memory_space<vmem>>
        %dma_wait3A_423 = tpu.memref_squeeze %dma_wait3A_422 : memref<1x128xi32, #tpu.memory_space<vmem>> -> memref<128xi32, #tpu.memory_space<vmem>>
        %dma_wait3A_424 = arith.constant 0 : i32
        %dma_wait3A_425 = arith.constant 0 : i32
        %dma_wait3A_426 = tpu.memref_slice %arg21[%dma_wait3A_424, %dma_wait3A_425] : memref<10016x144xf32, #tpu.memory_space<vmem_shared>> -> memref<10016x144xf32, #tpu.memory_space<vmem_shared>>
        tpu.wait_indirect_dma semaphore(%run_scoped3A_414 : memref<!tpu.dma_semaphore, #tpu.memory_space<semaphore_mem>>) src(%arg11 : memref<128x144xf32, #tpu.memory_space<vmem>>) dst(%dma_wait3A_426 : memref<10016x144xf32, #tpu.memory_space<vmem_shared>>)
        tpu.yield
      }) : () -> ()
      %dma_start3A_198 = arith.constant 3 : i32
      %dma_start3A_199 = arith.constant 0 : i32
      %dma_start3A_200 = arith.constant 0 : i32
      %dma_start3A_201 = tpu.memref_slice %arg12[%dma_start3A_199, %dma_start3A_200] : memref<128x144xf32, #tpu.memory_space<vmem>> -> memref<64x144xf32, #tpu.memory_space<vmem>>
      %dma_start3A_202 = arith.constant 0 : i32
      %dma_start3A_203 = tpu.memref_slice %arg7[%dma_start3A_198, %dma_start3A_202] : memref<4x128xi32, #tpu.memory_space<vmem>> -> memref<1x64xi32, #tpu.memory_space<vmem>>
      %dma_start3A_204 = tpu.memref_squeeze %dma_start3A_203 : memref<1x64xi32, #tpu.memory_space<vmem>> -> memref<64xi32, #tpu.memory_space<vmem>>
      %dma_start3A_205 = arith.constant 0 : i32
      %dma_start3A_206 = arith.constant 0 : i32
      %dma_start3A_207 = tpu.memref_slice %arg2[%dma_start3A_205, %dma_start3A_206] : memref<10000x144xf32, #tpu.memory_space<hbm>> -> memref<10000x144xf32, #tpu.memory_space<hbm>>
      tpu.enqueue_indirect_dma source(%dma_start3A_207 : memref<10000x144xf32, #tpu.memory_space<hbm>>) target(%dma_start3A_201 : memref<64x144xf32, #tpu.memory_space<vmem>>) offsets(%dma_start3A_204 : memref<64xi32, #tpu.memory_space<vmem>>) semaphore(%arg18 : memref<!tpu.dma_semaphore, #tpu.memory_space<semaphore_mem>>)
      %dma_start3A_208 = arith.constant 3 : i32
      %dma_start3A_209 = arith.constant 64 : i32
      %dma_start3A_210 = arith.constant 0 : i32
      %dma_start3A_211 = tpu.memref_slice %arg12[%dma_start3A_209, %dma_start3A_210] : memref<128x144xf32, #tpu.memory_space<vmem>> -> memref<64x144xf32, #tpu.memory_space<vmem>>
      %dma_start3A_212 = arith.constant 64 : i32
      %dma_start3A_213 = tpu.memref_slice %arg7[%dma_start3A_208, %dma_start3A_212] : memref<4x128xi32, #tpu.memory_space<vmem>> -> memref<1x64xi32, #tpu.memory_space<vmem>>
      %dma_start3A_214 = tpu.memref_squeeze %dma_start3A_213 : memref<1x64xi32, #tpu.memory_space<vmem>> -> memref<64xi32, #tpu.memory_space<vmem>>
      %dma_start3A_215 = arith.constant 0 : i32
      %dma_start3A_216 = arith.constant 0 : i32
      %dma_start3A_217 = tpu.memref_slice %arg2[%dma_start3A_215, %dma_start3A_216] : memref<10000x144xf32, #tpu.memory_space<hbm>> -> memref<10000x144xf32, #tpu.memory_space<hbm>>
      tpu.enqueue_indirect_dma source(%dma_start3A_217 : memref<10000x144xf32, #tpu.memory_space<hbm>>) target(%dma_start3A_211 : memref<64x144xf32, #tpu.memory_space<vmem>>) offsets(%dma_start3A_214 : memref<64xi32, #tpu.memory_space<vmem>>) semaphore(%arg20 : memref<!tpu.dma_semaphore, #tpu.memory_space<semaphore_mem>>)
      %dma_wait3A_218 = arith.constant 0 : i32
      %dma_wait3A_219 = arith.constant 0 : i32
      %dma_wait3A_220 = arith.constant 0 : i32
      %dma_wait3A_221 = tpu.memref_slice %arg12[%dma_wait3A_219, %dma_wait3A_220] : memref<128x144xf32, #tpu.memory_space<vmem>> -> memref<64x144xf32, #tpu.memory_space<vmem>>
      %dma_wait3A_222 = arith.constant 0 : i32
      %dma_wait3A_223 = tpu.memref_slice %arg7[%dma_wait3A_218, %dma_wait3A_222] : memref<4x128xi32, #tpu.memory_space<vmem>> -> memref<1x64xi32, #tpu.memory_space<vmem>>
      %dma_wait3A_224 = tpu.memref_squeeze %dma_wait3A_223 : memref<1x64xi32, #tpu.memory_space<vmem>> -> memref<64xi32, #tpu.memory_space<vmem>>
      %dma_wait3A_225 = arith.constant 0 : i32
      %dma_wait3A_226 = arith.constant 0 : i32
      %dma_wait3A_227 = tpu.memref_slice %arg2[%dma_wait3A_225, %dma_wait3A_226] : memref<10000x144xf32, #tpu.memory_space<hbm>> -> memref<10000x144xf32, #tpu.memory_space<hbm>>
      tpu.wait_indirect_dma semaphore(%arg18 : memref<!tpu.dma_semaphore, #tpu.memory_space<semaphore_mem>>) src(%dma_wait3A_227 : memref<10000x144xf32, #tpu.memory_space<hbm>>) dst(%dma_wait3A_221 : memref<64x144xf32, #tpu.memory_space<vmem>>)
      %dma_wait3A_228 = arith.constant 0 : i32
      %dma_wait3A_229 = arith.constant 64 : i32
      %dma_wait3A_230 = arith.constant 0 : i32
      %dma_wait3A_231 = tpu.memref_slice %arg12[%dma_wait3A_229, %dma_wait3A_230] : memref<128x144xf32, #tpu.memory_space<vmem>> -> memref<64x144xf32, #tpu.memory_space<vmem>>
      %dma_wait3A_232 = arith.constant 64 : i32
      %dma_wait3A_233 = tpu.memref_slice %arg7[%dma_wait3A_228, %dma_wait3A_232] : memref<4x128xi32, #tpu.memory_space<vmem>> -> memref<1x64xi32, #tpu.memory_space<vmem>>
      %dma_wait3A_234 = tpu.memref_squeeze %dma_wait3A_233 : memref<1x64xi32, #tpu.memory_space<vmem>> -> memref<64xi32, #tpu.memory_space<vmem>>
      %dma_wait3A_235 = arith.constant 0 : i32
      %dma_wait3A_236 = arith.constant 0 : i32
      %dma_wait3A_237 = tpu.memref_slice %arg2[%dma_wait3A_235, %dma_wait3A_236] : memref<10000x144xf32, #tpu.memory_space<hbm>> -> memref<10000x144xf32, #tpu.memory_space<hbm>>
      tpu.wait_indirect_dma semaphore(%arg20 : memref<!tpu.dma_semaphore, #tpu.memory_space<semaphore_mem>>) src(%dma_wait3A_237 : memref<10000x144xf32, #tpu.memory_space<hbm>>) dst(%dma_wait3A_231 : memref<64x144xf32, #tpu.memory_space<vmem>>)
      %run_scoped3A_238 = arith.constant 3 : i32
      "tpu.region"() ({
        %run_scoped3A_414 = tpu.sem_alloc : memref<!tpu.dma_semaphore, #tpu.memory_space<semaphore_mem>>
        %dma_start3A_415 = arith.constant 0 : i32
        %dma_start3A_416 = tpu.memref_slice %arg9[%run_scoped3A_238, %dma_start3A_415] : memref<4x128xi32, #tpu.memory_space<vmem>> -> memref<1x128xi32, #tpu.memory_space<vmem>>
        %dma_start3A_417 = tpu.memref_squeeze %dma_start3A_416 : memref<1x128xi32, #tpu.memory_space<vmem>> -> memref<128xi32, #tpu.memory_space<vmem>>
        %dma_start3A_418 = arith.constant 0 : i32
        %dma_start3A_419 = arith.constant 0 : i32
        %dma_start3A_420 = tpu.memref_slice %arg21[%dma_start3A_418, %dma_start3A_419] : memref<10016x144xf32, #tpu.memory_space<vmem_shared>> -> memref<10016x144xf32, #tpu.memory_space<vmem_shared>>
        tpu.enqueue_indirect_dma source(%arg12 : memref<128x144xf32, #tpu.memory_space<vmem>>) target(%dma_start3A_420 : memref<10016x144xf32, #tpu.memory_space<vmem_shared>>) offsets(%dma_start3A_417 : memref<128xi32, #tpu.memory_space<vmem>>) semaphore(%run_scoped3A_414 : memref<!tpu.dma_semaphore, #tpu.memory_space<semaphore_mem>>) {add = true}
        %dma_wait3A_421 = arith.constant 0 : i32
        %dma_wait3A_422 = tpu.memref_slice %arg9[%run_scoped3A_238, %dma_wait3A_421] : memref<4x128xi32, #tpu.memory_space<vmem>> -> memref<1x128xi32, #tpu.memory_space<vmem>>
        %dma_wait3A_423 = tpu.memref_squeeze %dma_wait3A_422 : memref<1x128xi32, #tpu.memory_space<vmem>> -> memref<128xi32, #tpu.memory_space<vmem>>
        %dma_wait3A_424 = arith.constant 0 : i32
        %dma_wait3A_425 = arith.constant 0 : i32
        %dma_wait3A_426 = tpu.memref_slice %arg21[%dma_wait3A_424, %dma_wait3A_425] : memref<10016x144xf32, #tpu.memory_space<vmem_shared>> -> memref<10016x144xf32, #tpu.memory_space<vmem_shared>>
        tpu.wait_indirect_dma semaphore(%run_scoped3A_414 : memref<!tpu.dma_semaphore, #tpu.memory_space<semaphore_mem>>) src(%arg12 : memref<128x144xf32, #tpu.memory_space<vmem>>) dst(%dma_wait3A_426 : memref<10016x144xf32, #tpu.memory_space<vmem_shared>>)
        tpu.yield
      }) : () -> ()
      %add3A_239 = arith.constant 1 : i32
      %add3A_240 = arith.addi %mul3A_89, %add3A_239 : i32
      %lt3A = arith.cmpi slt, %add3A_240, %select_n3A : i32
      %convert_element_type3A = arith.extui %lt3A : i1 to i32
      %cond3A = arith.constant 0 : i32
      %cond3A_241 = arith.cmpi ne, %convert_element_type3A, %cond3A : i32
      scf.if %cond3A_241 {
        %dma_wait3A_414 = arith.constant 0 : i32
        %dma_wait3A_415 = arith.constant 0 : i32
        %dma_wait3A_416 = tpu.memref_slice %arg3[%dma_wait3A_414, %dma_wait3A_415] : memref<2560x128xi32, #tpu.memory_space<hbm>> -> memref<4x128xi32, #tpu.memory_space<hbm>>
        %dma_wait3A_417 = arith.constant 0 : i32
        %dma_wait3A_418 = arith.constant 0 : i32
        %dma_wait3A_419 = tpu.memref_slice %arg3[%dma_wait3A_417, %dma_wait3A_418] : memref<2560x128xi32, #tpu.memory_space<hbm>> -> memref<4x128xi32, #tpu.memory_space<hbm>>
        tpu.wait_dma2 semaphore(%arg14 : memref<!tpu.dma_semaphore, #tpu.memory_space<semaphore_mem>>) src(%dma_wait3A_419 : memref<4x128xi32, #tpu.memory_space<hbm>>) dst(%arg8 : memref<4x128xi32, #tpu.memory_space<vmem>>)
        %dma_start3A_420 = arith.constant 0 : i32
        %dma_start3A_421 = arith.constant 0 : i32
        %dma_start3A_422 = arith.constant 0 : i32
        %dma_start3A_423 = tpu.memref_slice %arg11[%dma_start3A_421, %dma_start3A_422] : memref<128x144xf32, #tpu.memory_space<vmem>> -> memref<64x144xf32, #tpu.memory_space<vmem>>
        %dma_start3A_424 = arith.constant 0 : i32
        %dma_start3A_425 = tpu.memref_slice %arg8[%dma_start3A_420, %dma_start3A_424] : memref<4x128xi32, #tpu.memory_space<vmem>> -> memref<1x64xi32, #tpu.memory_space<vmem>>
        %dma_start3A_426 = tpu.memref_squeeze %dma_start3A_425 : memref<1x64xi32, #tpu.memory_space<vmem>> -> memref<64xi32, #tpu.memory_space<vmem>>
        %dma_start3A_427 = arith.constant 0 : i32
        %dma_start3A_428 = arith.constant 0 : i32
        %dma_start3A_429 = tpu.memref_slice %arg2[%dma_start3A_427, %dma_start3A_428] : memref<10000x144xf32, #tpu.memory_space<hbm>> -> memref<10000x144xf32, #tpu.memory_space<hbm>>
        tpu.enqueue_indirect_dma source(%dma_start3A_429 : memref<10000x144xf32, #tpu.memory_space<hbm>>) target(%dma_start3A_423 : memref<64x144xf32, #tpu.memory_space<vmem>>) offsets(%dma_start3A_426 : memref<64xi32, #tpu.memory_space<vmem>>) semaphore(%arg17 : memref<!tpu.dma_semaphore, #tpu.memory_space<semaphore_mem>>)
        %dma_start3A_430 = arith.constant 0 : i32
        %dma_start3A_431 = arith.constant 64 : i32
        %dma_start3A_432 = arith.constant 0 : i32
        %dma_start3A_433 = tpu.memref_slice %arg11[%dma_start3A_431, %dma_start3A_432] : memref<128x144xf32, #tpu.memory_space<vmem>> -> memref<64x144xf32, #tpu.memory_space<vmem>>
        %dma_start3A_434 = arith.constant 64 : i32
        %dma_start3A_435 = tpu.memref_slice %arg8[%dma_start3A_430, %dma_start3A_434] : memref<4x128xi32, #tpu.memory_space<vmem>> -> memref<1x64xi32, #tpu.memory_space<vmem>>
        %dma_start3A_436 = tpu.memref_squeeze %dma_start3A_435 : memref<1x64xi32, #tpu.memory_space<vmem>> -> memref<64xi32, #tpu.memory_space<vmem>>
        %dma_start3A_437 = arith.constant 0 : i32
        %dma_start3A_438 = arith.constant 0 : i32
        %dma_start3A_439 = tpu.memref_slice %arg2[%dma_start3A_437, %dma_start3A_438] : memref<10000x144xf32, #tpu.memory_space<hbm>> -> memref<10000x144xf32, #tpu.memory_space<hbm>>
        tpu.enqueue_indirect_dma source(%dma_start3A_439 : memref<10000x144xf32, #tpu.memory_space<hbm>>) target(%dma_start3A_433 : memref<64x144xf32, #tpu.memory_space<vmem>>) offsets(%dma_start3A_436 : memref<64xi32, #tpu.memory_space<vmem>>) semaphore(%arg19 : memref<!tpu.dma_semaphore, #tpu.memory_space<semaphore_mem>>)
      } else {
      }
      %add3A_242 = arith.constant 2 : i32
      %add3A_243 = arith.addi %mul3A_89, %add3A_242 : i32
      %lt3A_244 = arith.cmpi slt, %add3A_243, %select_n3A : i32
      %convert_element_type3A_245 = arith.extui %lt3A_244 : i1 to i32
      %cond3A_246 = arith.constant 0 : i32
      %cond3A_247 = arith.cmpi ne, %convert_element_type3A_245, %cond3A_246 : i32
      scf.if %cond3A_247 {
        %add3A_414 = arith.constant 2 : i32
        %add3A_415 = arith.addi %mul3A_89, %add3A_414 : i32
        %mul3A_416 = arith.constant 4 : i32
        %mul3A_417 = arith.muli %add3A_415, %mul3A_416 : i32
        %add3A_418 = arith.addi %select_n3A_8, %mul3A_417 : i32
        %dma_start3A_419 = arith.constant 0 : i32
        %dma_start3A_420 = tpu.memref_slice %arg3[%add3A_418, %dma_start3A_419] : memref<2560x128xi32, #tpu.memory_space<hbm>> -> memref<4x128xi32, #tpu.memory_space<hbm>>
        %dma_start3A_421 = arith.constant 0 : i32
        %dma_start3A_422 = tpu.memref_slice %arg3[%add3A_418, %dma_start3A_421] : memref<2560x128xi32, #tpu.memory_space<hbm>> -> memref<4x128xi32, #tpu.memory_space<hbm>>
        tpu.enqueue_dma source(%dma_start3A_422 : memref<4x128xi32, #tpu.memory_space<hbm>>) target(%arg7 : memref<4x128xi32, #tpu.memory_space<vmem>>) target_semaphore(%arg13 : memref<!tpu.dma_semaphore, #tpu.memory_space<semaphore_mem>>)
        %dma_start3A_423 = arith.constant 0 : i32
        %dma_start3A_424 = tpu.memref_slice %arg4[%add3A_418, %dma_start3A_423] : memref<2560x128xi32, #tpu.memory_space<hbm>> -> memref<4x128xi32, #tpu.memory_space<hbm>>
        %dma_start3A_425 = arith.constant 0 : i32
        %dma_start3A_426 = tpu.memref_slice %arg4[%add3A_418, %dma_start3A_425] : memref<2560x128xi32, #tpu.memory_space<hbm>> -> memref<4x128xi32, #tpu.memory_space<hbm>>
        tpu.enqueue_dma source(%dma_start3A_426 : memref<4x128xi32, #tpu.memory_space<hbm>>) target(%arg9 : memref<4x128xi32, #tpu.memory_space<vmem>>) target_semaphore(%arg15 : memref<!tpu.dma_semaphore, #tpu.memory_space<semaphore_mem>>)
      } else {
      }
      %mul3A_248 = arith.constant 2 : i32
      %mul3A_249 = arith.muli %mul3A_248, %while3A_87 : i32
      %add3A_250 = arith.constant 1 : i32
      %add3A_251 = arith.addi %mul3A_249, %add3A_250 : i32
      %dma_wait3A_252 = arith.constant 0 : i32
      %dma_wait3A_253 = arith.constant 0 : i32
      %dma_wait3A_254 = tpu.memref_slice %arg4[%dma_wait3A_252, %dma_wait3A_253] : memref<2560x128xi32, #tpu.memory_space<hbm>> -> memref<4x128xi32, #tpu.memory_space<hbm>>
      %dma_wait3A_255 = arith.constant 0 : i32
      %dma_wait3A_256 = arith.constant 0 : i32
      %dma_wait3A_257 = tpu.memref_slice %arg4[%dma_wait3A_255, %dma_wait3A_256] : memref<2560x128xi32, #tpu.memory_space<hbm>> -> memref<4x128xi32, #tpu.memory_space<hbm>>
      tpu.wait_dma2 semaphore(%arg16 : memref<!tpu.dma_semaphore, #tpu.memory_space<semaphore_mem>>) src(%dma_wait3A_257 : memref<4x128xi32, #tpu.memory_space<hbm>>) dst(%arg10 : memref<4x128xi32, #tpu.memory_space<vmem>>)
      %dma_wait3A_258 = arith.constant 0 : i32
      %dma_wait3A_259 = arith.constant 0 : i32
      %dma_wait3A_260 = arith.constant 0 : i32
      %dma_wait3A_261 = tpu.memref_slice %arg11[%dma_wait3A_259, %dma_wait3A_260] : memref<128x144xf32, #tpu.memory_space<vmem>> -> memref<64x144xf32, #tpu.memory_space<vmem>>
      %dma_wait3A_262 = arith.constant 0 : i32
      %dma_wait3A_263 = tpu.memref_slice %arg7[%dma_wait3A_258, %dma_wait3A_262] : memref<4x128xi32, #tpu.memory_space<vmem>> -> memref<1x64xi32, #tpu.memory_space<vmem>>
      %dma_wait3A_264 = tpu.memref_squeeze %dma_wait3A_263 : memref<1x64xi32, #tpu.memory_space<vmem>> -> memref<64xi32, #tpu.memory_space<vmem>>
      %dma_wait3A_265 = arith.constant 0 : i32
      %dma_wait3A_266 = arith.constant 0 : i32
      %dma_wait3A_267 = tpu.memref_slice %arg2[%dma_wait3A_265, %dma_wait3A_266] : memref<10000x144xf32, #tpu.memory_space<hbm>> -> memref<10000x144xf32, #tpu.memory_space<hbm>>
      tpu.wait_indirect_dma semaphore(%arg17 : memref<!tpu.dma_semaphore, #tpu.memory_space<semaphore_mem>>) src(%dma_wait3A_267 : memref<10000x144xf32, #tpu.memory_space<hbm>>) dst(%dma_wait3A_261 : memref<64x144xf32, #tpu.memory_space<vmem>>)
      %dma_wait3A_268 = arith.constant 0 : i32
      %dma_wait3A_269 = arith.constant 64 : i32
      %dma_wait3A_270 = arith.constant 0 : i32
      %dma_wait3A_271 = tpu.memref_slice %arg11[%dma_wait3A_269, %dma_wait3A_270] : memref<128x144xf32, #tpu.memory_space<vmem>> -> memref<64x144xf32, #tpu.memory_space<vmem>>
      %dma_wait3A_272 = arith.constant 64 : i32
      %dma_wait3A_273 = tpu.memref_slice %arg7[%dma_wait3A_268, %dma_wait3A_272] : memref<4x128xi32, #tpu.memory_space<vmem>> -> memref<1x64xi32, #tpu.memory_space<vmem>>
      %dma_wait3A_274 = tpu.memref_squeeze %dma_wait3A_273 : memref<1x64xi32, #tpu.memory_space<vmem>> -> memref<64xi32, #tpu.memory_space<vmem>>
      %dma_wait3A_275 = arith.constant 0 : i32
      %dma_wait3A_276 = arith.constant 0 : i32
      %dma_wait3A_277 = tpu.memref_slice %arg2[%dma_wait3A_275, %dma_wait3A_276] : memref<10000x144xf32, #tpu.memory_space<hbm>> -> memref<10000x144xf32, #tpu.memory_space<hbm>>
      tpu.wait_indirect_dma semaphore(%arg19 : memref<!tpu.dma_semaphore, #tpu.memory_space<semaphore_mem>>) src(%dma_wait3A_277 : memref<10000x144xf32, #tpu.memory_space<hbm>>) dst(%dma_wait3A_271 : memref<64x144xf32, #tpu.memory_space<vmem>>)
      %run_scoped3A_278 = arith.constant 0 : i32
      "tpu.region"() ({
        %run_scoped3A_414 = tpu.sem_alloc : memref<!tpu.dma_semaphore, #tpu.memory_space<semaphore_mem>>
        %dma_start3A_415 = arith.constant 0 : i32
        %dma_start3A_416 = tpu.memref_slice %arg10[%run_scoped3A_278, %dma_start3A_415] : memref<4x128xi32, #tpu.memory_space<vmem>> -> memref<1x128xi32, #tpu.memory_space<vmem>>
        %dma_start3A_417 = tpu.memref_squeeze %dma_start3A_416 : memref<1x128xi32, #tpu.memory_space<vmem>> -> memref<128xi32, #tpu.memory_space<vmem>>
        %dma_start3A_418 = arith.constant 0 : i32
        %dma_start3A_419 = arith.constant 0 : i32
        %dma_start3A_420 = tpu.memref_slice %arg21[%dma_start3A_418, %dma_start3A_419] : memref<10016x144xf32, #tpu.memory_space<vmem_shared>> -> memref<10016x144xf32, #tpu.memory_space<vmem_shared>>
        tpu.enqueue_indirect_dma source(%arg11 : memref<128x144xf32, #tpu.memory_space<vmem>>) target(%dma_start3A_420 : memref<10016x144xf32, #tpu.memory_space<vmem_shared>>) offsets(%dma_start3A_417 : memref<128xi32, #tpu.memory_space<vmem>>) semaphore(%run_scoped3A_414 : memref<!tpu.dma_semaphore, #tpu.memory_space<semaphore_mem>>) {add = true}
        %dma_wait3A_421 = arith.constant 0 : i32
        %dma_wait3A_422 = tpu.memref_slice %arg10[%run_scoped3A_278, %dma_wait3A_421] : memref<4x128xi32, #tpu.memory_space<vmem>> -> memref<1x128xi32, #tpu.memory_space<vmem>>
        %dma_wait3A_423 = tpu.memref_squeeze %dma_wait3A_422 : memref<1x128xi32, #tpu.memory_space<vmem>> -> memref<128xi32, #tpu.memory_space<vmem>>
        %dma_wait3A_424 = arith.constant 0 : i32
        %dma_wait3A_425 = arith.constant 0 : i32
        %dma_wait3A_426 = tpu.memref_slice %arg21[%dma_wait3A_424, %dma_wait3A_425] : memref<10016x144xf32, #tpu.memory_space<vmem_shared>> -> memref<10016x144xf32, #tpu.memory_space<vmem_shared>>
        tpu.wait_indirect_dma semaphore(%run_scoped3A_414 : memref<!tpu.dma_semaphore, #tpu.memory_space<semaphore_mem>>) src(%arg11 : memref<128x144xf32, #tpu.memory_space<vmem>>) dst(%dma_wait3A_426 : memref<10016x144xf32, #tpu.memory_space<vmem_shared>>)
        tpu.yield
      }) : () -> ()
      %dma_start3A_279 = arith.constant 1 : i32
      %dma_start3A_280 = arith.constant 0 : i32
      %dma_start3A_281 = arith.constant 0 : i32
      %dma_start3A_282 = tpu.memref_slice %arg12[%dma_start3A_280, %dma_start3A_281] : memref<128x144xf32, #tpu.memory_space<vmem>> -> memref<64x144xf32, #tpu.memory_space<vmem>>
      %dma_start3A_283 = arith.constant 0 : i32
      %dma_start3A_284 = tpu.memref_slice %arg8[%dma_start3A_279, %dma_start3A_283] : memref<4x128xi32, #tpu.memory_space<vmem>> -> memref<1x64xi32, #tpu.memory_space<vmem>>
      %dma_start3A_285 = tpu.memref_squeeze %dma_start3A_284 : memref<1x64xi32, #tpu.memory_space<vmem>> -> memref<64xi32, #tpu.memory_space<vmem>>
      %dma_start3A_286 = arith.constant 0 : i32
      %dma_start3A_287 = arith.constant 0 : i32
      %dma_start3A_288 = tpu.memref_slice %arg2[%dma_start3A_286, %dma_start3A_287] : memref<10000x144xf32, #tpu.memory_space<hbm>> -> memref<10000x144xf32, #tpu.memory_space<hbm>>
      tpu.enqueue_indirect_dma source(%dma_start3A_288 : memref<10000x144xf32, #tpu.memory_space<hbm>>) target(%dma_start3A_282 : memref<64x144xf32, #tpu.memory_space<vmem>>) offsets(%dma_start3A_285 : memref<64xi32, #tpu.memory_space<vmem>>) semaphore(%arg18 : memref<!tpu.dma_semaphore, #tpu.memory_space<semaphore_mem>>)
      %dma_start3A_289 = arith.constant 1 : i32
      %dma_start3A_290 = arith.constant 64 : i32
      %dma_start3A_291 = arith.constant 0 : i32
      %dma_start3A_292 = tpu.memref_slice %arg12[%dma_start3A_290, %dma_start3A_291] : memref<128x144xf32, #tpu.memory_space<vmem>> -> memref<64x144xf32, #tpu.memory_space<vmem>>
      %dma_start3A_293 = arith.constant 64 : i32
      %dma_start3A_294 = tpu.memref_slice %arg8[%dma_start3A_289, %dma_start3A_293] : memref<4x128xi32, #tpu.memory_space<vmem>> -> memref<1x64xi32, #tpu.memory_space<vmem>>
      %dma_start3A_295 = tpu.memref_squeeze %dma_start3A_294 : memref<1x64xi32, #tpu.memory_space<vmem>> -> memref<64xi32, #tpu.memory_space<vmem>>
      %dma_start3A_296 = arith.constant 0 : i32
      %dma_start3A_297 = arith.constant 0 : i32
      %dma_start3A_298 = tpu.memref_slice %arg2[%dma_start3A_296, %dma_start3A_297] : memref<10000x144xf32, #tpu.memory_space<hbm>> -> memref<10000x144xf32, #tpu.memory_space<hbm>>
      tpu.enqueue_indirect_dma source(%dma_start3A_298 : memref<10000x144xf32, #tpu.memory_space<hbm>>) target(%dma_start3A_292 : memref<64x144xf32, #tpu.memory_space<vmem>>) offsets(%dma_start3A_295 : memref<64xi32, #tpu.memory_space<vmem>>) semaphore(%arg20 : memref<!tpu.dma_semaphore, #tpu.memory_space<semaphore_mem>>)
      %dma_wait3A_299 = arith.constant 0 : i32
      %dma_wait3A_300 = arith.constant 0 : i32
      %dma_wait3A_301 = arith.constant 0 : i32
      %dma_wait3A_302 = tpu.memref_slice %arg12[%dma_wait3A_300, %dma_wait3A_301] : memref<128x144xf32, #tpu.memory_space<vmem>> -> memref<64x144xf32, #tpu.memory_space<vmem>>
      %dma_wait3A_303 = arith.constant 0 : i32
      %dma_wait3A_304 = tpu.memref_slice %arg7[%dma_wait3A_299, %dma_wait3A_303] : memref<4x128xi32, #tpu.memory_space<vmem>> -> memref<1x64xi32, #tpu.memory_space<vmem>>
      %dma_wait3A_305 = tpu.memref_squeeze %dma_wait3A_304 : memref<1x64xi32, #tpu.memory_space<vmem>> -> memref<64xi32, #tpu.memory_space<vmem>>
      %dma_wait3A_306 = arith.constant 0 : i32
      %dma_wait3A_307 = arith.constant 0 : i32
      %dma_wait3A_308 = tpu.memref_slice %arg2[%dma_wait3A_306, %dma_wait3A_307] : memref<10000x144xf32, #tpu.memory_space<hbm>> -> memref<10000x144xf32, #tpu.memory_space<hbm>>
      tpu.wait_indirect_dma semaphore(%arg18 : memref<!tpu.dma_semaphore, #tpu.memory_space<semaphore_mem>>) src(%dma_wait3A_308 : memref<10000x144xf32, #tpu.memory_space<hbm>>) dst(%dma_wait3A_302 : memref<64x144xf32, #tpu.memory_space<vmem>>)
      %dma_wait3A_309 = arith.constant 0 : i32
      %dma_wait3A_310 = arith.constant 64 : i32
      %dma_wait3A_311 = arith.constant 0 : i32
      %dma_wait3A_312 = tpu.memref_slice %arg12[%dma_wait3A_310, %dma_wait3A_311] : memref<128x144xf32, #tpu.memory_space<vmem>> -> memref<64x144xf32, #tpu.memory_space<vmem>>
      %dma_wait3A_313 = arith.constant 64 : i32
      %dma_wait3A_314 = tpu.memref_slice %arg7[%dma_wait3A_309, %dma_wait3A_313] : memref<4x128xi32, #tpu.memory_space<vmem>> -> memref<1x64xi32, #tpu.memory_space<vmem>>
      %dma_wait3A_315 = tpu.memref_squeeze %dma_wait3A_314 : memref<1x64xi32, #tpu.memory_space<vmem>> -> memref<64xi32, #tpu.memory_space<vmem>>
      %dma_wait3A_316 = arith.constant 0 : i32
      %dma_wait3A_317 = arith.constant 0 : i32
      %dma_wait3A_318 = tpu.memref_slice %arg2[%dma_wait3A_316, %dma_wait3A_317] : memref<10000x144xf32, #tpu.memory_space<hbm>> -> memref<10000x144xf32, #tpu.memory_space<hbm>>
      tpu.wait_indirect_dma semaphore(%arg20 : memref<!tpu.dma_semaphore, #tpu.memory_space<semaphore_mem>>) src(%dma_wait3A_318 : memref<10000x144xf32, #tpu.memory_space<hbm>>) dst(%dma_wait3A_312 : memref<64x144xf32, #tpu.memory_space<vmem>>)
      %run_scoped3A_319 = arith.constant 1 : i32
      "tpu.region"() ({
        %run_scoped3A_414 = tpu.sem_alloc : memref<!tpu.dma_semaphore, #tpu.memory_space<semaphore_mem>>
        %dma_start3A_415 = arith.constant 0 : i32
        %dma_start3A_416 = tpu.memref_slice %arg10[%run_scoped3A_319, %dma_start3A_415] : memref<4x128xi32, #tpu.memory_space<vmem>> -> memref<1x128xi32, #tpu.memory_space<vmem>>
        %dma_start3A_417 = tpu.memref_squeeze %dma_start3A_416 : memref<1x128xi32, #tpu.memory_space<vmem>> -> memref<128xi32, #tpu.memory_space<vmem>>
        %dma_start3A_418 = arith.constant 0 : i32
        %dma_start3A_419 = arith.constant 0 : i32
        %dma_start3A_420 = tpu.memref_slice %arg21[%dma_start3A_418, %dma_start3A_419] : memref<10016x144xf32, #tpu.memory_space<vmem_shared>> -> memref<10016x144xf32, #tpu.memory_space<vmem_shared>>
        tpu.enqueue_indirect_dma source(%arg12 : memref<128x144xf32, #tpu.memory_space<vmem>>) target(%dma_start3A_420 : memref<10016x144xf32, #tpu.memory_space<vmem_shared>>) offsets(%dma_start3A_417 : memref<128xi32, #tpu.memory_space<vmem>>) semaphore(%run_scoped3A_414 : memref<!tpu.dma_semaphore, #tpu.memory_space<semaphore_mem>>) {add = true}
        %dma_wait3A_421 = arith.constant 0 : i32
        %dma_wait3A_422 = tpu.memref_slice %arg10[%run_scoped3A_319, %dma_wait3A_421] : memref<4x128xi32, #tpu.memory_space<vmem>> -> memref<1x128xi32, #tpu.memory_space<vmem>>
        %dma_wait3A_423 = tpu.memref_squeeze %dma_wait3A_422 : memref<1x128xi32, #tpu.memory_space<vmem>> -> memref<128xi32, #tpu.memory_space<vmem>>
        %dma_wait3A_424 = arith.constant 0 : i32
        %dma_wait3A_425 = arith.constant 0 : i32
        %dma_wait3A_426 = tpu.memref_slice %arg21[%dma_wait3A_424, %dma_wait3A_425] : memref<10016x144xf32, #tpu.memory_space<vmem_shared>> -> memref<10016x144xf32, #tpu.memory_space<vmem_shared>>
        tpu.wait_indirect_dma semaphore(%run_scoped3A_414 : memref<!tpu.dma_semaphore, #tpu.memory_space<semaphore_mem>>) src(%arg12 : memref<128x144xf32, #tpu.memory_space<vmem>>) dst(%dma_wait3A_426 : memref<10016x144xf32, #tpu.memory_space<vmem_shared>>)
        tpu.yield
      }) : () -> ()
      %dma_start3A_320 = arith.constant 2 : i32
      %dma_start3A_321 = arith.constant 0 : i32
      %dma_start3A_322 = arith.constant 0 : i32
      %dma_start3A_323 = tpu.memref_slice %arg11[%dma_start3A_321, %dma_start3A_322] : memref<128x144xf32, #tpu.memory_space<vmem>> -> memref<64x144xf32, #tpu.memory_space<vmem>>
      %dma_start3A_324 = arith.constant 0 : i32
      %dma_start3A_325 = tpu.memref_slice %arg8[%dma_start3A_320, %dma_start3A_324] : memref<4x128xi32, #tpu.memory_space<vmem>> -> memref<1x64xi32, #tpu.memory_space<vmem>>
      %dma_start3A_326 = tpu.memref_squeeze %dma_start3A_325 : memref<1x64xi32, #tpu.memory_space<vmem>> -> memref<64xi32, #tpu.memory_space<vmem>>
      %dma_start3A_327 = arith.constant 0 : i32
      %dma_start3A_328 = arith.constant 0 : i32
      %dma_start3A_329 = tpu.memref_slice %arg2[%dma_start3A_327, %dma_start3A_328] : memref<10000x144xf32, #tpu.memory_space<hbm>> -> memref<10000x144xf32, #tpu.memory_space<hbm>>
      tpu.enqueue_indirect_dma source(%dma_start3A_329 : memref<10000x144xf32, #tpu.memory_space<hbm>>) target(%dma_start3A_323 : memref<64x144xf32, #tpu.memory_space<vmem>>) offsets(%dma_start3A_326 : memref<64xi32, #tpu.memory_space<vmem>>) semaphore(%arg17 : memref<!tpu.dma_semaphore, #tpu.memory_space<semaphore_mem>>)
      %dma_start3A_330 = arith.constant 2 : i32
      %dma_start3A_331 = arith.constant 64 : i32
      %dma_start3A_332 = arith.constant 0 : i32
      %dma_start3A_333 = tpu.memref_slice %arg11[%dma_start3A_331, %dma_start3A_332] : memref<128x144xf32, #tpu.memory_space<vmem>> -> memref<64x144xf32, #tpu.memory_space<vmem>>
      %dma_start3A_334 = arith.constant 64 : i32
      %dma_start3A_335 = tpu.memref_slice %arg8[%dma_start3A_330, %dma_start3A_334] : memref<4x128xi32, #tpu.memory_space<vmem>> -> memref<1x64xi32, #tpu.memory_space<vmem>>
      %dma_start3A_336 = tpu.memref_squeeze %dma_start3A_335 : memref<1x64xi32, #tpu.memory_space<vmem>> -> memref<64xi32, #tpu.memory_space<vmem>>
      %dma_start3A_337 = arith.constant 0 : i32
      %dma_start3A_338 = arith.constant 0 : i32
      %dma_start3A_339 = tpu.memref_slice %arg2[%dma_start3A_337, %dma_start3A_338] : memref<10000x144xf32, #tpu.memory_space<hbm>> -> memref<10000x144xf32, #tpu.memory_space<hbm>>
      tpu.enqueue_indirect_dma source(%dma_start3A_339 : memref<10000x144xf32, #tpu.memory_space<hbm>>) target(%dma_start3A_333 : memref<64x144xf32, #tpu.memory_space<vmem>>) offsets(%dma_start3A_336 : memref<64xi32, #tpu.memory_space<vmem>>) semaphore(%arg19 : memref<!tpu.dma_semaphore, #tpu.memory_space<semaphore_mem>>)
      %dma_wait3A_340 = arith.constant 0 : i32
      %dma_wait3A_341 = arith.constant 0 : i32
      %dma_wait3A_342 = arith.constant 0 : i32
      %dma_wait3A_343 = tpu.memref_slice %arg11[%dma_wait3A_341, %dma_wait3A_342] : memref<128x144xf32, #tpu.memory_space<vmem>> -> memref<64x144xf32, #tpu.memory_space<vmem>>
      %dma_wait3A_344 = arith.constant 0 : i32
      %dma_wait3A_345 = tpu.memref_slice %arg7[%dma_wait3A_340, %dma_wait3A_344] : memref<4x128xi32, #tpu.memory_space<vmem>> -> memref<1x64xi32, #tpu.memory_space<vmem>>
      %dma_wait3A_346 = tpu.memref_squeeze %dma_wait3A_345 : memref<1x64xi32, #tpu.memory_space<vmem>> -> memref<64xi32, #tpu.memory_space<vmem>>
      %dma_wait3A_347 = arith.constant 0 : i32
      %dma_wait3A_348 = arith.constant 0 : i32
      %dma_wait3A_349 = tpu.memref_slice %arg2[%dma_wait3A_347, %dma_wait3A_348] : memref<10000x144xf32, #tpu.memory_space<hbm>> -> memref<10000x144xf32, #tpu.memory_space<hbm>>
      tpu.wait_indirect_dma semaphore(%arg17 : memref<!tpu.dma_semaphore, #tpu.memory_space<semaphore_mem>>) src(%dma_wait3A_349 : memref<10000x144xf32, #tpu.memory_space<hbm>>) dst(%dma_wait3A_343 : memref<64x144xf32, #tpu.memory_space<vmem>>)
      %dma_wait3A_350 = arith.constant 0 : i32
      %dma_wait3A_351 = arith.constant 64 : i32
      %dma_wait3A_352 = arith.constant 0 : i32
      %dma_wait3A_353 = tpu.memref_slice %arg11[%dma_wait3A_351, %dma_wait3A_352] : memref<128x144xf32, #tpu.memory_space<vmem>> -> memref<64x144xf32, #tpu.memory_space<vmem>>
      %dma_wait3A_354 = arith.constant 64 : i32
      %dma_wait3A_355 = tpu.memref_slice %arg7[%dma_wait3A_350, %dma_wait3A_354] : memref<4x128xi32, #tpu.memory_space<vmem>> -> memref<1x64xi32, #tpu.memory_space<vmem>>
      %dma_wait3A_356 = tpu.memref_squeeze %dma_wait3A_355 : memref<1x64xi32, #tpu.memory_space<vmem>> -> memref<64xi32, #tpu.memory_space<vmem>>
      %dma_wait3A_357 = arith.constant 0 : i32
      %dma_wait3A_358 = arith.constant 0 : i32
      %dma_wait3A_359 = tpu.memref_slice %arg2[%dma_wait3A_357, %dma_wait3A_358] : memref<10000x144xf32, #tpu.memory_space<hbm>> -> memref<10000x144xf32, #tpu.memory_space<hbm>>
      tpu.wait_indirect_dma semaphore(%arg19 : memref<!tpu.dma_semaphore, #tpu.memory_space<semaphore_mem>>) src(%dma_wait3A_359 : memref<10000x144xf32, #tpu.memory_space<hbm>>) dst(%dma_wait3A_353 : memref<64x144xf32, #tpu.memory_space<vmem>>)
      %run_scoped3A_360 = arith.constant 2 : i32
      "tpu.region"() ({
        %run_scoped3A_414 = tpu.sem_alloc : memref<!tpu.dma_semaphore, #tpu.memory_space<semaphore_mem>>
        %dma_start3A_415 = arith.constant 0 : i32
        %dma_start3A_416 = tpu.memref_slice %arg10[%run_scoped3A_360, %dma_start3A_415] : memref<4x128xi32, #tpu.memory_space<vmem>> -> memref<1x128xi32, #tpu.memory_space<vmem>>
        %dma_start3A_417 = tpu.memref_squeeze %dma_start3A_416 : memref<1x128xi32, #tpu.memory_space<vmem>> -> memref<128xi32, #tpu.memory_space<vmem>>
        %dma_start3A_418 = arith.constant 0 : i32
        %dma_start3A_419 = arith.constant 0 : i32
        %dma_start3A_420 = tpu.memref_slice %arg21[%dma_start3A_418, %dma_start3A_419] : memref<10016x144xf32, #tpu.memory_space<vmem_shared>> -> memref<10016x144xf32, #tpu.memory_space<vmem_shared>>
        tpu.enqueue_indirect_dma source(%arg11 : memref<128x144xf32, #tpu.memory_space<vmem>>) target(%dma_start3A_420 : memref<10016x144xf32, #tpu.memory_space<vmem_shared>>) offsets(%dma_start3A_417 : memref<128xi32, #tpu.memory_space<vmem>>) semaphore(%run_scoped3A_414 : memref<!tpu.dma_semaphore, #tpu.memory_space<semaphore_mem>>) {add = true}
        %dma_wait3A_421 = arith.constant 0 : i32
        %dma_wait3A_422 = tpu.memref_slice %arg10[%run_scoped3A_360, %dma_wait3A_421] : memref<4x128xi32, #tpu.memory_space<vmem>> -> memref<1x128xi32, #tpu.memory_space<vmem>>
        %dma_wait3A_423 = tpu.memref_squeeze %dma_wait3A_422 : memref<1x128xi32, #tpu.memory_space<vmem>> -> memref<128xi32, #tpu.memory_space<vmem>>
        %dma_wait3A_424 = arith.constant 0 : i32
        %dma_wait3A_425 = arith.constant 0 : i32
        %dma_wait3A_426 = tpu.memref_slice %arg21[%dma_wait3A_424, %dma_wait3A_425] : memref<10016x144xf32, #tpu.memory_space<vmem_shared>> -> memref<10016x144xf32, #tpu.memory_space<vmem_shared>>
        tpu.wait_indirect_dma semaphore(%run_scoped3A_414 : memref<!tpu.dma_semaphore, #tpu.memory_space<semaphore_mem>>) src(%arg11 : memref<128x144xf32, #tpu.memory_space<vmem>>) dst(%dma_wait3A_426 : memref<10016x144xf32, #tpu.memory_space<vmem_shared>>)
        tpu.yield
      }) : () -> ()
      %dma_start3A_361 = arith.constant 3 : i32
      %dma_start3A_362 = arith.constant 0 : i32
      %dma_start3A_363 = arith.constant 0 : i32
      %dma_start3A_364 = tpu.memref_slice %arg12[%dma_start3A_362, %dma_start3A_363] : memref<128x144xf32, #tpu.memory_space<vmem>> -> memref<64x144xf32, #tpu.memory_space<vmem>>
      %dma_start3A_365 = arith.constant 0 : i32
      %dma_start3A_366 = tpu.memref_slice %arg8[%dma_start3A_361, %dma_start3A_365] : memref<4x128xi32, #tpu.memory_space<vmem>> -> memref<1x64xi32, #tpu.memory_space<vmem>>
      %dma_start3A_367 = tpu.memref_squeeze %dma_start3A_366 : memref<1x64xi32, #tpu.memory_space<vmem>> -> memref<64xi32, #tpu.memory_space<vmem>>
      %dma_start3A_368 = arith.constant 0 : i32
      %dma_start3A_369 = arith.constant 0 : i32
      %dma_start3A_370 = tpu.memref_slice %arg2[%dma_start3A_368, %dma_start3A_369] : memref<10000x144xf32, #tpu.memory_space<hbm>> -> memref<10000x144xf32, #tpu.memory_space<hbm>>
      tpu.enqueue_indirect_dma source(%dma_start3A_370 : memref<10000x144xf32, #tpu.memory_space<hbm>>) target(%dma_start3A_364 : memref<64x144xf32, #tpu.memory_space<vmem>>) offsets(%dma_start3A_367 : memref<64xi32, #tpu.memory_space<vmem>>) semaphore(%arg18 : memref<!tpu.dma_semaphore, #tpu.memory_space<semaphore_mem>>)
      %dma_start3A_371 = arith.constant 3 : i32
      %dma_start3A_372 = arith.constant 64 : i32
      %dma_start3A_373 = arith.constant 0 : i32
      %dma_start3A_374 = tpu.memref_slice %arg12[%dma_start3A_372, %dma_start3A_373] : memref<128x144xf32, #tpu.memory_space<vmem>> -> memref<64x144xf32, #tpu.memory_space<vmem>>
      %dma_start3A_375 = arith.constant 64 : i32
      %dma_start3A_376 = tpu.memref_slice %arg8[%dma_start3A_371, %dma_start3A_375] : memref<4x128xi32, #tpu.memory_space<vmem>> -> memref<1x64xi32, #tpu.memory_space<vmem>>
      %dma_start3A_377 = tpu.memref_squeeze %dma_start3A_376 : memref<1x64xi32, #tpu.memory_space<vmem>> -> memref<64xi32, #tpu.memory_space<vmem>>
      %dma_start3A_378 = arith.constant 0 : i32
      %dma_start3A_379 = arith.constant 0 : i32
      %dma_start3A_380 = tpu.memref_slice %arg2[%dma_start3A_378, %dma_start3A_379] : memref<10000x144xf32, #tpu.memory_space<hbm>> -> memref<10000x144xf32, #tpu.memory_space<hbm>>
      tpu.enqueue_indirect_dma source(%dma_start3A_380 : memref<10000x144xf32, #tpu.memory_space<hbm>>) target(%dma_start3A_374 : memref<64x144xf32, #tpu.memory_space<vmem>>) offsets(%dma_start3A_377 : memref<64xi32, #tpu.memory_space<vmem>>) semaphore(%arg20 : memref<!tpu.dma_semaphore, #tpu.memory_space<semaphore_mem>>)
      %dma_wait3A_381 = arith.constant 0 : i32
      %dma_wait3A_382 = arith.constant 0 : i32
      %dma_wait3A_383 = arith.constant 0 : i32
      %dma_wait3A_384 = tpu.memref_slice %arg12[%dma_wait3A_382, %dma_wait3A_383] : memref<128x144xf32, #tpu.memory_space<vmem>> -> memref<64x144xf32, #tpu.memory_space<vmem>>
      %dma_wait3A_385 = arith.constant 0 : i32
      %dma_wait3A_386 = tpu.memref_slice %arg7[%dma_wait3A_381, %dma_wait3A_385] : memref<4x128xi32, #tpu.memory_space<vmem>> -> memref<1x64xi32, #tpu.memory_space<vmem>>
      %dma_wait3A_387 = tpu.memref_squeeze %dma_wait3A_386 : memref<1x64xi32, #tpu.memory_space<vmem>> -> memref<64xi32, #tpu.memory_space<vmem>>
      %dma_wait3A_388 = arith.constant 0 : i32
      %dma_wait3A_389 = arith.constant 0 : i32
      %dma_wait3A_390 = tpu.memref_slice %arg2[%dma_wait3A_388, %dma_wait3A_389] : memref<10000x144xf32, #tpu.memory_space<hbm>> -> memref<10000x144xf32, #tpu.memory_space<hbm>>
      tpu.wait_indirect_dma semaphore(%arg18 : memref<!tpu.dma_semaphore, #tpu.memory_space<semaphore_mem>>) src(%dma_wait3A_390 : memref<10000x144xf32, #tpu.memory_space<hbm>>) dst(%dma_wait3A_384 : memref<64x144xf32, #tpu.memory_space<vmem>>)
      %dma_wait3A_391 = arith.constant 0 : i32
      %dma_wait3A_392 = arith.constant 64 : i32
      %dma_wait3A_393 = arith.constant 0 : i32
      %dma_wait3A_394 = tpu.memref_slice %arg12[%dma_wait3A_392, %dma_wait3A_393] : memref<128x144xf32, #tpu.memory_space<vmem>> -> memref<64x144xf32, #tpu.memory_space<vmem>>
      %dma_wait3A_395 = arith.constant 64 : i32
      %dma_wait3A_396 = tpu.memref_slice %arg7[%dma_wait3A_391, %dma_wait3A_395] : memref<4x128xi32, #tpu.memory_space<vmem>> -> memref<1x64xi32, #tpu.memory_space<vmem>>
      %dma_wait3A_397 = tpu.memref_squeeze %dma_wait3A_396 : memref<1x64xi32, #tpu.memory_space<vmem>> -> memref<64xi32, #tpu.memory_space<vmem>>
      %dma_wait3A_398 = arith.constant 0 : i32
      %dma_wait3A_399 = arith.constant 0 : i32
      %dma_wait3A_400 = tpu.memref_slice %arg2[%dma_wait3A_398, %dma_wait3A_399] : memref<10000x144xf32, #tpu.memory_space<hbm>> -> memref<10000x144xf32, #tpu.memory_space<hbm>>
      tpu.wait_indirect_dma semaphore(%arg20 : memref<!tpu.dma_semaphore, #tpu.memory_space<semaphore_mem>>) src(%dma_wait3A_400 : memref<10000x144xf32, #tpu.memory_space<hbm>>) dst(%dma_wait3A_394 : memref<64x144xf32, #tpu.memory_space<vmem>>)
      %run_scoped3A_401 = arith.constant 3 : i32
      "tpu.region"() ({
        %run_scoped3A_414 = tpu.sem_alloc : memref<!tpu.dma_semaphore, #tpu.memory_space<semaphore_mem>>
        %dma_start3A_415 = arith.constant 0 : i32
        %dma_start3A_416 = tpu.memref_slice %arg10[%run_scoped3A_401, %dma_start3A_415] : memref<4x128xi32, #tpu.memory_space<vmem>> -> memref<1x128xi32, #tpu.memory_space<vmem>>
        %dma_start3A_417 = tpu.memref_squeeze %dma_start3A_416 : memref<1x128xi32, #tpu.memory_space<vmem>> -> memref<128xi32, #tpu.memory_space<vmem>>
        %dma_start3A_418 = arith.constant 0 : i32
        %dma_start3A_419 = arith.constant 0 : i32
        %dma_start3A_420 = tpu.memref_slice %arg21[%dma_start3A_418, %dma_start3A_419] : memref<10016x144xf32, #tpu.memory_space<vmem_shared>> -> memref<10016x144xf32, #tpu.memory_space<vmem_shared>>
        tpu.enqueue_indirect_dma source(%arg12 : memref<128x144xf32, #tpu.memory_space<vmem>>) target(%dma_start3A_420 : memref<10016x144xf32, #tpu.memory_space<vmem_shared>>) offsets(%dma_start3A_417 : memref<128xi32, #tpu.memory_space<vmem>>) semaphore(%run_scoped3A_414 : memref<!tpu.dma_semaphore, #tpu.memory_space<semaphore_mem>>) {add = true}
        %dma_wait3A_421 = arith.constant 0 : i32
        %dma_wait3A_422 = tpu.memref_slice %arg10[%run_scoped3A_401, %dma_wait3A_421] : memref<4x128xi32, #tpu.memory_space<vmem>> -> memref<1x128xi32, #tpu.memory_space<vmem>>
        %dma_wait3A_423 = tpu.memref_squeeze %dma_wait3A_422 : memref<1x128xi32, #tpu.memory_space<vmem>> -> memref<128xi32, #tpu.memory_space<vmem>>
        %dma_wait3A_424 = arith.constant 0 : i32
        %dma_wait3A_425 = arith.constant 0 : i32
        %dma_wait3A_426 = tpu.memref_slice %arg21[%dma_wait3A_424, %dma_wait3A_425] : memref<10016x144xf32, #tpu.memory_space<vmem_shared>> -> memref<10016x144xf32, #tpu.memory_space<vmem_shared>>
        tpu.wait_indirect_dma semaphore(%run_scoped3A_414 : memref<!tpu.dma_semaphore, #tpu.memory_space<semaphore_mem>>) src(%arg12 : memref<128x144xf32, #tpu.memory_space<vmem>>) dst(%dma_wait3A_426 : memref<10016x144xf32, #tpu.memory_space<vmem_shared>>)
        tpu.yield
      }) : () -> ()
      %add3A_402 = arith.constant 1 : i32
      %add3A_403 = arith.addi %add3A_251, %add3A_402 : i32
      %lt3A_404 = arith.cmpi slt, %add3A_403, %select_n3A : i32
      %convert_element_type3A_405 = arith.extui %lt3A_404 : i1 to i32
      %cond3A_406 = arith.constant 0 : i32
      %cond3A_407 = arith.cmpi ne, %convert_element_type3A_405, %cond3A_406 : i32
      scf.if %cond3A_407 {
        %dma_wait3A_414 = arith.constant 0 : i32
        %dma_wait3A_415 = arith.constant 0 : i32
        %dma_wait3A_416 = tpu.memref_slice %arg3[%dma_wait3A_414, %dma_wait3A_415] : memref<2560x128xi32, #tpu.memory_space<hbm>> -> memref<4x128xi32, #tpu.memory_space<hbm>>
        %dma_wait3A_417 = arith.constant 0 : i32
        %dma_wait3A_418 = arith.constant 0 : i32
        %dma_wait3A_419 = tpu.memref_slice %arg3[%dma_wait3A_417, %dma_wait3A_418] : memref<2560x128xi32, #tpu.memory_space<hbm>> -> memref<4x128xi32, #tpu.memory_space<hbm>>
        tpu.wait_dma2 semaphore(%arg13 : memref<!tpu.dma_semaphore, #tpu.memory_space<semaphore_mem>>) src(%dma_wait3A_419 : memref<4x128xi32, #tpu.memory_space<hbm>>) dst(%arg7 : memref<4x128xi32, #tpu.memory_space<vmem>>)
        %dma_start3A_420 = arith.constant 0 : i32
        %dma_start3A_421 = arith.constant 0 : i32
        %dma_start3A_422 = arith.constant 0 : i32
        %dma_start3A_423 = tpu.memref_slice %arg11[%dma_start3A_421, %dma_start3A_422] : memref<128x144xf32, #tpu.memory_space<vmem>> -> memref<64x144xf32, #tpu.memory_space<vmem>>
        %dma_start3A_424 = arith.constant 0 : i32
        %dma_start3A_425 = tpu.memref_slice %arg7[%dma_start3A_420, %dma_start3A_424] : memref<4x128xi32, #tpu.memory_space<vmem>> -> memref<1x64xi32, #tpu.memory_space<vmem>>
        %dma_start3A_426 = tpu.memref_squeeze %dma_start3A_425 : memref<1x64xi32, #tpu.memory_space<vmem>> -> memref<64xi32, #tpu.memory_space<vmem>>
        %dma_start3A_427 = arith.constant 0 : i32
        %dma_start3A_428 = arith.constant 0 : i32
        %dma_start3A_429 = tpu.memref_slice %arg2[%dma_start3A_427, %dma_start3A_428] : memref<10000x144xf32, #tpu.memory_space<hbm>> -> memref<10000x144xf32, #tpu.memory_space<hbm>>
        tpu.enqueue_indirect_dma source(%dma_start3A_429 : memref<10000x144xf32, #tpu.memory_space<hbm>>) target(%dma_start3A_423 : memref<64x144xf32, #tpu.memory_space<vmem>>) offsets(%dma_start3A_426 : memref<64xi32, #tpu.memory_space<vmem>>) semaphore(%arg17 : memref<!tpu.dma_semaphore, #tpu.memory_space<semaphore_mem>>)
        %dma_start3A_430 = arith.constant 0 : i32
        %dma_start3A_431 = arith.constant 64 : i32
        %dma_start3A_432 = arith.constant 0 : i32
        %dma_start3A_433 = tpu.memref_slice %arg11[%dma_start3A_431, %dma_start3A_432] : memref<128x144xf32, #tpu.memory_space<vmem>> -> memref<64x144xf32, #tpu.memory_space<vmem>>
        %dma_start3A_434 = arith.constant 64 : i32
        %dma_start3A_435 = tpu.memref_slice %arg7[%dma_start3A_430, %dma_start3A_434] : memref<4x128xi32, #tpu.memory_space<vmem>> -> memref<1x64xi32, #tpu.memory_space<vmem>>
        %dma_start3A_436 = tpu.memref_squeeze %dma_start3A_435 : memref<1x64xi32, #tpu.memory_space<vmem>> -> memref<64xi32, #tpu.memory_space<vmem>>
        %dma_start3A_437 = arith.constant 0 : i32
        %dma_start3A_438 = arith.constant 0 : i32
        %dma_start3A_439 = tpu.memref_slice %arg2[%dma_start3A_437, %dma_start3A_438] : memref<10000x144xf32, #tpu.memory_space<hbm>> -> memref<10000x144xf32, #tpu.memory_space<hbm>>
        tpu.enqueue_indirect_dma source(%dma_start3A_439 : memref<10000x144xf32, #tpu.memory_space<hbm>>) target(%dma_start3A_433 : memref<64x144xf32, #tpu.memory_space<vmem>>) offsets(%dma_start3A_436 : memref<64xi32, #tpu.memory_space<vmem>>) semaphore(%arg19 : memref<!tpu.dma_semaphore, #tpu.memory_space<semaphore_mem>>)
      } else {
      }
      %add3A_408 = arith.constant 2 : i32
      %add3A_409 = arith.addi %add3A_251, %add3A_408 : i32
      %lt3A_410 = arith.cmpi slt, %add3A_409, %select_n3A : i32
      %convert_element_type3A_411 = arith.extui %lt3A_410 : i1 to i32
      %cond3A_412 = arith.constant 0 : i32
      %cond3A_413 = arith.cmpi ne, %convert_element_type3A_411, %cond3A_412 : i32
      scf.if %cond3A_413 {
        %add3A_414 = arith.constant 2 : i32
        %add3A_415 = arith.addi %add3A_251, %add3A_414 : i32
        %mul3A_416 = arith.constant 4 : i32
        %mul3A_417 = arith.muli %add3A_415, %mul3A_416 : i32
        %add3A_418 = arith.addi %select_n3A_8, %mul3A_417 : i32
        %dma_start3A_419 = arith.constant 0 : i32
        %dma_start3A_420 = tpu.memref_slice %arg3[%add3A_418, %dma_start3A_419] : memref<2560x128xi32, #tpu.memory_space<hbm>> -> memref<4x128xi32, #tpu.memory_space<hbm>>
        %dma_start3A_421 = arith.constant 0 : i32
        %dma_start3A_422 = tpu.memref_slice %arg3[%add3A_418, %dma_start3A_421] : memref<2560x128xi32, #tpu.memory_space<hbm>> -> memref<4x128xi32, #tpu.memory_space<hbm>>
        tpu.enqueue_dma source(%dma_start3A_422 : memref<4x128xi32, #tpu.memory_space<hbm>>) target(%arg8 : memref<4x128xi32, #tpu.memory_space<vmem>>) target_semaphore(%arg14 : memref<!tpu.dma_semaphore, #tpu.memory_space<semaphore_mem>>)
        %dma_start3A_423 = arith.constant 0 : i32
        %dma_start3A_424 = tpu.memref_slice %arg4[%add3A_418, %dma_start3A_423] : memref<2560x128xi32, #tpu.memory_space<hbm>> -> memref<4x128xi32, #tpu.memory_space<hbm>>
        %dma_start3A_425 = arith.constant 0 : i32
        %dma_start3A_426 = tpu.memref_slice %arg4[%add3A_418, %dma_start3A_425] : memref<2560x128xi32, #tpu.memory_space<hbm>> -> memref<4x128xi32, #tpu.memory_space<hbm>>
        tpu.enqueue_dma source(%dma_start3A_426 : memref<4x128xi32, #tpu.memory_space<hbm>>) target(%arg10 : memref<4x128xi32, #tpu.memory_space<vmem>>) target_semaphore(%arg16 : memref<!tpu.dma_semaphore, #tpu.memory_space<semaphore_mem>>)
      } else {
      }
    }
    %while3A_81 = arith.constant 1 : i32
    scf.for %while3A_87 = %while3A_79 to %while3A_75 step %while3A_81  : i32 {
      %mul3A_88 = arith.constant 2 : i32
      %mul3A_89 = arith.muli %mul3A_88, %while3A_87 : i32
      %dma_wait3A_90 = arith.constant 0 : i32
      %dma_wait3A_91 = arith.constant 0 : i32
      %dma_wait3A_92 = tpu.memref_slice %arg4[%dma_wait3A_90, %dma_wait3A_91] : memref<2560x128xi32, #tpu.memory_space<hbm>> -> memref<4x128xi32, #tpu.memory_space<hbm>>
      %dma_wait3A_93 = arith.constant 0 : i32
      %dma_wait3A_94 = arith.constant 0 : i32
      %dma_wait3A_95 = tpu.memref_slice %arg4[%dma_wait3A_93, %dma_wait3A_94] : memref<2560x128xi32, #tpu.memory_space<hbm>> -> memref<4x128xi32, #tpu.memory_space<hbm>>
      tpu.wait_dma2 semaphore(%arg15 : memref<!tpu.dma_semaphore, #tpu.memory_space<semaphore_mem>>) src(%dma_wait3A_95 : memref<4x128xi32, #tpu.memory_space<hbm>>) dst(%arg9 : memref<4x128xi32, #tpu.memory_space<vmem>>)
      %dma_wait3A_96 = arith.constant 0 : i32
      %dma_wait3A_97 = arith.constant 0 : i32
      %dma_wait3A_98 = arith.constant 0 : i32
      %dma_wait3A_99 = tpu.memref_slice %arg11[%dma_wait3A_97, %dma_wait3A_98] : memref<128x144xf32, #tpu.memory_space<vmem>> -> memref<64x144xf32, #tpu.memory_space<vmem>>
      %dma_wait3A_100 = arith.constant 0 : i32
      %dma_wait3A_101 = tpu.memref_slice %arg7[%dma_wait3A_96, %dma_wait3A_100] : memref<4x128xi32, #tpu.memory_space<vmem>> -> memref<1x64xi32, #tpu.memory_space<vmem>>
      %dma_wait3A_102 = tpu.memref_squeeze %dma_wait3A_101 : memref<1x64xi32, #tpu.memory_space<vmem>> -> memref<64xi32, #tpu.memory_space<vmem>>
      %dma_wait3A_103 = arith.constant 0 : i32
      %dma_wait3A_104 = arith.constant 0 : i32
      %dma_wait3A_105 = tpu.memref_slice %arg2[%dma_wait3A_103, %dma_wait3A_104] : memref<10000x144xf32, #tpu.memory_space<hbm>> -> memref<10000x144xf32, #tpu.memory_space<hbm>>
      tpu.wait_indirect_dma semaphore(%arg17 : memref<!tpu.dma_semaphore, #tpu.memory_space<semaphore_mem>>) src(%dma_wait3A_105 : memref<10000x144xf32, #tpu.memory_space<hbm>>) dst(%dma_wait3A_99 : memref<64x144xf32, #tpu.memory_space<vmem>>)
      %dma_wait3A_106 = arith.constant 0 : i32
      %dma_wait3A_107 = arith.constant 64 : i32
      %dma_wait3A_108 = arith.constant 0 : i32
      %dma_wait3A_109 = tpu.memref_slice %arg11[%dma_wait3A_107, %dma_wait3A_108] : memref<128x144xf32, #tpu.memory_space<vmem>> -> memref<64x144xf32, #tpu.memory_space<vmem>>
      %dma_wait3A_110 = arith.constant 64 : i32
      %dma_wait3A_111 = tpu.memref_slice %arg7[%dma_wait3A_106, %dma_wait3A_110] : memref<4x128xi32, #tpu.memory_space<vmem>> -> memref<1x64xi32, #tpu.memory_space<vmem>>
      %dma_wait3A_112 = tpu.memref_squeeze %dma_wait3A_111 : memref<1x64xi32, #tpu.memory_space<vmem>> -> memref<64xi32, #tpu.memory_space<vmem>>
      %dma_wait3A_113 = arith.constant 0 : i32
      %dma_wait3A_114 = arith.constant 0 : i32
      %dma_wait3A_115 = tpu.memref_slice %arg2[%dma_wait3A_113, %dma_wait3A_114] : memref<10000x144xf32, #tpu.memory_space<hbm>> -> memref<10000x144xf32, #tpu.memory_space<hbm>>
      tpu.wait_indirect_dma semaphore(%arg19 : memref<!tpu.dma_semaphore, #tpu.memory_space<semaphore_mem>>) src(%dma_wait3A_115 : memref<10000x144xf32, #tpu.memory_space<hbm>>) dst(%dma_wait3A_109 : memref<64x144xf32, #tpu.memory_space<vmem>>)
      %run_scoped3A = arith.constant 0 : i32
      "tpu.region"() ({
        %run_scoped3A_414 = tpu.sem_alloc : memref<!tpu.dma_semaphore, #tpu.memory_space<semaphore_mem>>
        %dma_start3A_415 = arith.constant 0 : i32
        %dma_start3A_416 = tpu.memref_slice %arg9[%run_scoped3A, %dma_start3A_415] : memref<4x128xi32, #tpu.memory_space<vmem>> -> memref<1x128xi32, #tpu.memory_space<vmem>>
        %dma_start3A_417 = tpu.memref_squeeze %dma_start3A_416 : memref<1x128xi32, #tpu.memory_space<vmem>> -> memref<128xi32, #tpu.memory_space<vmem>>
        %dma_start3A_418 = arith.constant 0 : i32
        %dma_start3A_419 = arith.constant 0 : i32
        %dma_start3A_420 = tpu.memref_slice %arg21[%dma_start3A_418, %dma_start3A_419] : memref<10016x144xf32, #tpu.memory_space<vmem_shared>> -> memref<10016x144xf32, #tpu.memory_space<vmem_shared>>
        tpu.enqueue_indirect_dma source(%arg11 : memref<128x144xf32, #tpu.memory_space<vmem>>) target(%dma_start3A_420 : memref<10016x144xf32, #tpu.memory_space<vmem_shared>>) offsets(%dma_start3A_417 : memref<128xi32, #tpu.memory_space<vmem>>) semaphore(%run_scoped3A_414 : memref<!tpu.dma_semaphore, #tpu.memory_space<semaphore_mem>>) {add = true}
        %dma_wait3A_421 = arith.constant 0 : i32
        %dma_wait3A_422 = tpu.memref_slice %arg9[%run_scoped3A, %dma_wait3A_421] : memref<4x128xi32, #tpu.memory_space<vmem>> -> memref<1x128xi32, #tpu.memory_space<vmem>>
        %dma_wait3A_423 = tpu.memref_squeeze %dma_wait3A_422 : memref<1x128xi32, #tpu.memory_space<vmem>> -> memref<128xi32, #tpu.memory_space<vmem>>
        %dma_wait3A_424 = arith.constant 0 : i32
        %dma_wait3A_425 = arith.constant 0 : i32
        %dma_wait3A_426 = tpu.memref_slice %arg21[%dma_wait3A_424, %dma_wait3A_425] : memref<10016x144xf32, #tpu.memory_space<vmem_shared>> -> memref<10016x144xf32, #tpu.memory_space<vmem_shared>>
        tpu.wait_indirect_dma semaphore(%run_scoped3A_414 : memref<!tpu.dma_semaphore, #tpu.memory_space<semaphore_mem>>) src(%arg11 : memref<128x144xf32, #tpu.memory_space<vmem>>) dst(%dma_wait3A_426 : memref<10016x144xf32, #tpu.memory_space<vmem_shared>>)
        tpu.yield
      }) : () -> ()
      %dma_start3A_116 = arith.constant 1 : i32
      %dma_start3A_117 = arith.constant 0 : i32
      %dma_start3A_118 = arith.constant 0 : i32
      %dma_start3A_119 = tpu.memref_slice %arg12[%dma_start3A_117, %dma_start3A_118] : memref<128x144xf32, #tpu.memory_space<vmem>> -> memref<64x144xf32, #tpu.memory_space<vmem>>
      %dma_start3A_120 = arith.constant 0 : i32
      %dma_start3A_121 = tpu.memref_slice %arg7[%dma_start3A_116, %dma_start3A_120] : memref<4x128xi32, #tpu.memory_space<vmem>> -> memref<1x64xi32, #tpu.memory_space<vmem>>
      %dma_start3A_122 = tpu.memref_squeeze %dma_start3A_121 : memref<1x64xi32, #tpu.memory_space<vmem>> -> memref<64xi32, #tpu.memory_space<vmem>>
      %dma_start3A_123 = arith.constant 0 : i32
      %dma_start3A_124 = arith.constant 0 : i32
      %dma_start3A_125 = tpu.memref_slice %arg2[%dma_start3A_123, %dma_start3A_124] : memref<10000x144xf32, #tpu.memory_space<hbm>> -> memref<10000x144xf32, #tpu.memory_space<hbm>>
      tpu.enqueue_indirect_dma source(%dma_start3A_125 : memref<10000x144xf32, #tpu.memory_space<hbm>>) target(%dma_start3A_119 : memref<64x144xf32, #tpu.memory_space<vmem>>) offsets(%dma_start3A_122 : memref<64xi32, #tpu.memory_space<vmem>>) semaphore(%arg18 : memref<!tpu.dma_semaphore, #tpu.memory_space<semaphore_mem>>)
      %dma_start3A_126 = arith.constant 1 : i32
      %dma_start3A_127 = arith.constant 64 : i32
      %dma_start3A_128 = arith.constant 0 : i32
      %dma_start3A_129 = tpu.memref_slice %arg12[%dma_start3A_127, %dma_start3A_128] : memref<128x144xf32, #tpu.memory_space<vmem>> -> memref<64x144xf32, #tpu.memory_space<vmem>>
      %dma_start3A_130 = arith.constant 64 : i32
      %dma_start3A_131 = tpu.memref_slice %arg7[%dma_start3A_126, %dma_start3A_130] : memref<4x128xi32, #tpu.memory_space<vmem>> -> memref<1x64xi32, #tpu.memory_space<vmem>>
      %dma_start3A_132 = tpu.memref_squeeze %dma_start3A_131 : memref<1x64xi32, #tpu.memory_space<vmem>> -> memref<64xi32, #tpu.memory_space<vmem>>
      %dma_start3A_133 = arith.constant 0 : i32
      %dma_start3A_134 = arith.constant 0 : i32
      %dma_start3A_135 = tpu.memref_slice %arg2[%dma_start3A_133, %dma_start3A_134] : memref<10000x144xf32, #tpu.memory_space<hbm>> -> memref<10000x144xf32, #tpu.memory_space<hbm>>
      tpu.enqueue_indirect_dma source(%dma_start3A_135 : memref<10000x144xf32, #tpu.memory_space<hbm>>) target(%dma_start3A_129 : memref<64x144xf32, #tpu.memory_space<vmem>>) offsets(%dma_start3A_132 : memref<64xi32, #tpu.memory_space<vmem>>) semaphore(%arg20 : memref<!tpu.dma_semaphore, #tpu.memory_space<semaphore_mem>>)
      %dma_wait3A_136 = arith.constant 0 : i32
      %dma_wait3A_137 = arith.constant 0 : i32
      %dma_wait3A_138 = arith.constant 0 : i32
      %dma_wait3A_139 = tpu.memref_slice %arg12[%dma_wait3A_137, %dma_wait3A_138] : memref<128x144xf32, #tpu.memory_space<vmem>> -> memref<64x144xf32, #tpu.memory_space<vmem>>
      %dma_wait3A_140 = arith.constant 0 : i32
      %dma_wait3A_141 = tpu.memref_slice %arg7[%dma_wait3A_136, %dma_wait3A_140] : memref<4x128xi32, #tpu.memory_space<vmem>> -> memref<1x64xi32, #tpu.memory_space<vmem>>
      %dma_wait3A_142 = tpu.memref_squeeze %dma_wait3A_141 : memref<1x64xi32, #tpu.memory_space<vmem>> -> memref<64xi32, #tpu.memory_space<vmem>>
      %dma_wait3A_143 = arith.constant 0 : i32
      %dma_wait3A_144 = arith.constant 0 : i32
      %dma_wait3A_145 = tpu.memref_slice %arg2[%dma_wait3A_143, %dma_wait3A_144] : memref<10000x144xf32, #tpu.memory_space<hbm>> -> memref<10000x144xf32, #tpu.memory_space<hbm>>
      tpu.wait_indirect_dma semaphore(%arg18 : memref<!tpu.dma_semaphore, #tpu.memory_space<semaphore_mem>>) src(%dma_wait3A_145 : memref<10000x144xf32, #tpu.memory_space<hbm>>) dst(%dma_wait3A_139 : memref<64x144xf32, #tpu.memory_space<vmem>>)
      %dma_wait3A_146 = arith.constant 0 : i32
      %dma_wait3A_147 = arith.constant 64 : i32
      %dma_wait3A_148 = arith.constant 0 : i32
      %dma_wait3A_149 = tpu.memref_slice %arg12[%dma_wait3A_147, %dma_wait3A_148] : memref<128x144xf32, #tpu.memory_space<vmem>> -> memref<64x144xf32, #tpu.memory_space<vmem>>
      %dma_wait3A_150 = arith.constant 64 : i32
      %dma_wait3A_151 = tpu.memref_slice %arg7[%dma_wait3A_146, %dma_wait3A_150] : memref<4x128xi32, #tpu.memory_space<vmem>> -> memref<1x64xi32, #tpu.memory_space<vmem>>
      %dma_wait3A_152 = tpu.memref_squeeze %dma_wait3A_151 : memref<1x64xi32, #tpu.memory_space<vmem>> -> memref<64xi32, #tpu.memory_space<vmem>>
      %dma_wait3A_153 = arith.constant 0 : i32
      %dma_wait3A_154 = arith.constant 0 : i32
      %dma_wait3A_155 = tpu.memref_slice %arg2[%dma_wait3A_153, %dma_wait3A_154] : memref<10000x144xf32, #tpu.memory_space<hbm>> -> memref<10000x144xf32, #tpu.memory_space<hbm>>
      tpu.wait_indirect_dma semaphore(%arg20 : memref<!tpu.dma_semaphore, #tpu.memory_space<semaphore_mem>>) src(%dma_wait3A_155 : memref<10000x144xf32, #tpu.memory_space<hbm>>) dst(%dma_wait3A_149 : memref<64x144xf32, #tpu.memory_space<vmem>>)
      %run_scoped3A_156 = arith.constant 1 : i32
      "tpu.region"() ({
        %run_scoped3A_414 = tpu.sem_alloc : memref<!tpu.dma_semaphore, #tpu.memory_space<semaphore_mem>>
        %dma_start3A_415 = arith.constant 0 : i32
        %dma_start3A_416 = tpu.memref_slice %arg9[%run_scoped3A_156, %dma_start3A_415] : memref<4x128xi32, #tpu.memory_space<vmem>> -> memref<1x128xi32, #tpu.memory_space<vmem>>
        %dma_start3A_417 = tpu.memref_squeeze %dma_start3A_416 : memref<1x128xi32, #tpu.memory_space<vmem>> -> memref<128xi32, #tpu.memory_space<vmem>>
        %dma_start3A_418 = arith.constant 0 : i32
        %dma_start3A_419 = arith.constant 0 : i32
        %dma_start3A_420 = tpu.memref_slice %arg21[%dma_start3A_418, %dma_start3A_419] : memref<10016x144xf32, #tpu.memory_space<vmem_shared>> -> memref<10016x144xf32, #tpu.memory_space<vmem_shared>>
        tpu.enqueue_indirect_dma source(%arg12 : memref<128x144xf32, #tpu.memory_space<vmem>>) target(%dma_start3A_420 : memref<10016x144xf32, #tpu.memory_space<vmem_shared>>) offsets(%dma_start3A_417 : memref<128xi32, #tpu.memory_space<vmem>>) semaphore(%run_scoped3A_414 : memref<!tpu.dma_semaphore, #tpu.memory_space<semaphore_mem>>) {add = true}
        %dma_wait3A_421 = arith.constant 0 : i32
        %dma_wait3A_422 = tpu.memref_slice %arg9[%run_scoped3A_156, %dma_wait3A_421] : memref<4x128xi32, #tpu.memory_space<vmem>> -> memref<1x128xi32, #tpu.memory_space<vmem>>
        %dma_wait3A_423 = tpu.memref_squeeze %dma_wait3A_422 : memref<1x128xi32, #tpu.memory_space<vmem>> -> memref<128xi32, #tpu.memory_space<vmem>>
        %dma_wait3A_424 = arith.constant 0 : i32
        %dma_wait3A_425 = arith.constant 0 : i32
        %dma_wait3A_426 = tpu.memref_slice %arg21[%dma_wait3A_424, %dma_wait3A_425] : memref<10016x144xf32, #tpu.memory_space<vmem_shared>> -> memref<10016x144xf32, #tpu.memory_space<vmem_shared>>
        tpu.wait_indirect_dma semaphore(%run_scoped3A_414 : memref<!tpu.dma_semaphore, #tpu.memory_space<semaphore_mem>>) src(%arg12 : memref<128x144xf32, #tpu.memory_space<vmem>>) dst(%dma_wait3A_426 : memref<10016x144xf32, #tpu.memory_space<vmem_shared>>)
        tpu.yield
      }) : () -> ()
      %dma_start3A_157 = arith.constant 2 : i32
      %dma_start3A_158 = arith.constant 0 : i32
      %dma_start3A_159 = arith.constant 0 : i32
      %dma_start3A_160 = tpu.memref_slice %arg11[%dma_start3A_158, %dma_start3A_159] : memref<128x144xf32, #tpu.memory_space<vmem>> -> memref<64x144xf32, #tpu.memory_space<vmem>>
      %dma_start3A_161 = arith.constant 0 : i32
      %dma_start3A_162 = tpu.memref_slice %arg7[%dma_start3A_157, %dma_start3A_161] : memref<4x128xi32, #tpu.memory_space<vmem>> -> memref<1x64xi32, #tpu.memory_space<vmem>>
      %dma_start3A_163 = tpu.memref_squeeze %dma_start3A_162 : memref<1x64xi32, #tpu.memory_space<vmem>> -> memref<64xi32, #tpu.memory_space<vmem>>
      %dma_start3A_164 = arith.constant 0 : i32
      %dma_start3A_165 = arith.constant 0 : i32
      %dma_start3A_166 = tpu.memref_slice %arg2[%dma_start3A_164, %dma_start3A_165] : memref<10000x144xf32, #tpu.memory_space<hbm>> -> memref<10000x144xf32, #tpu.memory_space<hbm>>
      tpu.enqueue_indirect_dma source(%dma_start3A_166 : memref<10000x144xf32, #tpu.memory_space<hbm>>) target(%dma_start3A_160 : memref<64x144xf32, #tpu.memory_space<vmem>>) offsets(%dma_start3A_163 : memref<64xi32, #tpu.memory_space<vmem>>) semaphore(%arg17 : memref<!tpu.dma_semaphore, #tpu.memory_space<semaphore_mem>>)
      %dma_start3A_167 = arith.constant 2 : i32
      %dma_start3A_168 = arith.constant 64 : i32
      %dma_start3A_169 = arith.constant 0 : i32
      %dma_start3A_170 = tpu.memref_slice %arg11[%dma_start3A_168, %dma_start3A_169] : memref<128x144xf32, #tpu.memory_space<vmem>> -> memref<64x144xf32, #tpu.memory_space<vmem>>
      %dma_start3A_171 = arith.constant 64 : i32
      %dma_start3A_172 = tpu.memref_slice %arg7[%dma_start3A_167, %dma_start3A_171] : memref<4x128xi32, #tpu.memory_space<vmem>> -> memref<1x64xi32, #tpu.memory_space<vmem>>
      %dma_start3A_173 = tpu.memref_squeeze %dma_start3A_172 : memref<1x64xi32, #tpu.memory_space<vmem>> -> memref<64xi32, #tpu.memory_space<vmem>>
      %dma_start3A_174 = arith.constant 0 : i32
      %dma_start3A_175 = arith.constant 0 : i32
      %dma_start3A_176 = tpu.memref_slice %arg2[%dma_start3A_174, %dma_start3A_175] : memref<10000x144xf32, #tpu.memory_space<hbm>> -> memref<10000x144xf32, #tpu.memory_space<hbm>>
      tpu.enqueue_indirect_dma source(%dma_start3A_176 : memref<10000x144xf32, #tpu.memory_space<hbm>>) target(%dma_start3A_170 : memref<64x144xf32, #tpu.memory_space<vmem>>) offsets(%dma_start3A_173 : memref<64xi32, #tpu.memory_space<vmem>>) semaphore(%arg19 : memref<!tpu.dma_semaphore, #tpu.memory_space<semaphore_mem>>)
      %dma_wait3A_177 = arith.constant 0 : i32
      %dma_wait3A_178 = arith.constant 0 : i32
      %dma_wait3A_179 = arith.constant 0 : i32
      %dma_wait3A_180 = tpu.memref_slice %arg11[%dma_wait3A_178, %dma_wait3A_179] : memref<128x144xf32, #tpu.memory_space<vmem>> -> memref<64x144xf32, #tpu.memory_space<vmem>>
      %dma_wait3A_181 = arith.constant 0 : i32
      %dma_wait3A_182 = tpu.memref_slice %arg7[%dma_wait3A_177, %dma_wait3A_181] : memref<4x128xi32, #tpu.memory_space<vmem>> -> memref<1x64xi32, #tpu.memory_space<vmem>>
      %dma_wait3A_183 = tpu.memref_squeeze %dma_wait3A_182 : memref<1x64xi32, #tpu.memory_space<vmem>> -> memref<64xi32, #tpu.memory_space<vmem>>
      %dma_wait3A_184 = arith.constant 0 : i32
      %dma_wait3A_185 = arith.constant 0 : i32
      %dma_wait3A_186 = tpu.memref_slice %arg2[%dma_wait3A_184, %dma_wait3A_185] : memref<10000x144xf32, #tpu.memory_space<hbm>> -> memref<10000x144xf32, #tpu.memory_space<hbm>>
      tpu.wait_indirect_dma semaphore(%arg17 : memref<!tpu.dma_semaphore, #tpu.memory_space<semaphore_mem>>) src(%dma_wait3A_186 : memref<10000x144xf32, #tpu.memory_space<hbm>>) dst(%dma_wait3A_180 : memref<64x144xf32, #tpu.memory_space<vmem>>)
      %dma_wait3A_187 = arith.constant 0 : i32
      %dma_wait3A_188 = arith.constant 64 : i32
      %dma_wait3A_189 = arith.constant 0 : i32
      %dma_wait3A_190 = tpu.memref_slice %arg11[%dma_wait3A_188, %dma_wait3A_189] : memref<128x144xf32, #tpu.memory_space<vmem>> -> memref<64x144xf32, #tpu.memory_space<vmem>>
      %dma_wait3A_191 = arith.constant 64 : i32
      %dma_wait3A_192 = tpu.memref_slice %arg7[%dma_wait3A_187, %dma_wait3A_191] : memref<4x128xi32, #tpu.memory_space<vmem>> -> memref<1x64xi32, #tpu.memory_space<vmem>>
      %dma_wait3A_193 = tpu.memref_squeeze %dma_wait3A_192 : memref<1x64xi32, #tpu.memory_space<vmem>> -> memref<64xi32, #tpu.memory_space<vmem>>
      %dma_wait3A_194 = arith.constant 0 : i32
      %dma_wait3A_195 = arith.constant 0 : i32
      %dma_wait3A_196 = tpu.memref_slice %arg2[%dma_wait3A_194, %dma_wait3A_195] : memref<10000x144xf32, #tpu.memory_space<hbm>> -> memref<10000x144xf32, #tpu.memory_space<hbm>>
      tpu.wait_indirect_dma semaphore(%arg19 : memref<!tpu.dma_semaphore, #tpu.memory_space<semaphore_mem>>) src(%dma_wait3A_196 : memref<10000x144xf32, #tpu.memory_space<hbm>>) dst(%dma_wait3A_190 : memref<64x144xf32, #tpu.memory_space<vmem>>)
      %run_scoped3A_197 = arith.constant 2 : i32
      "tpu.region"() ({
        %run_scoped3A_414 = tpu.sem_alloc : memref<!tpu.dma_semaphore, #tpu.memory_space<semaphore_mem>>
        %dma_start3A_415 = arith.constant 0 : i32
        %dma_start3A_416 = tpu.memref_slice %arg9[%run_scoped3A_197, %dma_start3A_415] : memref<4x128xi32, #tpu.memory_space<vmem>> -> memref<1x128xi32, #tpu.memory_space<vmem>>
        %dma_start3A_417 = tpu.memref_squeeze %dma_start3A_416 : memref<1x128xi32, #tpu.memory_space<vmem>> -> memref<128xi32, #tpu.memory_space<vmem>>
        %dma_start3A_418 = arith.constant 0 : i32
        %dma_start3A_419 = arith.constant 0 : i32
        %dma_start3A_420 = tpu.memref_slice %arg21[%dma_start3A_418, %dma_start3A_419] : memref<10016x144xf32, #tpu.memory_space<vmem_shared>> -> memref<10016x144xf32, #tpu.memory_space<vmem_shared>>
        tpu.enqueue_indirect_dma source(%arg11 : memref<128x144xf32, #tpu.memory_space<vmem>>) target(%dma_start3A_420 : memref<10016x144xf32, #tpu.memory_space<vmem_shared>>) offsets(%dma_start3A_417 : memref<128xi32, #tpu.memory_space<vmem>>) semaphore(%run_scoped3A_414 : memref<!tpu.dma_semaphore, #tpu.memory_space<semaphore_mem>>) {add = true}
        %dma_wait3A_421 = arith.constant 0 : i32
        %dma_wait3A_422 = tpu.memref_slice %arg9[%run_scoped3A_197, %dma_wait3A_421] : memref<4x128xi32, #tpu.memory_space<vmem>> -> memref<1x128xi32, #tpu.memory_space<vmem>>
        %dma_wait3A_423 = tpu.memref_squeeze %dma_wait3A_422 : memref<1x128xi32, #tpu.memory_space<vmem>> -> memref<128xi32, #tpu.memory_space<vmem>>
        %dma_wait3A_424 = arith.constant 0 : i32
        %dma_wait3A_425 = arith.constant 0 : i32
        %dma_wait3A_426 = tpu.memref_slice %arg21[%dma_wait3A_424, %dma_wait3A_425] : memref<10016x144xf32, #tpu.memory_space<vmem_shared>> -> memref<10016x144xf32, #tpu.memory_space<vmem_shared>>
        tpu.wait_indirect_dma semaphore(%run_scoped3A_414 : memref<!tpu.dma_semaphore, #tpu.memory_space<semaphore_mem>>) src(%arg11 : memref<128x144xf32, #tpu.memory_space<vmem>>) dst(%dma_wait3A_426 : memref<10016x144xf32, #tpu.memory_space<vmem_shared>>)
        tpu.yield
      }) : () -> ()
      %dma_start3A_198 = arith.constant 3 : i32
      %dma_start3A_199 = arith.constant 0 : i32
      %dma_start3A_200 = arith.constant 0 : i32
      %dma_start3A_201 = tpu.memref_slice %arg12[%dma_start3A_199, %dma_start3A_200] : memref<128x144xf32, #tpu.memory_space<vmem>> -> memref<64x144xf32, #tpu.memory_space<vmem>>
      %dma_start3A_202 = arith.constant 0 : i32
      %dma_start3A_203 = tpu.memref_slice %arg7[%dma_start3A_198, %dma_start3A_202] : memref<4x128xi32, #tpu.memory_space<vmem>> -> memref<1x64xi32, #tpu.memory_space<vmem>>
      %dma_start3A_204 = tpu.memref_squeeze %dma_start3A_203 : memref<1x64xi32, #tpu.memory_space<vmem>> -> memref<64xi32, #tpu.memory_space<vmem>>
      %dma_start3A_205 = arith.constant 0 : i32
      %dma_start3A_206 = arith.constant 0 : i32
      %dma_start3A_207 = tpu.memref_slice %arg2[%dma_start3A_205, %dma_start3A_206] : memref<10000x144xf32, #tpu.memory_space<hbm>> -> memref<10000x144xf32, #tpu.memory_space<hbm>>
      tpu.enqueue_indirect_dma source(%dma_start3A_207 : memref<10000x144xf32, #tpu.memory_space<hbm>>) target(%dma_start3A_201 : memref<64x144xf32, #tpu.memory_space<vmem>>) offsets(%dma_start3A_204 : memref<64xi32, #tpu.memory_space<vmem>>) semaphore(%arg18 : memref<!tpu.dma_semaphore, #tpu.memory_space<semaphore_mem>>)
      %dma_start3A_208 = arith.constant 3 : i32
      %dma_start3A_209 = arith.constant 64 : i32
      %dma_start3A_210 = arith.constant 0 : i32
      %dma_start3A_211 = tpu.memref_slice %arg12[%dma_start3A_209, %dma_start3A_210] : memref<128x144xf32, #tpu.memory_space<vmem>> -> memref<64x144xf32, #tpu.memory_space<vmem>>
      %dma_start3A_212 = arith.constant 64 : i32
      %dma_start3A_213 = tpu.memref_slice %arg7[%dma_start3A_208, %dma_start3A_212] : memref<4x128xi32, #tpu.memory_space<vmem>> -> memref<1x64xi32, #tpu.memory_space<vmem>>
      %dma_start3A_214 = tpu.memref_squeeze %dma_start3A_213 : memref<1x64xi32, #tpu.memory_space<vmem>> -> memref<64xi32, #tpu.memory_space<vmem>>
      %dma_start3A_215 = arith.constant 0 : i32
      %dma_start3A_216 = arith.constant 0 : i32
      %dma_start3A_217 = tpu.memref_slice %arg2[%dma_start3A_215, %dma_start3A_216] : memref<10000x144xf32, #tpu.memory_space<hbm>> -> memref<10000x144xf32, #tpu.memory_space<hbm>>
      tpu.enqueue_indirect_dma source(%dma_start3A_217 : memref<10000x144xf32, #tpu.memory_space<hbm>>) target(%dma_start3A_211 : memref<64x144xf32, #tpu.memory_space<vmem>>) offsets(%dma_start3A_214 : memref<64xi32, #tpu.memory_space<vmem>>) semaphore(%arg20 : memref<!tpu.dma_semaphore, #tpu.memory_space<semaphore_mem>>)
      %dma_wait3A_218 = arith.constant 0 : i32
      %dma_wait3A_219 = arith.constant 0 : i32
      %dma_wait3A_220 = arith.constant 0 : i32
      %dma_wait3A_221 = tpu.memref_slice %arg12[%dma_wait3A_219, %dma_wait3A_220] : memref<128x144xf32, #tpu.memory_space<vmem>> -> memref<64x144xf32, #tpu.memory_space<vmem>>
      %dma_wait3A_222 = arith.constant 0 : i32
      %dma_wait3A_223 = tpu.memref_slice %arg7[%dma_wait3A_218, %dma_wait3A_222] : memref<4x128xi32, #tpu.memory_space<vmem>> -> memref<1x64xi32, #tpu.memory_space<vmem>>
      %dma_wait3A_224 = tpu.memref_squeeze %dma_wait3A_223 : memref<1x64xi32, #tpu.memory_space<vmem>> -> memref<64xi32, #tpu.memory_space<vmem>>
      %dma_wait3A_225 = arith.constant 0 : i32
      %dma_wait3A_226 = arith.constant 0 : i32
      %dma_wait3A_227 = tpu.memref_slice %arg2[%dma_wait3A_225, %dma_wait3A_226] : memref<10000x144xf32, #tpu.memory_space<hbm>> -> memref<10000x144xf32, #tpu.memory_space<hbm>>
      tpu.wait_indirect_dma semaphore(%arg18 : memref<!tpu.dma_semaphore, #tpu.memory_space<semaphore_mem>>) src(%dma_wait3A_227 : memref<10000x144xf32, #tpu.memory_space<hbm>>) dst(%dma_wait3A_221 : memref<64x144xf32, #tpu.memory_space<vmem>>)
      %dma_wait3A_228 = arith.constant 0 : i32
      %dma_wait3A_229 = arith.constant 64 : i32
      %dma_wait3A_230 = arith.constant 0 : i32
      %dma_wait3A_231 = tpu.memref_slice %arg12[%dma_wait3A_229, %dma_wait3A_230] : memref<128x144xf32, #tpu.memory_space<vmem>> -> memref<64x144xf32, #tpu.memory_space<vmem>>
      %dma_wait3A_232 = arith.constant 64 : i32
      %dma_wait3A_233 = tpu.memref_slice %arg7[%dma_wait3A_228, %dma_wait3A_232] : memref<4x128xi32, #tpu.memory_space<vmem>> -> memref<1x64xi32, #tpu.memory_space<vmem>>
      %dma_wait3A_234 = tpu.memref_squeeze %dma_wait3A_233 : memref<1x64xi32, #tpu.memory_space<vmem>> -> memref<64xi32, #tpu.memory_space<vmem>>
      %dma_wait3A_235 = arith.constant 0 : i32
      %dma_wait3A_236 = arith.constant 0 : i32
      %dma_wait3A_237 = tpu.memref_slice %arg2[%dma_wait3A_235, %dma_wait3A_236] : memref<10000x144xf32, #tpu.memory_space<hbm>> -> memref<10000x144xf32, #tpu.memory_space<hbm>>
      tpu.wait_indirect_dma semaphore(%arg20 : memref<!tpu.dma_semaphore, #tpu.memory_space<semaphore_mem>>) src(%dma_wait3A_237 : memref<10000x144xf32, #tpu.memory_space<hbm>>) dst(%dma_wait3A_231 : memref<64x144xf32, #tpu.memory_space<vmem>>)
      %run_scoped3A_238 = arith.constant 3 : i32
      "tpu.region"() ({
        %run_scoped3A_414 = tpu.sem_alloc : memref<!tpu.dma_semaphore, #tpu.memory_space<semaphore_mem>>
        %dma_start3A_415 = arith.constant 0 : i32
        %dma_start3A_416 = tpu.memref_slice %arg9[%run_scoped3A_238, %dma_start3A_415] : memref<4x128xi32, #tpu.memory_space<vmem>> -> memref<1x128xi32, #tpu.memory_space<vmem>>
        %dma_start3A_417 = tpu.memref_squeeze %dma_start3A_416 : memref<1x128xi32, #tpu.memory_space<vmem>> -> memref<128xi32, #tpu.memory_space<vmem>>
        %dma_start3A_418 = arith.constant 0 : i32
        %dma_start3A_419 = arith.constant 0 : i32
        %dma_start3A_420 = tpu.memref_slice %arg21[%dma_start3A_418, %dma_start3A_419] : memref<10016x144xf32, #tpu.memory_space<vmem_shared>> -> memref<10016x144xf32, #tpu.memory_space<vmem_shared>>
        tpu.enqueue_indirect_dma source(%arg12 : memref<128x144xf32, #tpu.memory_space<vmem>>) target(%dma_start3A_420 : memref<10016x144xf32, #tpu.memory_space<vmem_shared>>) offsets(%dma_start3A_417 : memref<128xi32, #tpu.memory_space<vmem>>) semaphore(%run_scoped3A_414 : memref<!tpu.dma_semaphore, #tpu.memory_space<semaphore_mem>>) {add = true}
        %dma_wait3A_421 = arith.constant 0 : i32
        %dma_wait3A_422 = tpu.memref_slice %arg9[%run_scoped3A_238, %dma_wait3A_421] : memref<4x128xi32, #tpu.memory_space<vmem>> -> memref<1x128xi32, #tpu.memory_space<vmem>>
        %dma_wait3A_423 = tpu.memref_squeeze %dma_wait3A_422 : memref<1x128xi32, #tpu.memory_space<vmem>> -> memref<128xi32, #tpu.memory_space<vmem>>
        %dma_wait3A_424 = arith.constant 0 : i32
        %dma_wait3A_425 = arith.constant 0 : i32
        %dma_wait3A_426 = tpu.memref_slice %arg21[%dma_wait3A_424, %dma_wait3A_425] : memref<10016x144xf32, #tpu.memory_space<vmem_shared>> -> memref<10016x144xf32, #tpu.memory_space<vmem_shared>>
        tpu.wait_indirect_dma semaphore(%run_scoped3A_414 : memref<!tpu.dma_semaphore, #tpu.memory_space<semaphore_mem>>) src(%arg12 : memref<128x144xf32, #tpu.memory_space<vmem>>) dst(%dma_wait3A_426 : memref<10016x144xf32, #tpu.memory_space<vmem_shared>>)
        tpu.yield
      }) : () -> ()
      %add3A_239 = arith.constant 1 : i32
      %add3A_240 = arith.addi %mul3A_89, %add3A_239 : i32
      %lt3A = arith.cmpi slt, %add3A_240, %select_n3A : i32
      %convert_element_type3A = arith.extui %lt3A : i1 to i32
      %cond3A = arith.constant 0 : i32
      %cond3A_241 = arith.cmpi ne, %convert_element_type3A, %cond3A : i32
      scf.if %cond3A_241 {
        %dma_wait3A_414 = arith.constant 0 : i32
        %dma_wait3A_415 = arith.constant 0 : i32
        %dma_wait3A_416 = tpu.memref_slice %arg3[%dma_wait3A_414, %dma_wait3A_415] : memref<2560x128xi32, #tpu.memory_space<hbm>> -> memref<4x128xi32, #tpu.memory_space<hbm>>
        %dma_wait3A_417 = arith.constant 0 : i32
        %dma_wait3A_418 = arith.constant 0 : i32
        %dma_wait3A_419 = tpu.memref_slice %arg3[%dma_wait3A_417, %dma_wait3A_418] : memref<2560x128xi32, #tpu.memory_space<hbm>> -> memref<4x128xi32, #tpu.memory_space<hbm>>
        tpu.wait_dma2 semaphore(%arg14 : memref<!tpu.dma_semaphore, #tpu.memory_space<semaphore_mem>>) src(%dma_wait3A_419 : memref<4x128xi32, #tpu.memory_space<hbm>>) dst(%arg8 : memref<4x128xi32, #tpu.memory_space<vmem>>)
        %dma_start3A_420 = arith.constant 0 : i32
        %dma_start3A_421 = arith.constant 0 : i32
        %dma_start3A_422 = arith.constant 0 : i32
        %dma_start3A_423 = tpu.memref_slice %arg11[%dma_start3A_421, %dma_start3A_422] : memref<128x144xf32, #tpu.memory_space<vmem>> -> memref<64x144xf32, #tpu.memory_space<vmem>>
        %dma_start3A_424 = arith.constant 0 : i32
        %dma_start3A_425 = tpu.memref_slice %arg8[%dma_start3A_420, %dma_start3A_424] : memref<4x128xi32, #tpu.memory_space<vmem>> -> memref<1x64xi32, #tpu.memory_space<vmem>>
        %dma_start3A_426 = tpu.memref_squeeze %dma_start3A_425 : memref<1x64xi32, #tpu.memory_space<vmem>> -> memref<64xi32, #tpu.memory_space<vmem>>
        %dma_start3A_427 = arith.constant 0 : i32
        %dma_start3A_428 = arith.constant 0 : i32
        %dma_start3A_429 = tpu.memref_slice %arg2[%dma_start3A_427, %dma_start3A_428] : memref<10000x144xf32, #tpu.memory_space<hbm>> -> memref<10000x144xf32, #tpu.memory_space<hbm>>
        tpu.enqueue_indirect_dma source(%dma_start3A_429 : memref<10000x144xf32, #tpu.memory_space<hbm>>) target(%dma_start3A_423 : memref<64x144xf32, #tpu.memory_space<vmem>>) offsets(%dma_start3A_426 : memref<64xi32, #tpu.memory_space<vmem>>) semaphore(%arg17 : memref<!tpu.dma_semaphore, #tpu.memory_space<semaphore_mem>>)
        %dma_start3A_430 = arith.constant 0 : i32
        %dma_start3A_431 = arith.constant 64 : i32
        %dma_start3A_432 = arith.constant 0 : i32
        %dma_start3A_433 = tpu.memref_slice %arg11[%dma_start3A_431, %dma_start3A_432] : memref<128x144xf32, #tpu.memory_space<vmem>> -> memref<64x144xf32, #tpu.memory_space<vmem>>
        %dma_start3A_434 = arith.constant 64 : i32
        %dma_start3A_435 = tpu.memref_slice %arg8[%dma_start3A_430, %dma_start3A_434] : memref<4x128xi32, #tpu.memory_space<vmem>> -> memref<1x64xi32, #tpu.memory_space<vmem>>
        %dma_start3A_436 = tpu.memref_squeeze %dma_start3A_435 : memref<1x64xi32, #tpu.memory_space<vmem>> -> memref<64xi32, #tpu.memory_space<vmem>>
        %dma_start3A_437 = arith.constant 0 : i32
        %dma_start3A_438 = arith.constant 0 : i32
        %dma_start3A_439 = tpu.memref_slice %arg2[%dma_start3A_437, %dma_start3A_438] : memref<10000x144xf32, #tpu.memory_space<hbm>> -> memref<10000x144xf32, #tpu.memory_space<hbm>>
        tpu.enqueue_indirect_dma source(%dma_start3A_439 : memref<10000x144xf32, #tpu.memory_space<hbm>>) target(%dma_start3A_433 : memref<64x144xf32, #tpu.memory_space<vmem>>) offsets(%dma_start3A_436 : memref<64xi32, #tpu.memory_space<vmem>>) semaphore(%arg19 : memref<!tpu.dma_semaphore, #tpu.memory_space<semaphore_mem>>)
      } else {
      }
      %add3A_242 = arith.constant 2 : i32
      %add3A_243 = arith.addi %mul3A_89, %add3A_242 : i32
      %lt3A_244 = arith.cmpi slt, %add3A_243, %select_n3A : i32
      %convert_element_type3A_245 = arith.extui %lt3A_244 : i1 to i32
      %cond3A_246 = arith.constant 0 : i32
      %cond3A_247 = arith.cmpi ne, %convert_element_type3A_245, %cond3A_246 : i32
      scf.if %cond3A_247 {
        %add3A_414 = arith.constant 2 : i32
        %add3A_415 = arith.addi %mul3A_89, %add3A_414 : i32
        %mul3A_416 = arith.constant 4 : i32
        %mul3A_417 = arith.muli %add3A_415, %mul3A_416 : i32
        %add3A_418 = arith.addi %select_n3A_8, %mul3A_417 : i32
        %dma_start3A_419 = arith.constant 0 : i32
        %dma_start3A_420 = tpu.memref_slice %arg3[%add3A_418, %dma_start3A_419] : memref<2560x128xi32, #tpu.memory_space<hbm>> -> memref<4x128xi32, #tpu.memory_space<hbm>>
        %dma_start3A_421 = arith.constant 0 : i32
        %dma_start3A_422 = tpu.memref_slice %arg3[%add3A_418, %dma_start3A_421] : memref<2560x128xi32, #tpu.memory_space<hbm>> -> memref<4x128xi32, #tpu.memory_space<hbm>>
        tpu.enqueue_dma source(%dma_start3A_422 : memref<4x128xi32, #tpu.memory_space<hbm>>) target(%arg7 : memref<4x128xi32, #tpu.memory_space<vmem>>) target_semaphore(%arg13 : memref<!tpu.dma_semaphore, #tpu.memory_space<semaphore_mem>>)
        %dma_start3A_423 = arith.constant 0 : i32
        %dma_start3A_424 = tpu.memref_slice %arg4[%add3A_418, %dma_start3A_423] : memref<2560x128xi32, #tpu.memory_space<hbm>> -> memref<4x128xi32, #tpu.memory_space<hbm>>
        %dma_start3A_425 = arith.constant 0 : i32
        %dma_start3A_426 = tpu.memref_slice %arg4[%add3A_418, %dma_start3A_425] : memref<2560x128xi32, #tpu.memory_space<hbm>> -> memref<4x128xi32, #tpu.memory_space<hbm>>
        tpu.enqueue_dma source(%dma_start3A_426 : memref<4x128xi32, #tpu.memory_space<hbm>>) target(%arg9 : memref<4x128xi32, #tpu.memory_space<vmem>>) target_semaphore(%arg15 : memref<!tpu.dma_semaphore, #tpu.memory_space<semaphore_mem>>)
      } else {
      }
      %mul3A_248 = arith.constant 2 : i32
      %mul3A_249 = arith.muli %mul3A_248, %while3A_87 : i32
      %add3A_250 = arith.constant 1 : i32
      %add3A_251 = arith.addi %mul3A_249, %add3A_250 : i32
      %dma_wait3A_252 = arith.constant 0 : i32
      %dma_wait3A_253 = arith.constant 0 : i32
      %dma_wait3A_254 = tpu.memref_slice %arg4[%dma_wait3A_252, %dma_wait3A_253] : memref<2560x128xi32, #tpu.memory_space<hbm>> -> memref<4x128xi32, #tpu.memory_space<hbm>>
      %dma_wait3A_255 = arith.constant 0 : i32
      %dma_wait3A_256 = arith.constant 0 : i32
      %dma_wait3A_257 = tpu.memref_slice %arg4[%dma_wait3A_255, %dma_wait3A_256] : memref<2560x128xi32, #tpu.memory_space<hbm>> -> memref<4x128xi32, #tpu.memory_space<hbm>>
      tpu.wait_dma2 semaphore(%arg16 : memref<!tpu.dma_semaphore, #tpu.memory_space<semaphore_mem>>) src(%dma_wait3A_257 : memref<4x128xi32, #tpu.memory_space<hbm>>) dst(%arg10 : memref<4x128xi32, #tpu.memory_space<vmem>>)
      %dma_wait3A_258 = arith.constant 0 : i32
      %dma_wait3A_259 = arith.constant 0 : i32
      %dma_wait3A_260 = arith.constant 0 : i32
      %dma_wait3A_261 = tpu.memref_slice %arg11[%dma_wait3A_259, %dma_wait3A_260] : memref<128x144xf32, #tpu.memory_space<vmem>> -> memref<64x144xf32, #tpu.memory_space<vmem>>
      %dma_wait3A_262 = arith.constant 0 : i32
      %dma_wait3A_263 = tpu.memref_slice %arg7[%dma_wait3A_258, %dma_wait3A_262] : memref<4x128xi32, #tpu.memory_space<vmem>> -> memref<1x64xi32, #tpu.memory_space<vmem>>
      %dma_wait3A_264 = tpu.memref_squeeze %dma_wait3A_263 : memref<1x64xi32, #tpu.memory_space<vmem>> -> memref<64xi32, #tpu.memory_space<vmem>>
      %dma_wait3A_265 = arith.constant 0 : i32
      %dma_wait3A_266 = arith.constant 0 : i32
      %dma_wait3A_267 = tpu.memref_slice %arg2[%dma_wait3A_265, %dma_wait3A_266] : memref<10000x144xf32, #tpu.memory_space<hbm>> -> memref<10000x144xf32, #tpu.memory_space<hbm>>
      tpu.wait_indirect_dma semaphore(%arg17 : memref<!tpu.dma_semaphore, #tpu.memory_space<semaphore_mem>>) src(%dma_wait3A_267 : memref<10000x144xf32, #tpu.memory_space<hbm>>) dst(%dma_wait3A_261 : memref<64x144xf32, #tpu.memory_space<vmem>>)
      %dma_wait3A_268 = arith.constant 0 : i32
      %dma_wait3A_269 = arith.constant 64 : i32
      %dma_wait3A_270 = arith.constant 0 : i32
      %dma_wait3A_271 = tpu.memref_slice %arg11[%dma_wait3A_269, %dma_wait3A_270] : memref<128x144xf32, #tpu.memory_space<vmem>> -> memref<64x144xf32, #tpu.memory_space<vmem>>
      %dma_wait3A_272 = arith.constant 64 : i32
      %dma_wait3A_273 = tpu.memref_slice %arg7[%dma_wait3A_268, %dma_wait3A_272] : memref<4x128xi32, #tpu.memory_space<vmem>> -> memref<1x64xi32, #tpu.memory_space<vmem>>
      %dma_wait3A_274 = tpu.memref_squeeze %dma_wait3A_273 : memref<1x64xi32, #tpu.memory_space<vmem>> -> memref<64xi32, #tpu.memory_space<vmem>>
      %dma_wait3A_275 = arith.constant 0 : i32
      %dma_wait3A_276 = arith.constant 0 : i32
      %dma_wait3A_277 = tpu.memref_slice %arg2[%dma_wait3A_275, %dma_wait3A_276] : memref<10000x144xf32, #tpu.memory_space<hbm>> -> memref<10000x144xf32, #tpu.memory_space<hbm>>
      tpu.wait_indirect_dma semaphore(%arg19 : memref<!tpu.dma_semaphore, #tpu.memory_space<semaphore_mem>>) src(%dma_wait3A_277 : memref<10000x144xf32, #tpu.memory_space<hbm>>) dst(%dma_wait3A_271 : memref<64x144xf32, #tpu.memory_space<vmem>>)
      %run_scoped3A_278 = arith.constant 0 : i32
      "tpu.region"() ({
        %run_scoped3A_414 = tpu.sem_alloc : memref<!tpu.dma_semaphore, #tpu.memory_space<semaphore_mem>>
        %dma_start3A_415 = arith.constant 0 : i32
        %dma_start3A_416 = tpu.memref_slice %arg10[%run_scoped3A_278, %dma_start3A_415] : memref<4x128xi32, #tpu.memory_space<vmem>> -> memref<1x128xi32, #tpu.memory_space<vmem>>
        %dma_start3A_417 = tpu.memref_squeeze %dma_start3A_416 : memref<1x128xi32, #tpu.memory_space<vmem>> -> memref<128xi32, #tpu.memory_space<vmem>>
        %dma_start3A_418 = arith.constant 0 : i32
        %dma_start3A_419 = arith.constant 0 : i32
        %dma_start3A_420 = tpu.memref_slice %arg21[%dma_start3A_418, %dma_start3A_419] : memref<10016x144xf32, #tpu.memory_space<vmem_shared>> -> memref<10016x144xf32, #tpu.memory_space<vmem_shared>>
        tpu.enqueue_indirect_dma source(%arg11 : memref<128x144xf32, #tpu.memory_space<vmem>>) target(%dma_start3A_420 : memref<10016x144xf32, #tpu.memory_space<vmem_shared>>) offsets(%dma_start3A_417 : memref<128xi32, #tpu.memory_space<vmem>>) semaphore(%run_scoped3A_414 : memref<!tpu.dma_semaphore, #tpu.memory_space<semaphore_mem>>) {add = true}
        %dma_wait3A_421 = arith.constant 0 : i32
        %dma_wait3A_422 = tpu.memref_slice %arg10[%run_scoped3A_278, %dma_wait3A_421] : memref<4x128xi32, #tpu.memory_space<vmem>> -> memref<1x128xi32, #tpu.memory_space<vmem>>
        %dma_wait3A_423 = tpu.memref_squeeze %dma_wait3A_422 : memref<1x128xi32, #tpu.memory_space<vmem>> -> memref<128xi32, #tpu.memory_space<vmem>>
        %dma_wait3A_424 = arith.constant 0 : i32
        %dma_wait3A_425 = arith.constant 0 : i32
        %dma_wait3A_426 = tpu.memref_slice %arg21[%dma_wait3A_424, %dma_wait3A_425] : memref<10016x144xf32, #tpu.memory_space<vmem_shared>> -> memref<10016x144xf32, #tpu.memory_space<vmem_shared>>
        tpu.wait_indirect_dma semaphore(%run_scoped3A_414 : memref<!tpu.dma_semaphore, #tpu.memory_space<semaphore_mem>>) src(%arg11 : memref<128x144xf32, #tpu.memory_space<vmem>>) dst(%dma_wait3A_426 : memref<10016x144xf32, #tpu.memory_space<vmem_shared>>)
        tpu.yield
      }) : () -> ()
      %dma_start3A_279 = arith.constant 1 : i32
      %dma_start3A_280 = arith.constant 0 : i32
      %dma_start3A_281 = arith.constant 0 : i32
      %dma_start3A_282 = tpu.memref_slice %arg12[%dma_start3A_280, %dma_start3A_281] : memref<128x144xf32, #tpu.memory_space<vmem>> -> memref<64x144xf32, #tpu.memory_space<vmem>>
      %dma_start3A_283 = arith.constant 0 : i32
      %dma_start3A_284 = tpu.memref_slice %arg8[%dma_start3A_279, %dma_start3A_283] : memref<4x128xi32, #tpu.memory_space<vmem>> -> memref<1x64xi32, #tpu.memory_space<vmem>>
      %dma_start3A_285 = tpu.memref_squeeze %dma_start3A_284 : memref<1x64xi32, #tpu.memory_space<vmem>> -> memref<64xi32, #tpu.memory_space<vmem>>
      %dma_start3A_286 = arith.constant 0 : i32
      %dma_start3A_287 = arith.constant 0 : i32
      %dma_start3A_288 = tpu.memref_slice %arg2[%dma_start3A_286, %dma_start3A_287] : memref<10000x144xf32, #tpu.memory_space<hbm>> -> memref<10000x144xf32, #tpu.memory_space<hbm>>
      tpu.enqueue_indirect_dma source(%dma_start3A_288 : memref<10000x144xf32, #tpu.memory_space<hbm>>) target(%dma_start3A_282 : memref<64x144xf32, #tpu.memory_space<vmem>>) offsets(%dma_start3A_285 : memref<64xi32, #tpu.memory_space<vmem>>) semaphore(%arg18 : memref<!tpu.dma_semaphore, #tpu.memory_space<semaphore_mem>>)
      %dma_start3A_289 = arith.constant 1 : i32
      %dma_start3A_290 = arith.constant 64 : i32
      %dma_start3A_291 = arith.constant 0 : i32
      %dma_start3A_292 = tpu.memref_slice %arg12[%dma_start3A_290, %dma_start3A_291] : memref<128x144xf32, #tpu.memory_space<vmem>> -> memref<64x144xf32, #tpu.memory_space<vmem>>
      %dma_start3A_293 = arith.constant 64 : i32
      %dma_start3A_294 = tpu.memref_slice %arg8[%dma_start3A_289, %dma_start3A_293] : memref<4x128xi32, #tpu.memory_space<vmem>> -> memref<1x64xi32, #tpu.memory_space<vmem>>
      %dma_start3A_295 = tpu.memref_squeeze %dma_start3A_294 : memref<1x64xi32, #tpu.memory_space<vmem>> -> memref<64xi32, #tpu.memory_space<vmem>>
      %dma_start3A_296 = arith.constant 0 : i32
      %dma_start3A_297 = arith.constant 0 : i32
      %dma_start3A_298 = tpu.memref_slice %arg2[%dma_start3A_296, %dma_start3A_297] : memref<10000x144xf32, #tpu.memory_space<hbm>> -> memref<10000x144xf32, #tpu.memory_space<hbm>>
      tpu.enqueue_indirect_dma source(%dma_start3A_298 : memref<10000x144xf32, #tpu.memory_space<hbm>>) target(%dma_start3A_292 : memref<64x144xf32, #tpu.memory_space<vmem>>) offsets(%dma_start3A_295 : memref<64xi32, #tpu.memory_space<vmem>>) semaphore(%arg20 : memref<!tpu.dma_semaphore, #tpu.memory_space<semaphore_mem>>)
      %dma_wait3A_299 = arith.constant 0 : i32
      %dma_wait3A_300 = arith.constant 0 : i32
      %dma_wait3A_301 = arith.constant 0 : i32
      %dma_wait3A_302 = tpu.memref_slice %arg12[%dma_wait3A_300, %dma_wait3A_301] : memref<128x144xf32, #tpu.memory_space<vmem>> -> memref<64x144xf32, #tpu.memory_space<vmem>>
      %dma_wait3A_303 = arith.constant 0 : i32
      %dma_wait3A_304 = tpu.memref_slice %arg7[%dma_wait3A_299, %dma_wait3A_303] : memref<4x128xi32, #tpu.memory_space<vmem>> -> memref<1x64xi32, #tpu.memory_space<vmem>>
      %dma_wait3A_305 = tpu.memref_squeeze %dma_wait3A_304 : memref<1x64xi32, #tpu.memory_space<vmem>> -> memref<64xi32, #tpu.memory_space<vmem>>
      %dma_wait3A_306 = arith.constant 0 : i32
      %dma_wait3A_307 = arith.constant 0 : i32
      %dma_wait3A_308 = tpu.memref_slice %arg2[%dma_wait3A_306, %dma_wait3A_307] : memref<10000x144xf32, #tpu.memory_space<hbm>> -> memref<10000x144xf32, #tpu.memory_space<hbm>>
      tpu.wait_indirect_dma semaphore(%arg18 : memref<!tpu.dma_semaphore, #tpu.memory_space<semaphore_mem>>) src(%dma_wait3A_308 : memref<10000x144xf32, #tpu.memory_space<hbm>>) dst(%dma_wait3A_302 : memref<64x144xf32, #tpu.memory_space<vmem>>)
      %dma_wait3A_309 = arith.constant 0 : i32
      %dma_wait3A_310 = arith.constant 64 : i32
      %dma_wait3A_311 = arith.constant 0 : i32
      %dma_wait3A_312 = tpu.memref_slice %arg12[%dma_wait3A_310, %dma_wait3A_311] : memref<128x144xf32, #tpu.memory_space<vmem>> -> memref<64x144xf32, #tpu.memory_space<vmem>>
      %dma_wait3A_313 = arith.constant 64 : i32
      %dma_wait3A_314 = tpu.memref_slice %arg7[%dma_wait3A_309, %dma_wait3A_313] : memref<4x128xi32, #tpu.memory_space<vmem>> -> memref<1x64xi32, #tpu.memory_space<vmem>>
      %dma_wait3A_315 = tpu.memref_squeeze %dma_wait3A_314 : memref<1x64xi32, #tpu.memory_space<vmem>> -> memref<64xi32, #tpu.memory_space<vmem>>
      %dma_wait3A_316 = arith.constant 0 : i32
      %dma_wait3A_317 = arith.constant 0 : i32
      %dma_wait3A_318 = tpu.memref_slice %arg2[%dma_wait3A_316, %dma_wait3A_317] : memref<10000x144xf32, #tpu.memory_space<hbm>> -> memref<10000x144xf32, #tpu.memory_space<hbm>>
      tpu.wait_indirect_dma semaphore(%arg20 : memref<!tpu.dma_semaphore, #tpu.memory_space<semaphore_mem>>) src(%dma_wait3A_318 : memref<10000x144xf32, #tpu.memory_space<hbm>>) dst(%dma_wait3A_312 : memref<64x144xf32, #tpu.memory_space<vmem>>)
      %run_scoped3A_319 = arith.constant 1 : i32
      "tpu.region"() ({
        %run_scoped3A_414 = tpu.sem_alloc : memref<!tpu.dma_semaphore, #tpu.memory_space<semaphore_mem>>
        %dma_start3A_415 = arith.constant 0 : i32
        %dma_start3A_416 = tpu.memref_slice %arg10[%run_scoped3A_319, %dma_start3A_415] : memref<4x128xi32, #tpu.memory_space<vmem>> -> memref<1x128xi32, #tpu.memory_space<vmem>>
        %dma_start3A_417 = tpu.memref_squeeze %dma_start3A_416 : memref<1x128xi32, #tpu.memory_space<vmem>> -> memref<128xi32, #tpu.memory_space<vmem>>
        %dma_start3A_418 = arith.constant 0 : i32
        %dma_start3A_419 = arith.constant 0 : i32
        %dma_start3A_420 = tpu.memref_slice %arg21[%dma_start3A_418, %dma_start3A_419] : memref<10016x144xf32, #tpu.memory_space<vmem_shared>> -> memref<10016x144xf32, #tpu.memory_space<vmem_shared>>
        tpu.enqueue_indirect_dma source(%arg12 : memref<128x144xf32, #tpu.memory_space<vmem>>) target(%dma_start3A_420 : memref<10016x144xf32, #tpu.memory_space<vmem_shared>>) offsets(%dma_start3A_417 : memref<128xi32, #tpu.memory_space<vmem>>) semaphore(%run_scoped3A_414 : memref<!tpu.dma_semaphore, #tpu.memory_space<semaphore_mem>>) {add = true}
        %dma_wait3A_421 = arith.constant 0 : i32
        %dma_wait3A_422 = tpu.memref_slice %arg10[%run_scoped3A_319, %dma_wait3A_421] : memref<4x128xi32, #tpu.memory_space<vmem>> -> memref<1x128xi32, #tpu.memory_space<vmem>>
        %dma_wait3A_423 = tpu.memref_squeeze %dma_wait3A_422 : memref<1x128xi32, #tpu.memory_space<vmem>> -> memref<128xi32, #tpu.memory_space<vmem>>
        %dma_wait3A_424 = arith.constant 0 : i32
        %dma_wait3A_425 = arith.constant 0 : i32
        %dma_wait3A_426 = tpu.memref_slice %arg21[%dma_wait3A_424, %dma_wait3A_425] : memref<10016x144xf32, #tpu.memory_space<vmem_shared>> -> memref<10016x144xf32, #tpu.memory_space<vmem_shared>>
        tpu.wait_indirect_dma semaphore(%run_scoped3A_414 : memref<!tpu.dma_semaphore, #tpu.memory_space<semaphore_mem>>) src(%arg12 : memref<128x144xf32, #tpu.memory_space<vmem>>) dst(%dma_wait3A_426 : memref<10016x144xf32, #tpu.memory_space<vmem_shared>>)
        tpu.yield
      }) : () -> ()
      %dma_start3A_320 = arith.constant 2 : i32
      %dma_start3A_321 = arith.constant 0 : i32
      %dma_start3A_322 = arith.constant 0 : i32
      %dma_start3A_323 = tpu.memref_slice %arg11[%dma_start3A_321, %dma_start3A_322] : memref<128x144xf32, #tpu.memory_space<vmem>> -> memref<64x144xf32, #tpu.memory_space<vmem>>
      %dma_start3A_324 = arith.constant 0 : i32
      %dma_start3A_325 = tpu.memref_slice %arg8[%dma_start3A_320, %dma_start3A_324] : memref<4x128xi32, #tpu.memory_space<vmem>> -> memref<1x64xi32, #tpu.memory_space<vmem>>
      %dma_start3A_326 = tpu.memref_squeeze %dma_start3A_325 : memref<1x64xi32, #tpu.memory_space<vmem>> -> memref<64xi32, #tpu.memory_space<vmem>>
      %dma_start3A_327 = arith.constant 0 : i32
      %dma_start3A_328 = arith.constant 0 : i32
      %dma_start3A_329 = tpu.memref_slice %arg2[%dma_start3A_327, %dma_start3A_328] : memref<10000x144xf32, #tpu.memory_space<hbm>> -> memref<10000x144xf32, #tpu.memory_space<hbm>>
      tpu.enqueue_indirect_dma source(%dma_start3A_329 : memref<10000x144xf32, #tpu.memory_space<hbm>>) target(%dma_start3A_323 : memref<64x144xf32, #tpu.memory_space<vmem>>) offsets(%dma_start3A_326 : memref<64xi32, #tpu.memory_space<vmem>>) semaphore(%arg17 : memref<!tpu.dma_semaphore, #tpu.memory_space<semaphore_mem>>)
      %dma_start3A_330 = arith.constant 2 : i32
      %dma_start3A_331 = arith.constant 64 : i32
      %dma_start3A_332 = arith.constant 0 : i32
      %dma_start3A_333 = tpu.memref_slice %arg11[%dma_start3A_331, %dma_start3A_332] : memref<128x144xf32, #tpu.memory_space<vmem>> -> memref<64x144xf32, #tpu.memory_space<vmem>>
      %dma_start3A_334 = arith.constant 64 : i32
      %dma_start3A_335 = tpu.memref_slice %arg8[%dma_start3A_330, %dma_start3A_334] : memref<4x128xi32, #tpu.memory_space<vmem>> -> memref<1x64xi32, #tpu.memory_space<vmem>>
      %dma_start3A_336 = tpu.memref_squeeze %dma_start3A_335 : memref<1x64xi32, #tpu.memory_space<vmem>> -> memref<64xi32, #tpu.memory_space<vmem>>
      %dma_start3A_337 = arith.constant 0 : i32
      %dma_start3A_338 = arith.constant 0 : i32
      %dma_start3A_339 = tpu.memref_slice %arg2[%dma_start3A_337, %dma_start3A_338] : memref<10000x144xf32, #tpu.memory_space<hbm>> -> memref<10000x144xf32, #tpu.memory_space<hbm>>
      tpu.enqueue_indirect_dma source(%dma_start3A_339 : memref<10000x144xf32, #tpu.memory_space<hbm>>) target(%dma_start3A_333 : memref<64x144xf32, #tpu.memory_space<vmem>>) offsets(%dma_start3A_336 : memref<64xi32, #tpu.memory_space<vmem>>) semaphore(%arg19 : memref<!tpu.dma_semaphore, #tpu.memory_space<semaphore_mem>>)
      %dma_wait3A_340 = arith.constant 0 : i32
      %dma_wait3A_341 = arith.constant 0 : i32
      %dma_wait3A_342 = arith.constant 0 : i32
      %dma_wait3A_343 = tpu.memref_slice %arg11[%dma_wait3A_341, %dma_wait3A_342] : memref<128x144xf32, #tpu.memory_space<vmem>> -> memref<64x144xf32, #tpu.memory_space<vmem>>
      %dma_wait3A_344 = arith.constant 0 : i32
      %dma_wait3A_345 = tpu.memref_slice %arg7[%dma_wait3A_340, %dma_wait3A_344] : memref<4x128xi32, #tpu.memory_space<vmem>> -> memref<1x64xi32, #tpu.memory_space<vmem>>
      %dma_wait3A_346 = tpu.memref_squeeze %dma_wait3A_345 : memref<1x64xi32, #tpu.memory_space<vmem>> -> memref<64xi32, #tpu.memory_space<vmem>>
      %dma_wait3A_347 = arith.constant 0 : i32
      %dma_wait3A_348 = arith.constant 0 : i32
      %dma_wait3A_349 = tpu.memref_slice %arg2[%dma_wait3A_347, %dma_wait3A_348] : memref<10000x144xf32, #tpu.memory_space<hbm>> -> memref<10000x144xf32, #tpu.memory_space<hbm>>
      tpu.wait_indirect_dma semaphore(%arg17 : memref<!tpu.dma_semaphore, #tpu.memory_space<semaphore_mem>>) src(%dma_wait3A_349 : memref<10000x144xf32, #tpu.memory_space<hbm>>) dst(%dma_wait3A_343 : memref<64x144xf32, #tpu.memory_space<vmem>>)
      %dma_wait3A_350 = arith.constant 0 : i32
      %dma_wait3A_351 = arith.constant 64 : i32
      %dma_wait3A_352 = arith.constant 0 : i32
      %dma_wait3A_353 = tpu.memref_slice %arg11[%dma_wait3A_351, %dma_wait3A_352] : memref<128x144xf32, #tpu.memory_space<vmem>> -> memref<64x144xf32, #tpu.memory_space<vmem>>
      %dma_wait3A_354 = arith.constant 64 : i32
      %dma_wait3A_355 = tpu.memref_slice %arg7[%dma_wait3A_350, %dma_wait3A_354] : memref<4x128xi32, #tpu.memory_space<vmem>> -> memref<1x64xi32, #tpu.memory_space<vmem>>
      %dma_wait3A_356 = tpu.memref_squeeze %dma_wait3A_355 : memref<1x64xi32, #tpu.memory_space<vmem>> -> memref<64xi32, #tpu.memory_space<vmem>>
      %dma_wait3A_357 = arith.constant 0 : i32
      %dma_wait3A_358 = arith.constant 0 : i32
      %dma_wait3A_359 = tpu.memref_slice %arg2[%dma_wait3A_357, %dma_wait3A_358] : memref<10000x144xf32, #tpu.memory_space<hbm>> -> memref<10000x144xf32, #tpu.memory_space<hbm>>
      tpu.wait_indirect_dma semaphore(%arg19 : memref<!tpu.dma_semaphore, #tpu.memory_space<semaphore_mem>>) src(%dma_wait3A_359 : memref<10000x144xf32, #tpu.memory_space<hbm>>) dst(%dma_wait3A_353 : memref<64x144xf32, #tpu.memory_space<vmem>>)
      %run_scoped3A_360 = arith.constant 2 : i32
      "tpu.region"() ({
        %run_scoped3A_414 = tpu.sem_alloc : memref<!tpu.dma_semaphore, #tpu.memory_space<semaphore_mem>>
        %dma_start3A_415 = arith.constant 0 : i32
        %dma_start3A_416 = tpu.memref_slice %arg10[%run_scoped3A_360, %dma_start3A_415] : memref<4x128xi32, #tpu.memory_space<vmem>> -> memref<1x128xi32, #tpu.memory_space<vmem>>
        %dma_start3A_417 = tpu.memref_squeeze %dma_start3A_416 : memref<1x128xi32, #tpu.memory_space<vmem>> -> memref<128xi32, #tpu.memory_space<vmem>>
        %dma_start3A_418 = arith.constant 0 : i32
        %dma_start3A_419 = arith.constant 0 : i32
        %dma_start3A_420 = tpu.memref_slice %arg21[%dma_start3A_418, %dma_start3A_419] : memref<10016x144xf32, #tpu.memory_space<vmem_shared>> -> memref<10016x144xf32, #tpu.memory_space<vmem_shared>>
        tpu.enqueue_indirect_dma source(%arg11 : memref<128x144xf32, #tpu.memory_space<vmem>>) target(%dma_start3A_420 : memref<10016x144xf32, #tpu.memory_space<vmem_shared>>) offsets(%dma_start3A_417 : memref<128xi32, #tpu.memory_space<vmem>>) semaphore(%run_scoped3A_414 : memref<!tpu.dma_semaphore, #tpu.memory_space<semaphore_mem>>) {add = true}
        %dma_wait3A_421 = arith.constant 0 : i32
        %dma_wait3A_422 = tpu.memref_slice %arg10[%run_scoped3A_360, %dma_wait3A_421] : memref<4x128xi32, #tpu.memory_space<vmem>> -> memref<1x128xi32, #tpu.memory_space<vmem>>
        %dma_wait3A_423 = tpu.memref_squeeze %dma_wait3A_422 : memref<1x128xi32, #tpu.memory_space<vmem>> -> memref<128xi32, #tpu.memory_space<vmem>>
        %dma_wait3A_424 = arith.constant 0 : i32
        %dma_wait3A_425 = arith.constant 0 : i32
        %dma_wait3A_426 = tpu.memref_slice %arg21[%dma_wait3A_424, %dma_wait3A_425] : memref<10016x144xf32, #tpu.memory_space<vmem_shared>> -> memref<10016x144xf32, #tpu.memory_space<vmem_shared>>
        tpu.wait_indirect_dma semaphore(%run_scoped3A_414 : memref<!tpu.dma_semaphore, #tpu.memory_space<semaphore_mem>>) src(%arg11 : memref<128x144xf32, #tpu.memory_space<vmem>>) dst(%dma_wait3A_426 : memref<10016x144xf32, #tpu.memory_space<vmem_shared>>)
        tpu.yield
      }) : () -> ()
      %dma_start3A_361 = arith.constant 3 : i32
      %dma_start3A_362 = arith.constant 0 : i32
      %dma_start3A_363 = arith.constant 0 : i32
      %dma_start3A_364 = tpu.memref_slice %arg12[%dma_start3A_362, %dma_start3A_363] : memref<128x144xf32, #tpu.memory_space<vmem>> -> memref<64x144xf32, #tpu.memory_space<vmem>>
      %dma_start3A_365 = arith.constant 0 : i32
      %dma_start3A_366 = tpu.memref_slice %arg8[%dma_start3A_361, %dma_start3A_365] : memref<4x128xi32, #tpu.memory_space<vmem>> -> memref<1x64xi32, #tpu.memory_space<vmem>>
      %dma_start3A_367 = tpu.memref_squeeze %dma_start3A_366 : memref<1x64xi32, #tpu.memory_space<vmem>> -> memref<64xi32, #tpu.memory_space<vmem>>
      %dma_start3A_368 = arith.constant 0 : i32
      %dma_start3A_369 = arith.constant 0 : i32
      %dma_start3A_370 = tpu.memref_slice %arg2[%dma_start3A_368, %dma_start3A_369] : memref<10000x144xf32, #tpu.memory_space<hbm>> -> memref<10000x144xf32, #tpu.memory_space<hbm>>
      tpu.enqueue_indirect_dma source(%dma_start3A_370 : memref<10000x144xf32, #tpu.memory_space<hbm>>) target(%dma_start3A_364 : memref<64x144xf32, #tpu.memory_space<vmem>>) offsets(%dma_start3A_367 : memref<64xi32, #tpu.memory_space<vmem>>) semaphore(%arg18 : memref<!tpu.dma_semaphore, #tpu.memory_space<semaphore_mem>>)
      %dma_start3A_371 = arith.constant 3 : i32
      %dma_start3A_372 = arith.constant 64 : i32
      %dma_start3A_373 = arith.constant 0 : i32
      %dma_start3A_374 = tpu.memref_slice %arg12[%dma_start3A_372, %dma_start3A_373] : memref<128x144xf32, #tpu.memory_space<vmem>> -> memref<64x144xf32, #tpu.memory_space<vmem>>
      %dma_start3A_375 = arith.constant 64 : i32
      %dma_start3A_376 = tpu.memref_slice %arg8[%dma_start3A_371, %dma_start3A_375] : memref<4x128xi32, #tpu.memory_space<vmem>> -> memref<1x64xi32, #tpu.memory_space<vmem>>
      %dma_start3A_377 = tpu.memref_squeeze %dma_start3A_376 : memref<1x64xi32, #tpu.memory_space<vmem>> -> memref<64xi32, #tpu.memory_space<vmem>>
      %dma_start3A_378 = arith.constant 0 : i32
      %dma_start3A_379 = arith.constant 0 : i32
      %dma_start3A_380 = tpu.memref_slice %arg2[%dma_start3A_378, %dma_start3A_379] : memref<10000x144xf32, #tpu.memory_space<hbm>> -> memref<10000x144xf32, #tpu.memory_space<hbm>>
      tpu.enqueue_indirect_dma source(%dma_start3A_380 : memref<10000x144xf32, #tpu.memory_space<hbm>>) target(%dma_start3A_374 : memref<64x144xf32, #tpu.memory_space<vmem>>) offsets(%dma_start3A_377 : memref<64xi32, #tpu.memory_space<vmem>>) semaphore(%arg20 : memref<!tpu.dma_semaphore, #tpu.memory_space<semaphore_mem>>)
      %dma_wait3A_381 = arith.constant 0 : i32
      %dma_wait3A_382 = arith.constant 0 : i32
      %dma_wait3A_383 = arith.constant 0 : i32
      %dma_wait3A_384 = tpu.memref_slice %arg12[%dma_wait3A_382, %dma_wait3A_383] : memref<128x144xf32, #tpu.memory_space<vmem>> -> memref<64x144xf32, #tpu.memory_space<vmem>>
      %dma_wait3A_385 = arith.constant 0 : i32
      %dma_wait3A_386 = tpu.memref_slice %arg7[%dma_wait3A_381, %dma_wait3A_385] : memref<4x128xi32, #tpu.memory_space<vmem>> -> memref<1x64xi32, #tpu.memory_space<vmem>>
      %dma_wait3A_387 = tpu.memref_squeeze %dma_wait3A_386 : memref<1x64xi32, #tpu.memory_space<vmem>> -> memref<64xi32, #tpu.memory_space<vmem>>
      %dma_wait3A_388 = arith.constant 0 : i32
      %dma_wait3A_389 = arith.constant 0 : i32
      %dma_wait3A_390 = tpu.memref_slice %arg2[%dma_wait3A_388, %dma_wait3A_389] : memref<10000x144xf32, #tpu.memory_space<hbm>> -> memref<10000x144xf32, #tpu.memory_space<hbm>>
      tpu.wait_indirect_dma semaphore(%arg18 : memref<!tpu.dma_semaphore, #tpu.memory_space<semaphore_mem>>) src(%dma_wait3A_390 : memref<10000x144xf32, #tpu.memory_space<hbm>>) dst(%dma_wait3A_384 : memref<64x144xf32, #tpu.memory_space<vmem>>)
      %dma_wait3A_391 = arith.constant 0 : i32
      %dma_wait3A_392 = arith.constant 64 : i32
      %dma_wait3A_393 = arith.constant 0 : i32
      %dma_wait3A_394 = tpu.memref_slice %arg12[%dma_wait3A_392, %dma_wait3A_393] : memref<128x144xf32, #tpu.memory_space<vmem>> -> memref<64x144xf32, #tpu.memory_space<vmem>>
      %dma_wait3A_395 = arith.constant 64 : i32
      %dma_wait3A_396 = tpu.memref_slice %arg7[%dma_wait3A_391, %dma_wait3A_395] : memref<4x128xi32, #tpu.memory_space<vmem>> -> memref<1x64xi32, #tpu.memory_space<vmem>>
      %dma_wait3A_397 = tpu.memref_squeeze %dma_wait3A_396 : memref<1x64xi32, #tpu.memory_space<vmem>> -> memref<64xi32, #tpu.memory_space<vmem>>
      %dma_wait3A_398 = arith.constant 0 : i32
      %dma_wait3A_399 = arith.constant 0 : i32
      %dma_wait3A_400 = tpu.memref_slice %arg2[%dma_wait3A_398, %dma_wait3A_399] : memref<10000x144xf32, #tpu.memory_space<hbm>> -> memref<10000x144xf32, #tpu.memory_space<hbm>>
      tpu.wait_indirect_dma semaphore(%arg20 : memref<!tpu.dma_semaphore, #tpu.memory_space<semaphore_mem>>) src(%dma_wait3A_400 : memref<10000x144xf32, #tpu.memory_space<hbm>>) dst(%dma_wait3A_394 : memref<64x144xf32, #tpu.memory_space<vmem>>)
      %run_scoped3A_401 = arith.constant 3 : i32
      "tpu.region"() ({
        %run_scoped3A_414 = tpu.sem_alloc : memref<!tpu.dma_semaphore, #tpu.memory_space<semaphore_mem>>
        %dma_start3A_415 = arith.constant 0 : i32
        %dma_start3A_416 = tpu.memref_slice %arg10[%run_scoped3A_401, %dma_start3A_415] : memref<4x128xi32, #tpu.memory_space<vmem>> -> memref<1x128xi32, #tpu.memory_space<vmem>>
        %dma_start3A_417 = tpu.memref_squeeze %dma_start3A_416 : memref<1x128xi32, #tpu.memory_space<vmem>> -> memref<128xi32, #tpu.memory_space<vmem>>
        %dma_start3A_418 = arith.constant 0 : i32
        %dma_start3A_419 = arith.constant 0 : i32
        %dma_start3A_420 = tpu.memref_slice %arg21[%dma_start3A_418, %dma_start3A_419] : memref<10016x144xf32, #tpu.memory_space<vmem_shared>> -> memref<10016x144xf32, #tpu.memory_space<vmem_shared>>
        tpu.enqueue_indirect_dma source(%arg12 : memref<128x144xf32, #tpu.memory_space<vmem>>) target(%dma_start3A_420 : memref<10016x144xf32, #tpu.memory_space<vmem_shared>>) offsets(%dma_start3A_417 : memref<128xi32, #tpu.memory_space<vmem>>) semaphore(%run_scoped3A_414 : memref<!tpu.dma_semaphore, #tpu.memory_space<semaphore_mem>>) {add = true}
        %dma_wait3A_421 = arith.constant 0 : i32
        %dma_wait3A_422 = tpu.memref_slice %arg10[%run_scoped3A_401, %dma_wait3A_421] : memref<4x128xi32, #tpu.memory_space<vmem>> -> memref<1x128xi32, #tpu.memory_space<vmem>>
        %dma_wait3A_423 = tpu.memref_squeeze %dma_wait3A_422 : memref<1x128xi32, #tpu.memory_space<vmem>> -> memref<128xi32, #tpu.memory_space<vmem>>
        %dma_wait3A_424 = arith.constant 0 : i32
        %dma_wait3A_425 = arith.constant 0 : i32
        %dma_wait3A_426 = tpu.memref_slice %arg21[%dma_wait3A_424, %dma_wait3A_425] : memref<10016x144xf32, #tpu.memory_space<vmem_shared>> -> memref<10016x144xf32, #tpu.memory_space<vmem_shared>>
        tpu.wait_indirect_dma semaphore(%run_scoped3A_414 : memref<!tpu.dma_semaphore, #tpu.memory_space<semaphore_mem>>) src(%arg12 : memref<128x144xf32, #tpu.memory_space<vmem>>) dst(%dma_wait3A_426 : memref<10016x144xf32, #tpu.memory_space<vmem_shared>>)
        tpu.yield
      }) : () -> ()
      %add3A_402 = arith.constant 1 : i32
      %add3A_403 = arith.addi %add3A_251, %add3A_402 : i32
      %lt3A_404 = arith.cmpi slt, %add3A_403, %select_n3A : i32
      %convert_element_type3A_405 = arith.extui %lt3A_404 : i1 to i32
      %cond3A_406 = arith.constant 0 : i32
      %cond3A_407 = arith.cmpi ne, %convert_element_type3A_405, %cond3A_406 : i32
      scf.if %cond3A_407 {
        %dma_wait3A_414 = arith.constant 0 : i32
        %dma_wait3A_415 = arith.constant 0 : i32
        %dma_wait3A_416 = tpu.memref_slice %arg3[%dma_wait3A_414, %dma_wait3A_415] : memref<2560x128xi32, #tpu.memory_space<hbm>> -> memref<4x128xi32, #tpu.memory_space<hbm>>
        %dma_wait3A_417 = arith.constant 0 : i32
        %dma_wait3A_418 = arith.constant 0 : i32
        %dma_wait3A_419 = tpu.memref_slice %arg3[%dma_wait3A_417, %dma_wait3A_418] : memref<2560x128xi32, #tpu.memory_space<hbm>> -> memref<4x128xi32, #tpu.memory_space<hbm>>
        tpu.wait_dma2 semaphore(%arg13 : memref<!tpu.dma_semaphore, #tpu.memory_space<semaphore_mem>>) src(%dma_wait3A_419 : memref<4x128xi32, #tpu.memory_space<hbm>>) dst(%arg7 : memref<4x128xi32, #tpu.memory_space<vmem>>)
        %dma_start3A_420 = arith.constant 0 : i32
        %dma_start3A_421 = arith.constant 0 : i32
        %dma_start3A_422 = arith.constant 0 : i32
        %dma_start3A_423 = tpu.memref_slice %arg11[%dma_start3A_421, %dma_start3A_422] : memref<128x144xf32, #tpu.memory_space<vmem>> -> memref<64x144xf32, #tpu.memory_space<vmem>>
        %dma_start3A_424 = arith.constant 0 : i32
        %dma_start3A_425 = tpu.memref_slice %arg7[%dma_start3A_420, %dma_start3A_424] : memref<4x128xi32, #tpu.memory_space<vmem>> -> memref<1x64xi32, #tpu.memory_space<vmem>>
        %dma_start3A_426 = tpu.memref_squeeze %dma_start3A_425 : memref<1x64xi32, #tpu.memory_space<vmem>> -> memref<64xi32, #tpu.memory_space<vmem>>
        %dma_start3A_427 = arith.constant 0 : i32
        %dma_start3A_428 = arith.constant 0 : i32
        %dma_start3A_429 = tpu.memref_slice %arg2[%dma_start3A_427, %dma_start3A_428] : memref<10000x144xf32, #tpu.memory_space<hbm>> -> memref<10000x144xf32, #tpu.memory_space<hbm>>
        tpu.enqueue_indirect_dma source(%dma_start3A_429 : memref<10000x144xf32, #tpu.memory_space<hbm>>) target(%dma_start3A_423 : memref<64x144xf32, #tpu.memory_space<vmem>>) offsets(%dma_start3A_426 : memref<64xi32, #tpu.memory_space<vmem>>) semaphore(%arg17 : memref<!tpu.dma_semaphore, #tpu.memory_space<semaphore_mem>>)
        %dma_start3A_430 = arith.constant 0 : i32
        %dma_start3A_431 = arith.constant 64 : i32
        %dma_start3A_432 = arith.constant 0 : i32
        %dma_start3A_433 = tpu.memref_slice %arg11[%dma_start3A_431, %dma_start3A_432] : memref<128x144xf32, #tpu.memory_space<vmem>> -> memref<64x144xf32, #tpu.memory_space<vmem>>
        %dma_start3A_434 = arith.constant 64 : i32
        %dma_start3A_435 = tpu.memref_slice %arg7[%dma_start3A_430, %dma_start3A_434] : memref<4x128xi32, #tpu.memory_space<vmem>> -> memref<1x64xi32, #tpu.memory_space<vmem>>
        %dma_start3A_436 = tpu.memref_squeeze %dma_start3A_435 : memref<1x64xi32, #tpu.memory_space<vmem>> -> memref<64xi32, #tpu.memory_space<vmem>>
        %dma_start3A_437 = arith.constant 0 : i32
        %dma_start3A_438 = arith.constant 0 : i32
        %dma_start3A_439 = tpu.memref_slice %arg2[%dma_start3A_437, %dma_start3A_438] : memref<10000x144xf32, #tpu.memory_space<hbm>> -> memref<10000x144xf32, #tpu.memory_space<hbm>>
        tpu.enqueue_indirect_dma source(%dma_start3A_439 : memref<10000x144xf32, #tpu.memory_space<hbm>>) target(%dma_start3A_433 : memref<64x144xf32, #tpu.memory_space<vmem>>) offsets(%dma_start3A_436 : memref<64xi32, #tpu.memory_space<vmem>>) semaphore(%arg19 : memref<!tpu.dma_semaphore, #tpu.memory_space<semaphore_mem>>)
      } else {
      }
      %add3A_408 = arith.constant 2 : i32
      %add3A_409 = arith.addi %add3A_251, %add3A_408 : i32
      %lt3A_410 = arith.cmpi slt, %add3A_409, %select_n3A : i32
      %convert_element_type3A_411 = arith.extui %lt3A_410 : i1 to i32
      %cond3A_412 = arith.constant 0 : i32
      %cond3A_413 = arith.cmpi ne, %convert_element_type3A_411, %cond3A_412 : i32
      scf.if %cond3A_413 {
        %add3A_414 = arith.constant 2 : i32
        %add3A_415 = arith.addi %add3A_251, %add3A_414 : i32
        %mul3A_416 = arith.constant 4 : i32
        %mul3A_417 = arith.muli %add3A_415, %mul3A_416 : i32
        %add3A_418 = arith.addi %select_n3A_8, %mul3A_417 : i32
        %dma_start3A_419 = arith.constant 0 : i32
        %dma_start3A_420 = tpu.memref_slice %arg3[%add3A_418, %dma_start3A_419] : memref<2560x128xi32, #tpu.memory_space<hbm>> -> memref<4x128xi32, #tpu.memory_space<hbm>>
        %dma_start3A_421 = arith.constant 0 : i32
        %dma_start3A_422 = tpu.memref_slice %arg3[%add3A_418, %dma_start3A_421] : memref<2560x128xi32, #tpu.memory_space<hbm>> -> memref<4x128xi32, #tpu.memory_space<hbm>>
        tpu.enqueue_dma source(%dma_start3A_422 : memref<4x128xi32, #tpu.memory_space<hbm>>) target(%arg8 : memref<4x128xi32, #tpu.memory_space<vmem>>) target_semaphore(%arg14 : memref<!tpu.dma_semaphore, #tpu.memory_space<semaphore_mem>>)
        %dma_start3A_423 = arith.constant 0 : i32
        %dma_start3A_424 = tpu.memref_slice %arg4[%add3A_418, %dma_start3A_423] : memref<2560x128xi32, #tpu.memory_space<hbm>> -> memref<4x128xi32, #tpu.memory_space<hbm>>
        %dma_start3A_425 = arith.constant 0 : i32
        %dma_start3A_426 = tpu.memref_slice %arg4[%add3A_418, %dma_start3A_425] : memref<2560x128xi32, #tpu.memory_space<hbm>> -> memref<4x128xi32, #tpu.memory_space<hbm>>
        tpu.enqueue_dma source(%dma_start3A_426 : memref<4x128xi32, #tpu.memory_space<hbm>>) target(%arg10 : memref<4x128xi32, #tpu.memory_space<vmem>>) target_semaphore(%arg16 : memref<!tpu.dma_semaphore, #tpu.memory_space<semaphore_mem>>)
      } else {
      }
    }
    %barrier3A_82 = arith.constant 0 : index
    tpu.barrier barrier_id(%barrier3A_82)
    "tpu.trace_stop"() : () -> ()
    "tpu.trace_start"() <{level = 10 : i32, message = "agg_out"}> : () -> ()
    %mul3A_83 = arith.constant 626 : i32
    %mul3A_84 = arith.muli %arg1, %mul3A_83 : i32
    %mul3A_85 = arith.constant 626 : i32
    %mul3A_86 = arith.muli %arg1, %mul3A_85 : i32
    "tpu.region"() ({
      %run_scoped3A = tpu.sem_alloc : memref<!tpu.dma_semaphore, #tpu.memory_space<semaphore_mem>>
      %dma_start3A_87 = arith.constant 0 : i32
      %dma_start3A_88 = tpu.memref_slice %arg6[%arg0, %mul3A_86, %dma_start3A_87] : memref<2x10016x144xf32, #tpu.memory_space<hbm>> -> memref<1x626x144xf32, #tpu.memory_space<hbm>>
      %dma_start3A_89 = tpu.memref_squeeze %dma_start3A_88 : memref<1x626x144xf32, #tpu.memory_space<hbm>> -> memref<626x144xf32, #tpu.memory_space<hbm>>
      %dma_start3A_90 = arith.constant 0 : i32
      %dma_start3A_91 = tpu.memref_slice %arg21[%mul3A_84, %dma_start3A_90] : memref<10016x144xf32, #tpu.memory_space<vmem_shared>> -> memref<626x144xf32, #tpu.memory_space<vmem_shared>>
      tpu.enqueue_dma source(%dma_start3A_91 : memref<626x144xf32, #tpu.memory_space<vmem_shared>>) target(%dma_start3A_89 : memref<626x144xf32, #tpu.memory_space<hbm>>) target_semaphore(%run_scoped3A : memref<!tpu.dma_semaphore, #tpu.memory_space<semaphore_mem>>)
      %dma_wait3A_92 = arith.constant 0 : i32
      %dma_wait3A_93 = tpu.memref_slice %arg6[%arg0, %mul3A_86, %dma_wait3A_92] : memref<2x10016x144xf32, #tpu.memory_space<hbm>> -> memref<1x626x144xf32, #tpu.memory_space<hbm>>
      %dma_wait3A_94 = tpu.memref_squeeze %dma_wait3A_93 : memref<1x626x144xf32, #tpu.memory_space<hbm>> -> memref<626x144xf32, #tpu.memory_space<hbm>>
      %dma_wait3A_95 = arith.constant 0 : i32
      %dma_wait3A_96 = tpu.memref_slice %arg21[%mul3A_84, %dma_wait3A_95] : memref<10016x144xf32, #tpu.memory_space<vmem_shared>> -> memref<626x144xf32, #tpu.memory_space<vmem_shared>>
      tpu.wait_dma2 semaphore(%run_scoped3A : memref<!tpu.dma_semaphore, #tpu.memory_space<semaphore_mem>>) src(%dma_wait3A_96 : memref<626x144xf32, #tpu.memory_space<vmem_shared>>) dst(%dma_wait3A_94 : memref<626x144xf32, #tpu.memory_space<hbm>>)
      tpu.yield
    }) : () -> ()
    "tpu.trace_stop"() : () -> ()
    return
  }
}

#map = affine_map<(d0, d1) -> (0, 0)>
#map1 = affine_map<(d0, d1) -> (0, 0, 0)>
module attributes {stable_mosaic.version = 14 : i64} {
  func.func @agg(%arg0: i32, %arg1: i32, %arg2: memref<10000x128xf32, #tpu.memory_space<hbm>>, %arg3: memref<2560x128xi32, #tpu.memory_space<hbm>>, %arg4: memref<2560x128xi32, #tpu.memory_space<hbm>>, %arg5: memref<626x128xf32, #tpu.memory_space<hbm>>, %arg6: memref<2x10016x128xf32, #tpu.memory_space<hbm>>, %arg7: memref<4x128xi32, #tpu.memory_space<vmem>>, %arg8: memref<4x128xi32, #tpu.memory_space<vmem>>, %arg9: memref<4x128xi32, #tpu.memory_space<vmem>>, %arg10: memref<4x128xi32, #tpu.memory_space<vmem>>, %arg11: memref<128x128xf32, #tpu.memory_space<vmem>>, %arg12: memref<128x128xf32, #tpu.memory_space<vmem>>, %arg13: memref<!tpu.dma_semaphore, #tpu.memory_space<semaphore_mem>>, %arg14: memref<!tpu.dma_semaphore, #tpu.memory_space<semaphore_mem>>, %arg15: memref<!tpu.dma_semaphore, #tpu.memory_space<semaphore_mem>>, %arg16: memref<!tpu.dma_semaphore, #tpu.memory_space<semaphore_mem>>, %arg17: memref<!tpu.dma_semaphore, #tpu.memory_space<semaphore_mem>>, %arg18: memref<!tpu.dma_semaphore, #tpu.memory_space<semaphore_mem>>, %arg19: memref<!tpu.dma_semaphore, #tpu.memory_space<semaphore_mem>>, %arg20: memref<!tpu.dma_semaphore, #tpu.memory_space<semaphore_mem>>, %arg21: memref<10016x128xf32, #tpu.memory_space<vmem_shared>>) attributes {dimension_semantics = [#tpu.dimension_semantics<core_parallel>, #tpu.dimension_semantics<subcore_parallel>], iteration_bounds = array<i64: 2, 16>, scalar_prefetch = 0 : i64, scratch_operands = 15 : i64, tpu.core_type = #tpu.core_type<sc_vector_subcore>, window_params = [{transform_indices = #map}, {transform_indices = #map}, {transform_indices = #map}, {transform_indices = #map}, {transform_indices = #map1}]} {
    %eq3A = arith.constant 0 : i32
    %eq3A_0 = arith.cmpi eq, %arg0, %eq3A : i32
    %jit3A = arith.constant 36 : i32
    %jit3A_1 = arith.constant 4 : i32
    %select_n3A = arith.select %eq3A_0, %jit3A, %jit3A_1 : i32
    %eq3A_2 = arith.constant 0 : i32
    %eq3A_3 = arith.cmpi eq, %arg0, %eq3A_2 : i32
    %mul3A = arith.constant 144 : i32
    %mul3A_4 = arith.muli %arg1, %mul3A : i32
    %mul3A_5 = arith.constant 16 : i32
    %mul3A_6 = arith.muli %arg1, %mul3A_5 : i32
    %add3A = arith.constant 2304 : i32
    %add3A_7 = arith.addi %add3A, %mul3A_6 : i32
    %select_n3A_8 = arith.select %eq3A_3, %mul3A_4, %add3A_7 : i32
    "tpu.trace_start"() <{level = 10 : i32, message = "agg_zero"}> : () -> ()
    %mul3A_9 = arith.constant 626 : i32
    %mul3A_10 = arith.muli %arg1, %mul3A_9 : i32
    "tpu.region"() ({
      %run_scoped3A = tpu.sem_alloc : memref<!tpu.dma_semaphore, #tpu.memory_space<semaphore_mem>>
      %dma_start3A_87 = arith.constant 0 : i32
      %dma_start3A_88 = tpu.memref_slice %arg21[%mul3A_10, %dma_start3A_87] : memref<10016x128xf32, #tpu.memory_space<vmem_shared>> -> memref<626x128xf32, #tpu.memory_space<vmem_shared>>
      tpu.enqueue_dma source(%arg5 : memref<626x128xf32, #tpu.memory_space<hbm>>) target(%dma_start3A_88 : memref<626x128xf32, #tpu.memory_space<vmem_shared>>) target_semaphore(%run_scoped3A : memref<!tpu.dma_semaphore, #tpu.memory_space<semaphore_mem>>)
      %dma_wait3A_89 = arith.constant 0 : i32
      %dma_wait3A_90 = tpu.memref_slice %arg21[%mul3A_10, %dma_wait3A_89] : memref<10016x128xf32, #tpu.memory_space<vmem_shared>> -> memref<626x128xf32, #tpu.memory_space<vmem_shared>>
      tpu.wait_dma2 semaphore(%run_scoped3A : memref<!tpu.dma_semaphore, #tpu.memory_space<semaphore_mem>>) src(%arg5 : memref<626x128xf32, #tpu.memory_space<hbm>>) dst(%dma_wait3A_90 : memref<626x128xf32, #tpu.memory_space<vmem_shared>>)
      tpu.yield
    }) : () -> ()
    %barrier3A = arith.constant 0 : index
    tpu.barrier barrier_id(%barrier3A)
    "tpu.trace_stop"() : () -> ()
    "tpu.trace_start"() <{level = 10 : i32, message = "agg_prime"}> : () -> ()
    %add3A_11 = arith.constant 0 : i32
    %add3A_12 = arith.addi %select_n3A_8, %add3A_11 : i32
    %dma_start3A = arith.constant 0 : i32
    %dma_start3A_13 = tpu.memref_slice %arg3[%add3A_12, %dma_start3A] : memref<2560x128xi32, #tpu.memory_space<hbm>> -> memref<4x128xi32, #tpu.memory_space<hbm>>
    %dma_start3A_14 = arith.constant 0 : i32
    %dma_start3A_15 = tpu.memref_slice %arg3[%add3A_12, %dma_start3A_14] : memref<2560x128xi32, #tpu.memory_space<hbm>> -> memref<4x128xi32, #tpu.memory_space<hbm>>
    tpu.enqueue_dma source(%dma_start3A_15 : memref<4x128xi32, #tpu.memory_space<hbm>>) target(%arg7 : memref<4x128xi32, #tpu.memory_space<vmem>>) target_semaphore(%arg13 : memref<!tpu.dma_semaphore, #tpu.memory_space<semaphore_mem>>)
    %dma_start3A_16 = arith.constant 0 : i32
    %dma_start3A_17 = tpu.memref_slice %arg4[%add3A_12, %dma_start3A_16] : memref<2560x128xi32, #tpu.memory_space<hbm>> -> memref<4x128xi32, #tpu.memory_space<hbm>>
    %dma_start3A_18 = arith.constant 0 : i32
    %dma_start3A_19 = tpu.memref_slice %arg4[%add3A_12, %dma_start3A_18] : memref<2560x128xi32, #tpu.memory_space<hbm>> -> memref<4x128xi32, #tpu.memory_space<hbm>>
    tpu.enqueue_dma source(%dma_start3A_19 : memref<4x128xi32, #tpu.memory_space<hbm>>) target(%arg9 : memref<4x128xi32, #tpu.memory_space<vmem>>) target_semaphore(%arg15 : memref<!tpu.dma_semaphore, #tpu.memory_space<semaphore_mem>>)
    %add3A_20 = arith.constant 4 : i32
    %add3A_21 = arith.addi %select_n3A_8, %add3A_20 : i32
    %dma_start3A_22 = arith.constant 0 : i32
    %dma_start3A_23 = tpu.memref_slice %arg3[%add3A_21, %dma_start3A_22] : memref<2560x128xi32, #tpu.memory_space<hbm>> -> memref<4x128xi32, #tpu.memory_space<hbm>>
    %dma_start3A_24 = arith.constant 0 : i32
    %dma_start3A_25 = tpu.memref_slice %arg3[%add3A_21, %dma_start3A_24] : memref<2560x128xi32, #tpu.memory_space<hbm>> -> memref<4x128xi32, #tpu.memory_space<hbm>>
    tpu.enqueue_dma source(%dma_start3A_25 : memref<4x128xi32, #tpu.memory_space<hbm>>) target(%arg8 : memref<4x128xi32, #tpu.memory_space<vmem>>) target_semaphore(%arg14 : memref<!tpu.dma_semaphore, #tpu.memory_space<semaphore_mem>>)
    %dma_start3A_26 = arith.constant 0 : i32
    %dma_start3A_27 = tpu.memref_slice %arg4[%add3A_21, %dma_start3A_26] : memref<2560x128xi32, #tpu.memory_space<hbm>> -> memref<4x128xi32, #tpu.memory_space<hbm>>
    %dma_start3A_28 = arith.constant 0 : i32
    %dma_start3A_29 = tpu.memref_slice %arg4[%add3A_21, %dma_start3A_28] : memref<2560x128xi32, #tpu.memory_space<hbm>> -> memref<4x128xi32, #tpu.memory_space<hbm>>
    tpu.enqueue_dma source(%dma_start3A_29 : memref<4x128xi32, #tpu.memory_space<hbm>>) target(%arg10 : memref<4x128xi32, #tpu.memory_space<vmem>>) target_semaphore(%arg16 : memref<!tpu.dma_semaphore, #tpu.memory_space<semaphore_mem>>)
    %dma_wait3A = arith.constant 0 : i32
    %dma_wait3A_30 = arith.constant 0 : i32
    %dma_wait3A_31 = tpu.memref_slice %arg3[%dma_wait3A, %dma_wait3A_30] : memref<2560x128xi32, #tpu.memory_space<hbm>> -> memref<4x128xi32, #tpu.memory_space<hbm>>
    %dma_wait3A_32 = arith.constant 0 : i32
    %dma_wait3A_33 = arith.constant 0 : i32
    %dma_wait3A_34 = tpu.memref_slice %arg3[%dma_wait3A_32, %dma_wait3A_33] : memref<2560x128xi32, #tpu.memory_space<hbm>> -> memref<4x128xi32, #tpu.memory_space<hbm>>
    tpu.wait_dma2 semaphore(%arg13 : memref<!tpu.dma_semaphore, #tpu.memory_space<semaphore_mem>>) src(%dma_wait3A_34 : memref<4x128xi32, #tpu.memory_space<hbm>>) dst(%arg7 : memref<4x128xi32, #tpu.memory_space<vmem>>)
    %dma_start3A_35 = arith.constant 0 : i32
    %dma_start3A_36 = arith.constant 0 : i32
    %dma_start3A_37 = arith.constant 0 : i32
    %dma_start3A_38 = tpu.memref_slice %arg11[%dma_start3A_36, %dma_start3A_37] : memref<128x128xf32, #tpu.memory_space<vmem>> -> memref<64x128xf32, #tpu.memory_space<vmem>>
    %dma_start3A_39 = arith.constant 0 : i32
    %dma_start3A_40 = tpu.memref_slice %arg7[%dma_start3A_35, %dma_start3A_39] : memref<4x128xi32, #tpu.memory_space<vmem>> -> memref<1x64xi32, #tpu.memory_space<vmem>>
    %dma_start3A_41 = tpu.memref_squeeze %dma_start3A_40 : memref<1x64xi32, #tpu.memory_space<vmem>> -> memref<64xi32, #tpu.memory_space<vmem>>
    %dma_start3A_42 = arith.constant 0 : i32
    %dma_start3A_43 = arith.constant 0 : i32
    %dma_start3A_44 = tpu.memref_slice %arg2[%dma_start3A_42, %dma_start3A_43] : memref<10000x128xf32, #tpu.memory_space<hbm>> -> memref<10000x128xf32, #tpu.memory_space<hbm>>
    tpu.enqueue_indirect_dma source(%dma_start3A_44 : memref<10000x128xf32, #tpu.memory_space<hbm>>) target(%dma_start3A_38 : memref<64x128xf32, #tpu.memory_space<vmem>>) offsets(%dma_start3A_41 : memref<64xi32, #tpu.memory_space<vmem>>) semaphore(%arg17 : memref<!tpu.dma_semaphore, #tpu.memory_space<semaphore_mem>>)
    %dma_start3A_45 = arith.constant 0 : i32
    %dma_start3A_46 = arith.constant 64 : i32
    %dma_start3A_47 = arith.constant 0 : i32
    %dma_start3A_48 = tpu.memref_slice %arg11[%dma_start3A_46, %dma_start3A_47] : memref<128x128xf32, #tpu.memory_space<vmem>> -> memref<64x128xf32, #tpu.memory_space<vmem>>
    %dma_start3A_49 = arith.constant 64 : i32
    %dma_start3A_50 = tpu.memref_slice %arg7[%dma_start3A_45, %dma_start3A_49] : memref<4x128xi32, #tpu.memory_space<vmem>> -> memref<1x64xi32, #tpu.memory_space<vmem>>
    %dma_start3A_51 = tpu.memref_squeeze %dma_start3A_50 : memref<1x64xi32, #tpu.memory_space<vmem>> -> memref<64xi32, #tpu.memory_space<vmem>>
    %dma_start3A_52 = arith.constant 0 : i32
    %dma_start3A_53 = arith.constant 0 : i32
    %dma_start3A_54 = tpu.memref_slice %arg2[%dma_start3A_52, %dma_start3A_53] : memref<10000x128xf32, #tpu.memory_space<hbm>> -> memref<10000x128xf32, #tpu.memory_space<hbm>>
    tpu.enqueue_indirect_dma source(%dma_start3A_54 : memref<10000x128xf32, #tpu.memory_space<hbm>>) target(%dma_start3A_48 : memref<64x128xf32, #tpu.memory_space<vmem>>) offsets(%dma_start3A_51 : memref<64xi32, #tpu.memory_space<vmem>>) semaphore(%arg19 : memref<!tpu.dma_semaphore, #tpu.memory_space<semaphore_mem>>)
    %jit3A_55 = arith.constant 2 : i32
    "tpu.trace_stop"() : () -> ()
    "tpu.trace_start"() <{level = 10 : i32, message = "agg_loop"}> : () -> ()
    %div3A = arith.divsi %select_n3A, %jit3A_55 : i32
    %sign3A = arith.constant 0 : i32
    %sign3A_56 = arith.cmpi sgt, %select_n3A, %sign3A : i32
    %sign3A_57 = arith.extui %sign3A_56 : i1 to i32
    %sign3A_58 = arith.constant 0 : i32
    %sign3A_59 = arith.cmpi slt, %select_n3A, %sign3A_58 : i32
    %sign3A_60 = arith.extui %sign3A_59 : i1 to i32
    %sign3A_61 = arith.subi %sign3A_57, %sign3A_60 : i32
    %sign3A_62 = arith.constant 0 : i32
    %sign3A_63 = arith.cmpi sgt, %jit3A_55, %sign3A_62 : i32
    %sign3A_64 = arith.extui %sign3A_63 : i1 to i32
    %sign3A_65 = arith.constant 0 : i32
    %sign3A_66 = arith.cmpi slt, %jit3A_55, %sign3A_65 : i32
    %sign3A_67 = arith.extui %sign3A_66 : i1 to i32
    %sign3A_68 = arith.subi %sign3A_64, %sign3A_67 : i32
    %ne3A = arith.cmpi ne, %sign3A_61, %sign3A_68 : i32
    %rem3A = arith.remsi %select_n3A, %jit3A_55 : i32
    %ne3A_69 = arith.constant 0 : i32
    %ne3A_70 = arith.cmpi ne, %rem3A, %ne3A_69 : i32
    %and3A = arith.andi %ne3A, %ne3A_70 : i1
    %sub3A = arith.constant 1 : i32
    %sub3A_71 = arith.subi %div3A, %sub3A : i32
    %select_n3A_72 = arith.select %and3A, %sub3A_71, %div3A : i32
    %while3A = arith.constant 0 : i32
    %while3A_73 = arith.constant 0 : i32
    %while3A_74 = arith.subi %select_n3A_72, %while3A_73 : i32
    %while3A_75 = arith.addi %while3A_73, %while3A_74 : i32
    %while3A_76 = arith.constant 1 : i32
    %while3A_77 = arith.divsi %while3A_74, %while3A_76 : i32
    %while3A_78 = arith.muli %while3A_77, %while3A_76 : i32
    %while3A_79 = arith.addi %while3A_73, %while3A_78 : i32
    %while3A_80 = arith.constant 1 : i32
    scf.for %while3A_87 = %while3A_73 to %while3A_79 step %while3A_80  : i32 {
      %mul3A_88 = arith.constant 2 : i32
      %mul3A_89 = arith.muli %mul3A_88, %while3A_87 : i32
      %dma_wait3A_90 = arith.constant 0 : i32
      %dma_wait3A_91 = arith.constant 0 : i32
      %dma_wait3A_92 = tpu.memref_slice %arg4[%dma_wait3A_90, %dma_wait3A_91] : memref<2560x128xi32, #tpu.memory_space<hbm>> -> memref<4x128xi32, #tpu.memory_space<hbm>>
      %dma_wait3A_93 = arith.constant 0 : i32
      %dma_wait3A_94 = arith.constant 0 : i32
      %dma_wait3A_95 = tpu.memref_slice %arg4[%dma_wait3A_93, %dma_wait3A_94] : memref<2560x128xi32, #tpu.memory_space<hbm>> -> memref<4x128xi32, #tpu.memory_space<hbm>>
      tpu.wait_dma2 semaphore(%arg15 : memref<!tpu.dma_semaphore, #tpu.memory_space<semaphore_mem>>) src(%dma_wait3A_95 : memref<4x128xi32, #tpu.memory_space<hbm>>) dst(%arg9 : memref<4x128xi32, #tpu.memory_space<vmem>>)
      %dma_wait3A_96 = arith.constant 0 : i32
      %dma_wait3A_97 = arith.constant 0 : i32
      %dma_wait3A_98 = arith.constant 0 : i32
      %dma_wait3A_99 = tpu.memref_slice %arg11[%dma_wait3A_97, %dma_wait3A_98] : memref<128x128xf32, #tpu.memory_space<vmem>> -> memref<64x128xf32, #tpu.memory_space<vmem>>
      %dma_wait3A_100 = arith.constant 0 : i32
      %dma_wait3A_101 = tpu.memref_slice %arg7[%dma_wait3A_96, %dma_wait3A_100] : memref<4x128xi32, #tpu.memory_space<vmem>> -> memref<1x64xi32, #tpu.memory_space<vmem>>
      %dma_wait3A_102 = tpu.memref_squeeze %dma_wait3A_101 : memref<1x64xi32, #tpu.memory_space<vmem>> -> memref<64xi32, #tpu.memory_space<vmem>>
      %dma_wait3A_103 = arith.constant 0 : i32
      %dma_wait3A_104 = arith.constant 0 : i32
      %dma_wait3A_105 = tpu.memref_slice %arg2[%dma_wait3A_103, %dma_wait3A_104] : memref<10000x128xf32, #tpu.memory_space<hbm>> -> memref<10000x128xf32, #tpu.memory_space<hbm>>
      tpu.wait_indirect_dma semaphore(%arg17 : memref<!tpu.dma_semaphore, #tpu.memory_space<semaphore_mem>>) src(%dma_wait3A_105 : memref<10000x128xf32, #tpu.memory_space<hbm>>) dst(%dma_wait3A_99 : memref<64x128xf32, #tpu.memory_space<vmem>>)
      %dma_wait3A_106 = arith.constant 0 : i32
      %dma_wait3A_107 = arith.constant 64 : i32
      %dma_wait3A_108 = arith.constant 0 : i32
      %dma_wait3A_109 = tpu.memref_slice %arg11[%dma_wait3A_107, %dma_wait3A_108] : memref<128x128xf32, #tpu.memory_space<vmem>> -> memref<64x128xf32, #tpu.memory_space<vmem>>
      %dma_wait3A_110 = arith.constant 64 : i32
      %dma_wait3A_111 = tpu.memref_slice %arg7[%dma_wait3A_106, %dma_wait3A_110] : memref<4x128xi32, #tpu.memory_space<vmem>> -> memref<1x64xi32, #tpu.memory_space<vmem>>
      %dma_wait3A_112 = tpu.memref_squeeze %dma_wait3A_111 : memref<1x64xi32, #tpu.memory_space<vmem>> -> memref<64xi32, #tpu.memory_space<vmem>>
      %dma_wait3A_113 = arith.constant 0 : i32
      %dma_wait3A_114 = arith.constant 0 : i32
      %dma_wait3A_115 = tpu.memref_slice %arg2[%dma_wait3A_113, %dma_wait3A_114] : memref<10000x128xf32, #tpu.memory_space<hbm>> -> memref<10000x128xf32, #tpu.memory_space<hbm>>
      tpu.wait_indirect_dma semaphore(%arg19 : memref<!tpu.dma_semaphore, #tpu.memory_space<semaphore_mem>>) src(%dma_wait3A_115 : memref<10000x128xf32, #tpu.memory_space<hbm>>) dst(%dma_wait3A_109 : memref<64x128xf32, #tpu.memory_space<vmem>>)
      %run_scoped3A = arith.constant 0 : i32
      "tpu.region"() ({
        %run_scoped3A_414 = tpu.sem_alloc : memref<!tpu.dma_semaphore, #tpu.memory_space<semaphore_mem>>
        %dma_start3A_415 = arith.constant 0 : i32
        %dma_start3A_416 = tpu.memref_slice %arg9[%run_scoped3A, %dma_start3A_415] : memref<4x128xi32, #tpu.memory_space<vmem>> -> memref<1x128xi32, #tpu.memory_space<vmem>>
        %dma_start3A_417 = tpu.memref_squeeze %dma_start3A_416 : memref<1x128xi32, #tpu.memory_space<vmem>> -> memref<128xi32, #tpu.memory_space<vmem>>
        %dma_start3A_418 = arith.constant 0 : i32
        %dma_start3A_419 = arith.constant 0 : i32
        %dma_start3A_420 = tpu.memref_slice %arg21[%dma_start3A_418, %dma_start3A_419] : memref<10016x128xf32, #tpu.memory_space<vmem_shared>> -> memref<10016x128xf32, #tpu.memory_space<vmem_shared>>
        tpu.enqueue_indirect_dma source(%arg11 : memref<128x128xf32, #tpu.memory_space<vmem>>) target(%dma_start3A_420 : memref<10016x128xf32, #tpu.memory_space<vmem_shared>>) offsets(%dma_start3A_417 : memref<128xi32, #tpu.memory_space<vmem>>) semaphore(%run_scoped3A_414 : memref<!tpu.dma_semaphore, #tpu.memory_space<semaphore_mem>>) {add = true}
        %dma_wait3A_421 = arith.constant 0 : i32
        %dma_wait3A_422 = tpu.memref_slice %arg9[%run_scoped3A, %dma_wait3A_421] : memref<4x128xi32, #tpu.memory_space<vmem>> -> memref<1x128xi32, #tpu.memory_space<vmem>>
        %dma_wait3A_423 = tpu.memref_squeeze %dma_wait3A_422 : memref<1x128xi32, #tpu.memory_space<vmem>> -> memref<128xi32, #tpu.memory_space<vmem>>
        %dma_wait3A_424 = arith.constant 0 : i32
        %dma_wait3A_425 = arith.constant 0 : i32
        %dma_wait3A_426 = tpu.memref_slice %arg21[%dma_wait3A_424, %dma_wait3A_425] : memref<10016x128xf32, #tpu.memory_space<vmem_shared>> -> memref<10016x128xf32, #tpu.memory_space<vmem_shared>>
        tpu.wait_indirect_dma semaphore(%run_scoped3A_414 : memref<!tpu.dma_semaphore, #tpu.memory_space<semaphore_mem>>) src(%arg11 : memref<128x128xf32, #tpu.memory_space<vmem>>) dst(%dma_wait3A_426 : memref<10016x128xf32, #tpu.memory_space<vmem_shared>>)
        tpu.yield
      }) : () -> ()
      %dma_start3A_116 = arith.constant 1 : i32
      %dma_start3A_117 = arith.constant 0 : i32
      %dma_start3A_118 = arith.constant 0 : i32
      %dma_start3A_119 = tpu.memref_slice %arg12[%dma_start3A_117, %dma_start3A_118] : memref<128x128xf32, #tpu.memory_space<vmem>> -> memref<64x128xf32, #tpu.memory_space<vmem>>
      %dma_start3A_120 = arith.constant 0 : i32
      %dma_start3A_121 = tpu.memref_slice %arg7[%dma_start3A_116, %dma_start3A_120] : memref<4x128xi32, #tpu.memory_space<vmem>> -> memref<1x64xi32, #tpu.memory_space<vmem>>
      %dma_start3A_122 = tpu.memref_squeeze %dma_start3A_121 : memref<1x64xi32, #tpu.memory_space<vmem>> -> memref<64xi32, #tpu.memory_space<vmem>>
      %dma_start3A_123 = arith.constant 0 : i32
      %dma_start3A_124 = arith.constant 0 : i32
      %dma_start3A_125 = tpu.memref_slice %arg2[%dma_start3A_123, %dma_start3A_124] : memref<10000x128xf32, #tpu.memory_space<hbm>> -> memref<10000x128xf32, #tpu.memory_space<hbm>>
      tpu.enqueue_indirect_dma source(%dma_start3A_125 : memref<10000x128xf32, #tpu.memory_space<hbm>>) target(%dma_start3A_119 : memref<64x128xf32, #tpu.memory_space<vmem>>) offsets(%dma_start3A_122 : memref<64xi32, #tpu.memory_space<vmem>>) semaphore(%arg18 : memref<!tpu.dma_semaphore, #tpu.memory_space<semaphore_mem>>)
      %dma_start3A_126 = arith.constant 1 : i32
      %dma_start3A_127 = arith.constant 64 : i32
      %dma_start3A_128 = arith.constant 0 : i32
      %dma_start3A_129 = tpu.memref_slice %arg12[%dma_start3A_127, %dma_start3A_128] : memref<128x128xf32, #tpu.memory_space<vmem>> -> memref<64x128xf32, #tpu.memory_space<vmem>>
      %dma_start3A_130 = arith.constant 64 : i32
      %dma_start3A_131 = tpu.memref_slice %arg7[%dma_start3A_126, %dma_start3A_130] : memref<4x128xi32, #tpu.memory_space<vmem>> -> memref<1x64xi32, #tpu.memory_space<vmem>>
      %dma_start3A_132 = tpu.memref_squeeze %dma_start3A_131 : memref<1x64xi32, #tpu.memory_space<vmem>> -> memref<64xi32, #tpu.memory_space<vmem>>
      %dma_start3A_133 = arith.constant 0 : i32
      %dma_start3A_134 = arith.constant 0 : i32
      %dma_start3A_135 = tpu.memref_slice %arg2[%dma_start3A_133, %dma_start3A_134] : memref<10000x128xf32, #tpu.memory_space<hbm>> -> memref<10000x128xf32, #tpu.memory_space<hbm>>
      tpu.enqueue_indirect_dma source(%dma_start3A_135 : memref<10000x128xf32, #tpu.memory_space<hbm>>) target(%dma_start3A_129 : memref<64x128xf32, #tpu.memory_space<vmem>>) offsets(%dma_start3A_132 : memref<64xi32, #tpu.memory_space<vmem>>) semaphore(%arg20 : memref<!tpu.dma_semaphore, #tpu.memory_space<semaphore_mem>>)
      %dma_wait3A_136 = arith.constant 0 : i32
      %dma_wait3A_137 = arith.constant 0 : i32
      %dma_wait3A_138 = arith.constant 0 : i32
      %dma_wait3A_139 = tpu.memref_slice %arg12[%dma_wait3A_137, %dma_wait3A_138] : memref<128x128xf32, #tpu.memory_space<vmem>> -> memref<64x128xf32, #tpu.memory_space<vmem>>
      %dma_wait3A_140 = arith.constant 0 : i32
      %dma_wait3A_141 = tpu.memref_slice %arg7[%dma_wait3A_136, %dma_wait3A_140] : memref<4x128xi32, #tpu.memory_space<vmem>> -> memref<1x64xi32, #tpu.memory_space<vmem>>
      %dma_wait3A_142 = tpu.memref_squeeze %dma_wait3A_141 : memref<1x64xi32, #tpu.memory_space<vmem>> -> memref<64xi32, #tpu.memory_space<vmem>>
      %dma_wait3A_143 = arith.constant 0 : i32
      %dma_wait3A_144 = arith.constant 0 : i32
      %dma_wait3A_145 = tpu.memref_slice %arg2[%dma_wait3A_143, %dma_wait3A_144] : memref<10000x128xf32, #tpu.memory_space<hbm>> -> memref<10000x128xf32, #tpu.memory_space<hbm>>
      tpu.wait_indirect_dma semaphore(%arg18 : memref<!tpu.dma_semaphore, #tpu.memory_space<semaphore_mem>>) src(%dma_wait3A_145 : memref<10000x128xf32, #tpu.memory_space<hbm>>) dst(%dma_wait3A_139 : memref<64x128xf32, #tpu.memory_space<vmem>>)
      %dma_wait3A_146 = arith.constant 0 : i32
      %dma_wait3A_147 = arith.constant 64 : i32
      %dma_wait3A_148 = arith.constant 0 : i32
      %dma_wait3A_149 = tpu.memref_slice %arg12[%dma_wait3A_147, %dma_wait3A_148] : memref<128x128xf32, #tpu.memory_space<vmem>> -> memref<64x128xf32, #tpu.memory_space<vmem>>
      %dma_wait3A_150 = arith.constant 64 : i32
      %dma_wait3A_151 = tpu.memref_slice %arg7[%dma_wait3A_146, %dma_wait3A_150] : memref<4x128xi32, #tpu.memory_space<vmem>> -> memref<1x64xi32, #tpu.memory_space<vmem>>
      %dma_wait3A_152 = tpu.memref_squeeze %dma_wait3A_151 : memref<1x64xi32, #tpu.memory_space<vmem>> -> memref<64xi32, #tpu.memory_space<vmem>>
      %dma_wait3A_153 = arith.constant 0 : i32
      %dma_wait3A_154 = arith.constant 0 : i32
      %dma_wait3A_155 = tpu.memref_slice %arg2[%dma_wait3A_153, %dma_wait3A_154] : memref<10000x128xf32, #tpu.memory_space<hbm>> -> memref<10000x128xf32, #tpu.memory_space<hbm>>
      tpu.wait_indirect_dma semaphore(%arg20 : memref<!tpu.dma_semaphore, #tpu.memory_space<semaphore_mem>>) src(%dma_wait3A_155 : memref<10000x128xf32, #tpu.memory_space<hbm>>) dst(%dma_wait3A_149 : memref<64x128xf32, #tpu.memory_space<vmem>>)
      %run_scoped3A_156 = arith.constant 1 : i32
      "tpu.region"() ({
        %run_scoped3A_414 = tpu.sem_alloc : memref<!tpu.dma_semaphore, #tpu.memory_space<semaphore_mem>>
        %dma_start3A_415 = arith.constant 0 : i32
        %dma_start3A_416 = tpu.memref_slice %arg9[%run_scoped3A_156, %dma_start3A_415] : memref<4x128xi32, #tpu.memory_space<vmem>> -> memref<1x128xi32, #tpu.memory_space<vmem>>
        %dma_start3A_417 = tpu.memref_squeeze %dma_start3A_416 : memref<1x128xi32, #tpu.memory_space<vmem>> -> memref<128xi32, #tpu.memory_space<vmem>>
        %dma_start3A_418 = arith.constant 0 : i32
        %dma_start3A_419 = arith.constant 0 : i32
        %dma_start3A_420 = tpu.memref_slice %arg21[%dma_start3A_418, %dma_start3A_419] : memref<10016x128xf32, #tpu.memory_space<vmem_shared>> -> memref<10016x128xf32, #tpu.memory_space<vmem_shared>>
        tpu.enqueue_indirect_dma source(%arg12 : memref<128x128xf32, #tpu.memory_space<vmem>>) target(%dma_start3A_420 : memref<10016x128xf32, #tpu.memory_space<vmem_shared>>) offsets(%dma_start3A_417 : memref<128xi32, #tpu.memory_space<vmem>>) semaphore(%run_scoped3A_414 : memref<!tpu.dma_semaphore, #tpu.memory_space<semaphore_mem>>) {add = true}
        %dma_wait3A_421 = arith.constant 0 : i32
        %dma_wait3A_422 = tpu.memref_slice %arg9[%run_scoped3A_156, %dma_wait3A_421] : memref<4x128xi32, #tpu.memory_space<vmem>> -> memref<1x128xi32, #tpu.memory_space<vmem>>
        %dma_wait3A_423 = tpu.memref_squeeze %dma_wait3A_422 : memref<1x128xi32, #tpu.memory_space<vmem>> -> memref<128xi32, #tpu.memory_space<vmem>>
        %dma_wait3A_424 = arith.constant 0 : i32
        %dma_wait3A_425 = arith.constant 0 : i32
        %dma_wait3A_426 = tpu.memref_slice %arg21[%dma_wait3A_424, %dma_wait3A_425] : memref<10016x128xf32, #tpu.memory_space<vmem_shared>> -> memref<10016x128xf32, #tpu.memory_space<vmem_shared>>
        tpu.wait_indirect_dma semaphore(%run_scoped3A_414 : memref<!tpu.dma_semaphore, #tpu.memory_space<semaphore_mem>>) src(%arg12 : memref<128x128xf32, #tpu.memory_space<vmem>>) dst(%dma_wait3A_426 : memref<10016x128xf32, #tpu.memory_space<vmem_shared>>)
        tpu.yield
      }) : () -> ()
      %dma_start3A_157 = arith.constant 2 : i32
      %dma_start3A_158 = arith.constant 0 : i32
      %dma_start3A_159 = arith.constant 0 : i32
      %dma_start3A_160 = tpu.memref_slice %arg11[%dma_start3A_158, %dma_start3A_159] : memref<128x128xf32, #tpu.memory_space<vmem>> -> memref<64x128xf32, #tpu.memory_space<vmem>>
      %dma_start3A_161 = arith.constant 0 : i32
      %dma_start3A_162 = tpu.memref_slice %arg7[%dma_start3A_157, %dma_start3A_161] : memref<4x128xi32, #tpu.memory_space<vmem>> -> memref<1x64xi32, #tpu.memory_space<vmem>>
      %dma_start3A_163 = tpu.memref_squeeze %dma_start3A_162 : memref<1x64xi32, #tpu.memory_space<vmem>> -> memref<64xi32, #tpu.memory_space<vmem>>
      %dma_start3A_164 = arith.constant 0 : i32
      %dma_start3A_165 = arith.constant 0 : i32
      %dma_start3A_166 = tpu.memref_slice %arg2[%dma_start3A_164, %dma_start3A_165] : memref<10000x128xf32, #tpu.memory_space<hbm>> -> memref<10000x128xf32, #tpu.memory_space<hbm>>
      tpu.enqueue_indirect_dma source(%dma_start3A_166 : memref<10000x128xf32, #tpu.memory_space<hbm>>) target(%dma_start3A_160 : memref<64x128xf32, #tpu.memory_space<vmem>>) offsets(%dma_start3A_163 : memref<64xi32, #tpu.memory_space<vmem>>) semaphore(%arg17 : memref<!tpu.dma_semaphore, #tpu.memory_space<semaphore_mem>>)
      %dma_start3A_167 = arith.constant 2 : i32
      %dma_start3A_168 = arith.constant 64 : i32
      %dma_start3A_169 = arith.constant 0 : i32
      %dma_start3A_170 = tpu.memref_slice %arg11[%dma_start3A_168, %dma_start3A_169] : memref<128x128xf32, #tpu.memory_space<vmem>> -> memref<64x128xf32, #tpu.memory_space<vmem>>
      %dma_start3A_171 = arith.constant 64 : i32
      %dma_start3A_172 = tpu.memref_slice %arg7[%dma_start3A_167, %dma_start3A_171] : memref<4x128xi32, #tpu.memory_space<vmem>> -> memref<1x64xi32, #tpu.memory_space<vmem>>
      %dma_start3A_173 = tpu.memref_squeeze %dma_start3A_172 : memref<1x64xi32, #tpu.memory_space<vmem>> -> memref<64xi32, #tpu.memory_space<vmem>>
      %dma_start3A_174 = arith.constant 0 : i32
      %dma_start3A_175 = arith.constant 0 : i32
      %dma_start3A_176 = tpu.memref_slice %arg2[%dma_start3A_174, %dma_start3A_175] : memref<10000x128xf32, #tpu.memory_space<hbm>> -> memref<10000x128xf32, #tpu.memory_space<hbm>>
      tpu.enqueue_indirect_dma source(%dma_start3A_176 : memref<10000x128xf32, #tpu.memory_space<hbm>>) target(%dma_start3A_170 : memref<64x128xf32, #tpu.memory_space<vmem>>) offsets(%dma_start3A_173 : memref<64xi32, #tpu.memory_space<vmem>>) semaphore(%arg19 : memref<!tpu.dma_semaphore, #tpu.memory_space<semaphore_mem>>)
      %dma_wait3A_177 = arith.constant 0 : i32
      %dma_wait3A_178 = arith.constant 0 : i32
      %dma_wait3A_179 = arith.constant 0 : i32
      %dma_wait3A_180 = tpu.memref_slice %arg11[%dma_wait3A_178, %dma_wait3A_179] : memref<128x128xf32, #tpu.memory_space<vmem>> -> memref<64x128xf32, #tpu.memory_space<vmem>>
      %dma_wait3A_181 = arith.constant 0 : i32
      %dma_wait3A_182 = tpu.memref_slice %arg7[%dma_wait3A_177, %dma_wait3A_181] : memref<4x128xi32, #tpu.memory_space<vmem>> -> memref<1x64xi32, #tpu.memory_space<vmem>>
      %dma_wait3A_183 = tpu.memref_squeeze %dma_wait3A_182 : memref<1x64xi32, #tpu.memory_space<vmem>> -> memref<64xi32, #tpu.memory_space<vmem>>
      %dma_wait3A_184 = arith.constant 0 : i32
      %dma_wait3A_185 = arith.constant 0 : i32
      %dma_wait3A_186 = tpu.memref_slice %arg2[%dma_wait3A_184, %dma_wait3A_185] : memref<10000x128xf32, #tpu.memory_space<hbm>> -> memref<10000x128xf32, #tpu.memory_space<hbm>>
      tpu.wait_indirect_dma semaphore(%arg17 : memref<!tpu.dma_semaphore, #tpu.memory_space<semaphore_mem>>) src(%dma_wait3A_186 : memref<10000x128xf32, #tpu.memory_space<hbm>>) dst(%dma_wait3A_180 : memref<64x128xf32, #tpu.memory_space<vmem>>)
      %dma_wait3A_187 = arith.constant 0 : i32
      %dma_wait3A_188 = arith.constant 64 : i32
      %dma_wait3A_189 = arith.constant 0 : i32
      %dma_wait3A_190 = tpu.memref_slice %arg11[%dma_wait3A_188, %dma_wait3A_189] : memref<128x128xf32, #tpu.memory_space<vmem>> -> memref<64x128xf32, #tpu.memory_space<vmem>>
      %dma_wait3A_191 = arith.constant 64 : i32
      %dma_wait3A_192 = tpu.memref_slice %arg7[%dma_wait3A_187, %dma_wait3A_191] : memref<4x128xi32, #tpu.memory_space<vmem>> -> memref<1x64xi32, #tpu.memory_space<vmem>>
      %dma_wait3A_193 = tpu.memref_squeeze %dma_wait3A_192 : memref<1x64xi32, #tpu.memory_space<vmem>> -> memref<64xi32, #tpu.memory_space<vmem>>
      %dma_wait3A_194 = arith.constant 0 : i32
      %dma_wait3A_195 = arith.constant 0 : i32
      %dma_wait3A_196 = tpu.memref_slice %arg2[%dma_wait3A_194, %dma_wait3A_195] : memref<10000x128xf32, #tpu.memory_space<hbm>> -> memref<10000x128xf32, #tpu.memory_space<hbm>>
      tpu.wait_indirect_dma semaphore(%arg19 : memref<!tpu.dma_semaphore, #tpu.memory_space<semaphore_mem>>) src(%dma_wait3A_196 : memref<10000x128xf32, #tpu.memory_space<hbm>>) dst(%dma_wait3A_190 : memref<64x128xf32, #tpu.memory_space<vmem>>)
      %run_scoped3A_197 = arith.constant 2 : i32
      "tpu.region"() ({
        %run_scoped3A_414 = tpu.sem_alloc : memref<!tpu.dma_semaphore, #tpu.memory_space<semaphore_mem>>
        %dma_start3A_415 = arith.constant 0 : i32
        %dma_start3A_416 = tpu.memref_slice %arg9[%run_scoped3A_197, %dma_start3A_415] : memref<4x128xi32, #tpu.memory_space<vmem>> -> memref<1x128xi32, #tpu.memory_space<vmem>>
        %dma_start3A_417 = tpu.memref_squeeze %dma_start3A_416 : memref<1x128xi32, #tpu.memory_space<vmem>> -> memref<128xi32, #tpu.memory_space<vmem>>
        %dma_start3A_418 = arith.constant 0 : i32
        %dma_start3A_419 = arith.constant 0 : i32
        %dma_start3A_420 = tpu.memref_slice %arg21[%dma_start3A_418, %dma_start3A_419] : memref<10016x128xf32, #tpu.memory_space<vmem_shared>> -> memref<10016x128xf32, #tpu.memory_space<vmem_shared>>
        tpu.enqueue_indirect_dma source(%arg11 : memref<128x128xf32, #tpu.memory_space<vmem>>) target(%dma_start3A_420 : memref<10016x128xf32, #tpu.memory_space<vmem_shared>>) offsets(%dma_start3A_417 : memref<128xi32, #tpu.memory_space<vmem>>) semaphore(%run_scoped3A_414 : memref<!tpu.dma_semaphore, #tpu.memory_space<semaphore_mem>>) {add = true}
        %dma_wait3A_421 = arith.constant 0 : i32
        %dma_wait3A_422 = tpu.memref_slice %arg9[%run_scoped3A_197, %dma_wait3A_421] : memref<4x128xi32, #tpu.memory_space<vmem>> -> memref<1x128xi32, #tpu.memory_space<vmem>>
        %dma_wait3A_423 = tpu.memref_squeeze %dma_wait3A_422 : memref<1x128xi32, #tpu.memory_space<vmem>> -> memref<128xi32, #tpu.memory_space<vmem>>
        %dma_wait3A_424 = arith.constant 0 : i32
        %dma_wait3A_425 = arith.constant 0 : i32
        %dma_wait3A_426 = tpu.memref_slice %arg21[%dma_wait3A_424, %dma_wait3A_425] : memref<10016x128xf32, #tpu.memory_space<vmem_shared>> -> memref<10016x128xf32, #tpu.memory_space<vmem_shared>>
        tpu.wait_indirect_dma semaphore(%run_scoped3A_414 : memref<!tpu.dma_semaphore, #tpu.memory_space<semaphore_mem>>) src(%arg11 : memref<128x128xf32, #tpu.memory_space<vmem>>) dst(%dma_wait3A_426 : memref<10016x128xf32, #tpu.memory_space<vmem_shared>>)
        tpu.yield
      }) : () -> ()
      %dma_start3A_198 = arith.constant 3 : i32
      %dma_start3A_199 = arith.constant 0 : i32
      %dma_start3A_200 = arith.constant 0 : i32
      %dma_start3A_201 = tpu.memref_slice %arg12[%dma_start3A_199, %dma_start3A_200] : memref<128x128xf32, #tpu.memory_space<vmem>> -> memref<64x128xf32, #tpu.memory_space<vmem>>
      %dma_start3A_202 = arith.constant 0 : i32
      %dma_start3A_203 = tpu.memref_slice %arg7[%dma_start3A_198, %dma_start3A_202] : memref<4x128xi32, #tpu.memory_space<vmem>> -> memref<1x64xi32, #tpu.memory_space<vmem>>
      %dma_start3A_204 = tpu.memref_squeeze %dma_start3A_203 : memref<1x64xi32, #tpu.memory_space<vmem>> -> memref<64xi32, #tpu.memory_space<vmem>>
      %dma_start3A_205 = arith.constant 0 : i32
      %dma_start3A_206 = arith.constant 0 : i32
      %dma_start3A_207 = tpu.memref_slice %arg2[%dma_start3A_205, %dma_start3A_206] : memref<10000x128xf32, #tpu.memory_space<hbm>> -> memref<10000x128xf32, #tpu.memory_space<hbm>>
      tpu.enqueue_indirect_dma source(%dma_start3A_207 : memref<10000x128xf32, #tpu.memory_space<hbm>>) target(%dma_start3A_201 : memref<64x128xf32, #tpu.memory_space<vmem>>) offsets(%dma_start3A_204 : memref<64xi32, #tpu.memory_space<vmem>>) semaphore(%arg18 : memref<!tpu.dma_semaphore, #tpu.memory_space<semaphore_mem>>)
      %dma_start3A_208 = arith.constant 3 : i32
      %dma_start3A_209 = arith.constant 64 : i32
      %dma_start3A_210 = arith.constant 0 : i32
      %dma_start3A_211 = tpu.memref_slice %arg12[%dma_start3A_209, %dma_start3A_210] : memref<128x128xf32, #tpu.memory_space<vmem>> -> memref<64x128xf32, #tpu.memory_space<vmem>>
      %dma_start3A_212 = arith.constant 64 : i32
      %dma_start3A_213 = tpu.memref_slice %arg7[%dma_start3A_208, %dma_start3A_212] : memref<4x128xi32, #tpu.memory_space<vmem>> -> memref<1x64xi32, #tpu.memory_space<vmem>>
      %dma_start3A_214 = tpu.memref_squeeze %dma_start3A_213 : memref<1x64xi32, #tpu.memory_space<vmem>> -> memref<64xi32, #tpu.memory_space<vmem>>
      %dma_start3A_215 = arith.constant 0 : i32
      %dma_start3A_216 = arith.constant 0 : i32
      %dma_start3A_217 = tpu.memref_slice %arg2[%dma_start3A_215, %dma_start3A_216] : memref<10000x128xf32, #tpu.memory_space<hbm>> -> memref<10000x128xf32, #tpu.memory_space<hbm>>
      tpu.enqueue_indirect_dma source(%dma_start3A_217 : memref<10000x128xf32, #tpu.memory_space<hbm>>) target(%dma_start3A_211 : memref<64x128xf32, #tpu.memory_space<vmem>>) offsets(%dma_start3A_214 : memref<64xi32, #tpu.memory_space<vmem>>) semaphore(%arg20 : memref<!tpu.dma_semaphore, #tpu.memory_space<semaphore_mem>>)
      %dma_wait3A_218 = arith.constant 0 : i32
      %dma_wait3A_219 = arith.constant 0 : i32
      %dma_wait3A_220 = arith.constant 0 : i32
      %dma_wait3A_221 = tpu.memref_slice %arg12[%dma_wait3A_219, %dma_wait3A_220] : memref<128x128xf32, #tpu.memory_space<vmem>> -> memref<64x128xf32, #tpu.memory_space<vmem>>
      %dma_wait3A_222 = arith.constant 0 : i32
      %dma_wait3A_223 = tpu.memref_slice %arg7[%dma_wait3A_218, %dma_wait3A_222] : memref<4x128xi32, #tpu.memory_space<vmem>> -> memref<1x64xi32, #tpu.memory_space<vmem>>
      %dma_wait3A_224 = tpu.memref_squeeze %dma_wait3A_223 : memref<1x64xi32, #tpu.memory_space<vmem>> -> memref<64xi32, #tpu.memory_space<vmem>>
      %dma_wait3A_225 = arith.constant 0 : i32
      %dma_wait3A_226 = arith.constant 0 : i32
      %dma_wait3A_227 = tpu.memref_slice %arg2[%dma_wait3A_225, %dma_wait3A_226] : memref<10000x128xf32, #tpu.memory_space<hbm>> -> memref<10000x128xf32, #tpu.memory_space<hbm>>
      tpu.wait_indirect_dma semaphore(%arg18 : memref<!tpu.dma_semaphore, #tpu.memory_space<semaphore_mem>>) src(%dma_wait3A_227 : memref<10000x128xf32, #tpu.memory_space<hbm>>) dst(%dma_wait3A_221 : memref<64x128xf32, #tpu.memory_space<vmem>>)
      %dma_wait3A_228 = arith.constant 0 : i32
      %dma_wait3A_229 = arith.constant 64 : i32
      %dma_wait3A_230 = arith.constant 0 : i32
      %dma_wait3A_231 = tpu.memref_slice %arg12[%dma_wait3A_229, %dma_wait3A_230] : memref<128x128xf32, #tpu.memory_space<vmem>> -> memref<64x128xf32, #tpu.memory_space<vmem>>
      %dma_wait3A_232 = arith.constant 64 : i32
      %dma_wait3A_233 = tpu.memref_slice %arg7[%dma_wait3A_228, %dma_wait3A_232] : memref<4x128xi32, #tpu.memory_space<vmem>> -> memref<1x64xi32, #tpu.memory_space<vmem>>
      %dma_wait3A_234 = tpu.memref_squeeze %dma_wait3A_233 : memref<1x64xi32, #tpu.memory_space<vmem>> -> memref<64xi32, #tpu.memory_space<vmem>>
      %dma_wait3A_235 = arith.constant 0 : i32
      %dma_wait3A_236 = arith.constant 0 : i32
      %dma_wait3A_237 = tpu.memref_slice %arg2[%dma_wait3A_235, %dma_wait3A_236] : memref<10000x128xf32, #tpu.memory_space<hbm>> -> memref<10000x128xf32, #tpu.memory_space<hbm>>
      tpu.wait_indirect_dma semaphore(%arg20 : memref<!tpu.dma_semaphore, #tpu.memory_space<semaphore_mem>>) src(%dma_wait3A_237 : memref<10000x128xf32, #tpu.memory_space<hbm>>) dst(%dma_wait3A_231 : memref<64x128xf32, #tpu.memory_space<vmem>>)
      %run_scoped3A_238 = arith.constant 3 : i32
      "tpu.region"() ({
        %run_scoped3A_414 = tpu.sem_alloc : memref<!tpu.dma_semaphore, #tpu.memory_space<semaphore_mem>>
        %dma_start3A_415 = arith.constant 0 : i32
        %dma_start3A_416 = tpu.memref_slice %arg9[%run_scoped3A_238, %dma_start3A_415] : memref<4x128xi32, #tpu.memory_space<vmem>> -> memref<1x128xi32, #tpu.memory_space<vmem>>
        %dma_start3A_417 = tpu.memref_squeeze %dma_start3A_416 : memref<1x128xi32, #tpu.memory_space<vmem>> -> memref<128xi32, #tpu.memory_space<vmem>>
        %dma_start3A_418 = arith.constant 0 : i32
        %dma_start3A_419 = arith.constant 0 : i32
        %dma_start3A_420 = tpu.memref_slice %arg21[%dma_start3A_418, %dma_start3A_419] : memref<10016x128xf32, #tpu.memory_space<vmem_shared>> -> memref<10016x128xf32, #tpu.memory_space<vmem_shared>>
        tpu.enqueue_indirect_dma source(%arg12 : memref<128x128xf32, #tpu.memory_space<vmem>>) target(%dma_start3A_420 : memref<10016x128xf32, #tpu.memory_space<vmem_shared>>) offsets(%dma_start3A_417 : memref<128xi32, #tpu.memory_space<vmem>>) semaphore(%run_scoped3A_414 : memref<!tpu.dma_semaphore, #tpu.memory_space<semaphore_mem>>) {add = true}
        %dma_wait3A_421 = arith.constant 0 : i32
        %dma_wait3A_422 = tpu.memref_slice %arg9[%run_scoped3A_238, %dma_wait3A_421] : memref<4x128xi32, #tpu.memory_space<vmem>> -> memref<1x128xi32, #tpu.memory_space<vmem>>
        %dma_wait3A_423 = tpu.memref_squeeze %dma_wait3A_422 : memref<1x128xi32, #tpu.memory_space<vmem>> -> memref<128xi32, #tpu.memory_space<vmem>>
        %dma_wait3A_424 = arith.constant 0 : i32
        %dma_wait3A_425 = arith.constant 0 : i32
        %dma_wait3A_426 = tpu.memref_slice %arg21[%dma_wait3A_424, %dma_wait3A_425] : memref<10016x128xf32, #tpu.memory_space<vmem_shared>> -> memref<10016x128xf32, #tpu.memory_space<vmem_shared>>
        tpu.wait_indirect_dma semaphore(%run_scoped3A_414 : memref<!tpu.dma_semaphore, #tpu.memory_space<semaphore_mem>>) src(%arg12 : memref<128x128xf32, #tpu.memory_space<vmem>>) dst(%dma_wait3A_426 : memref<10016x128xf32, #tpu.memory_space<vmem_shared>>)
        tpu.yield
      }) : () -> ()
      %add3A_239 = arith.constant 1 : i32
      %add3A_240 = arith.addi %mul3A_89, %add3A_239 : i32
      %lt3A = arith.cmpi slt, %add3A_240, %select_n3A : i32
      %convert_element_type3A = arith.extui %lt3A : i1 to i32
      %cond3A = arith.constant 0 : i32
      %cond3A_241 = arith.cmpi ne, %convert_element_type3A, %cond3A : i32
      scf.if %cond3A_241 {
        %dma_wait3A_414 = arith.constant 0 : i32
        %dma_wait3A_415 = arith.constant 0 : i32
        %dma_wait3A_416 = tpu.memref_slice %arg3[%dma_wait3A_414, %dma_wait3A_415] : memref<2560x128xi32, #tpu.memory_space<hbm>> -> memref<4x128xi32, #tpu.memory_space<hbm>>
        %dma_wait3A_417 = arith.constant 0 : i32
        %dma_wait3A_418 = arith.constant 0 : i32
        %dma_wait3A_419 = tpu.memref_slice %arg3[%dma_wait3A_417, %dma_wait3A_418] : memref<2560x128xi32, #tpu.memory_space<hbm>> -> memref<4x128xi32, #tpu.memory_space<hbm>>
        tpu.wait_dma2 semaphore(%arg14 : memref<!tpu.dma_semaphore, #tpu.memory_space<semaphore_mem>>) src(%dma_wait3A_419 : memref<4x128xi32, #tpu.memory_space<hbm>>) dst(%arg8 : memref<4x128xi32, #tpu.memory_space<vmem>>)
        %dma_start3A_420 = arith.constant 0 : i32
        %dma_start3A_421 = arith.constant 0 : i32
        %dma_start3A_422 = arith.constant 0 : i32
        %dma_start3A_423 = tpu.memref_slice %arg11[%dma_start3A_421, %dma_start3A_422] : memref<128x128xf32, #tpu.memory_space<vmem>> -> memref<64x128xf32, #tpu.memory_space<vmem>>
        %dma_start3A_424 = arith.constant 0 : i32
        %dma_start3A_425 = tpu.memref_slice %arg8[%dma_start3A_420, %dma_start3A_424] : memref<4x128xi32, #tpu.memory_space<vmem>> -> memref<1x64xi32, #tpu.memory_space<vmem>>
        %dma_start3A_426 = tpu.memref_squeeze %dma_start3A_425 : memref<1x64xi32, #tpu.memory_space<vmem>> -> memref<64xi32, #tpu.memory_space<vmem>>
        %dma_start3A_427 = arith.constant 0 : i32
        %dma_start3A_428 = arith.constant 0 : i32
        %dma_start3A_429 = tpu.memref_slice %arg2[%dma_start3A_427, %dma_start3A_428] : memref<10000x128xf32, #tpu.memory_space<hbm>> -> memref<10000x128xf32, #tpu.memory_space<hbm>>
        tpu.enqueue_indirect_dma source(%dma_start3A_429 : memref<10000x128xf32, #tpu.memory_space<hbm>>) target(%dma_start3A_423 : memref<64x128xf32, #tpu.memory_space<vmem>>) offsets(%dma_start3A_426 : memref<64xi32, #tpu.memory_space<vmem>>) semaphore(%arg17 : memref<!tpu.dma_semaphore, #tpu.memory_space<semaphore_mem>>)
        %dma_start3A_430 = arith.constant 0 : i32
        %dma_start3A_431 = arith.constant 64 : i32
        %dma_start3A_432 = arith.constant 0 : i32
        %dma_start3A_433 = tpu.memref_slice %arg11[%dma_start3A_431, %dma_start3A_432] : memref<128x128xf32, #tpu.memory_space<vmem>> -> memref<64x128xf32, #tpu.memory_space<vmem>>
        %dma_start3A_434 = arith.constant 64 : i32
        %dma_start3A_435 = tpu.memref_slice %arg8[%dma_start3A_430, %dma_start3A_434] : memref<4x128xi32, #tpu.memory_space<vmem>> -> memref<1x64xi32, #tpu.memory_space<vmem>>
        %dma_start3A_436 = tpu.memref_squeeze %dma_start3A_435 : memref<1x64xi32, #tpu.memory_space<vmem>> -> memref<64xi32, #tpu.memory_space<vmem>>
        %dma_start3A_437 = arith.constant 0 : i32
        %dma_start3A_438 = arith.constant 0 : i32
        %dma_start3A_439 = tpu.memref_slice %arg2[%dma_start3A_437, %dma_start3A_438] : memref<10000x128xf32, #tpu.memory_space<hbm>> -> memref<10000x128xf32, #tpu.memory_space<hbm>>
        tpu.enqueue_indirect_dma source(%dma_start3A_439 : memref<10000x128xf32, #tpu.memory_space<hbm>>) target(%dma_start3A_433 : memref<64x128xf32, #tpu.memory_space<vmem>>) offsets(%dma_start3A_436 : memref<64xi32, #tpu.memory_space<vmem>>) semaphore(%arg19 : memref<!tpu.dma_semaphore, #tpu.memory_space<semaphore_mem>>)
      } else {
      }
      %add3A_242 = arith.constant 2 : i32
      %add3A_243 = arith.addi %mul3A_89, %add3A_242 : i32
      %lt3A_244 = arith.cmpi slt, %add3A_243, %select_n3A : i32
      %convert_element_type3A_245 = arith.extui %lt3A_244 : i1 to i32
      %cond3A_246 = arith.constant 0 : i32
      %cond3A_247 = arith.cmpi ne, %convert_element_type3A_245, %cond3A_246 : i32
      scf.if %cond3A_247 {
        %add3A_414 = arith.constant 2 : i32
        %add3A_415 = arith.addi %mul3A_89, %add3A_414 : i32
        %mul3A_416 = arith.constant 4 : i32
        %mul3A_417 = arith.muli %add3A_415, %mul3A_416 : i32
        %add3A_418 = arith.addi %select_n3A_8, %mul3A_417 : i32
        %dma_start3A_419 = arith.constant 0 : i32
        %dma_start3A_420 = tpu.memref_slice %arg3[%add3A_418, %dma_start3A_419] : memref<2560x128xi32, #tpu.memory_space<hbm>> -> memref<4x128xi32, #tpu.memory_space<hbm>>
        %dma_start3A_421 = arith.constant 0 : i32
        %dma_start3A_422 = tpu.memref_slice %arg3[%add3A_418, %dma_start3A_421] : memref<2560x128xi32, #tpu.memory_space<hbm>> -> memref<4x128xi32, #tpu.memory_space<hbm>>
        tpu.enqueue_dma source(%dma_start3A_422 : memref<4x128xi32, #tpu.memory_space<hbm>>) target(%arg7 : memref<4x128xi32, #tpu.memory_space<vmem>>) target_semaphore(%arg13 : memref<!tpu.dma_semaphore, #tpu.memory_space<semaphore_mem>>)
        %dma_start3A_423 = arith.constant 0 : i32
        %dma_start3A_424 = tpu.memref_slice %arg4[%add3A_418, %dma_start3A_423] : memref<2560x128xi32, #tpu.memory_space<hbm>> -> memref<4x128xi32, #tpu.memory_space<hbm>>
        %dma_start3A_425 = arith.constant 0 : i32
        %dma_start3A_426 = tpu.memref_slice %arg4[%add3A_418, %dma_start3A_425] : memref<2560x128xi32, #tpu.memory_space<hbm>> -> memref<4x128xi32, #tpu.memory_space<hbm>>
        tpu.enqueue_dma source(%dma_start3A_426 : memref<4x128xi32, #tpu.memory_space<hbm>>) target(%arg9 : memref<4x128xi32, #tpu.memory_space<vmem>>) target_semaphore(%arg15 : memref<!tpu.dma_semaphore, #tpu.memory_space<semaphore_mem>>)
      } else {
      }
      %mul3A_248 = arith.constant 2 : i32
      %mul3A_249 = arith.muli %mul3A_248, %while3A_87 : i32
      %add3A_250 = arith.constant 1 : i32
      %add3A_251 = arith.addi %mul3A_249, %add3A_250 : i32
      %dma_wait3A_252 = arith.constant 0 : i32
      %dma_wait3A_253 = arith.constant 0 : i32
      %dma_wait3A_254 = tpu.memref_slice %arg4[%dma_wait3A_252, %dma_wait3A_253] : memref<2560x128xi32, #tpu.memory_space<hbm>> -> memref<4x128xi32, #tpu.memory_space<hbm>>
      %dma_wait3A_255 = arith.constant 0 : i32
      %dma_wait3A_256 = arith.constant 0 : i32
      %dma_wait3A_257 = tpu.memref_slice %arg4[%dma_wait3A_255, %dma_wait3A_256] : memref<2560x128xi32, #tpu.memory_space<hbm>> -> memref<4x128xi32, #tpu.memory_space<hbm>>
      tpu.wait_dma2 semaphore(%arg16 : memref<!tpu.dma_semaphore, #tpu.memory_space<semaphore_mem>>) src(%dma_wait3A_257 : memref<4x128xi32, #tpu.memory_space<hbm>>) dst(%arg10 : memref<4x128xi32, #tpu.memory_space<vmem>>)
      %dma_wait3A_258 = arith.constant 0 : i32
      %dma_wait3A_259 = arith.constant 0 : i32
      %dma_wait3A_260 = arith.constant 0 : i32
      %dma_wait3A_261 = tpu.memref_slice %arg11[%dma_wait3A_259, %dma_wait3A_260] : memref<128x128xf32, #tpu.memory_space<vmem>> -> memref<64x128xf32, #tpu.memory_space<vmem>>
      %dma_wait3A_262 = arith.constant 0 : i32
      %dma_wait3A_263 = tpu.memref_slice %arg7[%dma_wait3A_258, %dma_wait3A_262] : memref<4x128xi32, #tpu.memory_space<vmem>> -> memref<1x64xi32, #tpu.memory_space<vmem>>
      %dma_wait3A_264 = tpu.memref_squeeze %dma_wait3A_263 : memref<1x64xi32, #tpu.memory_space<vmem>> -> memref<64xi32, #tpu.memory_space<vmem>>
      %dma_wait3A_265 = arith.constant 0 : i32
      %dma_wait3A_266 = arith.constant 0 : i32
      %dma_wait3A_267 = tpu.memref_slice %arg2[%dma_wait3A_265, %dma_wait3A_266] : memref<10000x128xf32, #tpu.memory_space<hbm>> -> memref<10000x128xf32, #tpu.memory_space<hbm>>
      tpu.wait_indirect_dma semaphore(%arg17 : memref<!tpu.dma_semaphore, #tpu.memory_space<semaphore_mem>>) src(%dma_wait3A_267 : memref<10000x128xf32, #tpu.memory_space<hbm>>) dst(%dma_wait3A_261 : memref<64x128xf32, #tpu.memory_space<vmem>>)
      %dma_wait3A_268 = arith.constant 0 : i32
      %dma_wait3A_269 = arith.constant 64 : i32
      %dma_wait3A_270 = arith.constant 0 : i32
      %dma_wait3A_271 = tpu.memref_slice %arg11[%dma_wait3A_269, %dma_wait3A_270] : memref<128x128xf32, #tpu.memory_space<vmem>> -> memref<64x128xf32, #tpu.memory_space<vmem>>
      %dma_wait3A_272 = arith.constant 64 : i32
      %dma_wait3A_273 = tpu.memref_slice %arg7[%dma_wait3A_268, %dma_wait3A_272] : memref<4x128xi32, #tpu.memory_space<vmem>> -> memref<1x64xi32, #tpu.memory_space<vmem>>
      %dma_wait3A_274 = tpu.memref_squeeze %dma_wait3A_273 : memref<1x64xi32, #tpu.memory_space<vmem>> -> memref<64xi32, #tpu.memory_space<vmem>>
      %dma_wait3A_275 = arith.constant 0 : i32
      %dma_wait3A_276 = arith.constant 0 : i32
      %dma_wait3A_277 = tpu.memref_slice %arg2[%dma_wait3A_275, %dma_wait3A_276] : memref<10000x128xf32, #tpu.memory_space<hbm>> -> memref<10000x128xf32, #tpu.memory_space<hbm>>
      tpu.wait_indirect_dma semaphore(%arg19 : memref<!tpu.dma_semaphore, #tpu.memory_space<semaphore_mem>>) src(%dma_wait3A_277 : memref<10000x128xf32, #tpu.memory_space<hbm>>) dst(%dma_wait3A_271 : memref<64x128xf32, #tpu.memory_space<vmem>>)
      %run_scoped3A_278 = arith.constant 0 : i32
      "tpu.region"() ({
        %run_scoped3A_414 = tpu.sem_alloc : memref<!tpu.dma_semaphore, #tpu.memory_space<semaphore_mem>>
        %dma_start3A_415 = arith.constant 0 : i32
        %dma_start3A_416 = tpu.memref_slice %arg10[%run_scoped3A_278, %dma_start3A_415] : memref<4x128xi32, #tpu.memory_space<vmem>> -> memref<1x128xi32, #tpu.memory_space<vmem>>
        %dma_start3A_417 = tpu.memref_squeeze %dma_start3A_416 : memref<1x128xi32, #tpu.memory_space<vmem>> -> memref<128xi32, #tpu.memory_space<vmem>>
        %dma_start3A_418 = arith.constant 0 : i32
        %dma_start3A_419 = arith.constant 0 : i32
        %dma_start3A_420 = tpu.memref_slice %arg21[%dma_start3A_418, %dma_start3A_419] : memref<10016x128xf32, #tpu.memory_space<vmem_shared>> -> memref<10016x128xf32, #tpu.memory_space<vmem_shared>>
        tpu.enqueue_indirect_dma source(%arg11 : memref<128x128xf32, #tpu.memory_space<vmem>>) target(%dma_start3A_420 : memref<10016x128xf32, #tpu.memory_space<vmem_shared>>) offsets(%dma_start3A_417 : memref<128xi32, #tpu.memory_space<vmem>>) semaphore(%run_scoped3A_414 : memref<!tpu.dma_semaphore, #tpu.memory_space<semaphore_mem>>) {add = true}
        %dma_wait3A_421 = arith.constant 0 : i32
        %dma_wait3A_422 = tpu.memref_slice %arg10[%run_scoped3A_278, %dma_wait3A_421] : memref<4x128xi32, #tpu.memory_space<vmem>> -> memref<1x128xi32, #tpu.memory_space<vmem>>
        %dma_wait3A_423 = tpu.memref_squeeze %dma_wait3A_422 : memref<1x128xi32, #tpu.memory_space<vmem>> -> memref<128xi32, #tpu.memory_space<vmem>>
        %dma_wait3A_424 = arith.constant 0 : i32
        %dma_wait3A_425 = arith.constant 0 : i32
        %dma_wait3A_426 = tpu.memref_slice %arg21[%dma_wait3A_424, %dma_wait3A_425] : memref<10016x128xf32, #tpu.memory_space<vmem_shared>> -> memref<10016x128xf32, #tpu.memory_space<vmem_shared>>
        tpu.wait_indirect_dma semaphore(%run_scoped3A_414 : memref<!tpu.dma_semaphore, #tpu.memory_space<semaphore_mem>>) src(%arg11 : memref<128x128xf32, #tpu.memory_space<vmem>>) dst(%dma_wait3A_426 : memref<10016x128xf32, #tpu.memory_space<vmem_shared>>)
        tpu.yield
      }) : () -> ()
      %dma_start3A_279 = arith.constant 1 : i32
      %dma_start3A_280 = arith.constant 0 : i32
      %dma_start3A_281 = arith.constant 0 : i32
      %dma_start3A_282 = tpu.memref_slice %arg12[%dma_start3A_280, %dma_start3A_281] : memref<128x128xf32, #tpu.memory_space<vmem>> -> memref<64x128xf32, #tpu.memory_space<vmem>>
      %dma_start3A_283 = arith.constant 0 : i32
      %dma_start3A_284 = tpu.memref_slice %arg8[%dma_start3A_279, %dma_start3A_283] : memref<4x128xi32, #tpu.memory_space<vmem>> -> memref<1x64xi32, #tpu.memory_space<vmem>>
      %dma_start3A_285 = tpu.memref_squeeze %dma_start3A_284 : memref<1x64xi32, #tpu.memory_space<vmem>> -> memref<64xi32, #tpu.memory_space<vmem>>
      %dma_start3A_286 = arith.constant 0 : i32
      %dma_start3A_287 = arith.constant 0 : i32
      %dma_start3A_288 = tpu.memref_slice %arg2[%dma_start3A_286, %dma_start3A_287] : memref<10000x128xf32, #tpu.memory_space<hbm>> -> memref<10000x128xf32, #tpu.memory_space<hbm>>
      tpu.enqueue_indirect_dma source(%dma_start3A_288 : memref<10000x128xf32, #tpu.memory_space<hbm>>) target(%dma_start3A_282 : memref<64x128xf32, #tpu.memory_space<vmem>>) offsets(%dma_start3A_285 : memref<64xi32, #tpu.memory_space<vmem>>) semaphore(%arg18 : memref<!tpu.dma_semaphore, #tpu.memory_space<semaphore_mem>>)
      %dma_start3A_289 = arith.constant 1 : i32
      %dma_start3A_290 = arith.constant 64 : i32
      %dma_start3A_291 = arith.constant 0 : i32
      %dma_start3A_292 = tpu.memref_slice %arg12[%dma_start3A_290, %dma_start3A_291] : memref<128x128xf32, #tpu.memory_space<vmem>> -> memref<64x128xf32, #tpu.memory_space<vmem>>
      %dma_start3A_293 = arith.constant 64 : i32
      %dma_start3A_294 = tpu.memref_slice %arg8[%dma_start3A_289, %dma_start3A_293] : memref<4x128xi32, #tpu.memory_space<vmem>> -> memref<1x64xi32, #tpu.memory_space<vmem>>
      %dma_start3A_295 = tpu.memref_squeeze %dma_start3A_294 : memref<1x64xi32, #tpu.memory_space<vmem>> -> memref<64xi32, #tpu.memory_space<vmem>>
      %dma_start3A_296 = arith.constant 0 : i32
      %dma_start3A_297 = arith.constant 0 : i32
      %dma_start3A_298 = tpu.memref_slice %arg2[%dma_start3A_296, %dma_start3A_297] : memref<10000x128xf32, #tpu.memory_space<hbm>> -> memref<10000x128xf32, #tpu.memory_space<hbm>>
      tpu.enqueue_indirect_dma source(%dma_start3A_298 : memref<10000x128xf32, #tpu.memory_space<hbm>>) target(%dma_start3A_292 : memref<64x128xf32, #tpu.memory_space<vmem>>) offsets(%dma_start3A_295 : memref<64xi32, #tpu.memory_space<vmem>>) semaphore(%arg20 : memref<!tpu.dma_semaphore, #tpu.memory_space<semaphore_mem>>)
      %dma_wait3A_299 = arith.constant 0 : i32
      %dma_wait3A_300 = arith.constant 0 : i32
      %dma_wait3A_301 = arith.constant 0 : i32
      %dma_wait3A_302 = tpu.memref_slice %arg12[%dma_wait3A_300, %dma_wait3A_301] : memref<128x128xf32, #tpu.memory_space<vmem>> -> memref<64x128xf32, #tpu.memory_space<vmem>>
      %dma_wait3A_303 = arith.constant 0 : i32
      %dma_wait3A_304 = tpu.memref_slice %arg7[%dma_wait3A_299, %dma_wait3A_303] : memref<4x128xi32, #tpu.memory_space<vmem>> -> memref<1x64xi32, #tpu.memory_space<vmem>>
      %dma_wait3A_305 = tpu.memref_squeeze %dma_wait3A_304 : memref<1x64xi32, #tpu.memory_space<vmem>> -> memref<64xi32, #tpu.memory_space<vmem>>
      %dma_wait3A_306 = arith.constant 0 : i32
      %dma_wait3A_307 = arith.constant 0 : i32
      %dma_wait3A_308 = tpu.memref_slice %arg2[%dma_wait3A_306, %dma_wait3A_307] : memref<10000x128xf32, #tpu.memory_space<hbm>> -> memref<10000x128xf32, #tpu.memory_space<hbm>>
      tpu.wait_indirect_dma semaphore(%arg18 : memref<!tpu.dma_semaphore, #tpu.memory_space<semaphore_mem>>) src(%dma_wait3A_308 : memref<10000x128xf32, #tpu.memory_space<hbm>>) dst(%dma_wait3A_302 : memref<64x128xf32, #tpu.memory_space<vmem>>)
      %dma_wait3A_309 = arith.constant 0 : i32
      %dma_wait3A_310 = arith.constant 64 : i32
      %dma_wait3A_311 = arith.constant 0 : i32
      %dma_wait3A_312 = tpu.memref_slice %arg12[%dma_wait3A_310, %dma_wait3A_311] : memref<128x128xf32, #tpu.memory_space<vmem>> -> memref<64x128xf32, #tpu.memory_space<vmem>>
      %dma_wait3A_313 = arith.constant 64 : i32
      %dma_wait3A_314 = tpu.memref_slice %arg7[%dma_wait3A_309, %dma_wait3A_313] : memref<4x128xi32, #tpu.memory_space<vmem>> -> memref<1x64xi32, #tpu.memory_space<vmem>>
      %dma_wait3A_315 = tpu.memref_squeeze %dma_wait3A_314 : memref<1x64xi32, #tpu.memory_space<vmem>> -> memref<64xi32, #tpu.memory_space<vmem>>
      %dma_wait3A_316 = arith.constant 0 : i32
      %dma_wait3A_317 = arith.constant 0 : i32
      %dma_wait3A_318 = tpu.memref_slice %arg2[%dma_wait3A_316, %dma_wait3A_317] : memref<10000x128xf32, #tpu.memory_space<hbm>> -> memref<10000x128xf32, #tpu.memory_space<hbm>>
      tpu.wait_indirect_dma semaphore(%arg20 : memref<!tpu.dma_semaphore, #tpu.memory_space<semaphore_mem>>) src(%dma_wait3A_318 : memref<10000x128xf32, #tpu.memory_space<hbm>>) dst(%dma_wait3A_312 : memref<64x128xf32, #tpu.memory_space<vmem>>)
      %run_scoped3A_319 = arith.constant 1 : i32
      "tpu.region"() ({
        %run_scoped3A_414 = tpu.sem_alloc : memref<!tpu.dma_semaphore, #tpu.memory_space<semaphore_mem>>
        %dma_start3A_415 = arith.constant 0 : i32
        %dma_start3A_416 = tpu.memref_slice %arg10[%run_scoped3A_319, %dma_start3A_415] : memref<4x128xi32, #tpu.memory_space<vmem>> -> memref<1x128xi32, #tpu.memory_space<vmem>>
        %dma_start3A_417 = tpu.memref_squeeze %dma_start3A_416 : memref<1x128xi32, #tpu.memory_space<vmem>> -> memref<128xi32, #tpu.memory_space<vmem>>
        %dma_start3A_418 = arith.constant 0 : i32
        %dma_start3A_419 = arith.constant 0 : i32
        %dma_start3A_420 = tpu.memref_slice %arg21[%dma_start3A_418, %dma_start3A_419] : memref<10016x128xf32, #tpu.memory_space<vmem_shared>> -> memref<10016x128xf32, #tpu.memory_space<vmem_shared>>
        tpu.enqueue_indirect_dma source(%arg12 : memref<128x128xf32, #tpu.memory_space<vmem>>) target(%dma_start3A_420 : memref<10016x128xf32, #tpu.memory_space<vmem_shared>>) offsets(%dma_start3A_417 : memref<128xi32, #tpu.memory_space<vmem>>) semaphore(%run_scoped3A_414 : memref<!tpu.dma_semaphore, #tpu.memory_space<semaphore_mem>>) {add = true}
        %dma_wait3A_421 = arith.constant 0 : i32
        %dma_wait3A_422 = tpu.memref_slice %arg10[%run_scoped3A_319, %dma_wait3A_421] : memref<4x128xi32, #tpu.memory_space<vmem>> -> memref<1x128xi32, #tpu.memory_space<vmem>>
        %dma_wait3A_423 = tpu.memref_squeeze %dma_wait3A_422 : memref<1x128xi32, #tpu.memory_space<vmem>> -> memref<128xi32, #tpu.memory_space<vmem>>
        %dma_wait3A_424 = arith.constant 0 : i32
        %dma_wait3A_425 = arith.constant 0 : i32
        %dma_wait3A_426 = tpu.memref_slice %arg21[%dma_wait3A_424, %dma_wait3A_425] : memref<10016x128xf32, #tpu.memory_space<vmem_shared>> -> memref<10016x128xf32, #tpu.memory_space<vmem_shared>>
        tpu.wait_indirect_dma semaphore(%run_scoped3A_414 : memref<!tpu.dma_semaphore, #tpu.memory_space<semaphore_mem>>) src(%arg12 : memref<128x128xf32, #tpu.memory_space<vmem>>) dst(%dma_wait3A_426 : memref<10016x128xf32, #tpu.memory_space<vmem_shared>>)
        tpu.yield
      }) : () -> ()
      %dma_start3A_320 = arith.constant 2 : i32
      %dma_start3A_321 = arith.constant 0 : i32
      %dma_start3A_322 = arith.constant 0 : i32
      %dma_start3A_323 = tpu.memref_slice %arg11[%dma_start3A_321, %dma_start3A_322] : memref<128x128xf32, #tpu.memory_space<vmem>> -> memref<64x128xf32, #tpu.memory_space<vmem>>
      %dma_start3A_324 = arith.constant 0 : i32
      %dma_start3A_325 = tpu.memref_slice %arg8[%dma_start3A_320, %dma_start3A_324] : memref<4x128xi32, #tpu.memory_space<vmem>> -> memref<1x64xi32, #tpu.memory_space<vmem>>
      %dma_start3A_326 = tpu.memref_squeeze %dma_start3A_325 : memref<1x64xi32, #tpu.memory_space<vmem>> -> memref<64xi32, #tpu.memory_space<vmem>>
      %dma_start3A_327 = arith.constant 0 : i32
      %dma_start3A_328 = arith.constant 0 : i32
      %dma_start3A_329 = tpu.memref_slice %arg2[%dma_start3A_327, %dma_start3A_328] : memref<10000x128xf32, #tpu.memory_space<hbm>> -> memref<10000x128xf32, #tpu.memory_space<hbm>>
      tpu.enqueue_indirect_dma source(%dma_start3A_329 : memref<10000x128xf32, #tpu.memory_space<hbm>>) target(%dma_start3A_323 : memref<64x128xf32, #tpu.memory_space<vmem>>) offsets(%dma_start3A_326 : memref<64xi32, #tpu.memory_space<vmem>>) semaphore(%arg17 : memref<!tpu.dma_semaphore, #tpu.memory_space<semaphore_mem>>)
      %dma_start3A_330 = arith.constant 2 : i32
      %dma_start3A_331 = arith.constant 64 : i32
      %dma_start3A_332 = arith.constant 0 : i32
      %dma_start3A_333 = tpu.memref_slice %arg11[%dma_start3A_331, %dma_start3A_332] : memref<128x128xf32, #tpu.memory_space<vmem>> -> memref<64x128xf32, #tpu.memory_space<vmem>>
      %dma_start3A_334 = arith.constant 64 : i32
      %dma_start3A_335 = tpu.memref_slice %arg8[%dma_start3A_330, %dma_start3A_334] : memref<4x128xi32, #tpu.memory_space<vmem>> -> memref<1x64xi32, #tpu.memory_space<vmem>>
      %dma_start3A_336 = tpu.memref_squeeze %dma_start3A_335 : memref<1x64xi32, #tpu.memory_space<vmem>> -> memref<64xi32, #tpu.memory_space<vmem>>
      %dma_start3A_337 = arith.constant 0 : i32
      %dma_start3A_338 = arith.constant 0 : i32
      %dma_start3A_339 = tpu.memref_slice %arg2[%dma_start3A_337, %dma_start3A_338] : memref<10000x128xf32, #tpu.memory_space<hbm>> -> memref<10000x128xf32, #tpu.memory_space<hbm>>
      tpu.enqueue_indirect_dma source(%dma_start3A_339 : memref<10000x128xf32, #tpu.memory_space<hbm>>) target(%dma_start3A_333 : memref<64x128xf32, #tpu.memory_space<vmem>>) offsets(%dma_start3A_336 : memref<64xi32, #tpu.memory_space<vmem>>) semaphore(%arg19 : memref<!tpu.dma_semaphore, #tpu.memory_space<semaphore_mem>>)
      %dma_wait3A_340 = arith.constant 0 : i32
      %dma_wait3A_341 = arith.constant 0 : i32
      %dma_wait3A_342 = arith.constant 0 : i32
      %dma_wait3A_343 = tpu.memref_slice %arg11[%dma_wait3A_341, %dma_wait3A_342] : memref<128x128xf32, #tpu.memory_space<vmem>> -> memref<64x128xf32, #tpu.memory_space<vmem>>
      %dma_wait3A_344 = arith.constant 0 : i32
      %dma_wait3A_345 = tpu.memref_slice %arg7[%dma_wait3A_340, %dma_wait3A_344] : memref<4x128xi32, #tpu.memory_space<vmem>> -> memref<1x64xi32, #tpu.memory_space<vmem>>
      %dma_wait3A_346 = tpu.memref_squeeze %dma_wait3A_345 : memref<1x64xi32, #tpu.memory_space<vmem>> -> memref<64xi32, #tpu.memory_space<vmem>>
      %dma_wait3A_347 = arith.constant 0 : i32
      %dma_wait3A_348 = arith.constant 0 : i32
      %dma_wait3A_349 = tpu.memref_slice %arg2[%dma_wait3A_347, %dma_wait3A_348] : memref<10000x128xf32, #tpu.memory_space<hbm>> -> memref<10000x128xf32, #tpu.memory_space<hbm>>
      tpu.wait_indirect_dma semaphore(%arg17 : memref<!tpu.dma_semaphore, #tpu.memory_space<semaphore_mem>>) src(%dma_wait3A_349 : memref<10000x128xf32, #tpu.memory_space<hbm>>) dst(%dma_wait3A_343 : memref<64x128xf32, #tpu.memory_space<vmem>>)
      %dma_wait3A_350 = arith.constant 0 : i32
      %dma_wait3A_351 = arith.constant 64 : i32
      %dma_wait3A_352 = arith.constant 0 : i32
      %dma_wait3A_353 = tpu.memref_slice %arg11[%dma_wait3A_351, %dma_wait3A_352] : memref<128x128xf32, #tpu.memory_space<vmem>> -> memref<64x128xf32, #tpu.memory_space<vmem>>
      %dma_wait3A_354 = arith.constant 64 : i32
      %dma_wait3A_355 = tpu.memref_slice %arg7[%dma_wait3A_350, %dma_wait3A_354] : memref<4x128xi32, #tpu.memory_space<vmem>> -> memref<1x64xi32, #tpu.memory_space<vmem>>
      %dma_wait3A_356 = tpu.memref_squeeze %dma_wait3A_355 : memref<1x64xi32, #tpu.memory_space<vmem>> -> memref<64xi32, #tpu.memory_space<vmem>>
      %dma_wait3A_357 = arith.constant 0 : i32
      %dma_wait3A_358 = arith.constant 0 : i32
      %dma_wait3A_359 = tpu.memref_slice %arg2[%dma_wait3A_357, %dma_wait3A_358] : memref<10000x128xf32, #tpu.memory_space<hbm>> -> memref<10000x128xf32, #tpu.memory_space<hbm>>
      tpu.wait_indirect_dma semaphore(%arg19 : memref<!tpu.dma_semaphore, #tpu.memory_space<semaphore_mem>>) src(%dma_wait3A_359 : memref<10000x128xf32, #tpu.memory_space<hbm>>) dst(%dma_wait3A_353 : memref<64x128xf32, #tpu.memory_space<vmem>>)
      %run_scoped3A_360 = arith.constant 2 : i32
      "tpu.region"() ({
        %run_scoped3A_414 = tpu.sem_alloc : memref<!tpu.dma_semaphore, #tpu.memory_space<semaphore_mem>>
        %dma_start3A_415 = arith.constant 0 : i32
        %dma_start3A_416 = tpu.memref_slice %arg10[%run_scoped3A_360, %dma_start3A_415] : memref<4x128xi32, #tpu.memory_space<vmem>> -> memref<1x128xi32, #tpu.memory_space<vmem>>
        %dma_start3A_417 = tpu.memref_squeeze %dma_start3A_416 : memref<1x128xi32, #tpu.memory_space<vmem>> -> memref<128xi32, #tpu.memory_space<vmem>>
        %dma_start3A_418 = arith.constant 0 : i32
        %dma_start3A_419 = arith.constant 0 : i32
        %dma_start3A_420 = tpu.memref_slice %arg21[%dma_start3A_418, %dma_start3A_419] : memref<10016x128xf32, #tpu.memory_space<vmem_shared>> -> memref<10016x128xf32, #tpu.memory_space<vmem_shared>>
        tpu.enqueue_indirect_dma source(%arg11 : memref<128x128xf32, #tpu.memory_space<vmem>>) target(%dma_start3A_420 : memref<10016x128xf32, #tpu.memory_space<vmem_shared>>) offsets(%dma_start3A_417 : memref<128xi32, #tpu.memory_space<vmem>>) semaphore(%run_scoped3A_414 : memref<!tpu.dma_semaphore, #tpu.memory_space<semaphore_mem>>) {add = true}
        %dma_wait3A_421 = arith.constant 0 : i32
        %dma_wait3A_422 = tpu.memref_slice %arg10[%run_scoped3A_360, %dma_wait3A_421] : memref<4x128xi32, #tpu.memory_space<vmem>> -> memref<1x128xi32, #tpu.memory_space<vmem>>
        %dma_wait3A_423 = tpu.memref_squeeze %dma_wait3A_422 : memref<1x128xi32, #tpu.memory_space<vmem>> -> memref<128xi32, #tpu.memory_space<vmem>>
        %dma_wait3A_424 = arith.constant 0 : i32
        %dma_wait3A_425 = arith.constant 0 : i32
        %dma_wait3A_426 = tpu.memref_slice %arg21[%dma_wait3A_424, %dma_wait3A_425] : memref<10016x128xf32, #tpu.memory_space<vmem_shared>> -> memref<10016x128xf32, #tpu.memory_space<vmem_shared>>
        tpu.wait_indirect_dma semaphore(%run_scoped3A_414 : memref<!tpu.dma_semaphore, #tpu.memory_space<semaphore_mem>>) src(%arg11 : memref<128x128xf32, #tpu.memory_space<vmem>>) dst(%dma_wait3A_426 : memref<10016x128xf32, #tpu.memory_space<vmem_shared>>)
        tpu.yield
      }) : () -> ()
      %dma_start3A_361 = arith.constant 3 : i32
      %dma_start3A_362 = arith.constant 0 : i32
      %dma_start3A_363 = arith.constant 0 : i32
      %dma_start3A_364 = tpu.memref_slice %arg12[%dma_start3A_362, %dma_start3A_363] : memref<128x128xf32, #tpu.memory_space<vmem>> -> memref<64x128xf32, #tpu.memory_space<vmem>>
      %dma_start3A_365 = arith.constant 0 : i32
      %dma_start3A_366 = tpu.memref_slice %arg8[%dma_start3A_361, %dma_start3A_365] : memref<4x128xi32, #tpu.memory_space<vmem>> -> memref<1x64xi32, #tpu.memory_space<vmem>>
      %dma_start3A_367 = tpu.memref_squeeze %dma_start3A_366 : memref<1x64xi32, #tpu.memory_space<vmem>> -> memref<64xi32, #tpu.memory_space<vmem>>
      %dma_start3A_368 = arith.constant 0 : i32
      %dma_start3A_369 = arith.constant 0 : i32
      %dma_start3A_370 = tpu.memref_slice %arg2[%dma_start3A_368, %dma_start3A_369] : memref<10000x128xf32, #tpu.memory_space<hbm>> -> memref<10000x128xf32, #tpu.memory_space<hbm>>
      tpu.enqueue_indirect_dma source(%dma_start3A_370 : memref<10000x128xf32, #tpu.memory_space<hbm>>) target(%dma_start3A_364 : memref<64x128xf32, #tpu.memory_space<vmem>>) offsets(%dma_start3A_367 : memref<64xi32, #tpu.memory_space<vmem>>) semaphore(%arg18 : memref<!tpu.dma_semaphore, #tpu.memory_space<semaphore_mem>>)
      %dma_start3A_371 = arith.constant 3 : i32
      %dma_start3A_372 = arith.constant 64 : i32
      %dma_start3A_373 = arith.constant 0 : i32
      %dma_start3A_374 = tpu.memref_slice %arg12[%dma_start3A_372, %dma_start3A_373] : memref<128x128xf32, #tpu.memory_space<vmem>> -> memref<64x128xf32, #tpu.memory_space<vmem>>
      %dma_start3A_375 = arith.constant 64 : i32
      %dma_start3A_376 = tpu.memref_slice %arg8[%dma_start3A_371, %dma_start3A_375] : memref<4x128xi32, #tpu.memory_space<vmem>> -> memref<1x64xi32, #tpu.memory_space<vmem>>
      %dma_start3A_377 = tpu.memref_squeeze %dma_start3A_376 : memref<1x64xi32, #tpu.memory_space<vmem>> -> memref<64xi32, #tpu.memory_space<vmem>>
      %dma_start3A_378 = arith.constant 0 : i32
      %dma_start3A_379 = arith.constant 0 : i32
      %dma_start3A_380 = tpu.memref_slice %arg2[%dma_start3A_378, %dma_start3A_379] : memref<10000x128xf32, #tpu.memory_space<hbm>> -> memref<10000x128xf32, #tpu.memory_space<hbm>>
      tpu.enqueue_indirect_dma source(%dma_start3A_380 : memref<10000x128xf32, #tpu.memory_space<hbm>>) target(%dma_start3A_374 : memref<64x128xf32, #tpu.memory_space<vmem>>) offsets(%dma_start3A_377 : memref<64xi32, #tpu.memory_space<vmem>>) semaphore(%arg20 : memref<!tpu.dma_semaphore, #tpu.memory_space<semaphore_mem>>)
      %dma_wait3A_381 = arith.constant 0 : i32
      %dma_wait3A_382 = arith.constant 0 : i32
      %dma_wait3A_383 = arith.constant 0 : i32
      %dma_wait3A_384 = tpu.memref_slice %arg12[%dma_wait3A_382, %dma_wait3A_383] : memref<128x128xf32, #tpu.memory_space<vmem>> -> memref<64x128xf32, #tpu.memory_space<vmem>>
      %dma_wait3A_385 = arith.constant 0 : i32
      %dma_wait3A_386 = tpu.memref_slice %arg7[%dma_wait3A_381, %dma_wait3A_385] : memref<4x128xi32, #tpu.memory_space<vmem>> -> memref<1x64xi32, #tpu.memory_space<vmem>>
      %dma_wait3A_387 = tpu.memref_squeeze %dma_wait3A_386 : memref<1x64xi32, #tpu.memory_space<vmem>> -> memref<64xi32, #tpu.memory_space<vmem>>
      %dma_wait3A_388 = arith.constant 0 : i32
      %dma_wait3A_389 = arith.constant 0 : i32
      %dma_wait3A_390 = tpu.memref_slice %arg2[%dma_wait3A_388, %dma_wait3A_389] : memref<10000x128xf32, #tpu.memory_space<hbm>> -> memref<10000x128xf32, #tpu.memory_space<hbm>>
      tpu.wait_indirect_dma semaphore(%arg18 : memref<!tpu.dma_semaphore, #tpu.memory_space<semaphore_mem>>) src(%dma_wait3A_390 : memref<10000x128xf32, #tpu.memory_space<hbm>>) dst(%dma_wait3A_384 : memref<64x128xf32, #tpu.memory_space<vmem>>)
      %dma_wait3A_391 = arith.constant 0 : i32
      %dma_wait3A_392 = arith.constant 64 : i32
      %dma_wait3A_393 = arith.constant 0 : i32
      %dma_wait3A_394 = tpu.memref_slice %arg12[%dma_wait3A_392, %dma_wait3A_393] : memref<128x128xf32, #tpu.memory_space<vmem>> -> memref<64x128xf32, #tpu.memory_space<vmem>>
      %dma_wait3A_395 = arith.constant 64 : i32
      %dma_wait3A_396 = tpu.memref_slice %arg7[%dma_wait3A_391, %dma_wait3A_395] : memref<4x128xi32, #tpu.memory_space<vmem>> -> memref<1x64xi32, #tpu.memory_space<vmem>>
      %dma_wait3A_397 = tpu.memref_squeeze %dma_wait3A_396 : memref<1x64xi32, #tpu.memory_space<vmem>> -> memref<64xi32, #tpu.memory_space<vmem>>
      %dma_wait3A_398 = arith.constant 0 : i32
      %dma_wait3A_399 = arith.constant 0 : i32
      %dma_wait3A_400 = tpu.memref_slice %arg2[%dma_wait3A_398, %dma_wait3A_399] : memref<10000x128xf32, #tpu.memory_space<hbm>> -> memref<10000x128xf32, #tpu.memory_space<hbm>>
      tpu.wait_indirect_dma semaphore(%arg20 : memref<!tpu.dma_semaphore, #tpu.memory_space<semaphore_mem>>) src(%dma_wait3A_400 : memref<10000x128xf32, #tpu.memory_space<hbm>>) dst(%dma_wait3A_394 : memref<64x128xf32, #tpu.memory_space<vmem>>)
      %run_scoped3A_401 = arith.constant 3 : i32
      "tpu.region"() ({
        %run_scoped3A_414 = tpu.sem_alloc : memref<!tpu.dma_semaphore, #tpu.memory_space<semaphore_mem>>
        %dma_start3A_415 = arith.constant 0 : i32
        %dma_start3A_416 = tpu.memref_slice %arg10[%run_scoped3A_401, %dma_start3A_415] : memref<4x128xi32, #tpu.memory_space<vmem>> -> memref<1x128xi32, #tpu.memory_space<vmem>>
        %dma_start3A_417 = tpu.memref_squeeze %dma_start3A_416 : memref<1x128xi32, #tpu.memory_space<vmem>> -> memref<128xi32, #tpu.memory_space<vmem>>
        %dma_start3A_418 = arith.constant 0 : i32
        %dma_start3A_419 = arith.constant 0 : i32
        %dma_start3A_420 = tpu.memref_slice %arg21[%dma_start3A_418, %dma_start3A_419] : memref<10016x128xf32, #tpu.memory_space<vmem_shared>> -> memref<10016x128xf32, #tpu.memory_space<vmem_shared>>
        tpu.enqueue_indirect_dma source(%arg12 : memref<128x128xf32, #tpu.memory_space<vmem>>) target(%dma_start3A_420 : memref<10016x128xf32, #tpu.memory_space<vmem_shared>>) offsets(%dma_start3A_417 : memref<128xi32, #tpu.memory_space<vmem>>) semaphore(%run_scoped3A_414 : memref<!tpu.dma_semaphore, #tpu.memory_space<semaphore_mem>>) {add = true}
        %dma_wait3A_421 = arith.constant 0 : i32
        %dma_wait3A_422 = tpu.memref_slice %arg10[%run_scoped3A_401, %dma_wait3A_421] : memref<4x128xi32, #tpu.memory_space<vmem>> -> memref<1x128xi32, #tpu.memory_space<vmem>>
        %dma_wait3A_423 = tpu.memref_squeeze %dma_wait3A_422 : memref<1x128xi32, #tpu.memory_space<vmem>> -> memref<128xi32, #tpu.memory_space<vmem>>
        %dma_wait3A_424 = arith.constant 0 : i32
        %dma_wait3A_425 = arith.constant 0 : i32
        %dma_wait3A_426 = tpu.memref_slice %arg21[%dma_wait3A_424, %dma_wait3A_425] : memref<10016x128xf32, #tpu.memory_space<vmem_shared>> -> memref<10016x128xf32, #tpu.memory_space<vmem_shared>>
        tpu.wait_indirect_dma semaphore(%run_scoped3A_414 : memref<!tpu.dma_semaphore, #tpu.memory_space<semaphore_mem>>) src(%arg12 : memref<128x128xf32, #tpu.memory_space<vmem>>) dst(%dma_wait3A_426 : memref<10016x128xf32, #tpu.memory_space<vmem_shared>>)
        tpu.yield
      }) : () -> ()
      %add3A_402 = arith.constant 1 : i32
      %add3A_403 = arith.addi %add3A_251, %add3A_402 : i32
      %lt3A_404 = arith.cmpi slt, %add3A_403, %select_n3A : i32
      %convert_element_type3A_405 = arith.extui %lt3A_404 : i1 to i32
      %cond3A_406 = arith.constant 0 : i32
      %cond3A_407 = arith.cmpi ne, %convert_element_type3A_405, %cond3A_406 : i32
      scf.if %cond3A_407 {
        %dma_wait3A_414 = arith.constant 0 : i32
        %dma_wait3A_415 = arith.constant 0 : i32
        %dma_wait3A_416 = tpu.memref_slice %arg3[%dma_wait3A_414, %dma_wait3A_415] : memref<2560x128xi32, #tpu.memory_space<hbm>> -> memref<4x128xi32, #tpu.memory_space<hbm>>
        %dma_wait3A_417 = arith.constant 0 : i32
        %dma_wait3A_418 = arith.constant 0 : i32
        %dma_wait3A_419 = tpu.memref_slice %arg3[%dma_wait3A_417, %dma_wait3A_418] : memref<2560x128xi32, #tpu.memory_space<hbm>> -> memref<4x128xi32, #tpu.memory_space<hbm>>
        tpu.wait_dma2 semaphore(%arg13 : memref<!tpu.dma_semaphore, #tpu.memory_space<semaphore_mem>>) src(%dma_wait3A_419 : memref<4x128xi32, #tpu.memory_space<hbm>>) dst(%arg7 : memref<4x128xi32, #tpu.memory_space<vmem>>)
        %dma_start3A_420 = arith.constant 0 : i32
        %dma_start3A_421 = arith.constant 0 : i32
        %dma_start3A_422 = arith.constant 0 : i32
        %dma_start3A_423 = tpu.memref_slice %arg11[%dma_start3A_421, %dma_start3A_422] : memref<128x128xf32, #tpu.memory_space<vmem>> -> memref<64x128xf32, #tpu.memory_space<vmem>>
        %dma_start3A_424 = arith.constant 0 : i32
        %dma_start3A_425 = tpu.memref_slice %arg7[%dma_start3A_420, %dma_start3A_424] : memref<4x128xi32, #tpu.memory_space<vmem>> -> memref<1x64xi32, #tpu.memory_space<vmem>>
        %dma_start3A_426 = tpu.memref_squeeze %dma_start3A_425 : memref<1x64xi32, #tpu.memory_space<vmem>> -> memref<64xi32, #tpu.memory_space<vmem>>
        %dma_start3A_427 = arith.constant 0 : i32
        %dma_start3A_428 = arith.constant 0 : i32
        %dma_start3A_429 = tpu.memref_slice %arg2[%dma_start3A_427, %dma_start3A_428] : memref<10000x128xf32, #tpu.memory_space<hbm>> -> memref<10000x128xf32, #tpu.memory_space<hbm>>
        tpu.enqueue_indirect_dma source(%dma_start3A_429 : memref<10000x128xf32, #tpu.memory_space<hbm>>) target(%dma_start3A_423 : memref<64x128xf32, #tpu.memory_space<vmem>>) offsets(%dma_start3A_426 : memref<64xi32, #tpu.memory_space<vmem>>) semaphore(%arg17 : memref<!tpu.dma_semaphore, #tpu.memory_space<semaphore_mem>>)
        %dma_start3A_430 = arith.constant 0 : i32
        %dma_start3A_431 = arith.constant 64 : i32
        %dma_start3A_432 = arith.constant 0 : i32
        %dma_start3A_433 = tpu.memref_slice %arg11[%dma_start3A_431, %dma_start3A_432] : memref<128x128xf32, #tpu.memory_space<vmem>> -> memref<64x128xf32, #tpu.memory_space<vmem>>
        %dma_start3A_434 = arith.constant 64 : i32
        %dma_start3A_435 = tpu.memref_slice %arg7[%dma_start3A_430, %dma_start3A_434] : memref<4x128xi32, #tpu.memory_space<vmem>> -> memref<1x64xi32, #tpu.memory_space<vmem>>
        %dma_start3A_436 = tpu.memref_squeeze %dma_start3A_435 : memref<1x64xi32, #tpu.memory_space<vmem>> -> memref<64xi32, #tpu.memory_space<vmem>>
        %dma_start3A_437 = arith.constant 0 : i32
        %dma_start3A_438 = arith.constant 0 : i32
        %dma_start3A_439 = tpu.memref_slice %arg2[%dma_start3A_437, %dma_start3A_438] : memref<10000x128xf32, #tpu.memory_space<hbm>> -> memref<10000x128xf32, #tpu.memory_space<hbm>>
        tpu.enqueue_indirect_dma source(%dma_start3A_439 : memref<10000x128xf32, #tpu.memory_space<hbm>>) target(%dma_start3A_433 : memref<64x128xf32, #tpu.memory_space<vmem>>) offsets(%dma_start3A_436 : memref<64xi32, #tpu.memory_space<vmem>>) semaphore(%arg19 : memref<!tpu.dma_semaphore, #tpu.memory_space<semaphore_mem>>)
      } else {
      }
      %add3A_408 = arith.constant 2 : i32
      %add3A_409 = arith.addi %add3A_251, %add3A_408 : i32
      %lt3A_410 = arith.cmpi slt, %add3A_409, %select_n3A : i32
      %convert_element_type3A_411 = arith.extui %lt3A_410 : i1 to i32
      %cond3A_412 = arith.constant 0 : i32
      %cond3A_413 = arith.cmpi ne, %convert_element_type3A_411, %cond3A_412 : i32
      scf.if %cond3A_413 {
        %add3A_414 = arith.constant 2 : i32
        %add3A_415 = arith.addi %add3A_251, %add3A_414 : i32
        %mul3A_416 = arith.constant 4 : i32
        %mul3A_417 = arith.muli %add3A_415, %mul3A_416 : i32
        %add3A_418 = arith.addi %select_n3A_8, %mul3A_417 : i32
        %dma_start3A_419 = arith.constant 0 : i32
        %dma_start3A_420 = tpu.memref_slice %arg3[%add3A_418, %dma_start3A_419] : memref<2560x128xi32, #tpu.memory_space<hbm>> -> memref<4x128xi32, #tpu.memory_space<hbm>>
        %dma_start3A_421 = arith.constant 0 : i32
        %dma_start3A_422 = tpu.memref_slice %arg3[%add3A_418, %dma_start3A_421] : memref<2560x128xi32, #tpu.memory_space<hbm>> -> memref<4x128xi32, #tpu.memory_space<hbm>>
        tpu.enqueue_dma source(%dma_start3A_422 : memref<4x128xi32, #tpu.memory_space<hbm>>) target(%arg8 : memref<4x128xi32, #tpu.memory_space<vmem>>) target_semaphore(%arg14 : memref<!tpu.dma_semaphore, #tpu.memory_space<semaphore_mem>>)
        %dma_start3A_423 = arith.constant 0 : i32
        %dma_start3A_424 = tpu.memref_slice %arg4[%add3A_418, %dma_start3A_423] : memref<2560x128xi32, #tpu.memory_space<hbm>> -> memref<4x128xi32, #tpu.memory_space<hbm>>
        %dma_start3A_425 = arith.constant 0 : i32
        %dma_start3A_426 = tpu.memref_slice %arg4[%add3A_418, %dma_start3A_425] : memref<2560x128xi32, #tpu.memory_space<hbm>> -> memref<4x128xi32, #tpu.memory_space<hbm>>
        tpu.enqueue_dma source(%dma_start3A_426 : memref<4x128xi32, #tpu.memory_space<hbm>>) target(%arg10 : memref<4x128xi32, #tpu.memory_space<vmem>>) target_semaphore(%arg16 : memref<!tpu.dma_semaphore, #tpu.memory_space<semaphore_mem>>)
      } else {
      }
    }
    %while3A_81 = arith.constant 1 : i32
    scf.for %while3A_87 = %while3A_79 to %while3A_75 step %while3A_81  : i32 {
      %mul3A_88 = arith.constant 2 : i32
      %mul3A_89 = arith.muli %mul3A_88, %while3A_87 : i32
      %dma_wait3A_90 = arith.constant 0 : i32
      %dma_wait3A_91 = arith.constant 0 : i32
      %dma_wait3A_92 = tpu.memref_slice %arg4[%dma_wait3A_90, %dma_wait3A_91] : memref<2560x128xi32, #tpu.memory_space<hbm>> -> memref<4x128xi32, #tpu.memory_space<hbm>>
      %dma_wait3A_93 = arith.constant 0 : i32
      %dma_wait3A_94 = arith.constant 0 : i32
      %dma_wait3A_95 = tpu.memref_slice %arg4[%dma_wait3A_93, %dma_wait3A_94] : memref<2560x128xi32, #tpu.memory_space<hbm>> -> memref<4x128xi32, #tpu.memory_space<hbm>>
      tpu.wait_dma2 semaphore(%arg15 : memref<!tpu.dma_semaphore, #tpu.memory_space<semaphore_mem>>) src(%dma_wait3A_95 : memref<4x128xi32, #tpu.memory_space<hbm>>) dst(%arg9 : memref<4x128xi32, #tpu.memory_space<vmem>>)
      %dma_wait3A_96 = arith.constant 0 : i32
      %dma_wait3A_97 = arith.constant 0 : i32
      %dma_wait3A_98 = arith.constant 0 : i32
      %dma_wait3A_99 = tpu.memref_slice %arg11[%dma_wait3A_97, %dma_wait3A_98] : memref<128x128xf32, #tpu.memory_space<vmem>> -> memref<64x128xf32, #tpu.memory_space<vmem>>
      %dma_wait3A_100 = arith.constant 0 : i32
      %dma_wait3A_101 = tpu.memref_slice %arg7[%dma_wait3A_96, %dma_wait3A_100] : memref<4x128xi32, #tpu.memory_space<vmem>> -> memref<1x64xi32, #tpu.memory_space<vmem>>
      %dma_wait3A_102 = tpu.memref_squeeze %dma_wait3A_101 : memref<1x64xi32, #tpu.memory_space<vmem>> -> memref<64xi32, #tpu.memory_space<vmem>>
      %dma_wait3A_103 = arith.constant 0 : i32
      %dma_wait3A_104 = arith.constant 0 : i32
      %dma_wait3A_105 = tpu.memref_slice %arg2[%dma_wait3A_103, %dma_wait3A_104] : memref<10000x128xf32, #tpu.memory_space<hbm>> -> memref<10000x128xf32, #tpu.memory_space<hbm>>
      tpu.wait_indirect_dma semaphore(%arg17 : memref<!tpu.dma_semaphore, #tpu.memory_space<semaphore_mem>>) src(%dma_wait3A_105 : memref<10000x128xf32, #tpu.memory_space<hbm>>) dst(%dma_wait3A_99 : memref<64x128xf32, #tpu.memory_space<vmem>>)
      %dma_wait3A_106 = arith.constant 0 : i32
      %dma_wait3A_107 = arith.constant 64 : i32
      %dma_wait3A_108 = arith.constant 0 : i32
      %dma_wait3A_109 = tpu.memref_slice %arg11[%dma_wait3A_107, %dma_wait3A_108] : memref<128x128xf32, #tpu.memory_space<vmem>> -> memref<64x128xf32, #tpu.memory_space<vmem>>
      %dma_wait3A_110 = arith.constant 64 : i32
      %dma_wait3A_111 = tpu.memref_slice %arg7[%dma_wait3A_106, %dma_wait3A_110] : memref<4x128xi32, #tpu.memory_space<vmem>> -> memref<1x64xi32, #tpu.memory_space<vmem>>
      %dma_wait3A_112 = tpu.memref_squeeze %dma_wait3A_111 : memref<1x64xi32, #tpu.memory_space<vmem>> -> memref<64xi32, #tpu.memory_space<vmem>>
      %dma_wait3A_113 = arith.constant 0 : i32
      %dma_wait3A_114 = arith.constant 0 : i32
      %dma_wait3A_115 = tpu.memref_slice %arg2[%dma_wait3A_113, %dma_wait3A_114] : memref<10000x128xf32, #tpu.memory_space<hbm>> -> memref<10000x128xf32, #tpu.memory_space<hbm>>
      tpu.wait_indirect_dma semaphore(%arg19 : memref<!tpu.dma_semaphore, #tpu.memory_space<semaphore_mem>>) src(%dma_wait3A_115 : memref<10000x128xf32, #tpu.memory_space<hbm>>) dst(%dma_wait3A_109 : memref<64x128xf32, #tpu.memory_space<vmem>>)
      %run_scoped3A = arith.constant 0 : i32
      "tpu.region"() ({
        %run_scoped3A_414 = tpu.sem_alloc : memref<!tpu.dma_semaphore, #tpu.memory_space<semaphore_mem>>
        %dma_start3A_415 = arith.constant 0 : i32
        %dma_start3A_416 = tpu.memref_slice %arg9[%run_scoped3A, %dma_start3A_415] : memref<4x128xi32, #tpu.memory_space<vmem>> -> memref<1x128xi32, #tpu.memory_space<vmem>>
        %dma_start3A_417 = tpu.memref_squeeze %dma_start3A_416 : memref<1x128xi32, #tpu.memory_space<vmem>> -> memref<128xi32, #tpu.memory_space<vmem>>
        %dma_start3A_418 = arith.constant 0 : i32
        %dma_start3A_419 = arith.constant 0 : i32
        %dma_start3A_420 = tpu.memref_slice %arg21[%dma_start3A_418, %dma_start3A_419] : memref<10016x128xf32, #tpu.memory_space<vmem_shared>> -> memref<10016x128xf32, #tpu.memory_space<vmem_shared>>
        tpu.enqueue_indirect_dma source(%arg11 : memref<128x128xf32, #tpu.memory_space<vmem>>) target(%dma_start3A_420 : memref<10016x128xf32, #tpu.memory_space<vmem_shared>>) offsets(%dma_start3A_417 : memref<128xi32, #tpu.memory_space<vmem>>) semaphore(%run_scoped3A_414 : memref<!tpu.dma_semaphore, #tpu.memory_space<semaphore_mem>>) {add = true}
        %dma_wait3A_421 = arith.constant 0 : i32
        %dma_wait3A_422 = tpu.memref_slice %arg9[%run_scoped3A, %dma_wait3A_421] : memref<4x128xi32, #tpu.memory_space<vmem>> -> memref<1x128xi32, #tpu.memory_space<vmem>>
        %dma_wait3A_423 = tpu.memref_squeeze %dma_wait3A_422 : memref<1x128xi32, #tpu.memory_space<vmem>> -> memref<128xi32, #tpu.memory_space<vmem>>
        %dma_wait3A_424 = arith.constant 0 : i32
        %dma_wait3A_425 = arith.constant 0 : i32
        %dma_wait3A_426 = tpu.memref_slice %arg21[%dma_wait3A_424, %dma_wait3A_425] : memref<10016x128xf32, #tpu.memory_space<vmem_shared>> -> memref<10016x128xf32, #tpu.memory_space<vmem_shared>>
        tpu.wait_indirect_dma semaphore(%run_scoped3A_414 : memref<!tpu.dma_semaphore, #tpu.memory_space<semaphore_mem>>) src(%arg11 : memref<128x128xf32, #tpu.memory_space<vmem>>) dst(%dma_wait3A_426 : memref<10016x128xf32, #tpu.memory_space<vmem_shared>>)
        tpu.yield
      }) : () -> ()
      %dma_start3A_116 = arith.constant 1 : i32
      %dma_start3A_117 = arith.constant 0 : i32
      %dma_start3A_118 = arith.constant 0 : i32
      %dma_start3A_119 = tpu.memref_slice %arg12[%dma_start3A_117, %dma_start3A_118] : memref<128x128xf32, #tpu.memory_space<vmem>> -> memref<64x128xf32, #tpu.memory_space<vmem>>
      %dma_start3A_120 = arith.constant 0 : i32
      %dma_start3A_121 = tpu.memref_slice %arg7[%dma_start3A_116, %dma_start3A_120] : memref<4x128xi32, #tpu.memory_space<vmem>> -> memref<1x64xi32, #tpu.memory_space<vmem>>
      %dma_start3A_122 = tpu.memref_squeeze %dma_start3A_121 : memref<1x64xi32, #tpu.memory_space<vmem>> -> memref<64xi32, #tpu.memory_space<vmem>>
      %dma_start3A_123 = arith.constant 0 : i32
      %dma_start3A_124 = arith.constant 0 : i32
      %dma_start3A_125 = tpu.memref_slice %arg2[%dma_start3A_123, %dma_start3A_124] : memref<10000x128xf32, #tpu.memory_space<hbm>> -> memref<10000x128xf32, #tpu.memory_space<hbm>>
      tpu.enqueue_indirect_dma source(%dma_start3A_125 : memref<10000x128xf32, #tpu.memory_space<hbm>>) target(%dma_start3A_119 : memref<64x128xf32, #tpu.memory_space<vmem>>) offsets(%dma_start3A_122 : memref<64xi32, #tpu.memory_space<vmem>>) semaphore(%arg18 : memref<!tpu.dma_semaphore, #tpu.memory_space<semaphore_mem>>)
      %dma_start3A_126 = arith.constant 1 : i32
      %dma_start3A_127 = arith.constant 64 : i32
      %dma_start3A_128 = arith.constant 0 : i32
      %dma_start3A_129 = tpu.memref_slice %arg12[%dma_start3A_127, %dma_start3A_128] : memref<128x128xf32, #tpu.memory_space<vmem>> -> memref<64x128xf32, #tpu.memory_space<vmem>>
      %dma_start3A_130 = arith.constant 64 : i32
      %dma_start3A_131 = tpu.memref_slice %arg7[%dma_start3A_126, %dma_start3A_130] : memref<4x128xi32, #tpu.memory_space<vmem>> -> memref<1x64xi32, #tpu.memory_space<vmem>>
      %dma_start3A_132 = tpu.memref_squeeze %dma_start3A_131 : memref<1x64xi32, #tpu.memory_space<vmem>> -> memref<64xi32, #tpu.memory_space<vmem>>
      %dma_start3A_133 = arith.constant 0 : i32
      %dma_start3A_134 = arith.constant 0 : i32
      %dma_start3A_135 = tpu.memref_slice %arg2[%dma_start3A_133, %dma_start3A_134] : memref<10000x128xf32, #tpu.memory_space<hbm>> -> memref<10000x128xf32, #tpu.memory_space<hbm>>
      tpu.enqueue_indirect_dma source(%dma_start3A_135 : memref<10000x128xf32, #tpu.memory_space<hbm>>) target(%dma_start3A_129 : memref<64x128xf32, #tpu.memory_space<vmem>>) offsets(%dma_start3A_132 : memref<64xi32, #tpu.memory_space<vmem>>) semaphore(%arg20 : memref<!tpu.dma_semaphore, #tpu.memory_space<semaphore_mem>>)
      %dma_wait3A_136 = arith.constant 0 : i32
      %dma_wait3A_137 = arith.constant 0 : i32
      %dma_wait3A_138 = arith.constant 0 : i32
      %dma_wait3A_139 = tpu.memref_slice %arg12[%dma_wait3A_137, %dma_wait3A_138] : memref<128x128xf32, #tpu.memory_space<vmem>> -> memref<64x128xf32, #tpu.memory_space<vmem>>
      %dma_wait3A_140 = arith.constant 0 : i32
      %dma_wait3A_141 = tpu.memref_slice %arg7[%dma_wait3A_136, %dma_wait3A_140] : memref<4x128xi32, #tpu.memory_space<vmem>> -> memref<1x64xi32, #tpu.memory_space<vmem>>
      %dma_wait3A_142 = tpu.memref_squeeze %dma_wait3A_141 : memref<1x64xi32, #tpu.memory_space<vmem>> -> memref<64xi32, #tpu.memory_space<vmem>>
      %dma_wait3A_143 = arith.constant 0 : i32
      %dma_wait3A_144 = arith.constant 0 : i32
      %dma_wait3A_145 = tpu.memref_slice %arg2[%dma_wait3A_143, %dma_wait3A_144] : memref<10000x128xf32, #tpu.memory_space<hbm>> -> memref<10000x128xf32, #tpu.memory_space<hbm>>
      tpu.wait_indirect_dma semaphore(%arg18 : memref<!tpu.dma_semaphore, #tpu.memory_space<semaphore_mem>>) src(%dma_wait3A_145 : memref<10000x128xf32, #tpu.memory_space<hbm>>) dst(%dma_wait3A_139 : memref<64x128xf32, #tpu.memory_space<vmem>>)
      %dma_wait3A_146 = arith.constant 0 : i32
      %dma_wait3A_147 = arith.constant 64 : i32
      %dma_wait3A_148 = arith.constant 0 : i32
      %dma_wait3A_149 = tpu.memref_slice %arg12[%dma_wait3A_147, %dma_wait3A_148] : memref<128x128xf32, #tpu.memory_space<vmem>> -> memref<64x128xf32, #tpu.memory_space<vmem>>
      %dma_wait3A_150 = arith.constant 64 : i32
      %dma_wait3A_151 = tpu.memref_slice %arg7[%dma_wait3A_146, %dma_wait3A_150] : memref<4x128xi32, #tpu.memory_space<vmem>> -> memref<1x64xi32, #tpu.memory_space<vmem>>
      %dma_wait3A_152 = tpu.memref_squeeze %dma_wait3A_151 : memref<1x64xi32, #tpu.memory_space<vmem>> -> memref<64xi32, #tpu.memory_space<vmem>>
      %dma_wait3A_153 = arith.constant 0 : i32
      %dma_wait3A_154 = arith.constant 0 : i32
      %dma_wait3A_155 = tpu.memref_slice %arg2[%dma_wait3A_153, %dma_wait3A_154] : memref<10000x128xf32, #tpu.memory_space<hbm>> -> memref<10000x128xf32, #tpu.memory_space<hbm>>
      tpu.wait_indirect_dma semaphore(%arg20 : memref<!tpu.dma_semaphore, #tpu.memory_space<semaphore_mem>>) src(%dma_wait3A_155 : memref<10000x128xf32, #tpu.memory_space<hbm>>) dst(%dma_wait3A_149 : memref<64x128xf32, #tpu.memory_space<vmem>>)
      %run_scoped3A_156 = arith.constant 1 : i32
      "tpu.region"() ({
        %run_scoped3A_414 = tpu.sem_alloc : memref<!tpu.dma_semaphore, #tpu.memory_space<semaphore_mem>>
        %dma_start3A_415 = arith.constant 0 : i32
        %dma_start3A_416 = tpu.memref_slice %arg9[%run_scoped3A_156, %dma_start3A_415] : memref<4x128xi32, #tpu.memory_space<vmem>> -> memref<1x128xi32, #tpu.memory_space<vmem>>
        %dma_start3A_417 = tpu.memref_squeeze %dma_start3A_416 : memref<1x128xi32, #tpu.memory_space<vmem>> -> memref<128xi32, #tpu.memory_space<vmem>>
        %dma_start3A_418 = arith.constant 0 : i32
        %dma_start3A_419 = arith.constant 0 : i32
        %dma_start3A_420 = tpu.memref_slice %arg21[%dma_start3A_418, %dma_start3A_419] : memref<10016x128xf32, #tpu.memory_space<vmem_shared>> -> memref<10016x128xf32, #tpu.memory_space<vmem_shared>>
        tpu.enqueue_indirect_dma source(%arg12 : memref<128x128xf32, #tpu.memory_space<vmem>>) target(%dma_start3A_420 : memref<10016x128xf32, #tpu.memory_space<vmem_shared>>) offsets(%dma_start3A_417 : memref<128xi32, #tpu.memory_space<vmem>>) semaphore(%run_scoped3A_414 : memref<!tpu.dma_semaphore, #tpu.memory_space<semaphore_mem>>) {add = true}
        %dma_wait3A_421 = arith.constant 0 : i32
        %dma_wait3A_422 = tpu.memref_slice %arg9[%run_scoped3A_156, %dma_wait3A_421] : memref<4x128xi32, #tpu.memory_space<vmem>> -> memref<1x128xi32, #tpu.memory_space<vmem>>
        %dma_wait3A_423 = tpu.memref_squeeze %dma_wait3A_422 : memref<1x128xi32, #tpu.memory_space<vmem>> -> memref<128xi32, #tpu.memory_space<vmem>>
        %dma_wait3A_424 = arith.constant 0 : i32
        %dma_wait3A_425 = arith.constant 0 : i32
        %dma_wait3A_426 = tpu.memref_slice %arg21[%dma_wait3A_424, %dma_wait3A_425] : memref<10016x128xf32, #tpu.memory_space<vmem_shared>> -> memref<10016x128xf32, #tpu.memory_space<vmem_shared>>
        tpu.wait_indirect_dma semaphore(%run_scoped3A_414 : memref<!tpu.dma_semaphore, #tpu.memory_space<semaphore_mem>>) src(%arg12 : memref<128x128xf32, #tpu.memory_space<vmem>>) dst(%dma_wait3A_426 : memref<10016x128xf32, #tpu.memory_space<vmem_shared>>)
        tpu.yield
      }) : () -> ()
      %dma_start3A_157 = arith.constant 2 : i32
      %dma_start3A_158 = arith.constant 0 : i32
      %dma_start3A_159 = arith.constant 0 : i32
      %dma_start3A_160 = tpu.memref_slice %arg11[%dma_start3A_158, %dma_start3A_159] : memref<128x128xf32, #tpu.memory_space<vmem>> -> memref<64x128xf32, #tpu.memory_space<vmem>>
      %dma_start3A_161 = arith.constant 0 : i32
      %dma_start3A_162 = tpu.memref_slice %arg7[%dma_start3A_157, %dma_start3A_161] : memref<4x128xi32, #tpu.memory_space<vmem>> -> memref<1x64xi32, #tpu.memory_space<vmem>>
      %dma_start3A_163 = tpu.memref_squeeze %dma_start3A_162 : memref<1x64xi32, #tpu.memory_space<vmem>> -> memref<64xi32, #tpu.memory_space<vmem>>
      %dma_start3A_164 = arith.constant 0 : i32
      %dma_start3A_165 = arith.constant 0 : i32
      %dma_start3A_166 = tpu.memref_slice %arg2[%dma_start3A_164, %dma_start3A_165] : memref<10000x128xf32, #tpu.memory_space<hbm>> -> memref<10000x128xf32, #tpu.memory_space<hbm>>
      tpu.enqueue_indirect_dma source(%dma_start3A_166 : memref<10000x128xf32, #tpu.memory_space<hbm>>) target(%dma_start3A_160 : memref<64x128xf32, #tpu.memory_space<vmem>>) offsets(%dma_start3A_163 : memref<64xi32, #tpu.memory_space<vmem>>) semaphore(%arg17 : memref<!tpu.dma_semaphore, #tpu.memory_space<semaphore_mem>>)
      %dma_start3A_167 = arith.constant 2 : i32
      %dma_start3A_168 = arith.constant 64 : i32
      %dma_start3A_169 = arith.constant 0 : i32
      %dma_start3A_170 = tpu.memref_slice %arg11[%dma_start3A_168, %dma_start3A_169] : memref<128x128xf32, #tpu.memory_space<vmem>> -> memref<64x128xf32, #tpu.memory_space<vmem>>
      %dma_start3A_171 = arith.constant 64 : i32
      %dma_start3A_172 = tpu.memref_slice %arg7[%dma_start3A_167, %dma_start3A_171] : memref<4x128xi32, #tpu.memory_space<vmem>> -> memref<1x64xi32, #tpu.memory_space<vmem>>
      %dma_start3A_173 = tpu.memref_squeeze %dma_start3A_172 : memref<1x64xi32, #tpu.memory_space<vmem>> -> memref<64xi32, #tpu.memory_space<vmem>>
      %dma_start3A_174 = arith.constant 0 : i32
      %dma_start3A_175 = arith.constant 0 : i32
      %dma_start3A_176 = tpu.memref_slice %arg2[%dma_start3A_174, %dma_start3A_175] : memref<10000x128xf32, #tpu.memory_space<hbm>> -> memref<10000x128xf32, #tpu.memory_space<hbm>>
      tpu.enqueue_indirect_dma source(%dma_start3A_176 : memref<10000x128xf32, #tpu.memory_space<hbm>>) target(%dma_start3A_170 : memref<64x128xf32, #tpu.memory_space<vmem>>) offsets(%dma_start3A_173 : memref<64xi32, #tpu.memory_space<vmem>>) semaphore(%arg19 : memref<!tpu.dma_semaphore, #tpu.memory_space<semaphore_mem>>)
      %dma_wait3A_177 = arith.constant 0 : i32
      %dma_wait3A_178 = arith.constant 0 : i32
      %dma_wait3A_179 = arith.constant 0 : i32
      %dma_wait3A_180 = tpu.memref_slice %arg11[%dma_wait3A_178, %dma_wait3A_179] : memref<128x128xf32, #tpu.memory_space<vmem>> -> memref<64x128xf32, #tpu.memory_space<vmem>>
      %dma_wait3A_181 = arith.constant 0 : i32
      %dma_wait3A_182 = tpu.memref_slice %arg7[%dma_wait3A_177, %dma_wait3A_181] : memref<4x128xi32, #tpu.memory_space<vmem>> -> memref<1x64xi32, #tpu.memory_space<vmem>>
      %dma_wait3A_183 = tpu.memref_squeeze %dma_wait3A_182 : memref<1x64xi32, #tpu.memory_space<vmem>> -> memref<64xi32, #tpu.memory_space<vmem>>
      %dma_wait3A_184 = arith.constant 0 : i32
      %dma_wait3A_185 = arith.constant 0 : i32
      %dma_wait3A_186 = tpu.memref_slice %arg2[%dma_wait3A_184, %dma_wait3A_185] : memref<10000x128xf32, #tpu.memory_space<hbm>> -> memref<10000x128xf32, #tpu.memory_space<hbm>>
      tpu.wait_indirect_dma semaphore(%arg17 : memref<!tpu.dma_semaphore, #tpu.memory_space<semaphore_mem>>) src(%dma_wait3A_186 : memref<10000x128xf32, #tpu.memory_space<hbm>>) dst(%dma_wait3A_180 : memref<64x128xf32, #tpu.memory_space<vmem>>)
      %dma_wait3A_187 = arith.constant 0 : i32
      %dma_wait3A_188 = arith.constant 64 : i32
      %dma_wait3A_189 = arith.constant 0 : i32
      %dma_wait3A_190 = tpu.memref_slice %arg11[%dma_wait3A_188, %dma_wait3A_189] : memref<128x128xf32, #tpu.memory_space<vmem>> -> memref<64x128xf32, #tpu.memory_space<vmem>>
      %dma_wait3A_191 = arith.constant 64 : i32
      %dma_wait3A_192 = tpu.memref_slice %arg7[%dma_wait3A_187, %dma_wait3A_191] : memref<4x128xi32, #tpu.memory_space<vmem>> -> memref<1x64xi32, #tpu.memory_space<vmem>>
      %dma_wait3A_193 = tpu.memref_squeeze %dma_wait3A_192 : memref<1x64xi32, #tpu.memory_space<vmem>> -> memref<64xi32, #tpu.memory_space<vmem>>
      %dma_wait3A_194 = arith.constant 0 : i32
      %dma_wait3A_195 = arith.constant 0 : i32
      %dma_wait3A_196 = tpu.memref_slice %arg2[%dma_wait3A_194, %dma_wait3A_195] : memref<10000x128xf32, #tpu.memory_space<hbm>> -> memref<10000x128xf32, #tpu.memory_space<hbm>>
      tpu.wait_indirect_dma semaphore(%arg19 : memref<!tpu.dma_semaphore, #tpu.memory_space<semaphore_mem>>) src(%dma_wait3A_196 : memref<10000x128xf32, #tpu.memory_space<hbm>>) dst(%dma_wait3A_190 : memref<64x128xf32, #tpu.memory_space<vmem>>)
      %run_scoped3A_197 = arith.constant 2 : i32
      "tpu.region"() ({
        %run_scoped3A_414 = tpu.sem_alloc : memref<!tpu.dma_semaphore, #tpu.memory_space<semaphore_mem>>
        %dma_start3A_415 = arith.constant 0 : i32
        %dma_start3A_416 = tpu.memref_slice %arg9[%run_scoped3A_197, %dma_start3A_415] : memref<4x128xi32, #tpu.memory_space<vmem>> -> memref<1x128xi32, #tpu.memory_space<vmem>>
        %dma_start3A_417 = tpu.memref_squeeze %dma_start3A_416 : memref<1x128xi32, #tpu.memory_space<vmem>> -> memref<128xi32, #tpu.memory_space<vmem>>
        %dma_start3A_418 = arith.constant 0 : i32
        %dma_start3A_419 = arith.constant 0 : i32
        %dma_start3A_420 = tpu.memref_slice %arg21[%dma_start3A_418, %dma_start3A_419] : memref<10016x128xf32, #tpu.memory_space<vmem_shared>> -> memref<10016x128xf32, #tpu.memory_space<vmem_shared>>
        tpu.enqueue_indirect_dma source(%arg11 : memref<128x128xf32, #tpu.memory_space<vmem>>) target(%dma_start3A_420 : memref<10016x128xf32, #tpu.memory_space<vmem_shared>>) offsets(%dma_start3A_417 : memref<128xi32, #tpu.memory_space<vmem>>) semaphore(%run_scoped3A_414 : memref<!tpu.dma_semaphore, #tpu.memory_space<semaphore_mem>>) {add = true}
        %dma_wait3A_421 = arith.constant 0 : i32
        %dma_wait3A_422 = tpu.memref_slice %arg9[%run_scoped3A_197, %dma_wait3A_421] : memref<4x128xi32, #tpu.memory_space<vmem>> -> memref<1x128xi32, #tpu.memory_space<vmem>>
        %dma_wait3A_423 = tpu.memref_squeeze %dma_wait3A_422 : memref<1x128xi32, #tpu.memory_space<vmem>> -> memref<128xi32, #tpu.memory_space<vmem>>
        %dma_wait3A_424 = arith.constant 0 : i32
        %dma_wait3A_425 = arith.constant 0 : i32
        %dma_wait3A_426 = tpu.memref_slice %arg21[%dma_wait3A_424, %dma_wait3A_425] : memref<10016x128xf32, #tpu.memory_space<vmem_shared>> -> memref<10016x128xf32, #tpu.memory_space<vmem_shared>>
        tpu.wait_indirect_dma semaphore(%run_scoped3A_414 : memref<!tpu.dma_semaphore, #tpu.memory_space<semaphore_mem>>) src(%arg11 : memref<128x128xf32, #tpu.memory_space<vmem>>) dst(%dma_wait3A_426 : memref<10016x128xf32, #tpu.memory_space<vmem_shared>>)
        tpu.yield
      }) : () -> ()
      %dma_start3A_198 = arith.constant 3 : i32
      %dma_start3A_199 = arith.constant 0 : i32
      %dma_start3A_200 = arith.constant 0 : i32
      %dma_start3A_201 = tpu.memref_slice %arg12[%dma_start3A_199, %dma_start3A_200] : memref<128x128xf32, #tpu.memory_space<vmem>> -> memref<64x128xf32, #tpu.memory_space<vmem>>
      %dma_start3A_202 = arith.constant 0 : i32
      %dma_start3A_203 = tpu.memref_slice %arg7[%dma_start3A_198, %dma_start3A_202] : memref<4x128xi32, #tpu.memory_space<vmem>> -> memref<1x64xi32, #tpu.memory_space<vmem>>
      %dma_start3A_204 = tpu.memref_squeeze %dma_start3A_203 : memref<1x64xi32, #tpu.memory_space<vmem>> -> memref<64xi32, #tpu.memory_space<vmem>>
      %dma_start3A_205 = arith.constant 0 : i32
      %dma_start3A_206 = arith.constant 0 : i32
      %dma_start3A_207 = tpu.memref_slice %arg2[%dma_start3A_205, %dma_start3A_206] : memref<10000x128xf32, #tpu.memory_space<hbm>> -> memref<10000x128xf32, #tpu.memory_space<hbm>>
      tpu.enqueue_indirect_dma source(%dma_start3A_207 : memref<10000x128xf32, #tpu.memory_space<hbm>>) target(%dma_start3A_201 : memref<64x128xf32, #tpu.memory_space<vmem>>) offsets(%dma_start3A_204 : memref<64xi32, #tpu.memory_space<vmem>>) semaphore(%arg18 : memref<!tpu.dma_semaphore, #tpu.memory_space<semaphore_mem>>)
      %dma_start3A_208 = arith.constant 3 : i32
      %dma_start3A_209 = arith.constant 64 : i32
      %dma_start3A_210 = arith.constant 0 : i32
      %dma_start3A_211 = tpu.memref_slice %arg12[%dma_start3A_209, %dma_start3A_210] : memref<128x128xf32, #tpu.memory_space<vmem>> -> memref<64x128xf32, #tpu.memory_space<vmem>>
      %dma_start3A_212 = arith.constant 64 : i32
      %dma_start3A_213 = tpu.memref_slice %arg7[%dma_start3A_208, %dma_start3A_212] : memref<4x128xi32, #tpu.memory_space<vmem>> -> memref<1x64xi32, #tpu.memory_space<vmem>>
      %dma_start3A_214 = tpu.memref_squeeze %dma_start3A_213 : memref<1x64xi32, #tpu.memory_space<vmem>> -> memref<64xi32, #tpu.memory_space<vmem>>
      %dma_start3A_215 = arith.constant 0 : i32
      %dma_start3A_216 = arith.constant 0 : i32
      %dma_start3A_217 = tpu.memref_slice %arg2[%dma_start3A_215, %dma_start3A_216] : memref<10000x128xf32, #tpu.memory_space<hbm>> -> memref<10000x128xf32, #tpu.memory_space<hbm>>
      tpu.enqueue_indirect_dma source(%dma_start3A_217 : memref<10000x128xf32, #tpu.memory_space<hbm>>) target(%dma_start3A_211 : memref<64x128xf32, #tpu.memory_space<vmem>>) offsets(%dma_start3A_214 : memref<64xi32, #tpu.memory_space<vmem>>) semaphore(%arg20 : memref<!tpu.dma_semaphore, #tpu.memory_space<semaphore_mem>>)
      %dma_wait3A_218 = arith.constant 0 : i32
      %dma_wait3A_219 = arith.constant 0 : i32
      %dma_wait3A_220 = arith.constant 0 : i32
      %dma_wait3A_221 = tpu.memref_slice %arg12[%dma_wait3A_219, %dma_wait3A_220] : memref<128x128xf32, #tpu.memory_space<vmem>> -> memref<64x128xf32, #tpu.memory_space<vmem>>
      %dma_wait3A_222 = arith.constant 0 : i32
      %dma_wait3A_223 = tpu.memref_slice %arg7[%dma_wait3A_218, %dma_wait3A_222] : memref<4x128xi32, #tpu.memory_space<vmem>> -> memref<1x64xi32, #tpu.memory_space<vmem>>
      %dma_wait3A_224 = tpu.memref_squeeze %dma_wait3A_223 : memref<1x64xi32, #tpu.memory_space<vmem>> -> memref<64xi32, #tpu.memory_space<vmem>>
      %dma_wait3A_225 = arith.constant 0 : i32
      %dma_wait3A_226 = arith.constant 0 : i32
      %dma_wait3A_227 = tpu.memref_slice %arg2[%dma_wait3A_225, %dma_wait3A_226] : memref<10000x128xf32, #tpu.memory_space<hbm>> -> memref<10000x128xf32, #tpu.memory_space<hbm>>
      tpu.wait_indirect_dma semaphore(%arg18 : memref<!tpu.dma_semaphore, #tpu.memory_space<semaphore_mem>>) src(%dma_wait3A_227 : memref<10000x128xf32, #tpu.memory_space<hbm>>) dst(%dma_wait3A_221 : memref<64x128xf32, #tpu.memory_space<vmem>>)
      %dma_wait3A_228 = arith.constant 0 : i32
      %dma_wait3A_229 = arith.constant 64 : i32
      %dma_wait3A_230 = arith.constant 0 : i32
      %dma_wait3A_231 = tpu.memref_slice %arg12[%dma_wait3A_229, %dma_wait3A_230] : memref<128x128xf32, #tpu.memory_space<vmem>> -> memref<64x128xf32, #tpu.memory_space<vmem>>
      %dma_wait3A_232 = arith.constant 64 : i32
      %dma_wait3A_233 = tpu.memref_slice %arg7[%dma_wait3A_228, %dma_wait3A_232] : memref<4x128xi32, #tpu.memory_space<vmem>> -> memref<1x64xi32, #tpu.memory_space<vmem>>
      %dma_wait3A_234 = tpu.memref_squeeze %dma_wait3A_233 : memref<1x64xi32, #tpu.memory_space<vmem>> -> memref<64xi32, #tpu.memory_space<vmem>>
      %dma_wait3A_235 = arith.constant 0 : i32
      %dma_wait3A_236 = arith.constant 0 : i32
      %dma_wait3A_237 = tpu.memref_slice %arg2[%dma_wait3A_235, %dma_wait3A_236] : memref<10000x128xf32, #tpu.memory_space<hbm>> -> memref<10000x128xf32, #tpu.memory_space<hbm>>
      tpu.wait_indirect_dma semaphore(%arg20 : memref<!tpu.dma_semaphore, #tpu.memory_space<semaphore_mem>>) src(%dma_wait3A_237 : memref<10000x128xf32, #tpu.memory_space<hbm>>) dst(%dma_wait3A_231 : memref<64x128xf32, #tpu.memory_space<vmem>>)
      %run_scoped3A_238 = arith.constant 3 : i32
      "tpu.region"() ({
        %run_scoped3A_414 = tpu.sem_alloc : memref<!tpu.dma_semaphore, #tpu.memory_space<semaphore_mem>>
        %dma_start3A_415 = arith.constant 0 : i32
        %dma_start3A_416 = tpu.memref_slice %arg9[%run_scoped3A_238, %dma_start3A_415] : memref<4x128xi32, #tpu.memory_space<vmem>> -> memref<1x128xi32, #tpu.memory_space<vmem>>
        %dma_start3A_417 = tpu.memref_squeeze %dma_start3A_416 : memref<1x128xi32, #tpu.memory_space<vmem>> -> memref<128xi32, #tpu.memory_space<vmem>>
        %dma_start3A_418 = arith.constant 0 : i32
        %dma_start3A_419 = arith.constant 0 : i32
        %dma_start3A_420 = tpu.memref_slice %arg21[%dma_start3A_418, %dma_start3A_419] : memref<10016x128xf32, #tpu.memory_space<vmem_shared>> -> memref<10016x128xf32, #tpu.memory_space<vmem_shared>>
        tpu.enqueue_indirect_dma source(%arg12 : memref<128x128xf32, #tpu.memory_space<vmem>>) target(%dma_start3A_420 : memref<10016x128xf32, #tpu.memory_space<vmem_shared>>) offsets(%dma_start3A_417 : memref<128xi32, #tpu.memory_space<vmem>>) semaphore(%run_scoped3A_414 : memref<!tpu.dma_semaphore, #tpu.memory_space<semaphore_mem>>) {add = true}
        %dma_wait3A_421 = arith.constant 0 : i32
        %dma_wait3A_422 = tpu.memref_slice %arg9[%run_scoped3A_238, %dma_wait3A_421] : memref<4x128xi32, #tpu.memory_space<vmem>> -> memref<1x128xi32, #tpu.memory_space<vmem>>
        %dma_wait3A_423 = tpu.memref_squeeze %dma_wait3A_422 : memref<1x128xi32, #tpu.memory_space<vmem>> -> memref<128xi32, #tpu.memory_space<vmem>>
        %dma_wait3A_424 = arith.constant 0 : i32
        %dma_wait3A_425 = arith.constant 0 : i32
        %dma_wait3A_426 = tpu.memref_slice %arg21[%dma_wait3A_424, %dma_wait3A_425] : memref<10016x128xf32, #tpu.memory_space<vmem_shared>> -> memref<10016x128xf32, #tpu.memory_space<vmem_shared>>
        tpu.wait_indirect_dma semaphore(%run_scoped3A_414 : memref<!tpu.dma_semaphore, #tpu.memory_space<semaphore_mem>>) src(%arg12 : memref<128x128xf32, #tpu.memory_space<vmem>>) dst(%dma_wait3A_426 : memref<10016x128xf32, #tpu.memory_space<vmem_shared>>)
        tpu.yield
      }) : () -> ()
      %add3A_239 = arith.constant 1 : i32
      %add3A_240 = arith.addi %mul3A_89, %add3A_239 : i32
      %lt3A = arith.cmpi slt, %add3A_240, %select_n3A : i32
      %convert_element_type3A = arith.extui %lt3A : i1 to i32
      %cond3A = arith.constant 0 : i32
      %cond3A_241 = arith.cmpi ne, %convert_element_type3A, %cond3A : i32
      scf.if %cond3A_241 {
        %dma_wait3A_414 = arith.constant 0 : i32
        %dma_wait3A_415 = arith.constant 0 : i32
        %dma_wait3A_416 = tpu.memref_slice %arg3[%dma_wait3A_414, %dma_wait3A_415] : memref<2560x128xi32, #tpu.memory_space<hbm>> -> memref<4x128xi32, #tpu.memory_space<hbm>>
        %dma_wait3A_417 = arith.constant 0 : i32
        %dma_wait3A_418 = arith.constant 0 : i32
        %dma_wait3A_419 = tpu.memref_slice %arg3[%dma_wait3A_417, %dma_wait3A_418] : memref<2560x128xi32, #tpu.memory_space<hbm>> -> memref<4x128xi32, #tpu.memory_space<hbm>>
        tpu.wait_dma2 semaphore(%arg14 : memref<!tpu.dma_semaphore, #tpu.memory_space<semaphore_mem>>) src(%dma_wait3A_419 : memref<4x128xi32, #tpu.memory_space<hbm>>) dst(%arg8 : memref<4x128xi32, #tpu.memory_space<vmem>>)
        %dma_start3A_420 = arith.constant 0 : i32
        %dma_start3A_421 = arith.constant 0 : i32
        %dma_start3A_422 = arith.constant 0 : i32
        %dma_start3A_423 = tpu.memref_slice %arg11[%dma_start3A_421, %dma_start3A_422] : memref<128x128xf32, #tpu.memory_space<vmem>> -> memref<64x128xf32, #tpu.memory_space<vmem>>
        %dma_start3A_424 = arith.constant 0 : i32
        %dma_start3A_425 = tpu.memref_slice %arg8[%dma_start3A_420, %dma_start3A_424] : memref<4x128xi32, #tpu.memory_space<vmem>> -> memref<1x64xi32, #tpu.memory_space<vmem>>
        %dma_start3A_426 = tpu.memref_squeeze %dma_start3A_425 : memref<1x64xi32, #tpu.memory_space<vmem>> -> memref<64xi32, #tpu.memory_space<vmem>>
        %dma_start3A_427 = arith.constant 0 : i32
        %dma_start3A_428 = arith.constant 0 : i32
        %dma_start3A_429 = tpu.memref_slice %arg2[%dma_start3A_427, %dma_start3A_428] : memref<10000x128xf32, #tpu.memory_space<hbm>> -> memref<10000x128xf32, #tpu.memory_space<hbm>>
        tpu.enqueue_indirect_dma source(%dma_start3A_429 : memref<10000x128xf32, #tpu.memory_space<hbm>>) target(%dma_start3A_423 : memref<64x128xf32, #tpu.memory_space<vmem>>) offsets(%dma_start3A_426 : memref<64xi32, #tpu.memory_space<vmem>>) semaphore(%arg17 : memref<!tpu.dma_semaphore, #tpu.memory_space<semaphore_mem>>)
        %dma_start3A_430 = arith.constant 0 : i32
        %dma_start3A_431 = arith.constant 64 : i32
        %dma_start3A_432 = arith.constant 0 : i32
        %dma_start3A_433 = tpu.memref_slice %arg11[%dma_start3A_431, %dma_start3A_432] : memref<128x128xf32, #tpu.memory_space<vmem>> -> memref<64x128xf32, #tpu.memory_space<vmem>>
        %dma_start3A_434 = arith.constant 64 : i32
        %dma_start3A_435 = tpu.memref_slice %arg8[%dma_start3A_430, %dma_start3A_434] : memref<4x128xi32, #tpu.memory_space<vmem>> -> memref<1x64xi32, #tpu.memory_space<vmem>>
        %dma_start3A_436 = tpu.memref_squeeze %dma_start3A_435 : memref<1x64xi32, #tpu.memory_space<vmem>> -> memref<64xi32, #tpu.memory_space<vmem>>
        %dma_start3A_437 = arith.constant 0 : i32
        %dma_start3A_438 = arith.constant 0 : i32
        %dma_start3A_439 = tpu.memref_slice %arg2[%dma_start3A_437, %dma_start3A_438] : memref<10000x128xf32, #tpu.memory_space<hbm>> -> memref<10000x128xf32, #tpu.memory_space<hbm>>
        tpu.enqueue_indirect_dma source(%dma_start3A_439 : memref<10000x128xf32, #tpu.memory_space<hbm>>) target(%dma_start3A_433 : memref<64x128xf32, #tpu.memory_space<vmem>>) offsets(%dma_start3A_436 : memref<64xi32, #tpu.memory_space<vmem>>) semaphore(%arg19 : memref<!tpu.dma_semaphore, #tpu.memory_space<semaphore_mem>>)
      } else {
      }
      %add3A_242 = arith.constant 2 : i32
      %add3A_243 = arith.addi %mul3A_89, %add3A_242 : i32
      %lt3A_244 = arith.cmpi slt, %add3A_243, %select_n3A : i32
      %convert_element_type3A_245 = arith.extui %lt3A_244 : i1 to i32
      %cond3A_246 = arith.constant 0 : i32
      %cond3A_247 = arith.cmpi ne, %convert_element_type3A_245, %cond3A_246 : i32
      scf.if %cond3A_247 {
        %add3A_414 = arith.constant 2 : i32
        %add3A_415 = arith.addi %mul3A_89, %add3A_414 : i32
        %mul3A_416 = arith.constant 4 : i32
        %mul3A_417 = arith.muli %add3A_415, %mul3A_416 : i32
        %add3A_418 = arith.addi %select_n3A_8, %mul3A_417 : i32
        %dma_start3A_419 = arith.constant 0 : i32
        %dma_start3A_420 = tpu.memref_slice %arg3[%add3A_418, %dma_start3A_419] : memref<2560x128xi32, #tpu.memory_space<hbm>> -> memref<4x128xi32, #tpu.memory_space<hbm>>
        %dma_start3A_421 = arith.constant 0 : i32
        %dma_start3A_422 = tpu.memref_slice %arg3[%add3A_418, %dma_start3A_421] : memref<2560x128xi32, #tpu.memory_space<hbm>> -> memref<4x128xi32, #tpu.memory_space<hbm>>
        tpu.enqueue_dma source(%dma_start3A_422 : memref<4x128xi32, #tpu.memory_space<hbm>>) target(%arg7 : memref<4x128xi32, #tpu.memory_space<vmem>>) target_semaphore(%arg13 : memref<!tpu.dma_semaphore, #tpu.memory_space<semaphore_mem>>)
        %dma_start3A_423 = arith.constant 0 : i32
        %dma_start3A_424 = tpu.memref_slice %arg4[%add3A_418, %dma_start3A_423] : memref<2560x128xi32, #tpu.memory_space<hbm>> -> memref<4x128xi32, #tpu.memory_space<hbm>>
        %dma_start3A_425 = arith.constant 0 : i32
        %dma_start3A_426 = tpu.memref_slice %arg4[%add3A_418, %dma_start3A_425] : memref<2560x128xi32, #tpu.memory_space<hbm>> -> memref<4x128xi32, #tpu.memory_space<hbm>>
        tpu.enqueue_dma source(%dma_start3A_426 : memref<4x128xi32, #tpu.memory_space<hbm>>) target(%arg9 : memref<4x128xi32, #tpu.memory_space<vmem>>) target_semaphore(%arg15 : memref<!tpu.dma_semaphore, #tpu.memory_space<semaphore_mem>>)
      } else {
      }
      %mul3A_248 = arith.constant 2 : i32
      %mul3A_249 = arith.muli %mul3A_248, %while3A_87 : i32
      %add3A_250 = arith.constant 1 : i32
      %add3A_251 = arith.addi %mul3A_249, %add3A_250 : i32
      %dma_wait3A_252 = arith.constant 0 : i32
      %dma_wait3A_253 = arith.constant 0 : i32
      %dma_wait3A_254 = tpu.memref_slice %arg4[%dma_wait3A_252, %dma_wait3A_253] : memref<2560x128xi32, #tpu.memory_space<hbm>> -> memref<4x128xi32, #tpu.memory_space<hbm>>
      %dma_wait3A_255 = arith.constant 0 : i32
      %dma_wait3A_256 = arith.constant 0 : i32
      %dma_wait3A_257 = tpu.memref_slice %arg4[%dma_wait3A_255, %dma_wait3A_256] : memref<2560x128xi32, #tpu.memory_space<hbm>> -> memref<4x128xi32, #tpu.memory_space<hbm>>
      tpu.wait_dma2 semaphore(%arg16 : memref<!tpu.dma_semaphore, #tpu.memory_space<semaphore_mem>>) src(%dma_wait3A_257 : memref<4x128xi32, #tpu.memory_space<hbm>>) dst(%arg10 : memref<4x128xi32, #tpu.memory_space<vmem>>)
      %dma_wait3A_258 = arith.constant 0 : i32
      %dma_wait3A_259 = arith.constant 0 : i32
      %dma_wait3A_260 = arith.constant 0 : i32
      %dma_wait3A_261 = tpu.memref_slice %arg11[%dma_wait3A_259, %dma_wait3A_260] : memref<128x128xf32, #tpu.memory_space<vmem>> -> memref<64x128xf32, #tpu.memory_space<vmem>>
      %dma_wait3A_262 = arith.constant 0 : i32
      %dma_wait3A_263 = tpu.memref_slice %arg7[%dma_wait3A_258, %dma_wait3A_262] : memref<4x128xi32, #tpu.memory_space<vmem>> -> memref<1x64xi32, #tpu.memory_space<vmem>>
      %dma_wait3A_264 = tpu.memref_squeeze %dma_wait3A_263 : memref<1x64xi32, #tpu.memory_space<vmem>> -> memref<64xi32, #tpu.memory_space<vmem>>
      %dma_wait3A_265 = arith.constant 0 : i32
      %dma_wait3A_266 = arith.constant 0 : i32
      %dma_wait3A_267 = tpu.memref_slice %arg2[%dma_wait3A_265, %dma_wait3A_266] : memref<10000x128xf32, #tpu.memory_space<hbm>> -> memref<10000x128xf32, #tpu.memory_space<hbm>>
      tpu.wait_indirect_dma semaphore(%arg17 : memref<!tpu.dma_semaphore, #tpu.memory_space<semaphore_mem>>) src(%dma_wait3A_267 : memref<10000x128xf32, #tpu.memory_space<hbm>>) dst(%dma_wait3A_261 : memref<64x128xf32, #tpu.memory_space<vmem>>)
      %dma_wait3A_268 = arith.constant 0 : i32
      %dma_wait3A_269 = arith.constant 64 : i32
      %dma_wait3A_270 = arith.constant 0 : i32
      %dma_wait3A_271 = tpu.memref_slice %arg11[%dma_wait3A_269, %dma_wait3A_270] : memref<128x128xf32, #tpu.memory_space<vmem>> -> memref<64x128xf32, #tpu.memory_space<vmem>>
      %dma_wait3A_272 = arith.constant 64 : i32
      %dma_wait3A_273 = tpu.memref_slice %arg7[%dma_wait3A_268, %dma_wait3A_272] : memref<4x128xi32, #tpu.memory_space<vmem>> -> memref<1x64xi32, #tpu.memory_space<vmem>>
      %dma_wait3A_274 = tpu.memref_squeeze %dma_wait3A_273 : memref<1x64xi32, #tpu.memory_space<vmem>> -> memref<64xi32, #tpu.memory_space<vmem>>
      %dma_wait3A_275 = arith.constant 0 : i32
      %dma_wait3A_276 = arith.constant 0 : i32
      %dma_wait3A_277 = tpu.memref_slice %arg2[%dma_wait3A_275, %dma_wait3A_276] : memref<10000x128xf32, #tpu.memory_space<hbm>> -> memref<10000x128xf32, #tpu.memory_space<hbm>>
      tpu.wait_indirect_dma semaphore(%arg19 : memref<!tpu.dma_semaphore, #tpu.memory_space<semaphore_mem>>) src(%dma_wait3A_277 : memref<10000x128xf32, #tpu.memory_space<hbm>>) dst(%dma_wait3A_271 : memref<64x128xf32, #tpu.memory_space<vmem>>)
      %run_scoped3A_278 = arith.constant 0 : i32
      "tpu.region"() ({
        %run_scoped3A_414 = tpu.sem_alloc : memref<!tpu.dma_semaphore, #tpu.memory_space<semaphore_mem>>
        %dma_start3A_415 = arith.constant 0 : i32
        %dma_start3A_416 = tpu.memref_slice %arg10[%run_scoped3A_278, %dma_start3A_415] : memref<4x128xi32, #tpu.memory_space<vmem>> -> memref<1x128xi32, #tpu.memory_space<vmem>>
        %dma_start3A_417 = tpu.memref_squeeze %dma_start3A_416 : memref<1x128xi32, #tpu.memory_space<vmem>> -> memref<128xi32, #tpu.memory_space<vmem>>
        %dma_start3A_418 = arith.constant 0 : i32
        %dma_start3A_419 = arith.constant 0 : i32
        %dma_start3A_420 = tpu.memref_slice %arg21[%dma_start3A_418, %dma_start3A_419] : memref<10016x128xf32, #tpu.memory_space<vmem_shared>> -> memref<10016x128xf32, #tpu.memory_space<vmem_shared>>
        tpu.enqueue_indirect_dma source(%arg11 : memref<128x128xf32, #tpu.memory_space<vmem>>) target(%dma_start3A_420 : memref<10016x128xf32, #tpu.memory_space<vmem_shared>>) offsets(%dma_start3A_417 : memref<128xi32, #tpu.memory_space<vmem>>) semaphore(%run_scoped3A_414 : memref<!tpu.dma_semaphore, #tpu.memory_space<semaphore_mem>>) {add = true}
        %dma_wait3A_421 = arith.constant 0 : i32
        %dma_wait3A_422 = tpu.memref_slice %arg10[%run_scoped3A_278, %dma_wait3A_421] : memref<4x128xi32, #tpu.memory_space<vmem>> -> memref<1x128xi32, #tpu.memory_space<vmem>>
        %dma_wait3A_423 = tpu.memref_squeeze %dma_wait3A_422 : memref<1x128xi32, #tpu.memory_space<vmem>> -> memref<128xi32, #tpu.memory_space<vmem>>
        %dma_wait3A_424 = arith.constant 0 : i32
        %dma_wait3A_425 = arith.constant 0 : i32
        %dma_wait3A_426 = tpu.memref_slice %arg21[%dma_wait3A_424, %dma_wait3A_425] : memref<10016x128xf32, #tpu.memory_space<vmem_shared>> -> memref<10016x128xf32, #tpu.memory_space<vmem_shared>>
        tpu.wait_indirect_dma semaphore(%run_scoped3A_414 : memref<!tpu.dma_semaphore, #tpu.memory_space<semaphore_mem>>) src(%arg11 : memref<128x128xf32, #tpu.memory_space<vmem>>) dst(%dma_wait3A_426 : memref<10016x128xf32, #tpu.memory_space<vmem_shared>>)
        tpu.yield
      }) : () -> ()
      %dma_start3A_279 = arith.constant 1 : i32
      %dma_start3A_280 = arith.constant 0 : i32
      %dma_start3A_281 = arith.constant 0 : i32
      %dma_start3A_282 = tpu.memref_slice %arg12[%dma_start3A_280, %dma_start3A_281] : memref<128x128xf32, #tpu.memory_space<vmem>> -> memref<64x128xf32, #tpu.memory_space<vmem>>
      %dma_start3A_283 = arith.constant 0 : i32
      %dma_start3A_284 = tpu.memref_slice %arg8[%dma_start3A_279, %dma_start3A_283] : memref<4x128xi32, #tpu.memory_space<vmem>> -> memref<1x64xi32, #tpu.memory_space<vmem>>
      %dma_start3A_285 = tpu.memref_squeeze %dma_start3A_284 : memref<1x64xi32, #tpu.memory_space<vmem>> -> memref<64xi32, #tpu.memory_space<vmem>>
      %dma_start3A_286 = arith.constant 0 : i32
      %dma_start3A_287 = arith.constant 0 : i32
      %dma_start3A_288 = tpu.memref_slice %arg2[%dma_start3A_286, %dma_start3A_287] : memref<10000x128xf32, #tpu.memory_space<hbm>> -> memref<10000x128xf32, #tpu.memory_space<hbm>>
      tpu.enqueue_indirect_dma source(%dma_start3A_288 : memref<10000x128xf32, #tpu.memory_space<hbm>>) target(%dma_start3A_282 : memref<64x128xf32, #tpu.memory_space<vmem>>) offsets(%dma_start3A_285 : memref<64xi32, #tpu.memory_space<vmem>>) semaphore(%arg18 : memref<!tpu.dma_semaphore, #tpu.memory_space<semaphore_mem>>)
      %dma_start3A_289 = arith.constant 1 : i32
      %dma_start3A_290 = arith.constant 64 : i32
      %dma_start3A_291 = arith.constant 0 : i32
      %dma_start3A_292 = tpu.memref_slice %arg12[%dma_start3A_290, %dma_start3A_291] : memref<128x128xf32, #tpu.memory_space<vmem>> -> memref<64x128xf32, #tpu.memory_space<vmem>>
      %dma_start3A_293 = arith.constant 64 : i32
      %dma_start3A_294 = tpu.memref_slice %arg8[%dma_start3A_289, %dma_start3A_293] : memref<4x128xi32, #tpu.memory_space<vmem>> -> memref<1x64xi32, #tpu.memory_space<vmem>>
      %dma_start3A_295 = tpu.memref_squeeze %dma_start3A_294 : memref<1x64xi32, #tpu.memory_space<vmem>> -> memref<64xi32, #tpu.memory_space<vmem>>
      %dma_start3A_296 = arith.constant 0 : i32
      %dma_start3A_297 = arith.constant 0 : i32
      %dma_start3A_298 = tpu.memref_slice %arg2[%dma_start3A_296, %dma_start3A_297] : memref<10000x128xf32, #tpu.memory_space<hbm>> -> memref<10000x128xf32, #tpu.memory_space<hbm>>
      tpu.enqueue_indirect_dma source(%dma_start3A_298 : memref<10000x128xf32, #tpu.memory_space<hbm>>) target(%dma_start3A_292 : memref<64x128xf32, #tpu.memory_space<vmem>>) offsets(%dma_start3A_295 : memref<64xi32, #tpu.memory_space<vmem>>) semaphore(%arg20 : memref<!tpu.dma_semaphore, #tpu.memory_space<semaphore_mem>>)
      %dma_wait3A_299 = arith.constant 0 : i32
      %dma_wait3A_300 = arith.constant 0 : i32
      %dma_wait3A_301 = arith.constant 0 : i32
      %dma_wait3A_302 = tpu.memref_slice %arg12[%dma_wait3A_300, %dma_wait3A_301] : memref<128x128xf32, #tpu.memory_space<vmem>> -> memref<64x128xf32, #tpu.memory_space<vmem>>
      %dma_wait3A_303 = arith.constant 0 : i32
      %dma_wait3A_304 = tpu.memref_slice %arg7[%dma_wait3A_299, %dma_wait3A_303] : memref<4x128xi32, #tpu.memory_space<vmem>> -> memref<1x64xi32, #tpu.memory_space<vmem>>
      %dma_wait3A_305 = tpu.memref_squeeze %dma_wait3A_304 : memref<1x64xi32, #tpu.memory_space<vmem>> -> memref<64xi32, #tpu.memory_space<vmem>>
      %dma_wait3A_306 = arith.constant 0 : i32
      %dma_wait3A_307 = arith.constant 0 : i32
      %dma_wait3A_308 = tpu.memref_slice %arg2[%dma_wait3A_306, %dma_wait3A_307] : memref<10000x128xf32, #tpu.memory_space<hbm>> -> memref<10000x128xf32, #tpu.memory_space<hbm>>
      tpu.wait_indirect_dma semaphore(%arg18 : memref<!tpu.dma_semaphore, #tpu.memory_space<semaphore_mem>>) src(%dma_wait3A_308 : memref<10000x128xf32, #tpu.memory_space<hbm>>) dst(%dma_wait3A_302 : memref<64x128xf32, #tpu.memory_space<vmem>>)
      %dma_wait3A_309 = arith.constant 0 : i32
      %dma_wait3A_310 = arith.constant 64 : i32
      %dma_wait3A_311 = arith.constant 0 : i32
      %dma_wait3A_312 = tpu.memref_slice %arg12[%dma_wait3A_310, %dma_wait3A_311] : memref<128x128xf32, #tpu.memory_space<vmem>> -> memref<64x128xf32, #tpu.memory_space<vmem>>
      %dma_wait3A_313 = arith.constant 64 : i32
      %dma_wait3A_314 = tpu.memref_slice %arg7[%dma_wait3A_309, %dma_wait3A_313] : memref<4x128xi32, #tpu.memory_space<vmem>> -> memref<1x64xi32, #tpu.memory_space<vmem>>
      %dma_wait3A_315 = tpu.memref_squeeze %dma_wait3A_314 : memref<1x64xi32, #tpu.memory_space<vmem>> -> memref<64xi32, #tpu.memory_space<vmem>>
      %dma_wait3A_316 = arith.constant 0 : i32
      %dma_wait3A_317 = arith.constant 0 : i32
      %dma_wait3A_318 = tpu.memref_slice %arg2[%dma_wait3A_316, %dma_wait3A_317] : memref<10000x128xf32, #tpu.memory_space<hbm>> -> memref<10000x128xf32, #tpu.memory_space<hbm>>
      tpu.wait_indirect_dma semaphore(%arg20 : memref<!tpu.dma_semaphore, #tpu.memory_space<semaphore_mem>>) src(%dma_wait3A_318 : memref<10000x128xf32, #tpu.memory_space<hbm>>) dst(%dma_wait3A_312 : memref<64x128xf32, #tpu.memory_space<vmem>>)
      %run_scoped3A_319 = arith.constant 1 : i32
      "tpu.region"() ({
        %run_scoped3A_414 = tpu.sem_alloc : memref<!tpu.dma_semaphore, #tpu.memory_space<semaphore_mem>>
        %dma_start3A_415 = arith.constant 0 : i32
        %dma_start3A_416 = tpu.memref_slice %arg10[%run_scoped3A_319, %dma_start3A_415] : memref<4x128xi32, #tpu.memory_space<vmem>> -> memref<1x128xi32, #tpu.memory_space<vmem>>
        %dma_start3A_417 = tpu.memref_squeeze %dma_start3A_416 : memref<1x128xi32, #tpu.memory_space<vmem>> -> memref<128xi32, #tpu.memory_space<vmem>>
        %dma_start3A_418 = arith.constant 0 : i32
        %dma_start3A_419 = arith.constant 0 : i32
        %dma_start3A_420 = tpu.memref_slice %arg21[%dma_start3A_418, %dma_start3A_419] : memref<10016x128xf32, #tpu.memory_space<vmem_shared>> -> memref<10016x128xf32, #tpu.memory_space<vmem_shared>>
        tpu.enqueue_indirect_dma source(%arg12 : memref<128x128xf32, #tpu.memory_space<vmem>>) target(%dma_start3A_420 : memref<10016x128xf32, #tpu.memory_space<vmem_shared>>) offsets(%dma_start3A_417 : memref<128xi32, #tpu.memory_space<vmem>>) semaphore(%run_scoped3A_414 : memref<!tpu.dma_semaphore, #tpu.memory_space<semaphore_mem>>) {add = true}
        %dma_wait3A_421 = arith.constant 0 : i32
        %dma_wait3A_422 = tpu.memref_slice %arg10[%run_scoped3A_319, %dma_wait3A_421] : memref<4x128xi32, #tpu.memory_space<vmem>> -> memref<1x128xi32, #tpu.memory_space<vmem>>
        %dma_wait3A_423 = tpu.memref_squeeze %dma_wait3A_422 : memref<1x128xi32, #tpu.memory_space<vmem>> -> memref<128xi32, #tpu.memory_space<vmem>>
        %dma_wait3A_424 = arith.constant 0 : i32
        %dma_wait3A_425 = arith.constant 0 : i32
        %dma_wait3A_426 = tpu.memref_slice %arg21[%dma_wait3A_424, %dma_wait3A_425] : memref<10016x128xf32, #tpu.memory_space<vmem_shared>> -> memref<10016x128xf32, #tpu.memory_space<vmem_shared>>
        tpu.wait_indirect_dma semaphore(%run_scoped3A_414 : memref<!tpu.dma_semaphore, #tpu.memory_space<semaphore_mem>>) src(%arg12 : memref<128x128xf32, #tpu.memory_space<vmem>>) dst(%dma_wait3A_426 : memref<10016x128xf32, #tpu.memory_space<vmem_shared>>)
        tpu.yield
      }) : () -> ()
      %dma_start3A_320 = arith.constant 2 : i32
      %dma_start3A_321 = arith.constant 0 : i32
      %dma_start3A_322 = arith.constant 0 : i32
      %dma_start3A_323 = tpu.memref_slice %arg11[%dma_start3A_321, %dma_start3A_322] : memref<128x128xf32, #tpu.memory_space<vmem>> -> memref<64x128xf32, #tpu.memory_space<vmem>>
      %dma_start3A_324 = arith.constant 0 : i32
      %dma_start3A_325 = tpu.memref_slice %arg8[%dma_start3A_320, %dma_start3A_324] : memref<4x128xi32, #tpu.memory_space<vmem>> -> memref<1x64xi32, #tpu.memory_space<vmem>>
      %dma_start3A_326 = tpu.memref_squeeze %dma_start3A_325 : memref<1x64xi32, #tpu.memory_space<vmem>> -> memref<64xi32, #tpu.memory_space<vmem>>
      %dma_start3A_327 = arith.constant 0 : i32
      %dma_start3A_328 = arith.constant 0 : i32
      %dma_start3A_329 = tpu.memref_slice %arg2[%dma_start3A_327, %dma_start3A_328] : memref<10000x128xf32, #tpu.memory_space<hbm>> -> memref<10000x128xf32, #tpu.memory_space<hbm>>
      tpu.enqueue_indirect_dma source(%dma_start3A_329 : memref<10000x128xf32, #tpu.memory_space<hbm>>) target(%dma_start3A_323 : memref<64x128xf32, #tpu.memory_space<vmem>>) offsets(%dma_start3A_326 : memref<64xi32, #tpu.memory_space<vmem>>) semaphore(%arg17 : memref<!tpu.dma_semaphore, #tpu.memory_space<semaphore_mem>>)
      %dma_start3A_330 = arith.constant 2 : i32
      %dma_start3A_331 = arith.constant 64 : i32
      %dma_start3A_332 = arith.constant 0 : i32
      %dma_start3A_333 = tpu.memref_slice %arg11[%dma_start3A_331, %dma_start3A_332] : memref<128x128xf32, #tpu.memory_space<vmem>> -> memref<64x128xf32, #tpu.memory_space<vmem>>
      %dma_start3A_334 = arith.constant 64 : i32
      %dma_start3A_335 = tpu.memref_slice %arg8[%dma_start3A_330, %dma_start3A_334] : memref<4x128xi32, #tpu.memory_space<vmem>> -> memref<1x64xi32, #tpu.memory_space<vmem>>
      %dma_start3A_336 = tpu.memref_squeeze %dma_start3A_335 : memref<1x64xi32, #tpu.memory_space<vmem>> -> memref<64xi32, #tpu.memory_space<vmem>>
      %dma_start3A_337 = arith.constant 0 : i32
      %dma_start3A_338 = arith.constant 0 : i32
      %dma_start3A_339 = tpu.memref_slice %arg2[%dma_start3A_337, %dma_start3A_338] : memref<10000x128xf32, #tpu.memory_space<hbm>> -> memref<10000x128xf32, #tpu.memory_space<hbm>>
      tpu.enqueue_indirect_dma source(%dma_start3A_339 : memref<10000x128xf32, #tpu.memory_space<hbm>>) target(%dma_start3A_333 : memref<64x128xf32, #tpu.memory_space<vmem>>) offsets(%dma_start3A_336 : memref<64xi32, #tpu.memory_space<vmem>>) semaphore(%arg19 : memref<!tpu.dma_semaphore, #tpu.memory_space<semaphore_mem>>)
      %dma_wait3A_340 = arith.constant 0 : i32
      %dma_wait3A_341 = arith.constant 0 : i32
      %dma_wait3A_342 = arith.constant 0 : i32
      %dma_wait3A_343 = tpu.memref_slice %arg11[%dma_wait3A_341, %dma_wait3A_342] : memref<128x128xf32, #tpu.memory_space<vmem>> -> memref<64x128xf32, #tpu.memory_space<vmem>>
      %dma_wait3A_344 = arith.constant 0 : i32
      %dma_wait3A_345 = tpu.memref_slice %arg7[%dma_wait3A_340, %dma_wait3A_344] : memref<4x128xi32, #tpu.memory_space<vmem>> -> memref<1x64xi32, #tpu.memory_space<vmem>>
      %dma_wait3A_346 = tpu.memref_squeeze %dma_wait3A_345 : memref<1x64xi32, #tpu.memory_space<vmem>> -> memref<64xi32, #tpu.memory_space<vmem>>
      %dma_wait3A_347 = arith.constant 0 : i32
      %dma_wait3A_348 = arith.constant 0 : i32
      %dma_wait3A_349 = tpu.memref_slice %arg2[%dma_wait3A_347, %dma_wait3A_348] : memref<10000x128xf32, #tpu.memory_space<hbm>> -> memref<10000x128xf32, #tpu.memory_space<hbm>>
      tpu.wait_indirect_dma semaphore(%arg17 : memref<!tpu.dma_semaphore, #tpu.memory_space<semaphore_mem>>) src(%dma_wait3A_349 : memref<10000x128xf32, #tpu.memory_space<hbm>>) dst(%dma_wait3A_343 : memref<64x128xf32, #tpu.memory_space<vmem>>)
      %dma_wait3A_350 = arith.constant 0 : i32
      %dma_wait3A_351 = arith.constant 64 : i32
      %dma_wait3A_352 = arith.constant 0 : i32
      %dma_wait3A_353 = tpu.memref_slice %arg11[%dma_wait3A_351, %dma_wait3A_352] : memref<128x128xf32, #tpu.memory_space<vmem>> -> memref<64x128xf32, #tpu.memory_space<vmem>>
      %dma_wait3A_354 = arith.constant 64 : i32
      %dma_wait3A_355 = tpu.memref_slice %arg7[%dma_wait3A_350, %dma_wait3A_354] : memref<4x128xi32, #tpu.memory_space<vmem>> -> memref<1x64xi32, #tpu.memory_space<vmem>>
      %dma_wait3A_356 = tpu.memref_squeeze %dma_wait3A_355 : memref<1x64xi32, #tpu.memory_space<vmem>> -> memref<64xi32, #tpu.memory_space<vmem>>
      %dma_wait3A_357 = arith.constant 0 : i32
      %dma_wait3A_358 = arith.constant 0 : i32
      %dma_wait3A_359 = tpu.memref_slice %arg2[%dma_wait3A_357, %dma_wait3A_358] : memref<10000x128xf32, #tpu.memory_space<hbm>> -> memref<10000x128xf32, #tpu.memory_space<hbm>>
      tpu.wait_indirect_dma semaphore(%arg19 : memref<!tpu.dma_semaphore, #tpu.memory_space<semaphore_mem>>) src(%dma_wait3A_359 : memref<10000x128xf32, #tpu.memory_space<hbm>>) dst(%dma_wait3A_353 : memref<64x128xf32, #tpu.memory_space<vmem>>)
      %run_scoped3A_360 = arith.constant 2 : i32
      "tpu.region"() ({
        %run_scoped3A_414 = tpu.sem_alloc : memref<!tpu.dma_semaphore, #tpu.memory_space<semaphore_mem>>
        %dma_start3A_415 = arith.constant 0 : i32
        %dma_start3A_416 = tpu.memref_slice %arg10[%run_scoped3A_360, %dma_start3A_415] : memref<4x128xi32, #tpu.memory_space<vmem>> -> memref<1x128xi32, #tpu.memory_space<vmem>>
        %dma_start3A_417 = tpu.memref_squeeze %dma_start3A_416 : memref<1x128xi32, #tpu.memory_space<vmem>> -> memref<128xi32, #tpu.memory_space<vmem>>
        %dma_start3A_418 = arith.constant 0 : i32
        %dma_start3A_419 = arith.constant 0 : i32
        %dma_start3A_420 = tpu.memref_slice %arg21[%dma_start3A_418, %dma_start3A_419] : memref<10016x128xf32, #tpu.memory_space<vmem_shared>> -> memref<10016x128xf32, #tpu.memory_space<vmem_shared>>
        tpu.enqueue_indirect_dma source(%arg11 : memref<128x128xf32, #tpu.memory_space<vmem>>) target(%dma_start3A_420 : memref<10016x128xf32, #tpu.memory_space<vmem_shared>>) offsets(%dma_start3A_417 : memref<128xi32, #tpu.memory_space<vmem>>) semaphore(%run_scoped3A_414 : memref<!tpu.dma_semaphore, #tpu.memory_space<semaphore_mem>>) {add = true}
        %dma_wait3A_421 = arith.constant 0 : i32
        %dma_wait3A_422 = tpu.memref_slice %arg10[%run_scoped3A_360, %dma_wait3A_421] : memref<4x128xi32, #tpu.memory_space<vmem>> -> memref<1x128xi32, #tpu.memory_space<vmem>>
        %dma_wait3A_423 = tpu.memref_squeeze %dma_wait3A_422 : memref<1x128xi32, #tpu.memory_space<vmem>> -> memref<128xi32, #tpu.memory_space<vmem>>
        %dma_wait3A_424 = arith.constant 0 : i32
        %dma_wait3A_425 = arith.constant 0 : i32
        %dma_wait3A_426 = tpu.memref_slice %arg21[%dma_wait3A_424, %dma_wait3A_425] : memref<10016x128xf32, #tpu.memory_space<vmem_shared>> -> memref<10016x128xf32, #tpu.memory_space<vmem_shared>>
        tpu.wait_indirect_dma semaphore(%run_scoped3A_414 : memref<!tpu.dma_semaphore, #tpu.memory_space<semaphore_mem>>) src(%arg11 : memref<128x128xf32, #tpu.memory_space<vmem>>) dst(%dma_wait3A_426 : memref<10016x128xf32, #tpu.memory_space<vmem_shared>>)
        tpu.yield
      }) : () -> ()
      %dma_start3A_361 = arith.constant 3 : i32
      %dma_start3A_362 = arith.constant 0 : i32
      %dma_start3A_363 = arith.constant 0 : i32
      %dma_start3A_364 = tpu.memref_slice %arg12[%dma_start3A_362, %dma_start3A_363] : memref<128x128xf32, #tpu.memory_space<vmem>> -> memref<64x128xf32, #tpu.memory_space<vmem>>
      %dma_start3A_365 = arith.constant 0 : i32
      %dma_start3A_366 = tpu.memref_slice %arg8[%dma_start3A_361, %dma_start3A_365] : memref<4x128xi32, #tpu.memory_space<vmem>> -> memref<1x64xi32, #tpu.memory_space<vmem>>
      %dma_start3A_367 = tpu.memref_squeeze %dma_start3A_366 : memref<1x64xi32, #tpu.memory_space<vmem>> -> memref<64xi32, #tpu.memory_space<vmem>>
      %dma_start3A_368 = arith.constant 0 : i32
      %dma_start3A_369 = arith.constant 0 : i32
      %dma_start3A_370 = tpu.memref_slice %arg2[%dma_start3A_368, %dma_start3A_369] : memref<10000x128xf32, #tpu.memory_space<hbm>> -> memref<10000x128xf32, #tpu.memory_space<hbm>>
      tpu.enqueue_indirect_dma source(%dma_start3A_370 : memref<10000x128xf32, #tpu.memory_space<hbm>>) target(%dma_start3A_364 : memref<64x128xf32, #tpu.memory_space<vmem>>) offsets(%dma_start3A_367 : memref<64xi32, #tpu.memory_space<vmem>>) semaphore(%arg18 : memref<!tpu.dma_semaphore, #tpu.memory_space<semaphore_mem>>)
      %dma_start3A_371 = arith.constant 3 : i32
      %dma_start3A_372 = arith.constant 64 : i32
      %dma_start3A_373 = arith.constant 0 : i32
      %dma_start3A_374 = tpu.memref_slice %arg12[%dma_start3A_372, %dma_start3A_373] : memref<128x128xf32, #tpu.memory_space<vmem>> -> memref<64x128xf32, #tpu.memory_space<vmem>>
      %dma_start3A_375 = arith.constant 64 : i32
      %dma_start3A_376 = tpu.memref_slice %arg8[%dma_start3A_371, %dma_start3A_375] : memref<4x128xi32, #tpu.memory_space<vmem>> -> memref<1x64xi32, #tpu.memory_space<vmem>>
      %dma_start3A_377 = tpu.memref_squeeze %dma_start3A_376 : memref<1x64xi32, #tpu.memory_space<vmem>> -> memref<64xi32, #tpu.memory_space<vmem>>
      %dma_start3A_378 = arith.constant 0 : i32
      %dma_start3A_379 = arith.constant 0 : i32
      %dma_start3A_380 = tpu.memref_slice %arg2[%dma_start3A_378, %dma_start3A_379] : memref<10000x128xf32, #tpu.memory_space<hbm>> -> memref<10000x128xf32, #tpu.memory_space<hbm>>
      tpu.enqueue_indirect_dma source(%dma_start3A_380 : memref<10000x128xf32, #tpu.memory_space<hbm>>) target(%dma_start3A_374 : memref<64x128xf32, #tpu.memory_space<vmem>>) offsets(%dma_start3A_377 : memref<64xi32, #tpu.memory_space<vmem>>) semaphore(%arg20 : memref<!tpu.dma_semaphore, #tpu.memory_space<semaphore_mem>>)
      %dma_wait3A_381 = arith.constant 0 : i32
      %dma_wait3A_382 = arith.constant 0 : i32
      %dma_wait3A_383 = arith.constant 0 : i32
      %dma_wait3A_384 = tpu.memref_slice %arg12[%dma_wait3A_382, %dma_wait3A_383] : memref<128x128xf32, #tpu.memory_space<vmem>> -> memref<64x128xf32, #tpu.memory_space<vmem>>
      %dma_wait3A_385 = arith.constant 0 : i32
      %dma_wait3A_386 = tpu.memref_slice %arg7[%dma_wait3A_381, %dma_wait3A_385] : memref<4x128xi32, #tpu.memory_space<vmem>> -> memref<1x64xi32, #tpu.memory_space<vmem>>
      %dma_wait3A_387 = tpu.memref_squeeze %dma_wait3A_386 : memref<1x64xi32, #tpu.memory_space<vmem>> -> memref<64xi32, #tpu.memory_space<vmem>>
      %dma_wait3A_388 = arith.constant 0 : i32
      %dma_wait3A_389 = arith.constant 0 : i32
      %dma_wait3A_390 = tpu.memref_slice %arg2[%dma_wait3A_388, %dma_wait3A_389] : memref<10000x128xf32, #tpu.memory_space<hbm>> -> memref<10000x128xf32, #tpu.memory_space<hbm>>
      tpu.wait_indirect_dma semaphore(%arg18 : memref<!tpu.dma_semaphore, #tpu.memory_space<semaphore_mem>>) src(%dma_wait3A_390 : memref<10000x128xf32, #tpu.memory_space<hbm>>) dst(%dma_wait3A_384 : memref<64x128xf32, #tpu.memory_space<vmem>>)
      %dma_wait3A_391 = arith.constant 0 : i32
      %dma_wait3A_392 = arith.constant 64 : i32
      %dma_wait3A_393 = arith.constant 0 : i32
      %dma_wait3A_394 = tpu.memref_slice %arg12[%dma_wait3A_392, %dma_wait3A_393] : memref<128x128xf32, #tpu.memory_space<vmem>> -> memref<64x128xf32, #tpu.memory_space<vmem>>
      %dma_wait3A_395 = arith.constant 64 : i32
      %dma_wait3A_396 = tpu.memref_slice %arg7[%dma_wait3A_391, %dma_wait3A_395] : memref<4x128xi32, #tpu.memory_space<vmem>> -> memref<1x64xi32, #tpu.memory_space<vmem>>
      %dma_wait3A_397 = tpu.memref_squeeze %dma_wait3A_396 : memref<1x64xi32, #tpu.memory_space<vmem>> -> memref<64xi32, #tpu.memory_space<vmem>>
      %dma_wait3A_398 = arith.constant 0 : i32
      %dma_wait3A_399 = arith.constant 0 : i32
      %dma_wait3A_400 = tpu.memref_slice %arg2[%dma_wait3A_398, %dma_wait3A_399] : memref<10000x128xf32, #tpu.memory_space<hbm>> -> memref<10000x128xf32, #tpu.memory_space<hbm>>
      tpu.wait_indirect_dma semaphore(%arg20 : memref<!tpu.dma_semaphore, #tpu.memory_space<semaphore_mem>>) src(%dma_wait3A_400 : memref<10000x128xf32, #tpu.memory_space<hbm>>) dst(%dma_wait3A_394 : memref<64x128xf32, #tpu.memory_space<vmem>>)
      %run_scoped3A_401 = arith.constant 3 : i32
      "tpu.region"() ({
        %run_scoped3A_414 = tpu.sem_alloc : memref<!tpu.dma_semaphore, #tpu.memory_space<semaphore_mem>>
        %dma_start3A_415 = arith.constant 0 : i32
        %dma_start3A_416 = tpu.memref_slice %arg10[%run_scoped3A_401, %dma_start3A_415] : memref<4x128xi32, #tpu.memory_space<vmem>> -> memref<1x128xi32, #tpu.memory_space<vmem>>
        %dma_start3A_417 = tpu.memref_squeeze %dma_start3A_416 : memref<1x128xi32, #tpu.memory_space<vmem>> -> memref<128xi32, #tpu.memory_space<vmem>>
        %dma_start3A_418 = arith.constant 0 : i32
        %dma_start3A_419 = arith.constant 0 : i32
        %dma_start3A_420 = tpu.memref_slice %arg21[%dma_start3A_418, %dma_start3A_419] : memref<10016x128xf32, #tpu.memory_space<vmem_shared>> -> memref<10016x128xf32, #tpu.memory_space<vmem_shared>>
        tpu.enqueue_indirect_dma source(%arg12 : memref<128x128xf32, #tpu.memory_space<vmem>>) target(%dma_start3A_420 : memref<10016x128xf32, #tpu.memory_space<vmem_shared>>) offsets(%dma_start3A_417 : memref<128xi32, #tpu.memory_space<vmem>>) semaphore(%run_scoped3A_414 : memref<!tpu.dma_semaphore, #tpu.memory_space<semaphore_mem>>) {add = true}
        %dma_wait3A_421 = arith.constant 0 : i32
        %dma_wait3A_422 = tpu.memref_slice %arg10[%run_scoped3A_401, %dma_wait3A_421] : memref<4x128xi32, #tpu.memory_space<vmem>> -> memref<1x128xi32, #tpu.memory_space<vmem>>
        %dma_wait3A_423 = tpu.memref_squeeze %dma_wait3A_422 : memref<1x128xi32, #tpu.memory_space<vmem>> -> memref<128xi32, #tpu.memory_space<vmem>>
        %dma_wait3A_424 = arith.constant 0 : i32
        %dma_wait3A_425 = arith.constant 0 : i32
        %dma_wait3A_426 = tpu.memref_slice %arg21[%dma_wait3A_424, %dma_wait3A_425] : memref<10016x128xf32, #tpu.memory_space<vmem_shared>> -> memref<10016x128xf32, #tpu.memory_space<vmem_shared>>
        tpu.wait_indirect_dma semaphore(%run_scoped3A_414 : memref<!tpu.dma_semaphore, #tpu.memory_space<semaphore_mem>>) src(%arg12 : memref<128x128xf32, #tpu.memory_space<vmem>>) dst(%dma_wait3A_426 : memref<10016x128xf32, #tpu.memory_space<vmem_shared>>)
        tpu.yield
      }) : () -> ()
      %add3A_402 = arith.constant 1 : i32
      %add3A_403 = arith.addi %add3A_251, %add3A_402 : i32
      %lt3A_404 = arith.cmpi slt, %add3A_403, %select_n3A : i32
      %convert_element_type3A_405 = arith.extui %lt3A_404 : i1 to i32
      %cond3A_406 = arith.constant 0 : i32
      %cond3A_407 = arith.cmpi ne, %convert_element_type3A_405, %cond3A_406 : i32
      scf.if %cond3A_407 {
        %dma_wait3A_414 = arith.constant 0 : i32
        %dma_wait3A_415 = arith.constant 0 : i32
        %dma_wait3A_416 = tpu.memref_slice %arg3[%dma_wait3A_414, %dma_wait3A_415] : memref<2560x128xi32, #tpu.memory_space<hbm>> -> memref<4x128xi32, #tpu.memory_space<hbm>>
        %dma_wait3A_417 = arith.constant 0 : i32
        %dma_wait3A_418 = arith.constant 0 : i32
        %dma_wait3A_419 = tpu.memref_slice %arg3[%dma_wait3A_417, %dma_wait3A_418] : memref<2560x128xi32, #tpu.memory_space<hbm>> -> memref<4x128xi32, #tpu.memory_space<hbm>>
        tpu.wait_dma2 semaphore(%arg13 : memref<!tpu.dma_semaphore, #tpu.memory_space<semaphore_mem>>) src(%dma_wait3A_419 : memref<4x128xi32, #tpu.memory_space<hbm>>) dst(%arg7 : memref<4x128xi32, #tpu.memory_space<vmem>>)
        %dma_start3A_420 = arith.constant 0 : i32
        %dma_start3A_421 = arith.constant 0 : i32
        %dma_start3A_422 = arith.constant 0 : i32
        %dma_start3A_423 = tpu.memref_slice %arg11[%dma_start3A_421, %dma_start3A_422] : memref<128x128xf32, #tpu.memory_space<vmem>> -> memref<64x128xf32, #tpu.memory_space<vmem>>
        %dma_start3A_424 = arith.constant 0 : i32
        %dma_start3A_425 = tpu.memref_slice %arg7[%dma_start3A_420, %dma_start3A_424] : memref<4x128xi32, #tpu.memory_space<vmem>> -> memref<1x64xi32, #tpu.memory_space<vmem>>
        %dma_start3A_426 = tpu.memref_squeeze %dma_start3A_425 : memref<1x64xi32, #tpu.memory_space<vmem>> -> memref<64xi32, #tpu.memory_space<vmem>>
        %dma_start3A_427 = arith.constant 0 : i32
        %dma_start3A_428 = arith.constant 0 : i32
        %dma_start3A_429 = tpu.memref_slice %arg2[%dma_start3A_427, %dma_start3A_428] : memref<10000x128xf32, #tpu.memory_space<hbm>> -> memref<10000x128xf32, #tpu.memory_space<hbm>>
        tpu.enqueue_indirect_dma source(%dma_start3A_429 : memref<10000x128xf32, #tpu.memory_space<hbm>>) target(%dma_start3A_423 : memref<64x128xf32, #tpu.memory_space<vmem>>) offsets(%dma_start3A_426 : memref<64xi32, #tpu.memory_space<vmem>>) semaphore(%arg17 : memref<!tpu.dma_semaphore, #tpu.memory_space<semaphore_mem>>)
        %dma_start3A_430 = arith.constant 0 : i32
        %dma_start3A_431 = arith.constant 64 : i32
        %dma_start3A_432 = arith.constant 0 : i32
        %dma_start3A_433 = tpu.memref_slice %arg11[%dma_start3A_431, %dma_start3A_432] : memref<128x128xf32, #tpu.memory_space<vmem>> -> memref<64x128xf32, #tpu.memory_space<vmem>>
        %dma_start3A_434 = arith.constant 64 : i32
        %dma_start3A_435 = tpu.memref_slice %arg7[%dma_start3A_430, %dma_start3A_434] : memref<4x128xi32, #tpu.memory_space<vmem>> -> memref<1x64xi32, #tpu.memory_space<vmem>>
        %dma_start3A_436 = tpu.memref_squeeze %dma_start3A_435 : memref<1x64xi32, #tpu.memory_space<vmem>> -> memref<64xi32, #tpu.memory_space<vmem>>
        %dma_start3A_437 = arith.constant 0 : i32
        %dma_start3A_438 = arith.constant 0 : i32
        %dma_start3A_439 = tpu.memref_slice %arg2[%dma_start3A_437, %dma_start3A_438] : memref<10000x128xf32, #tpu.memory_space<hbm>> -> memref<10000x128xf32, #tpu.memory_space<hbm>>
        tpu.enqueue_indirect_dma source(%dma_start3A_439 : memref<10000x128xf32, #tpu.memory_space<hbm>>) target(%dma_start3A_433 : memref<64x128xf32, #tpu.memory_space<vmem>>) offsets(%dma_start3A_436 : memref<64xi32, #tpu.memory_space<vmem>>) semaphore(%arg19 : memref<!tpu.dma_semaphore, #tpu.memory_space<semaphore_mem>>)
      } else {
      }
      %add3A_408 = arith.constant 2 : i32
      %add3A_409 = arith.addi %add3A_251, %add3A_408 : i32
      %lt3A_410 = arith.cmpi slt, %add3A_409, %select_n3A : i32
      %convert_element_type3A_411 = arith.extui %lt3A_410 : i1 to i32
      %cond3A_412 = arith.constant 0 : i32
      %cond3A_413 = arith.cmpi ne, %convert_element_type3A_411, %cond3A_412 : i32
      scf.if %cond3A_413 {
        %add3A_414 = arith.constant 2 : i32
        %add3A_415 = arith.addi %add3A_251, %add3A_414 : i32
        %mul3A_416 = arith.constant 4 : i32
        %mul3A_417 = arith.muli %add3A_415, %mul3A_416 : i32
        %add3A_418 = arith.addi %select_n3A_8, %mul3A_417 : i32
        %dma_start3A_419 = arith.constant 0 : i32
        %dma_start3A_420 = tpu.memref_slice %arg3[%add3A_418, %dma_start3A_419] : memref<2560x128xi32, #tpu.memory_space<hbm>> -> memref<4x128xi32, #tpu.memory_space<hbm>>
        %dma_start3A_421 = arith.constant 0 : i32
        %dma_start3A_422 = tpu.memref_slice %arg3[%add3A_418, %dma_start3A_421] : memref<2560x128xi32, #tpu.memory_space<hbm>> -> memref<4x128xi32, #tpu.memory_space<hbm>>
        tpu.enqueue_dma source(%dma_start3A_422 : memref<4x128xi32, #tpu.memory_space<hbm>>) target(%arg8 : memref<4x128xi32, #tpu.memory_space<vmem>>) target_semaphore(%arg14 : memref<!tpu.dma_semaphore, #tpu.memory_space<semaphore_mem>>)
        %dma_start3A_423 = arith.constant 0 : i32
        %dma_start3A_424 = tpu.memref_slice %arg4[%add3A_418, %dma_start3A_423] : memref<2560x128xi32, #tpu.memory_space<hbm>> -> memref<4x128xi32, #tpu.memory_space<hbm>>
        %dma_start3A_425 = arith.constant 0 : i32
        %dma_start3A_426 = tpu.memref_slice %arg4[%add3A_418, %dma_start3A_425] : memref<2560x128xi32, #tpu.memory_space<hbm>> -> memref<4x128xi32, #tpu.memory_space<hbm>>
        tpu.enqueue_dma source(%dma_start3A_426 : memref<4x128xi32, #tpu.memory_space<hbm>>) target(%arg10 : memref<4x128xi32, #tpu.memory_space<vmem>>) target_semaphore(%arg16 : memref<!tpu.dma_semaphore, #tpu.memory_space<semaphore_mem>>)
      } else {
      }
    }
    %barrier3A_82 = arith.constant 0 : index
    tpu.barrier barrier_id(%barrier3A_82)
    "tpu.trace_stop"() : () -> ()
    "tpu.trace_start"() <{level = 10 : i32, message = "agg_out"}> : () -> ()
    %mul3A_83 = arith.constant 626 : i32
    %mul3A_84 = arith.muli %arg1, %mul3A_83 : i32
    %mul3A_85 = arith.constant 626 : i32
    %mul3A_86 = arith.muli %arg1, %mul3A_85 : i32
    "tpu.region"() ({
      %run_scoped3A = tpu.sem_alloc : memref<!tpu.dma_semaphore, #tpu.memory_space<semaphore_mem>>
      %dma_start3A_87 = arith.constant 0 : i32
      %dma_start3A_88 = tpu.memref_slice %arg6[%arg0, %mul3A_86, %dma_start3A_87] : memref<2x10016x128xf32, #tpu.memory_space<hbm>> -> memref<1x626x128xf32, #tpu.memory_space<hbm>>
      %dma_start3A_89 = tpu.memref_squeeze %dma_start3A_88 : memref<1x626x128xf32, #tpu.memory_space<hbm>> -> memref<626x128xf32, #tpu.memory_space<hbm>>
      %dma_start3A_90 = arith.constant 0 : i32
      %dma_start3A_91 = tpu.memref_slice %arg21[%mul3A_84, %dma_start3A_90] : memref<10016x128xf32, #tpu.memory_space<vmem_shared>> -> memref<626x128xf32, #tpu.memory_space<vmem_shared>>
      tpu.enqueue_dma source(%dma_start3A_91 : memref<626x128xf32, #tpu.memory_space<vmem_shared>>) target(%dma_start3A_89 : memref<626x128xf32, #tpu.memory_space<hbm>>) target_semaphore(%run_scoped3A : memref<!tpu.dma_semaphore, #tpu.memory_space<semaphore_mem>>)
      %dma_wait3A_92 = arith.constant 0 : i32
      %dma_wait3A_93 = tpu.memref_slice %arg6[%arg0, %mul3A_86, %dma_wait3A_92] : memref<2x10016x128xf32, #tpu.memory_space<hbm>> -> memref<1x626x128xf32, #tpu.memory_space<hbm>>
      %dma_wait3A_94 = tpu.memref_squeeze %dma_wait3A_93 : memref<1x626x128xf32, #tpu.memory_space<hbm>> -> memref<626x128xf32, #tpu.memory_space<hbm>>
      %dma_wait3A_95 = arith.constant 0 : i32
      %dma_wait3A_96 = tpu.memref_slice %arg21[%mul3A_84, %dma_wait3A_95] : memref<10016x128xf32, #tpu.memory_space<vmem_shared>> -> memref<626x128xf32, #tpu.memory_space<vmem_shared>>
      tpu.wait_dma2 semaphore(%run_scoped3A : memref<!tpu.dma_semaphore, #tpu.memory_space<semaphore_mem>>) src(%dma_wait3A_96 : memref<626x128xf32, #tpu.memory_space<vmem_shared>>) dst(%dma_wait3A_94 : memref<626x128xf32, #tpu.memory_space<hbm>>)
      tpu.yield
    }) : () -> ()
    "tpu.trace_stop"() : () -> ()
    return
  }
}

module attributes {stable_mosaic.version = 14 : i64} {
  func.func @_k1_body(%arg0: i32, %arg1: memref<400x128xf32, #tpu.memory_space<vmem>>, %arg2: memref<128x128xf32, #tpu.memory_space<vmem>>, %arg3: memref<1x128xf32, #tpu.memory_space<vmem>>, %arg4: memref<1x128xf32, #tpu.memory_space<vmem>>, %arg5: memref<1x128xf32, #tpu.memory_space<vmem>>, %arg6: memref<400x128xf32, #tpu.memory_space<vmem>>) attributes {dimension_semantics = [#tpu.dimension_semantics<arbitrary>], iteration_bounds = array<i64: 25>, scalar_prefetch = 0 : i64, scratch_operands = 0 : i64, tpu.core_type = #tpu.core_type<tc>, window_params = [{transform_indices = @transform_0, window_bounds = array<i64: 400, 128>}, {pipeline_mode = #tpu.pipeline_mode<synchronous>, transform_indices = @transform_1, window_bounds = array<i64: 128, 128>}, {pipeline_mode = #tpu.pipeline_mode<synchronous>, transform_indices = @transform_2, window_bounds = array<i64: 1, 128>}, {pipeline_mode = #tpu.pipeline_mode<synchronous>, transform_indices = @transform_3, window_bounds = array<i64: 1, 128>}, {pipeline_mode = #tpu.pipeline_mode<synchronous>, transform_indices = @transform_4, window_bounds = array<i64: 1, 128>}, {transform_indices = @transform_5, window_bounds = array<i64: 400, 128>}]} {
    %get3A = arith.constant 0 : index
    %get3A_0 = arith.constant 0 : index
    %get3A_1 = vector.load %arg1[%get3A, %get3A_0] : memref<400x128xf32, #tpu.memory_space<vmem>>, vector<400x128xf32>
    %get3A_2 = arith.constant 0 : index
    %get3A_3 = arith.constant 0 : index
    %get3A_4 = vector.load %arg2[%get3A_2, %get3A_3] : memref<128x128xf32, #tpu.memory_space<vmem>>, vector<128x128xf32>
    %dot_general3A = arith.constant dense<0.000000e+00> : vector<400x128xf32>
    %dot_general3A_5 = tpu.matmul %get3A_1, %get3A_4, %dot_general3A {dimension_numbers = #tpu.dot_dimension_numbers<[1], [1], [0], [0], [0, 0, 1, 0], [], []>, precision = #tpu.contract_precision<fp32>, transpose_lhs_hint = false} : vector<400x128xf32>, vector<128x128xf32>, vector<400x128xf32> -> vector<400x128xf32>
    %get3A_6 = arith.constant 0 : index
    %get3A_7 = arith.constant 0 : index
    %get3A_8 = vector.load %arg3[%get3A_6, %get3A_7] : memref<1x128xf32, #tpu.memory_space<vmem>>, vector<1x128xf32>
    %add3A = vector.broadcast %get3A_8 : vector<1x128xf32> to vector<400x128xf32>
    %add3A_9 = arith.addf %dot_general3A_5, %add3A : vector<400x128xf32>
    %get3A_10 = arith.constant 0 : index
    %get3A_11 = arith.constant 0 : index
    %get3A_12 = vector.load %arg4[%get3A_10, %get3A_11] : memref<1x128xf32, #tpu.memory_space<vmem>>, vector<1x128xf32>
    %mul3A = arith.constant 0.999994993 : f32
    %mul3A_13 = vector.broadcast %mul3A : f32 to vector<1x128xf32>
    %mul3A_14 = arith.mulf %get3A_12, %mul3A_13 : vector<1x128xf32>
    %mul3A_15 = vector.broadcast %mul3A_14 : vector<1x128xf32> to vector<400x128xf32>
    %mul3A_16 = arith.mulf %add3A_9, %mul3A_15 : vector<400x128xf32>
    %get3A_17 = arith.constant 0 : index
    %get3A_18 = arith.constant 0 : index
    %get3A_19 = vector.load %arg5[%get3A_17, %get3A_18] : memref<1x128xf32, #tpu.memory_space<vmem>>, vector<1x128xf32>
    %add3A_20 = vector.broadcast %get3A_19 : vector<1x128xf32> to vector<400x128xf32>
    %add3A_21 = arith.addf %mul3A_16, %add3A_20 : vector<400x128xf32>
    %max3A = arith.constant 0.000000e+00 : f32
    %max3A_22 = vector.broadcast %max3A : f32 to vector<400x128xf32>
    %max3A_23 = arith.maximumf %add3A_21, %max3A_22 : vector<400x128xf32>
    %swap3A = arith.constant 0 : index
    %swap3A_24 = arith.constant 0 : index
    %swap3A_25 = vector.load %arg6[%swap3A, %swap3A_24] : memref<400x128xf32, #tpu.memory_space<vmem>>, vector<400x128xf32>
    tpu.vector_store %arg6[%swap3A, %swap3A_24], %max3A_23 {strides = array<i32>} : memref<400x128xf32, #tpu.memory_space<vmem>>, vector<400x128xf32>,
    return
  }
  func.func @transform_0(%arg0: i32) -> (i32, i32) {
    %c0_i32 = arith.constant 0 : i32
    %c0_i32_0 = arith.constant 0 : i32
    return %arg0, %c0_i32 : i32, i32
  }
  func.func @transform_1(%arg0: i32) -> (i32, i32) {
    %c0_i32 = arith.constant 0 : i32
    %c0_i32_0 = arith.constant 0 : i32
    %c0_i32_1 = arith.constant 0 : i32
    return %c0_i32, %c0_i32_0 : i32, i32
  }
  func.func @transform_2(%arg0: i32) -> (i32, i32) {
    %c0_i32 = arith.constant 0 : i32
    %c0_i32_0 = arith.constant 0 : i32
    %c0_i32_1 = arith.constant 0 : i32
    return %c0_i32, %c0_i32_0 : i32, i32
  }
  func.func @transform_3(%arg0: i32) -> (i32, i32) {
    %c0_i32 = arith.constant 0 : i32
    %c0_i32_0 = arith.constant 0 : i32
    %c0_i32_1 = arith.constant 0 : i32
    return %c0_i32, %c0_i32_0 : i32, i32
  }
  func.func @transform_4(%arg0: i32) -> (i32, i32) {
    %c0_i32 = arith.constant 0 : i32
    %c0_i32_0 = arith.constant 0 : i32
    %c0_i32_1 = arith.constant 0 : i32
    return %c0_i32, %c0_i32_0 : i32, i32
  }
  func.func @transform_5(%arg0: i32) -> (i32, i32) {
    %c0_i32 = arith.constant 0 : i32
    %c0_i32_0 = arith.constant 0 : i32
    return %arg0, %c0_i32 : i32, i32
  }
}

module attributes {stable_mosaic.version = 14 : i64} {
  func.func @_k3_body(%arg0: i32, %arg1: memref<400x128xf32, #tpu.memory_space<vmem>>, %arg2: memref<400x128xf32, #tpu.memory_space<vmem>>, %arg3: memref<400x128xf32, #tpu.memory_space<vmem>>, %arg4: memref<400x16xf32, #tpu.memory_space<vmem>>, %arg5: memref<400x16xf32, #tpu.memory_space<vmem>>, %arg6: memref<128x128xf32, #tpu.memory_space<vmem>>, %arg7: memref<1x128xf32, #tpu.memory_space<vmem>>, %arg8: memref<128x128xf32, #tpu.memory_space<vmem>>, %arg9: memref<128x128xf32, #tpu.memory_space<vmem>>, %arg10: memref<1x128xf32, #tpu.memory_space<vmem>>, %arg11: memref<1x128xf32, #tpu.memory_space<vmem>>, %arg12: memref<1x128xf32, #tpu.memory_space<vmem>>, %arg13: memref<400x128xf32, #tpu.memory_space<vmem>>) attributes {dimension_semantics = [#tpu.dimension_semantics<arbitrary>], iteration_bounds = array<i64: 25>, scalar_prefetch = 0 : i64, scratch_operands = 0 : i64, tpu.core_type = #tpu.core_type<tc>, window_params = [{transform_indices = @transform_0, window_bounds = array<i64: 400, 128>}, {transform_indices = @transform_1, window_bounds = array<i64: 400, 128>}, {transform_indices = @transform_2, window_bounds = array<i64: 400, 128>}, {transform_indices = @transform_3, window_bounds = array<i64: 400, 16>}, {transform_indices = @transform_4, window_bounds = array<i64: 400, 16>}, {pipeline_mode = #tpu.pipeline_mode<synchronous>, transform_indices = @transform_5, window_bounds = array<i64: 128, 128>}, {pipeline_mode = #tpu.pipeline_mode<synchronous>, transform_indices = @transform_6, window_bounds = array<i64: 1, 128>}, {pipeline_mode = #tpu.pipeline_mode<synchronous>, transform_indices = @transform_7, window_bounds = array<i64: 128, 128>}, {pipeline_mode = #tpu.pipeline_mode<synchronous>, transform_indices = @transform_8, window_bounds = array<i64: 128, 128>}, {pipeline_mode = #tpu.pipeline_mode<synchronous>, transform_indices = @transform_9, window_bounds = array<i64: 1, 128>}, {pipeline_mode = #tpu.pipeline_mode<synchronous>, transform_indices = @transform_10, window_bounds = array<i64: 1, 128>}, {pipeline_mode = #tpu.pipeline_mode<synchronous>, transform_indices = @transform_11, window_bounds = array<i64: 1, 128>}, {transform_indices = @transform_12, window_bounds = array<i64: 400, 128>}]} {
    %get3A = arith.constant 0 : index
    %get3A_0 = arith.constant 0 : index
    %get3A_1 = vector.load %arg4[%get3A, %get3A_0] : memref<400x16xf32, #tpu.memory_space<vmem>>, vector<400x16xf32>
    %slice3A = vector.extract_strided_slice %get3A_1 {offsets = [0, 0], sizes = [400, 1], strides = [1, 1]} : vector<400x16xf32> to vector<400x1xf32>
    %get3A_2 = arith.constant 0 : index
    %get3A_3 = arith.constant 0 : index
    %get3A_4 = vector.load %arg5[%get3A_2, %get3A_3] : memref<400x16xf32, #tpu.memory_space<vmem>>, vector<400x16xf32>
    %slice3A_5 = vector.extract_strided_slice %get3A_4 {offsets = [0, 0], sizes = [400, 1], strides = [1, 1]} : vector<400x16xf32> to vector<400x1xf32>
    %add3A = arith.addf %slice3A, %slice3A_5 : vector<400x1xf32>
    %max3A = arith.constant 1.000000e+00 : f32
    %max3A_6 = vector.broadcast %max3A : f32 to vector<400x1xf32>
    %max3A_7 = arith.maximumf %add3A, %max3A_6 : vector<400x1xf32>
    %get3A_8 = arith.constant 0 : index
    %get3A_9 = arith.constant 0 : index
    %get3A_10 = vector.load %arg2[%get3A_8, %get3A_9] : memref<400x128xf32, #tpu.memory_space<vmem>>, vector<400x128xf32>
    %get3A_11 = arith.constant 0 : index
    %get3A_12 = arith.constant 0 : index
    %get3A_13 = vector.load %arg3[%get3A_11, %get3A_12] : memref<400x128xf32, #tpu.memory_space<vmem>>, vector<400x128xf32>
    %add3A_14 = arith.addf %get3A_10, %get3A_13 : vector<400x128xf32>
    %div3A = vector.broadcast %max3A_7 : vector<400x1xf32> to vector<400x128xf32>
    %div3A_15 = arith.divf %add3A_14, %div3A : vector<400x128xf32>
    %get3A_16 = arith.constant 0 : index
    %get3A_17 = arith.constant 0 : index
    %get3A_18 = vector.load %arg1[%get3A_16, %get3A_17] : memref<400x128xf32, #tpu.memory_space<vmem>>, vector<400x128xf32>
    %get3A_19 = arith.constant 0 : index
    %get3A_20 = arith.constant 0 : index
    %get3A_21 = vector.load %arg6[%get3A_19, %get3A_20] : memref<128x128xf32, #tpu.memory_space<vmem>>, vector<128x128xf32>
    %dot_general3A = arith.constant dense<0.000000e+00> : vector<400x128xf32>
    %dot_general3A_22 = tpu.matmul %get3A_18, %get3A_21, %dot_general3A {dimension_numbers = #tpu.dot_dimension_numbers<[1], [1], [0], [0], [0, 0, 1, 0], [], []>, precision = #tpu.contract_precision<fp32>, transpose_lhs_hint = false} : vector<400x128xf32>, vector<128x128xf32>, vector<400x128xf32> -> vector<400x128xf32>
    %get3A_23 = arith.constant 0 : index
    %get3A_24 = arith.constant 0 : index
    %get3A_25 = vector.load %arg7[%get3A_23, %get3A_24] : memref<1x128xf32, #tpu.memory_space<vmem>>, vector<1x128xf32>
    %add3A_26 = vector.broadcast %get3A_25 : vector<1x128xf32> to vector<400x128xf32>
    %add3A_27 = arith.addf %dot_general3A_22, %add3A_26 : vector<400x128xf32>
    %get3A_28 = arith.constant 0 : index
    %get3A_29 = arith.constant 0 : index
    %get3A_30 = vector.load %arg8[%get3A_28, %get3A_29] : memref<128x128xf32, #tpu.memory_space<vmem>>, vector<128x128xf32>
    %dot_general3A_31 = arith.constant dense<0.000000e+00> : vector<400x128xf32>
    %dot_general3A_32 = tpu.matmul %div3A_15, %get3A_30, %dot_general3A_31 {dimension_numbers = #tpu.dot_dimension_numbers<[1], [1], [0], [0], [0, 0, 1, 0], [], []>, precision = #tpu.contract_precision<fp32>, transpose_lhs_hint = false} : vector<400x128xf32>, vector<128x128xf32>, vector<400x128xf32> -> vector<400x128xf32>
    %add3A_33 = arith.addf %add3A_27, %dot_general3A_32 : vector<400x128xf32>
    %max3A_34 = arith.constant 0.000000e+00 : f32
    %max3A_35 = vector.broadcast %max3A_34 : f32 to vector<400x128xf32>
    %max3A_36 = arith.maximumf %add3A_33, %max3A_35 : vector<400x128xf32>
    %get3A_37 = arith.constant 0 : index
    %get3A_38 = arith.constant 0 : index
    %get3A_39 = vector.load %arg9[%get3A_37, %get3A_38] : memref<128x128xf32, #tpu.memory_space<vmem>>, vector<128x128xf32>
    %dot_general3A_40 = arith.constant dense<0.000000e+00> : vector<400x128xf32>
    %dot_general3A_41 = tpu.matmul %max3A_36, %get3A_39, %dot_general3A_40 {dimension_numbers = #tpu.dot_dimension_numbers<[1], [1], [0], [0], [0, 0, 1, 0], [], []>, precision = #tpu.contract_precision<fp32>, transpose_lhs_hint = false} : vector<400x128xf32>, vector<128x128xf32>, vector<400x128xf32> -> vector<400x128xf32>
    %get3A_42 = arith.constant 0 : index
    %get3A_43 = arith.constant 0 : index
    %get3A_44 = vector.load %arg10[%get3A_42, %get3A_43] : memref<1x128xf32, #tpu.memory_space<vmem>>, vector<1x128xf32>
    %add3A_45 = vector.broadcast %get3A_44 : vector<1x128xf32> to vector<400x128xf32>
    %add3A_46 = arith.addf %dot_general3A_41, %add3A_45 : vector<400x128xf32>
    %get3A_47 = arith.constant 0 : index
    %get3A_48 = arith.constant 0 : index
    %get3A_49 = vector.load %arg11[%get3A_47, %get3A_48] : memref<1x128xf32, #tpu.memory_space<vmem>>, vector<1x128xf32>
    %mul3A = arith.constant 0.999994993 : f32
    %mul3A_50 = vector.broadcast %mul3A : f32 to vector<1x128xf32>
    %mul3A_51 = arith.mulf %get3A_49, %mul3A_50 : vector<1x128xf32>
    %mul3A_52 = vector.broadcast %mul3A_51 : vector<1x128xf32> to vector<400x128xf32>
    %mul3A_53 = arith.mulf %add3A_46, %mul3A_52 : vector<400x128xf32>
    %get3A_54 = arith.constant 0 : index
    %get3A_55 = arith.constant 0 : index
    %get3A_56 = vector.load %arg12[%get3A_54, %get3A_55] : memref<1x128xf32, #tpu.memory_space<vmem>>, vector<1x128xf32>
    %add3A_57 = vector.broadcast %get3A_56 : vector<1x128xf32> to vector<400x128xf32>
    %add3A_58 = arith.addf %mul3A_53, %add3A_57 : vector<400x128xf32>
    %max3A_59 = arith.constant 0.000000e+00 : f32
    %max3A_60 = vector.broadcast %max3A_59 : f32 to vector<400x128xf32>
    %max3A_61 = arith.maximumf %add3A_58, %max3A_60 : vector<400x128xf32>
    %swap3A = arith.constant 0 : index
    %swap3A_62 = arith.constant 0 : index
    %swap3A_63 = vector.load %arg13[%swap3A, %swap3A_62] : memref<400x128xf32, #tpu.memory_space<vmem>>, vector<400x128xf32>
    tpu.vector_store %arg13[%swap3A, %swap3A_62], %max3A_61 {strides = array<i32>} : memref<400x128xf32, #tpu.memory_space<vmem>>, vector<400x128xf32>,
    return
  }
  func.func @transform_0(%arg0: i32) -> (i32, i32) {
    %c0_i32 = arith.constant 0 : i32
    %c0_i32_0 = arith.constant 0 : i32
    return %arg0, %c0_i32 : i32, i32
  }
  func.func @transform_1(%arg0: i32) -> (i32, i32) {
    %c0_i32 = arith.constant 0 : i32
    %c0_i32_0 = arith.constant 0 : i32
    return %arg0, %c0_i32 : i32, i32
  }
  func.func @transform_2(%arg0: i32) -> (i32, i32) {
    %c0_i32 = arith.constant 0 : i32
    %c0_i32_0 = arith.constant 0 : i32
    return %arg0, %c0_i32 : i32, i32
  }
  func.func @transform_3(%arg0: i32) -> (i32, i32) {
    %c0_i32 = arith.constant 0 : i32
    %c0_i32_0 = arith.constant 0 : i32
    return %arg0, %c0_i32 : i32, i32
  }
  func.func @transform_4(%arg0: i32) -> (i32, i32) {
    %c0_i32 = arith.constant 0 : i32
    %c0_i32_0 = arith.constant 0 : i32
    return %arg0, %c0_i32 : i32, i32
  }
  func.func @transform_5(%arg0: i32) -> (i32, i32) {
    %c0_i32 = arith.constant 0 : i32
    %c0_i32_0 = arith.constant 0 : i32
    %c0_i32_1 = arith.constant 0 : i32
    return %c0_i32, %c0_i32_0 : i32, i32
  }
  func.func @transform_6(%arg0: i32) -> (i32, i32) {
    %c0_i32 = arith.constant 0 : i32
    %c0_i32_0 = arith.constant 0 : i32
    %c0_i32_1 = arith.constant 0 : i32
    return %c0_i32, %c0_i32_0 : i32, i32
  }
  func.func @transform_7(%arg0: i32) -> (i32, i32) {
    %c0_i32 = arith.constant 0 : i32
    %c0_i32_0 = arith.constant 0 : i32
    %c0_i32_1 = arith.constant 0 : i32
    return %c0_i32, %c0_i32_0 : i32, i32
  }
  func.func @transform_8(%arg0: i32) -> (i32, i32) {
    %c0_i32 = arith.constant 0 : i32
    %c0_i32_0 = arith.constant 0 : i32
    %c0_i32_1 = arith.constant 0 : i32
    return %c0_i32, %c0_i32_0 : i32, i32
  }
  func.func @transform_9(%arg0: i32) -> (i32, i32) {
    %c0_i32 = arith.constant 0 : i32
    %c0_i32_0 = arith.constant 0 : i32
    %c0_i32_1 = arith.constant 0 : i32
    return %c0_i32, %c0_i32_0 : i32, i32
  }
  func.func @transform_10(%arg0: i32) -> (i32, i32) {
    %c0_i32 = arith.constant 0 : i32
    %c0_i32_0 = arith.constant 0 : i32
    %c0_i32_1 = arith.constant 0 : i32
    return %c0_i32, %c0_i32_0 : i32, i32
  }
  func.func @transform_11(%arg0: i32) -> (i32, i32) {
    %c0_i32 = arith.constant 0 : i32
    %c0_i32_0 = arith.constant 0 : i32
    %c0_i32_1 = arith.constant 0 : i32
    return %c0_i32, %c0_i32_0 : i32, i32
  }
  func.func @transform_12(%arg0: i32) -> (i32, i32) {
    %c0_i32 = arith.constant 0 : i32
    %c0_i32_0 = arith.constant 0 : i32
    return %arg0, %c0_i32 : i32, i32
  }
}

module attributes {stable_mosaic.version = 14 : i64} {
  func.func @_k6_body(%arg0: i32, %arg1: memref<400x128xf32, #tpu.memory_space<vmem>>, %arg2: memref<400x128xf32, #tpu.memory_space<vmem>>, %arg3: memref<400x128xf32, #tpu.memory_space<vmem>>, %arg4: memref<400x16xf32, #tpu.memory_space<vmem>>, %arg5: memref<400x16xf32, #tpu.memory_space<vmem>>, %arg6: memref<128x128xf32, #tpu.memory_space<vmem>>, %arg7: memref<1x128xf32, #tpu.memory_space<vmem>>, %arg8: memref<128x128xf32, #tpu.memory_space<vmem>>, %arg9: memref<128x128xf32, #tpu.memory_space<vmem>>, %arg10: memref<1x128xf32, #tpu.memory_space<vmem>>, %arg11: memref<400x128xf32, #tpu.memory_space<vmem>>) attributes {dimension_semantics = [#tpu.dimension_semantics<arbitrary>], iteration_bounds = array<i64: 25>, scalar_prefetch = 0 : i64, scratch_operands = 0 : i64, tpu.core_type = #tpu.core_type<tc>, window_params = [{transform_indices = @transform_0, window_bounds = array<i64: 400, 128>}, {transform_indices = @transform_1, window_bounds = array<i64: 400, 128>}, {transform_indices = @transform_2, window_bounds = array<i64: 400, 128>}, {transform_indices = @transform_3, window_bounds = array<i64: 400, 16>}, {transform_indices = @transform_4, window_bounds = array<i64: 400, 16>}, {pipeline_mode = #tpu.pipeline_mode<synchronous>, transform_indices = @transform_5, window_bounds = array<i64: 128, 128>}, {pipeline_mode = #tpu.pipeline_mode<synchronous>, transform_indices = @transform_6, window_bounds = array<i64: 1, 128>}, {pipeline_mode = #tpu.pipeline_mode<synchronous>, transform_indices = @transform_7, window_bounds = array<i64: 128, 128>}, {pipeline_mode = #tpu.pipeline_mode<synchronous>, transform_indices = @transform_8, window_bounds = array<i64: 128, 128>}, {pipeline_mode = #tpu.pipeline_mode<synchronous>, transform_indices = @transform_9, window_bounds = array<i64: 1, 128>}, {transform_indices = @transform_10, window_bounds = array<i64: 400, 128>}]} {
    %get3A = arith.constant 0 : index
    %get3A_0 = arith.constant 0 : index
    %get3A_1 = vector.load %arg4[%get3A, %get3A_0] : memref<400x16xf32, #tpu.memory_space<vmem>>, vector<400x16xf32>
    %slice3A = vector.extract_strided_slice %get3A_1 {offsets = [0, 0], sizes = [400, 1], strides = [1, 1]} : vector<400x16xf32> to vector<400x1xf32>
    %get3A_2 = arith.constant 0 : index
    %get3A_3 = arith.constant 0 : index
    %get3A_4 = vector.load %arg5[%get3A_2, %get3A_3] : memref<400x16xf32, #tpu.memory_space<vmem>>, vector<400x16xf32>
    %slice3A_5 = vector.extract_strided_slice %get3A_4 {offsets = [0, 0], sizes = [400, 1], strides = [1, 1]} : vector<400x16xf32> to vector<400x1xf32>
    %add3A = arith.addf %slice3A, %slice3A_5 : vector<400x1xf32>
    %max3A = arith.constant 1.000000e+00 : f32
    %max3A_6 = vector.broadcast %max3A : f32 to vector<400x1xf32>
    %max3A_7 = arith.maximumf %add3A, %max3A_6 : vector<400x1xf32>
    %get3A_8 = arith.constant 0 : index
    %get3A_9 = arith.constant 0 : index
    %get3A_10 = vector.load %arg2[%get3A_8, %get3A_9] : memref<400x128xf32, #tpu.memory_space<vmem>>, vector<400x128xf32>
    %get3A_11 = arith.constant 0 : index
    %get3A_12 = arith.constant 0 : index
    %get3A_13 = vector.load %arg3[%get3A_11, %get3A_12] : memref<400x128xf32, #tpu.memory_space<vmem>>, vector<400x128xf32>
    %add3A_14 = arith.addf %get3A_10, %get3A_13 : vector<400x128xf32>
    %div3A = vector.broadcast %max3A_7 : vector<400x1xf32> to vector<400x128xf32>
    %div3A_15 = arith.divf %add3A_14, %div3A : vector<400x128xf32>
    %get3A_16 = arith.constant 0 : index
    %get3A_17 = arith.constant 0 : index
    %get3A_18 = vector.load %arg1[%get3A_16, %get3A_17] : memref<400x128xf32, #tpu.memory_space<vmem>>, vector<400x128xf32>
    %get3A_19 = arith.constant 0 : index
    %get3A_20 = arith.constant 0 : index
    %get3A_21 = vector.load %arg6[%get3A_19, %get3A_20] : memref<128x128xf32, #tpu.memory_space<vmem>>, vector<128x128xf32>
    %dot_general3A = arith.constant dense<0.000000e+00> : vector<400x128xf32>
    %dot_general3A_22 = tpu.matmul %get3A_18, %get3A_21, %dot_general3A {dimension_numbers = #tpu.dot_dimension_numbers<[1], [1], [0], [0], [0, 0, 1, 0], [], []>, precision = #tpu.contract_precision<fp32>, transpose_lhs_hint = false} : vector<400x128xf32>, vector<128x128xf32>, vector<400x128xf32> -> vector<400x128xf32>
    %get3A_23 = arith.constant 0 : index
    %get3A_24 = arith.constant 0 : index
    %get3A_25 = vector.load %arg7[%get3A_23, %get3A_24] : memref<1x128xf32, #tpu.memory_space<vmem>>, vector<1x128xf32>
    %add3A_26 = vector.broadcast %get3A_25 : vector<1x128xf32> to vector<400x128xf32>
    %add3A_27 = arith.addf %dot_general3A_22, %add3A_26 : vector<400x128xf32>
    %get3A_28 = arith.constant 0 : index
    %get3A_29 = arith.constant 0 : index
    %get3A_30 = vector.load %arg8[%get3A_28, %get3A_29] : memref<128x128xf32, #tpu.memory_space<vmem>>, vector<128x128xf32>
    %dot_general3A_31 = arith.constant dense<0.000000e+00> : vector<400x128xf32>
    %dot_general3A_32 = tpu.matmul %div3A_15, %get3A_30, %dot_general3A_31 {dimension_numbers = #tpu.dot_dimension_numbers<[1], [1], [0], [0], [0, 0, 1, 0], [], []>, precision = #tpu.contract_precision<fp32>, transpose_lhs_hint = false} : vector<400x128xf32>, vector<128x128xf32>, vector<400x128xf32> -> vector<400x128xf32>
    %add3A_33 = arith.addf %add3A_27, %dot_general3A_32 : vector<400x128xf32>
    %max3A_34 = arith.constant 0.000000e+00 : f32
    %max3A_35 = vector.broadcast %max3A_34 : f32 to vector<400x128xf32>
    %max3A_36 = arith.maximumf %add3A_33, %max3A_35 : vector<400x128xf32>
    %get3A_37 = arith.constant 0 : index
    %get3A_38 = arith.constant 0 : index
    %get3A_39 = vector.load %arg9[%get3A_37, %get3A_38] : memref<128x128xf32, #tpu.memory_space<vmem>>, vector<128x128xf32>
    %dot_general3A_40 = arith.constant dense<0.000000e+00> : vector<400x128xf32>
    %dot_general3A_41 = tpu.matmul %max3A_36, %get3A_39, %dot_general3A_40 {dimension_numbers = #tpu.dot_dimension_numbers<[1], [1], [0], [0], [0, 0, 1, 0], [], []>, precision = #tpu.contract_precision<fp32>, transpose_lhs_hint = false} : vector<400x128xf32>, vector<128x128xf32>, vector<400x128xf32> -> vector<400x128xf32>
    %get3A_42 = arith.constant 0 : index
    %get3A_43 = arith.constant 0 : index
    %get3A_44 = vector.load %arg10[%get3A_42, %get3A_43] : memref<1x128xf32, #tpu.memory_space<vmem>>, vector<1x128xf32>
    %add3A_45 = vector.broadcast %get3A_44 : vector<1x128xf32> to vector<400x128xf32>
    %add3A_46 = arith.addf %dot_general3A_41, %add3A_45 : vector<400x128xf32>
    %max3A_47 = arith.constant 0.000000e+00 : f32
    %max3A_48 = vector.broadcast %max3A_47 : f32 to vector<400x128xf32>
    %max3A_49 = arith.maximumf %add3A_46, %max3A_48 : vector<400x128xf32>
    %swap3A = arith.constant 0 : index
    %swap3A_50 = arith.constant 0 : index
    %swap3A_51 = vector.load %arg11[%swap3A, %swap3A_50] : memref<400x128xf32, #tpu.memory_space<vmem>>, vector<400x128xf32>
    tpu.vector_store %arg11[%swap3A, %swap3A_50], %max3A_49 {strides = array<i32>} : memref<400x128xf32, #tpu.memory_space<vmem>>, vector<400x128xf32>,
    return
  }
  func.func @transform_0(%arg0: i32) -> (i32, i32) {
    %c0_i32 = arith.constant 0 : i32
    %c0_i32_0 = arith.constant 0 : i32
    return %arg0, %c0_i32 : i32, i32
  }
  func.func @transform_1(%arg0: i32) -> (i32, i32) {
    %c0_i32 = arith.constant 0 : i32
    %c0_i32_0 = arith.constant 0 : i32
    return %arg0, %c0_i32 : i32, i32
  }
  func.func @transform_2(%arg0: i32) -> (i32, i32) {
    %c0_i32 = arith.constant 0 : i32
    %c0_i32_0 = arith.constant 0 : i32
    return %arg0, %c0_i32 : i32, i32
  }
  func.func @transform_3(%arg0: i32) -> (i32, i32) {
    %c0_i32 = arith.constant 0 : i32
    %c0_i32_0 = arith.constant 0 : i32
    return %arg0, %c0_i32 : i32, i32
  }
  func.func @transform_4(%arg0: i32) -> (i32, i32) {
    %c0_i32 = arith.constant 0 : i32
    %c0_i32_0 = arith.constant 0 : i32
    return %arg0, %c0_i32 : i32, i32
  }
  func.func @transform_5(%arg0: i32) -> (i32, i32) {
    %c0_i32 = arith.constant 0 : i32
    %c0_i32_0 = arith.constant 0 : i32
    %c0_i32_1 = arith.constant 0 : i32
    return %c0_i32, %c0_i32_0 : i32, i32
  }
  func.func @transform_6(%arg0: i32) -> (i32, i32) {
    %c0_i32 = arith.constant 0 : i32
    %c0_i32_0 = arith.constant 0 : i32
    %c0_i32_1 = arith.constant 0 : i32
    return %c0_i32, %c0_i32_0 : i32, i32
  }
  func.func @transform_7(%arg0: i32) -> (i32, i32) {
    %c0_i32 = arith.constant 0 : i32
    %c0_i32_0 = arith.constant 0 : i32
    %c0_i32_1 = arith.constant 0 : i32
    return %c0_i32, %c0_i32_0 : i32, i32
  }
  func.func @transform_8(%arg0: i32) -> (i32, i32) {
    %c0_i32 = arith.constant 0 : i32
    %c0_i32_0 = arith.constant 0 : i32
    %c0_i32_1 = arith.constant 0 : i32
    return %c0_i32, %c0_i32_0 : i32, i32
  }
  func.func @transform_9(%arg0: i32) -> (i32, i32) {
    %c0_i32 = arith.constant 0 : i32
    %c0_i32_0 = arith.constant 0 : i32
    %c0_i32_1 = arith.constant 0 : i32
    return %c0_i32, %c0_i32_0 : i32, i32
  }
  func.func @transform_10(%arg0: i32) -> (i32, i32) {
    %c0_i32 = arith.constant 0 : i32
    %c0_i32_0 = arith.constant 0 : i32
    return %arg0, %c0_i32 : i32, i32
  }
}

</mosaic_0001>

<sc_bundles>
// kernel: kernel.10.cloned.1.call-start
scs
__scs_entry_jumppad:
0x0: {  	(pc) =	sbr.rel $0x88, $3  }
0x1: {  	(tag) =	ssettag $0x0;
	lr =	simm.s32 $0x1  }
0x2: {  	[smem:$0x3F8F] =	sst lr;
	_ =	strace $0xD0000000  }
0x3: {  	_ = 	snop  }
0x4: {  	_ = 	snop  }
0x5: {  	_ = 	snop  }
0x6: {  	_ = 	snop  }
0x7: {  	_ = 	snop  }
__scs_overlays_trampoline_lowered:
0x8: {  	[smem:$0x3F9E] =	sst s0  }
0x9: {  	[smem:$0x3F9F] =	sst s1  }
0xa: {  	[smem:$0x3FA0] =	sst s2  }
0xb: {  	[smem:$0x3FA1] =	sst s3  }
0xc: {  	[smem:$0x3FA2] =	sst s4  }
0xd: {  	[smem:$0x3FA3] =	sst s5  }
0xe: {  	[smem:$0x3FA4] =	sst s6  }
0xf: {  	[smem:$0x3FA5] =	sst s7  }
0x10: {  	[smem:$0x3FA6] =	sst s8  }
0x11: {  	[smem:$0x3FA7] =	sst s9;
	s0 =	simm.s32 @!p0 $0x0  }
0x12: {  	s1 =	sld [smem:$0x3F8D];
	s0 =	simm.s32 @p0 $0x1  }
0x13: {  	[smem:$0x3FA8] =	sst s0;
	s0 =	simm.s32 @!p1 $0x0  }
0x14: {  	s2 =	sld [smem:$0x3F8C];
	s0 =	simm.s32 @p1 $0x1  }
0x15: {  	[smem:$0x3FA9] =	sst s0;
	s0 =	simm.s32 @!p2 $0x0  }
0x16: {  	s3 =	sld [smem:$0x3FDB];
	s0 =	simm.s32 @p2 $0x1  }
0x17: {  	s4 =	simm.s32 $0x1BF5;
	[smem:$0x3FAB] =	sst s0  }
0x18: {  	s0 =	sld [smem:$0x3F8E];
	_ =	swait.ge [sflag:s4], $0x0  }
0x19: {  	s7 =	sld [smem:$0x3F8F]  }
0x1a: {  	s8 =	sadd.s32 $0xFFFFE003, lr  }
0x1b: {  	s9 =	sadd.s32 $0xFFFFFEF7, lr;
	s5 =	simm.s32 $0xFFFFFFFF;
	p2 =	slt.u32 s8, $0xFFFFF086  }
0x1c: {  	p1 =	slt.u32 s9, $0xF7A;
	s5 =	simm.s32 @!p2 $0x0  }
0x1d: {  	s5 =	simm.s32 @p1 $0x1;
	p0 =	seq.s32 s7, s2  }
0x1e: {  	s7 =	smul.u32 @!p0 $0xF7A, s2;
	p2 =	seq.s32 @!p0 s5, $0x0  }
0x1f: {  	s9 =	smul.u32 $0xF7A, s1;
	s8 =	simm.s32 @!p0 $0x1BF5;
	p2 =	por !p2, p0  }
0x20: {  	[sflag:s8] =	ssyncset.s32 @!p0 $0xFFFFF086;
	s6 =	sadd.s32 @!p0 s3, s7;
	s7 =	simm.s32 @!p0 $0x108  }
0x21: {  	s3 =	sadd.s32 s3, s9;
	s6 =	sadd.s32 @!p0 $0x88, s6;
	s7 =	simm.s32 @p2 $0x1082  }
0x22: {  	[simem:s7], [sflag:s8] =	dma.local @!p0 [hbm:s6], $0xF7A  }
0x23: {  	s9 =	sor.u32 $0xD0000000, s2;
	s6 =	simm.s32 $0x108;
	_ =	swait.ge @!p0 [sflag:s8], $0x0  }
0x24: {  	s3 =	sadd.s32 $0x88, s3;
	s6 =	simm.s32 @!p1 $0x1082;
	[sflag:s4] =	ssyncset.s32 $0xFFFFF086  }
0x25: {  	[simem:s6], [sflag:s4] =	dma.local [hbm:s3], $0xF7A  }
0x26: {  	[smem:$0x3F8F] =	sst s1;
	(tag) =	ssettag s2;
	_ =	strace s9  }
0x27: {  	s1 =	sld [smem:$0x3F9F]  }
0x28: {  	s2 =	sld [smem:$0x3FA0]  }
0x29: {  	s4 =	sld [smem:$0x3FA2]  }
0x2a: {  	p0 =	seq.s32 s5, $0x0;
	s5 =	sld [smem:$0x3FA3]  }
0x2b: {  	s6 =	sld [smem:$0x3FA4]  }
0x2c: {  	s7 =	sld [smem:$0x3FA5]  }
0x2d: {  	s3 =	simm.s32 $0x108;
	s8 =	sld [smem:$0x3FA6]  }
0x2e: {  	s3 =	simm.s32 @!p0 $0x1082;
	s9 =	sld [smem:$0x3FA7]  }
0x2f: {  	lr =	sadd.s32 s0, s3;
	s0 =	sld [smem:$0x3F9E]  }
0x30: {  	s3 =	sld [smem:$0x3FA1]  }
0x31: {  	[smem:$0x3FAA] =	sst s10  }
0x32: {  	s10 =	sld [smem:$0x3FA8];
	_ =	sdelay $0x3  }
0x33: {  	p0 =	seq.s32 s10, $0x1;
	s10 =	sld [smem:$0x3FAA];
	_ =	sdelay $0x3  }
0x34: {  	[smem:$0x3FAA] =	sst s10  }
0x35: {  	s10 =	sld [smem:$0x3FA9];
	_ =	sdelay $0x3  }
0x36: {  	p1 =	seq.s32 s10, $0x1;
	s10 =	sld [smem:$0x3FAA];
	_ =	sdelay $0x3  }
0x37: {  	[smem:$0x3FAA] =	sst s10  }
0x38: {  	s10 =	sld [smem:$0x3FAB]  }
0x39: {  	_ = 	snop;
	(pc) =	sbr.ind lr, $3  }
0x3a: {  	_ = 	snop  }
0x3b: {  	_ = 	snop  }
0x3c: {  	p2 =	seq.s32 s10, $0x1;
	s10 =	sld [smem:$0x3FAA]  }
0x3d: {  	_ =	shalt  }
0x3e: {  	_ =	shalt  }
0x3f: {  	_ =	shalt  }
0x40: {  	_ =	shalt  }
0x41: {  	_ =	shalt  }
0x42: {  	_ =	shalt  }
0x43: {  	_ =	shalt  }
0x44: {  	_ =	shalt  }
0x45: {  	_ =	shalt  }
0x46: {  	_ =	shalt  }
0x47: {  	_ =	shalt  }
0x48: {  	_ =	shalt  }
0x49: {  	_ =	shalt  }
0x4a: {  	_ =	shalt  }
0x4b: {  	_ =	shalt  }
0x4c: {  	_ =	shalt  }
0x4d: {  	_ =	shalt  }
0x4e: {  	_ =	shalt  }
0x4f: {  	_ =	shalt  }
0x50: {  	_ =	shalt  }
0x51: {  	_ =	shalt  }
0x52: {  	_ =	shalt  }
0x53: {  	_ =	shalt  }
0x54: {  	_ =	shalt  }
0x55: {  	_ =	shalt  }
0x56: {  	_ =	shalt  }
0x57: {  	_ =	shalt  }
0x58: {  	_ =	shalt  }
0x59: {  	_ =	shalt  }
0x5a: {  	_ =	shalt  }
0x5b: {  	_ =	shalt  }
0x5c: {  	_ =	shalt  }
0x5d: {  	_ =	shalt  }
0x5e: {  	_ =	shalt  }
0x5f: {  	_ =	shalt  }
0x60: {  	_ =	shalt  }
0x61: {  	_ =	shalt  }
0x62: {  	_ =	shalt  }
0x63: {  	_ =	shalt  }
0x64: {  	_ =	shalt  }
0x65: {  	_ =	shalt  }
0x66: {  	_ =	shalt  }
0x67: {  	_ =	shalt  }
0x68: {  	_ =	shalt  }
0x69: {  	_ =	shalt  }
0x6a: {  	_ =	shalt  }
0x6b: {  	_ =	shalt  }
0x6c: {  	_ =	shalt  }
0x6d: {  	_ =	shalt  }
0x6e: {  	_ =	shalt  }
0x6f: {  	_ =	shalt  }
0x70: {  	_ =	shalt  }
0x71: {  	_ =	shalt  }
0x72: {  	_ =	shalt  }
0x73: {  	_ =	shalt  }
0x74: {  	_ =	shalt  }
0x75: {  	_ =	shalt  }
0x76: {  	_ =	shalt  }
0x77: {  	_ =	shalt  }
0x78: {  	_ =	shalt  }
0x79: {  	_ =	shalt  }
0x7a: {  	_ =	shalt  }
0x7b: {  	_ =	shalt  }
0x7c: {  	_ =	shalt  }
0x7d: {  	_ =	shalt  }
0x7e: {  	_ =	shalt  }
0x7f: {  	_ =	shalt  }
0x80: {  	_ =	shalt  }
0x81: {  	_ =	shalt  }
0x82: {  	_ =	shalt  }
0x83: {  	_ =	shalt  }
0x84: {  	_ =	shalt  }
0x85: {  	_ =	shalt  }
0x86: {  	_ =	shalt  }
0x87: {  	_ =	shalt  }
.Lfunc_end0:
.L_simem_size_0:
called_computation.1_lowered:
.L_overlay_start_0:
0x88: {  	s2 =	sld [smem:$0x3FD9]  }
0x89: {  	s3 =	sld [smem:$0x3FFE];
	_ =	sdelay $0x1  }
0x8a: {  	s1 =	srdreg.scid  }
0x8b: {  	s0 =	sand.u32 $0x1, s1  }
0x8c: {  	s16 =	sshll.u32 s0, $0xA;
	s2 =	sadd.s32 s3, s2  }
0x8d: {  	s2 =	sadd.s32 s2, s16  }
0x8e: {  	[smem:$0x3FB6] =	sst s2  }
0x8f: {  	_ = 	snop  }
0x90: {  	(tm) =	ssettm $0x1  }
0x91: {  	s17 =	sld [smem:$0x3FFB];
	_ =	sdelay $0x3  }
0x92: {  	_ =	strace s17  }
0x93: {  	s2 =	sld [smem:$0x3FFC];
	_ =	sdelay $0x3  }
0x94: {  	_ =	strace s2  }
0x95: {  	s2 =	sld [smem:$0x3FFD];
	_ =	sdelay $0x3  }
0x96: {  	_ =	strace s2  }
0x97: {  	_ =	strace $0x8FFFFFFF  }
0x98: {  	s18 =	sld [smem:$0x3FDB];
	_ =	sdelay $0x1  }
0x99: {  	s19 =	simm.s32 $_scs_section_size  }
0x9a: {  	s4 =	simm.s32 $_size__tile_overlayer_lowered;
	s5 =	simm.s32 $_tile_overlayer_lowered  }
0x9b: {  	s22 =	simm.s32 $0x1BFF;
	s21 =	sshll.u32 s5, $0x1;
	s2 =	sadd.s32 s19, s18  }
0x9c: {  	s6 =	simm.s32 $0x0;
	s20 =	sshll.u32 s4, $0x1;
	s4 =	sadd.s32 s21, s2  }
0x9d: {  	[timem:s6], [sflag:s22] =	dma.local [hbm:s4], s20  }
0x9e: {  	_ =	swait.ge [sflag:s22], s20  }
0x9f: {  	s3 =	ssub.s32 $0x0, s20;
	[sflag:s22] =	ssyncset.done $0x0  }
0xa0: {  	[sflag:s22] =	ssyncadd.s32 s3;
	_ =	sdelay $0x1  }
0xa1: {  	s23 =	simm.s32 $0x1B8B  }
0xa2: {  	_ =	swait.ge [sflag:s23], $0x1  }
0xa3: {  	[sflag:s23] =	ssyncset.done $0x0  }
0xa4: {  	s25 =	simm.s32 $0x1B8E;
	s24 =	sld [smem:$0x3FFE];
	[sflag:s23] =	ssyncadd.s32 $0xFFFFFFFF  }
0xa5: {  	s26 =	simm.s32 $execute0_lowered;
	[smem:$0x3FD2] =	sst s25  }
0xa6: {  	s4 =	sshll.u32 s26, $0x1;
	_ =	strace $0x8000004D;
	[dreg:$0x1] =	wrdreg $0xFFFFFFFF  }
0xa7: {  	s28 =	simm.s32 $_size_execute0_lowered;
	s2 =	sadd.s32 s2, s4;
	[dreg:$0x0] =	wrdreg $0x0  }
0xa8: {  	s4 =	sshll.u32 s28, $0x1;
	[dreg:$0x2] =	wrdreg s2  }
0xa9: {  	[dreg:$0x3] =	wrdreg s4  }
0xaa: {  	[dreg:$0x4] =	wrdreg $0xC0  }
0xab: {  	_ =	task [dreg:s6], $0x5FFFF  }
0xac: {  	[dreg:$0x1] =	wrdreg $0xFFFFFFFF  }
0xad: {  	[dreg:$0x0] =	wrdreg $0x60  }
0xae: {  	[dreg:$0x2] =	wrdreg s24  }
0xaf: {  	[dreg:$0x3] =	wrdreg $0x88000  }
0xb0: {  	[dreg:$0x4] =	wrdreg $0x9  }
0xb1: {  	_ =	task.clear_ibuf [dreg:s6], $0x5FFFF;
	_ =	strace $0x9000004D  }
0xb2: {  	s29 =	simm.s32 $0x9;
	_ =	strace $0x80000053  }
0xb3: {  	_ =	swait.ge [sflag:s29], $0x1  }
0xb4: {  	[sflag:s29] =	ssyncadd.s32 $0xFFFFFFFF  }
0xb5: {  	_ =	strace $0x90000053  }
0xb6: {  	_ =	sfence  }
0xb7: {  	s30 =	sld [smem:$0x0];
	_ =	sdelay $0x2  }
0xb8: {  	s31 =	sshll.u32 s1, $0xD;
	s1 =	sshrl.u32 s1, $0x2  }
0xb9: {  	s3 =	sand.u32 $0x4000, s31;
	s1 =	sadd.s32 s1, s30  }
0xba: {  	s0 =	sor.u32 s3, s0;
	s1 =	sshll.u32 s1, $0x11  }
0xbb: {  	s0 =	sor.u32 s1, s0  }
0xbc: {  	s0 =	sadd.s32 $0x8F2B, s0  }
0xbd: {  	[sflag:s0] =	ssyncadd.remote.s32 $0x1  }
0xbe: {  	_ =	sfence.sel $0xFFFF  }
0xbf: {  	[dreg:$0x0] =	wrdreg $0xFFFFFFFF;
	(pc) =	sbr.abs _section_cstart, $3  }
0xc0: {  	[dreg:$0x1] =	wrdreg $0xFFFFFFFF  }
0xc1: {  	_ =	task.clear_ibuf [dreg:s6], $0x2FFFF;
	_ =	strace $0x9FFFFFFF  }
0xc2: {  	(tm) =	ssettm $0x7FFFFFFF  }
0xc3: {  	_ =	shalt  }
tec
execute0_lowered:
.L_overlay_start_1:
0x0: {  	(tag) =	ssettag $0x1  }
0x1: {  	s0 =	rddreg [dreg:$0x0];
	s1 =	srdreg.scid  }
0x2: {  	s13 =	stileid.u32;
	s2 =	rddreg [dreg:$0x1]  }
0x3: {  	s3 =	simm.s32 $0x0;
	s26 =	simm.s32 $0xC0;
	s14 =	simm.s32 $0x500  }
0x4: {  	s15 =	simm.s32 $0x180;
	s16 =	simm.s32 $0x1C0;
	s17 =	simm.s32 $0x580  }
0x5: {  	s18 =	simm.s32 $0x280;
	s19 =	simm.s32 $0x2C0;
	s20 =	simm.s32 $0x680  }
0x6: {  	s21 =	simm.s32 $0x300;
	[smem:$0x7FF] =	sst s3;
	s7 =	sadd.s32 $0x2A800, s0  }
0x7: {  	s22 =	simm.s32 $0x340;
	_ =	strace $0x8000004E;
	[dreg:$0x16] =	wrdreg s7  }
0x8: {  	s23 =	simm.s32 $0x700;
	s28 =	simm.s32 $0x4800;
	[dreg:$0x5] =	wrdreg s26  }
0x9: {  	s29 =	simm.s32 $0x6800;
	s30 =	simm.s32 $0x6;
	[dreg:$0x9] =	wrdreg s14  }
0xa: {  	s31 =	simm.s32 $0x8;
	s1 =	sand.u32 $0x1, s1;
	[dreg:$0xa] =	wrdreg s15  }
0xb: {  	s5 =	smul.u32 $0x13900, s13;
	s9 =	sadd.s32 $0x39600, s0;
	[dreg:$0xb] =	wrdreg s16  }
0xc: {  	s10 =	sadd.s32 $0x2F600, s0;
	s8 =	sshll.u32 s13, $0x4;
	[dreg:$0xc] =	wrdreg s17  }
0xd: {  	s4 =	smul.u32 $0x139000, s1;
	s24 =	ssub.s32 $0x2, s1;
	[dreg:$0xd] =	wrdreg s18  }
0xe: {  	s7 =	smul.u32 $0x90, s13;
	p0 =	seq.s32 s1, $0x0;
	[dreg:$0xe] =	wrdreg s19  }
0xf: {  	s1 =	sor.u32 $0x900, s8;
	s13 =	sshll.u32 s13, $0x6;
	[dreg:$0xf] =	wrdreg s20  }
0x10: {  	s15 =	simm.s32 $0x9;
	s16 =	simm.s32 $0x400;
	[dreg:$0x10] =	wrdreg s21  }
0x11: {  	s18 =	simm.s32 $0x600;
	s20 =	simm.s32 $0x40;
	[dreg:$0x11] =	wrdreg s22  }
0x12: {  	[dreg:$0x12] =	wrdreg s23;
	s26 =	simm.s32 $0x780;
	s11 =	sshrl.u32 s24, $0x1  }
0x13: {  	[dreg:$0x15] =	wrdreg s26;
	s6 =	sadd.s32 s5, s4;
	s4 =	sadd.s32 $0x43600, s0  }
0x14: {  	s11 =	ssub.s32 s24, s11;
	s1 =	smov.u32 @p0 s7;
	s24 =	simm.s32 $0x380  }
0x15: {  	s1 =	sshll.u32 s1, $0x4;
	s11 =	smax.u32 s11, $0x1;
	[dreg:$0x13] =	wrdreg s24  }
0x16: {  	s7 =	sadd.s32 s9, s1;
	s8 =	sadd.s32 s10, s1;
	s1 =	sor.u32 $0x40, s1  }
0x17: {  	s6 =	sshrl.u32 s6, $0x3;
	[dreg:$0x1a] =	wrdreg s11;
	s9 =	sadd.s32 s9, s1  }
0x18: {  	s0 =	sadd.s32 s6, s0;
	s1 =	sadd.s32 s10, s1;
	[dreg:$0x17] =	wrdreg s9  }
0x19: {  	s6 =	simm.s32 $0x24;
	s0 =	sadd.s32 $0x6A800, s0;
	[dreg:$0x18] =	wrdreg s1  }
0x1a: {  	s6 =	simm.s32 @!p0 $0x4;
	s10 =	simm.s32 $0x100;
	[dreg:$0x19] =	wrdreg s0  }
0x1b: {  	s21 =	simm.s32 $0x800;
	s12 =	sadd.s32 $0xFFFFFFFF, s6;
	[dreg:$0x7] =	wrdreg s10  }
0x1c: {  	s22 =	simm.s32 $0x2800;
	s25 =	sshll.u32 s6, $0x6;
	[dreg:$0x3] =	wrdreg s12  }
0x1d: {  	s5 =	sadd.s32 s5, s2;
	s9 =	simm.s32 $0x480;
	[dreg:$0x4] =	wrdreg s25  }
0x1e: {  	s23 =	simm.s32 $0x3;
	s10 =	sshrl.u32 s5, $0x3;
	[dreg:$0x6] =	wrdreg s9  }
0x1f: {  	s26 =	simm.s32 $0x80;
	s12 =	simm.s32 $0x140;
	[dreg:$0x1c] =	wrdreg s10  }
0x20: {  	s24 =	simm.s32 $0x5;
	s25 =	simm.s32 $0x3C0;
	[dreg:$0x8] =	wrdreg s12  }
0x21: {  	s1 =	simm.s32 $0x4;
	s9 =	sor.u32 $0x1C09, s13;
	[dreg:$0x14] =	wrdreg s25  }
0x22: {  	s0 =	simm.s32 $0x0;
	s25 =	simm.s32 $0x7;
	[dreg:$0x1b] =	wrdreg s9  }
.LBB2_1:
0x23: {  	_ =	strace $0x8000004F  }
0x24: {  	s5 =	rddreg [dreg:$0x16]  }
0x25: {  	[spmem:s10], [sflag:s9] =	dma.local [hbm:s5], $0x2720  }
0x26: {  	_ =	swait.ge [sflag:s15], $0x2720  }
0x27: {  	[sflag:s15] =	ssyncset.done $0x0  }
0x28: {  	[sflag:s15] =	ssyncadd.s32 $0xFFFFD8E0  }
0x29: {  	[bflag:$0x0] =	sbarrier.arrive $0xFFFF  }
0x2a: {  	_ =	strace $0x9000004F  }
0x2b: {  	_ =	strace $0x80000050  }
0x2c: {  	[tilespmem:s3], [sflag:$0x1] =	stream.linear.gather [hbm4b:s7+s3], $0x200, $0x200038;
	[tilespmem:$0x1C100] =	vst v63  }
0x2d: {  	_ = 	snop  }
0x2e: {  	[tilespmem:s16], [sflag:$0x3] =	stream.linear.gather [hbm4b:s8+s3], $0x200, $0x200038;
	[tilespmem:$0x1C100] =	vst v63  }
0x2f: {  	s10 =	simm.s32 $0x200;
	s9 =	rddreg [dreg:$0x17]  }
0x30: {  	[tilespmem:s10], [sflag:$0x2] =	stream.linear.gather [hbm4b:s9+s3], $0x200, $0x200038;
	[tilespmem:$0x1C100] =	vst v63  }
0x31: {  	s12 =	simm.s32 $0x1;
	s11 =	rddreg [dreg:$0x18]  }
0x32: {  	[tilespmem:s18], [sflag:$0x4] =	stream.linear.gather [hbm4b:s11+s3], $0x200, $0x200038;
	[tilespmem:$0x1C100] =	vst v63  }
0x33: {  	_ =	swait.ge [sflag:s12], $0x200  }
0x34: {  	[sflag:s12] =	ssyncset.done $0x0  }
0x35: {  	[sflag:s12] =	ssyncadd.s32 $0xFFFFFE00  }
0x36: {  	[tilespmem:s21], [sflag:$0x5] =	stream.indirect.gather [hbm4b:s4+s20], $0x80, s3, s20, $0x2000b8;
	[tilespmem:$0x1C100] =	vst v63  }
0x37: {  	_ = 	snop  }
0x38: {  	[tilespmem:s22], [sflag:$0x7] =	stream.indirect.gather [hbm4b:s4+s20], $0x80, s20, s20, $0x2000b8;
	[tilespmem:$0x1C100] =	vst v63  }
0x39: {  	_ =	strace $0x90000050  }
0x3a: {  	_ =	strace $0x80000051  }
0x3b: {  	_ =	swait.ge [sflag:s23], $0x200  }
0x3c: {  	[sflag:s23] =	ssyncset.done $0x0  }
0x3d: {  	[sflag:s23] =	ssyncadd.s32 $0xFFFFFE00  }
0x3e: {  	_ =	swait.ge [sflag:s24], $0x2000  }
0x3f: {  	[sflag:s24] =	ssyncset.done $0x0  }
0x40: {  	[sflag:s24] =	ssyncadd.s32 $0xFFFFE000  }
0x41: {  	_ =	swait.ge [sflag:s25], $0x2000  }
0x42: {  	[sflag:s25] =	ssyncset.done $0x0  }
0x43: {  	[sflag:s25] =	ssyncadd.s32 $0xFFFFE000  }
0x44: {  	[spmem:s2] =	stream.indirect.scatter.add.f32 [tilespmem:s21], [sflag:$0x9], $0x80, s16, s26, $0x2000b8;
	[tilespmem:$0x1C100] =	vst v63  }
0x45: {  	_ =	swait.ge [sflag:s15], $0x4000  }
0x46: {  	[sflag:s15] =	ssyncset.done $0x0  }
0x47: {  	[sflag:s15] =	ssyncadd.s32 $0xFFFFC000  }
0x48: {  	[tilespmem:s28], [sflag:$0x6] =	stream.indirect.gather [hbm4b:s4+s20], $0x80, s26, s20, $0x2000b8;
	[tilespmem:$0x1C100] =	vst v63  }
0x49: {  	s13 =	rddreg [dreg:$0x5]  }
0x4a: {  	[tilespmem:s29], [sflag:$0x8] =	stream.indirect.gather [hbm4b:s4+s20], $0x80, s13, s20, $0x2000b8;
	[tilespmem:$0x1C100] =	vst v63  }
0x4b: {  	_ =	swait.ge [sflag:s30], $0x2000  }
0x4c: {  	[sflag:s30] =	ssyncset.done $0x0  }
0x4d: {  	[sflag:s30] =	ssyncadd.s32 $0xFFFFE000  }
0x4e: {  	_ =	swait.ge [sflag:s31], $0x2000  }
0x4f: {  	[sflag:s31] =	ssyncset.done $0x0  }
0x50: {  	s14 =	rddreg [dreg:$0x6];
	[sflag:s31] =	ssyncadd.s32 $0xFFFFE000  }
0x51: {  	[spmem:s2] =	stream.indirect.scatter.add.f32 [tilespmem:s28], [sflag:$0x9], $0x80, s14, s26, $0x2000b8;
	[tilespmem:$0x1C100] =	vst v63  }
0x52: {  	_ =	swait.ge [sflag:s15], $0x4000  }
0x53: {  	[sflag:s15] =	ssyncset.done $0x0  }
0x54: {  	s17 =	rddreg [dreg:$0x7];
	[sflag:s15] =	ssyncadd.s32 $0xFFFFC000  }
0x55: {  	[tilespmem:s21], [sflag:$0x5] =	stream.indirect.gather [hbm4b:s4+s20], $0x80, s17, s20, $0x2000b8;
	[tilespmem:$0x1C100] =	vst v63  }
0x56: {  	s19 =	rddreg [dreg:$0x8]  }
0x57: {  	[tilespmem:s22], [sflag:$0x7] =	stream.indirect.gather [hbm4b:s4+s20], $0x80, s19, s20, $0x2000b8;
	[tilespmem:$0x1C100] =	vst v63  }
0x58: {  	_ =	swait.ge [sflag:s24], $0x2000  }
0x59: {  	[sflag:s24] =	ssyncset.done $0x0  }
0x5a: {  	[sflag:s24] =	ssyncadd.s32 $0xFFFFE000  }
0x5b: {  	_ =	swait.ge [sflag:s25], $0x2000  }
0x5c: {  	[sflag:s25] =	ssyncset.done $0x0  }
0x5d: {  	s10 =	rddreg [dreg:$0x9];
	[sflag:s25] =	ssyncadd.s32 $0xFFFFE000  }
0x5e: {  	[spmem:s2] =	stream.indirect.scatter.add.f32 [tilespmem:s21], [sflag:$0x9], $0x80, s10, s26, $0x2000b8;
	[tilespmem:$0x1C100] =	vst v63  }
0x5f: {  	_ =	swait.ge [sflag:s15], $0x4000  }
0x60: {  	[sflag:s15] =	ssyncset.done $0x0  }
0x61: {  	s11 =	rddreg [dreg:$0xa];
	[sflag:s15] =	ssyncadd.s32 $0xFFFFC000  }
0x62: {  	[tilespmem:s28], [sflag:$0x6] =	stream.indirect.gather [hbm4b:s4+s20], $0x80, s11, s20, $0x2000b8;
	[tilespmem:$0x1C100] =	vst v63  }
0x63: {  	s12 =	rddreg [dreg:$0xb]  }
0x64: {  	[tilespmem:s29], [sflag:$0x8] =	stream.indirect.gather [hbm4b:s4+s20], $0x80, s12, s20, $0x2000b8;
	[tilespmem:$0x1C100] =	vst v63  }
0x65: {  	_ =	swait.ge [sflag:s30], $0x2000  }
0x66: {  	[sflag:s30] =	ssyncset.done $0x0  }
0x67: {  	[sflag:s30] =	ssyncadd.s32 $0xFFFFE000  }
0x68: {  	_ =	swait.ge [sflag:s31], $0x2000  }
0x69: {  	[sflag:s31] =	ssyncset.done $0x0  }
0x6a: {  	s13 =	rddreg [dreg:$0xc];
	[sflag:s31] =	ssyncadd.s32 $0xFFFFE000  }
0x6b: {  	[spmem:s2] =	stream.indirect.scatter.add.f32 [tilespmem:s28], [sflag:$0x9], $0x80, s13, s26, $0x2000b8;
	[tilespmem:$0x1C100] =	vst v63  }
0x6c: {  	_ =	swait.ge [sflag:s15], $0x4000  }
0x6d: {  	s14 =	rddreg [dreg:$0x3]  }
0x6e: {  	[sflag:s15] =	ssyncset.done $0x0;
	p1 =	sle.u32 s14, $0x0  }
0x6f: {  	[sflag:s15] =	ssyncadd.s32 $0xFFFFC000;
	s5 =	simm.s32 @!p1 $0x2  }
0x70: {  	_ =	swait.ge @!p1 [sflag:s5], $0x200  }
0x71: {  	s9 =	simm.s32 @!p1 $0x800;
	[sflag:s5] =	ssyncset.done @!p1 $0x0  }
0x72: {  	s10 =	simm.s32 @!p1 $0x200;
	[sflag:s5] =	ssyncadd.s32 @!p1 $0xFFFFFE00;
	s5 =	simm.s32 @!p1 $0x40  }
0x73: {  	[tilespmem:s9], [sflag:$0x5] =	stream.indirect.gather @!p1 [hbm4b:s4+s5], $0x80, s10, s5, $0x2000b8;
	[tilespmem:$0x1C100] =	vst v63  }
0x74: {  	p0 =	sle.u32 s6, $0x2;
	s9 =	simm.s32 @!p1 $0x240;
	s10 =	simm.s32 @!p1 $0x2800  }
0x75: {  	[tilespmem:s10], [sflag:$0x7] =	stream.indirect.gather @!p1 [hbm4b:s4+s5], $0x80, s9, s5, $0x2000b8;
	[tilespmem:$0x1C100] =	vst v63  }
0x76: {  	s5 =	sadd.s32 @!p0 $0x0, s7  }
0x77: {  	s9 =	simm.s32 @!p0 $0x0;
	s10 =	sadd.s32 @!p0 $0x0, s8;
	s5 =	sadd.s32 @!p0 $0x80, s5  }
0x78: {  	[tilespmem:s9], [sflag:$0x1] =	stream.linear.gather @!p0 [hbm4b:s5+s9], $0x200, $0x200038;
	[tilespmem:$0x1C100] =	vst v63  }
0x79: {  	s5 =	sadd.s32 @!p0 $0x80, s10;
	s10 =	simm.s32 @!p0 $0x400  }
0x7a: {  	[tilespmem:s10], [sflag:$0x3] =	stream.linear.gather @!p0 [hbm4b:s5+s9], $0x200, $0x200038;
	[tilespmem:$0x1C100] =	vst v63  }
0x7b: {  	_ =	swait.ge [sflag:s1], $0x200  }
0x7c: {  	[sflag:s1] =	ssyncset.done $0x0  }
0x7d: {  	[sflag:s1] =	ssyncadd.s32 $0xFFFFFE00  }
0x7e: {  	_ =	swait.ge [sflag:s24], $0x2000  }
0x7f: {  	[sflag:s24] =	ssyncset.done $0x0  }
0x80: {  	[sflag:s24] =	ssyncadd.s32 $0xFFFFE000  }
0x81: {  	_ =	swait.ge [sflag:s25], $0x2000  }
0x82: {  	[sflag:s25] =	ssyncset.done $0x0  }
0x83: {  	[sflag:s25] =	ssyncadd.s32 $0xFFFFE000  }
0x84: {  	[spmem:s2] =	stream.indirect.scatter.add.f32 [tilespmem:s21], [sflag:$0x9], $0x80, s18, s26, $0x2000b8;
	[tilespmem:$0x1C100] =	vst v63  }
0x85: {  	_ =	swait.ge [sflag:s15], $0x4000  }
0x86: {  	[sflag:s15] =	ssyncset.done $0x0  }
0x87: {  	s17 =	rddreg [dreg:$0xd];
	[sflag:s15] =	ssyncadd.s32 $0xFFFFC000  }
0x88: {  	[tilespmem:s28], [sflag:$0x6] =	stream.indirect.gather [hbm4b:s4+s20], $0x80, s17, s20, $0x2000b8;
	[tilespmem:$0x1C100] =	vst v63  }
0x89: {  	s19 =	rddreg [dreg:$0xe]  }
0x8a: {  	[tilespmem:s29], [sflag:$0x8] =	stream.indirect.gather [hbm4b:s4+s20], $0x80, s19, s20, $0x2000b8;
	[tilespmem:$0x1C100] =	vst v63  }
0x8b: {  	_ =	swait.ge [sflag:s30], $0x2000  }
0x8c: {  	[sflag:s30] =	ssyncset.done $0x0  }
0x8d: {  	[sflag:s30] =	ssyncadd.s32 $0xFFFFE000  }
0x8e: {  	_ =	swait.ge [sflag:s31], $0x2000  }
0x8f: {  	[sflag:s31] =	ssyncset.done $0x0  }
0x90: {  	s10 =	rddreg [dreg:$0xf];
	[sflag:s31] =	ssyncadd.s32 $0xFFFFE000  }
0x91: {  	[spmem:s2] =	stream.indirect.scatter.add.f32 [tilespmem:s28], [sflag:$0x9], $0x80, s10, s26, $0x2000b8;
	[tilespmem:$0x1C100] =	vst v63  }
0x92: {  	_ =	swait.ge [sflag:s15], $0x4000  }
0x93: {  	[sflag:s15] =	ssyncset.done $0x0  }
0x94: {  	s11 =	rddreg [dreg:$0x10];
	[sflag:s15] =	ssyncadd.s32 $0xFFFFC000  }
0x95: {  	[tilespmem:s21], [sflag:$0x5] =	stream.indirect.gather [hbm4b:s4+s20], $0x80, s11, s20, $0x2000b8;
	[tilespmem:$0x1C100] =	vst v63  }
0x96: {  	s12 =	rddreg [dreg:$0x11]  }
0x97: {  	[tilespmem:s22], [sflag:$0x7] =	stream.indirect.gather [hbm4b:s4+s20], $0x80, s12, s20, $0x2000b8;
	[tilespmem:$0x1C100] =	vst v63  }
0x98: {  	_ =	swait.ge [sflag:s24], $0x2000  }
0x99: {  	[sflag:s24] =	ssyncset.done $0x0  }
0x9a: {  	[sflag:s24] =	ssyncadd.s32 $0xFFFFE000  }
0x9b: {  	_ =	swait.ge [sflag:s25], $0x2000  }
0x9c: {  	[sflag:s25] =	ssyncset.done $0x0  }
0x9d: {  	s13 =	rddreg [dreg:$0x12];
	[sflag:s25] =	ssyncadd.s32 $0xFFFFE000  }
0x9e: {  	[spmem:s2] =	stream.indirect.scatter.add.f32 [tilespmem:s21], [sflag:$0x9], $0x80, s13, s26, $0x2000b8;
	[tilespmem:$0x1C100] =	vst v63  }
0x9f: {  	_ =	swait.ge [sflag:s15], $0x4000  }
0xa0: {  	[sflag:s15] =	ssyncset.done $0x0  }
0xa1: {  	s14 =	rddreg [dreg:$0x13];
	[sflag:s15] =	ssyncadd.s32 $0xFFFFC000  }
0xa2: {  	[tilespmem:s28], [sflag:$0x6] =	stream.indirect.gather [hbm4b:s4+s20], $0x80, s14, s20, $0x2000b8;
	[tilespmem:$0x1C100] =	vst v63  }
0xa3: {  	s17 =	rddreg [dreg:$0x14]  }
0xa4: {  	[tilespmem:s29], [sflag:$0x8] =	stream.indirect.gather [hbm4b:s4+s20], $0x80, s17, s20, $0x2000b8;
	[tilespmem:$0x1C100] =	vst v63  }
0xa5: {  	_ =	swait.ge [sflag:s30], $0x2000  }
0xa6: {  	[sflag:s30] =	ssyncset.done $0x0  }
0xa7: {  	[sflag:s30] =	ssyncadd.s32 $0xFFFFE000  }
0xa8: {  	_ =	swait.ge [sflag:s31], $0x2000  }
0xa9: {  	[sflag:s31] =	ssyncset.done $0x0  }
0xaa: {  	s19 =	rddreg [dreg:$0x15];
	[sflag:s31] =	ssyncadd.s32 $0xFFFFE000  }
0xab: {  	[spmem:s2] =	stream.indirect.scatter.add.f32 [tilespmem:s28], [sflag:$0x9], $0x80, s19, s26, $0x2000b8;
	[tilespmem:$0x1C100] =	vst v63  }
0xac: {  	_ =	swait.ge [sflag:s15], $0x4000  }
0xad: {  	[sflag:s15] =	ssyncset.done $0x0  }
0xae: {  	s10 =	simm.s32 @!p0 $0x1;
	[sflag:s15] =	ssyncadd.s32 $0xFFFFC000  }
0xaf: {  	_ =	swait.ge @!p0 [sflag:s10], $0x200  }
0xb0: {  	s12 =	simm.s32 @!p0 $0x800;
	[sflag:s10] =	ssyncset.done @!p0 $0x0;
	s11 =	rddreg [dreg:$0x4]  }
0xb1: {  	s19 =	simm.s32 @!p0 $0x40;
	[sflag:s10] =	ssyncadd.s32 @!p0 $0xFFFFFE00;
	p2 =	sne.s32 s11, $0x80  }
0xb2: {  	[tilespmem:s12], [sflag:$0x5] =	stream.indirect.gather @!p0 [hbm4b:s4+s19], $0x80, s9, s19, $0x2000b8;
	[tilespmem:$0x1C100] =	vst v63  }
.Ltmp0:
0xb3: {  	p1 =	sle.u32 s6, $0x3;
	(pc) =	sbr.rel @!p2 .LBB2_3-.Ltmp0, $4  }
0xb4: {  	s5 =	simm.s32 $0x2;
	s17 =	simm.s32 $0x80;
	s9 =	simm.s32 @!p0 $0x2800  }
0xb5: {  	[tilespmem:s9], [sflag:$0x7] =	stream.indirect.gather @!p0 [hbm4b:s4+s19], $0x80, s19, s19, $0x2000b8;
	[tilespmem:$0x1C100] =	vst v63  }
0xb6: {  	s10 =	simm.s32 @!p1 $0x0;
	s11 =	simm.s32 @!p1 $0x600;
	s9 =	sadd.s32 @!p1 $0x0, s7  }
0xb7: {  	s12 =	simm.s32 @!p1 $0x200;
	s19 =	sadd.s32 @!p1 $0xC0, s9;
	s9 =	sadd.s32 @!p1 $0x0, s8  }
.LBB2_2:
0xb8: {  	[tilespmem:s12], [sflag:$0x2] =	stream.linear.gather @!p1 [hbm4b:s19+s10], $0x200, $0x200038;
	[tilespmem:$0x1C100] =	vst v63  }
0xb9: {  	s12 =	sadd.s32 @!p1 $0xC0, s9  }
0xba: {  	[tilespmem:s11], [sflag:$0x4] =	stream.linear.gather @!p1 [hbm4b:s12+s10], $0x200, $0x200038;
	[tilespmem:$0x1C100] =	vst v63  }
0xbb: {  	_ =	swait.ge [sflag:s23], $0x200  }
0xbc: {  	[sflag:s23] =	ssyncset.done $0x0  }
0xbd: {  	[sflag:s23] =	ssyncadd.s32 $0xFFFFFE00  }
0xbe: {  	_ =	swait.ge [sflag:s24], $0x2000  }
0xbf: {  	[sflag:s24] =	ssyncset.done $0x0  }
0xc0: {  	[sflag:s24] =	ssyncadd.s32 $0xFFFFE000  }
0xc1: {  	_ =	swait.ge [sflag:s25], $0x2000  }
0xc2: {  	[sflag:s25] =	ssyncset.done $0x0  }
0xc3: {  	[sflag:s25] =	ssyncadd.s32 $0xFFFFE000  }
0xc4: {  	[spmem:s2] =	stream.indirect.scatter.add.f32 [tilespmem:s21], [sflag:$0x9], $0x80, s16, s26, $0x2000b8;
	[tilespmem:$0x1C100] =	vst v63  }
0xc5: {  	_ =	swait.ge [sflag:s15], $0x4000  }
0xc6: {  	[sflag:s15] =	ssyncset.done $0x0  }
0xc7: {  	[sflag:s15] =	ssyncadd.s32 $0xFFFFC000  }
0xc8: {  	[tilespmem:s28], [sflag:$0x6] =	stream.indirect.gather [hbm4b:s4+s20], $0x80, s26, s20, $0x2000b8;
	[tilespmem:$0x1C100] =	vst v63  }
0xc9: {  	s12 =	rddreg [dreg:$0x5]  }
0xca: {  	[tilespmem:s29], [sflag:$0x8] =	stream.indirect.gather [hbm4b:s4+s20], $0x80, s12, s20, $0x2000b8;
	[tilespmem:$0x1C100] =	vst v63  }
0xcb: {  	_ =	swait.ge [sflag:s30], $0x2000  }
0xcc: {  	[sflag:s30] =	ssyncset.done $0x0  }
0xcd: {  	[sflag:s30] =	ssyncadd.s32 $0xFFFFE000  }
0xce: {  	_ =	swait.ge [sflag:s31], $0x2000  }
0xcf: {  	[sflag:s31] =	ssyncset.done $0x0  }
0xd0: {  	s13 =	rddreg [dreg:$0x6];
	[sflag:s31] =	ssyncadd.s32 $0xFFFFE000  }
0xd1: {  	[spmem:s2] =	stream.indirect.scatter.add.f32 [tilespmem:s28], [sflag:$0x9], $0x80, s13, s26, $0x2000b8;
	[tilespmem:$0x1C100] =	vst v63  }
0xd2: {  	_ =	swait.ge [sflag:s15], $0x4000  }
0xd3: {  	[sflag:s15] =	ssyncset.done $0x0  }
0xd4: {  	s14 =	rddreg [dreg:$0x7];
	[sflag:s15] =	ssyncadd.s32 $0xFFFFC000  }
0xd5: {  	[tilespmem:s21], [sflag:$0x5] =	stream.indirect.gather [hbm4b:s4+s20], $0x80, s14, s20, $0x2000b8;
	[tilespmem:$0x1C100] =	vst v63  }
0xd6: {  	s19 =	rddreg [dreg:$0x8]  }
0xd7: {  	[tilespmem:s22], [sflag:$0x7] =	stream.indirect.gather [hbm4b:s4+s20], $0x80, s19, s20, $0x2000b8;
	[tilespmem:$0x1C100] =	vst v63  }
0xd8: {  	_ =	swait.ge [sflag:s24], $0x2000  }
0xd9: {  	[sflag:s24] =	ssyncset.done $0x0  }
0xda: {  	[sflag:s24] =	ssyncadd.s32 $0xFFFFE000  }
0xdb: {  	_ =	swait.ge [sflag:s25], $0x2000  }
0xdc: {  	[sflag:s25] =	ssyncset.done $0x0  }
0xdd: {  	s12 =	rddreg [dreg:$0x9];
	[sflag:s25] =	ssyncadd.s32 $0xFFFFE000  }
0xde: {  	[spmem:s2] =	stream.indirect.scatter.add.f32 [tilespmem:s21], [sflag:$0x9], $0x80, s12, s26, $0x2000b8;
	[tilespmem:$0x1C100] =	vst v63  }
0xdf: {  	_ =	swait.ge [sflag:s15], $0x4000  }
0xe0: {  	[sflag:s15] =	ssyncset.done $0x0  }
0xe1: {  	s13 =	rddreg [dreg:$0xa];
	[sflag:s15] =	ssyncadd.s32 $0xFFFFC000  }
0xe2: {  	[tilespmem:s28], [sflag:$0x6] =	stream.indirect.gather [hbm4b:s4+s20], $0x80, s13, s20, $0x2000b8;
	[tilespmem:$0x1C100] =	vst v63  }
0xe3: {  	s14 =	rddreg [dreg:$0xb]  }
0xe4: {  	[tilespmem:s29], [sflag:$0x8] =	stream.indirect.gather [hbm4b:s4+s20], $0x80, s14, s20, $0x2000b8;
	[tilespmem:$0x1C100] =	vst v63  }
0xe5: {  	_ =	swait.ge [sflag:s30], $0x2000  }
0xe6: {  	[sflag:s30] =	ssyncset.done $0x0  }
0xe7: {  	[sflag:s30] =	ssyncadd.s32 $0xFFFFE000  }
0xe8: {  	_ =	swait.ge [sflag:s31], $0x2000  }
0xe9: {  	[sflag:s31] =	ssyncset.done $0x0  }
0xea: {  	s19 =	rddreg [dreg:$0xc];
	[sflag:s31] =	ssyncadd.s32 $0xFFFFE000  }
0xeb: {  	[spmem:s2] =	stream.indirect.scatter.add.f32 [tilespmem:s28], [sflag:$0x9], $0x80, s19, s26, $0x2000b8;
	[tilespmem:$0x1C100] =	vst v63  }
0xec: {  	_ =	swait.ge [sflag:s15], $0x4000  }
0xed: {  	s12 =	rddreg [dreg:$0x3]  }
0xee: {  	[sflag:s15] =	ssyncset.done $0x0;
	p1 =	sge.u32 s5, s12  }
0xef: {  	[sflag:s15] =	ssyncadd.s32 $0xFFFFC000;
	s11 =	simm.s32 @!p1 $0x2  }
0xf0: {  	s9 =	smov.u32 s17;
	s10 =	smov.u32 s5;
	_ =	swait.ge @!p1 [sflag:s11], $0x200  }
0xf1: {  	s5 =	sadd.s32 $0x2, s5;
	s12 =	simm.s32 @!p1 $0x800;
	[sflag:s11] =	ssyncset.done @!p1 $0x0  }
0xf2: {  	s19 =	simm.s32 @!p1 $0x200;
	[sflag:s11] =	ssyncadd.s32 @!p1 $0xFFFFFE00;
	s11 =	simm.s32 @!p1 $0x40  }
0xf3: {  	[tilespmem:s12], [sflag:$0x5] =	stream.indirect.gather @!p1 [hbm4b:s4+s11], $0x80, s19, s11, $0x2000b8;
	[tilespmem:$0x1C100] =	vst v63  }
0xf4: {  	p0 =	sge.u32 s5, s6;
	s12 =	simm.s32 @!p1 $0x240;
	s19 =	simm.s32 @!p1 $0x2800  }
0xf5: {  	[tilespmem:s19], [sflag:$0x7] =	stream.indirect.gather @!p1 [hbm4b:s4+s11], $0x80, s12, s11, $0x2000b8;
	[tilespmem:$0x1C100] =	vst v63  }
0xf6: {  	s12 =	sadd.s32 @!p0 s9, s7  }
0xf7: {  	s11 =	simm.s32 @!p0 $0x0;
	s19 =	sadd.s32 @!p0 s9, s8;
	s12 =	sadd.s32 @!p0 $0x80, s12  }
0xf8: {  	[tilespmem:s11], [sflag:$0x1] =	stream.linear.gather @!p0 [hbm4b:s12+s11], $0x200, $0x200038;
	[tilespmem:$0x1C100] =	vst v63  }
0xf9: {  	s13 =	simm.s32 @!p0 $0x400;
	s19 =	sadd.s32 @!p0 $0x80, s19  }
0xfa: {  	[tilespmem:s13], [sflag:$0x3] =	stream.linear.gather @!p0 [hbm4b:s19+s11], $0x200, $0x200038;
	[tilespmem:$0x1C100] =	vst v63  }
0xfb: {  	_ =	swait.ge [sflag:s1], $0x200  }
0xfc: {  	[sflag:s1] =	ssyncset.done $0x0  }
0xfd: {  	[sflag:s1] =	ssyncadd.s32 $0xFFFFFE00  }
0xfe: {  	_ =	swait.ge [sflag:s24], $0x2000  }
0xff: {  	[sflag:s24] =	ssyncset.done $0x0  }
0x100: {  	[sflag:s24] =	ssyncadd.s32 $0xFFFFE000  }
0x101: {  	_ =	swait.ge [sflag:s25], $0x2000  }
0x102: {  	[sflag:s25] =	ssyncset.done $0x0  }
0x103: {  	[sflag:s25] =	ssyncadd.s32 $0xFFFFE000  }
0x104: {  	[spmem:s2] =	stream.indirect.scatter.add.f32 [tilespmem:s21], [sflag:$0x9], $0x80, s18, s26, $0x2000b8;
	[tilespmem:$0x1C100] =	vst v63  }
0x105: {  	_ =	swait.ge [sflag:s15], $0x4000  }
0x106: {  	[sflag:s15] =	ssyncset.done $0x0  }
0x107: {  	s13 =	rddreg [dreg:$0xd];
	[sflag:s15] =	ssyncadd.s32 $0xFFFFC000  }
0x108: {  	[tilespmem:s28], [sflag:$0x6] =	stream.indirect.gather [hbm4b:s4+s20], $0x80, s13, s20, $0x2000b8;
	[tilespmem:$0x1C100] =	vst v63  }
0x109: {  	s14 =	rddreg [dreg:$0xe]  }
0x10a: {  	[tilespmem:s29], [sflag:$0x8] =	stream.indirect.gather [hbm4b:s4+s20], $0x80, s14, s20, $0x2000b8;
	[tilespmem:$0x1C100] =	vst v63  }
0x10b: {  	_ =	swait.ge [sflag:s30], $0x2000  }
0x10c: {  	[sflag:s30] =	ssyncset.done $0x0  }
0x10d: {  	[sflag:s30] =	ssyncadd.s32 $0xFFFFE000  }
0x10e: {  	_ =	swait.ge [sflag:s31], $0x2000  }
0x10f: {  	[sflag:s31] =	ssyncset.done $0x0  }
0x110: {  	s19 =	rddreg [dreg:$0xf];
	[sflag:s31] =	ssyncadd.s32 $0xFFFFE000  }
0x111: {  	[spmem:s2] =	stream.indirect.scatter.add.f32 [tilespmem:s28], [sflag:$0x9], $0x80, s19, s26, $0x2000b8;
	[tilespmem:$0x1C100] =	vst v63  }
0x112: {  	_ =	swait.ge [sflag:s15], $0x4000  }
0x113: {  	[sflag:s15] =	ssyncset.done $0x0  }
0x114: {  	s13 =	rddreg [dreg:$0x10];
	[sflag:s15] =	ssyncadd.s32 $0xFFFFC000  }
0x115: {  	[tilespmem:s21], [sflag:$0x5] =	stream.indirect.gather [hbm4b:s4+s20], $0x80, s13, s20, $0x2000b8;
	[tilespmem:$0x1C100] =	vst v63  }
0x116: {  	s14 =	rddreg [dreg:$0x11]  }
0x117: {  	[tilespmem:s22], [sflag:$0x7] =	stream.indirect.gather [hbm4b:s4+s20], $0x80, s14, s20, $0x2000b8;
	[tilespmem:$0x1C100] =	vst v63  }
0x118: {  	_ =	swait.ge [sflag:s24], $0x2000  }
0x119: {  	[sflag:s24] =	ssyncset.done $0x0  }
0x11a: {  	[sflag:s24] =	ssyncadd.s32 $0xFFFFE000  }
0x11b: {  	_ =	swait.ge [sflag:s25], $0x2000  }
0x11c: {  	[sflag:s25] =	ssyncset.done $0x0  }
0x11d: {  	s19 =	rddreg [dreg:$0x12];
	[sflag:s25] =	ssyncadd.s32 $0xFFFFE000  }
0x11e: {  	[spmem:s2] =	stream.indirect.scatter.add.f32 [tilespmem:s21], [sflag:$0x9], $0x80, s19, s26, $0x2000b8;
	[tilespmem:$0x1C100] =	vst v63  }
0x11f: {  	_ =	swait.ge [sflag:s15], $0x4000  }
0x120: {  	[sflag:s15] =	ssyncset.done $0x0  }
0x121: {  	s13 =	rddreg [dreg:$0x13];
	[sflag:s15] =	ssyncadd.s32 $0xFFFFC000  }
0x122: {  	[tilespmem:s28], [sflag:$0x6] =	stream.indirect.gather [hbm4b:s4+s20], $0x80, s13, s20, $0x2000b8;
	[tilespmem:$0x1C100] =	vst v63  }
0x123: {  	s14 =	rddreg [dreg:$0x14]  }
0x124: {  	[tilespmem:s29], [sflag:$0x8] =	stream.indirect.gather [hbm4b:s4+s20], $0x80, s14, s20, $0x2000b8;
	[tilespmem:$0x1C100] =	vst v63  }
0x125: {  	_ =	swait.ge [sflag:s30], $0x2000  }
0x126: {  	[sflag:s30] =	ssyncset.done $0x0  }
0x127: {  	[sflag:s30] =	ssyncadd.s32 $0xFFFFE000  }
0x128: {  	_ =	swait.ge [sflag:s31], $0x2000  }
0x129: {  	[sflag:s31] =	ssyncset.done $0x0  }
0x12a: {  	s19 =	rddreg [dreg:$0x15];
	[sflag:s31] =	ssyncadd.s32 $0xFFFFE000  }
0x12b: {  	[spmem:s2] =	stream.indirect.scatter.add.f32 [tilespmem:s28], [sflag:$0x9], $0x80, s19, s26, $0x2000b8;
	[tilespmem:$0x1C100] =	vst v63  }
0x12c: {  	_ =	swait.ge [sflag:s15], $0x4000  }
0x12d: {  	[sflag:s15] =	ssyncset.done $0x0  }
0x12e: {  	s10 =	sadd.s32 $0x3, s10;
	s12 =	simm.s32 @!p0 $0x1;
	[sflag:s15] =	ssyncadd.s32 $0xFFFFC000  }
0x12f: {  	p1 =	sge.u32 s10, s6;
	_ =	swait.ge @!p0 [sflag:s12], $0x200  }
0x130: {  	s17 =	sadd.s32 $0x80, s17;
	s10 =	simm.s32 @!p1 $0x0;
	s14 =	rddreg [dreg:$0x4]  }
0x131: {  	s13 =	simm.s32 @!p0 $0x800;
	[sflag:s12] =	ssyncset.done @!p0 $0x0;
	p2 =	sne.s32 s14, s17  }
.Ltmp1:
0x132: {  	s19 =	simm.s32 @!p0 $0x40;
	[sflag:s12] =	ssyncadd.s32 @!p0 $0xFFFFFE00;
	(pc) =	sbr.rel @p2 .LBB2_2-.Ltmp1, $4  }
0x133: {  	[tilespmem:s13], [sflag:$0x5] =	stream.indirect.gather @!p0 [hbm4b:s4+s19], $0x80, s11, s19, $0x2000b8;
	[tilespmem:$0x1C100] =	vst v63  }
0x134: {  	s12 =	simm.s32 @!p0 $0x2800;
	s11 =	sadd.s32 @!p1 s9, s7;
	s9 =	sadd.s32 @!p1 s9, s8  }
0x135: {  	[tilespmem:s12], [sflag:$0x7] =	stream.indirect.gather @!p0 [hbm4b:s4+s19], $0x80, s19, s19, $0x2000b8;
	[tilespmem:$0x1C100] =	vst v63  }
0x136: {  	s12 =	simm.s32 @!p1 $0x200;
	s19 =	sadd.s32 @!p1 $0xC0, s11;
	s11 =	simm.s32 @!p1 $0x600  }
.LBB2_3:
0x137: {  	[tilespmem:s12], [sflag:$0x2] =	stream.linear.gather @!p1 [hbm4b:s19+s10], $0x200, $0x200038;
	[tilespmem:$0x1C100] =	vst v63  }
0x138: {  	s5 =	sadd.s32 @!p1 $0xC0, s9  }
0x139: {  	[tilespmem:s11], [sflag:$0x4] =	stream.linear.gather @!p1 [hbm4b:s5+s10], $0x200, $0x200038;
	[tilespmem:$0x1C100] =	vst v63  }
0x13a: {  	[bflag:$0x0] =	sbarrier.arrive $0xFFFF  }
0x13b: {  	_ =	strace $0x90000051  }
0x13c: {  	_ =	strace $0x80000052  }
0x13d: {  	s17 =	rddreg [dreg:$0x19]  }
0x13e: {  	s9 =	rddreg [dreg:$0x1b]  }
0x13f: {  	s10 =	rddreg [dreg:$0x1c]  }
0x140: {  	[hbm:s17], [sflag:s9] =	dma.local [spmem:s10], $0x2720  }
0x141: {  	_ =	swait.ge [sflag:s15], $0x2720  }
0x142: {  	s0 =	sadd.s32 $0x1, s0;
	s19 =	rddreg [dreg:$0x1a]  }
0x143: {  	p0 =	sne.s32 s0, s19  }
.Ltmp2:
0x144: {  	_ = 	snop;
	(pc) =	sbr.rel @p0 .LBB2_1-.Ltmp2, $4  }
0x145: {  	_ = 	snop  }
0x146: {  	[sflag:s15] =	ssyncset.done $0x0  }
0x147: {  	[sflag:s15] =	ssyncadd.s32 $0xFFFFD8E0  }
0x148: {  	_ =	strace $0x90000052  }
0x149: {  	_ =	sfence.sel $0x180000  }
0x14a: {  	[bflag:$0x0] =	sbarrier.arrive $0xFFFF  }
0x14b: {  	_ =	strace $0x9000004E  }
0x14c: {  	s0 =	stileid.u32;
	[bflag:$0x2] =	sbarrier.arrive $0xFFFF  }
0x14d: {  	p0 =	sne.s32 s0, $0x0;
	s0 =	rddreg [dreg:$0x2]  }
0x14e: {  	s0 =	sadd.s32 @!p0 $0x100000, s0  }
0x14f: {  	[sflag:s0] =	ssyncadd.tile.s32 @!p0 $0x1;
	_ =	shalt  }
.Lfunc_end2:
_tile_overlayer_lowered:
.L_overlay_start_2:
0x150: {  	(tag) =	ssettag $0x2  }
0x151: {  	s0 =	rddreg [dreg:$0x0];
	s2 =	stileid.u32  }
0x152: {  	s1 =	rddreg [dreg:$0x1];
	p0 =	sne.s32 s2, $0x0  }
0x153: {  	s3 =	rddreg [dreg:$0x2];
	[bflag:$0x3] =	sbarrier.arrive $0xFFFF;
	s2 =	simm.s32 @!p0 $0x1C09  }
0x154: {  	[timem:s3], [sflag:s2] =	dma.local @!p0 [hbm:s0], s1  }
0x155: {  	s0 =	simm.s32 @!p0 $0x9  }
0x156: {  	_ =	swait.ge @!p0 [sflag:s0], s1  }
0x157: {  	s1 =	ssub.s32 @!p0 $0x0, s1;
	[sflag:s0] =	ssyncset.done @!p0 $0x0  }
0x158: {  	[sflag:s0] =	ssyncadd.s32 @!p0 s1  }
0x159: {  	[bflag:$0x3] =	sbarrier.arrive $0xFFFF  }
0x15a: {  	_ =	shalt  }

// kernel: kernel.7.cloned.1.call-start
scs
__scs_entry_jumppad:
0x0: {  	(pc) =	sbr.rel $0x88, $3  }
0x1: {  	(tag) =	ssettag $0x0;
	lr =	simm.s32 $0x1  }
0x2: {  	[smem:$0x3F8F] =	sst lr;
	_ =	strace $0xD0000000  }
0x3: {  	_ = 	snop  }
0x4: {  	_ = 	snop  }
0x5: {  	_ = 	snop  }
0x6: {  	_ = 	snop  }
0x7: {  	_ = 	snop  }
__scs_overlays_trampoline_lowered:
0x8: {  	[smem:$0x3F9E] =	sst s0  }
0x9: {  	[smem:$0x3F9F] =	sst s1  }
0xa: {  	[smem:$0x3FA0] =	sst s2  }
0xb: {  	[smem:$0x3FA1] =	sst s3  }
0xc: {  	[smem:$0x3FA2] =	sst s4  }
0xd: {  	[smem:$0x3FA3] =	sst s5  }
0xe: {  	[smem:$0x3FA4] =	sst s6  }
0xf: {  	[smem:$0x3FA5] =	sst s7  }
0x10: {  	[smem:$0x3FA6] =	sst s8  }
0x11: {  	[smem:$0x3FA7] =	sst s9;
	s0 =	simm.s32 @!p0 $0x0  }
0x12: {  	s1 =	sld [smem:$0x3F8D];
	s0 =	simm.s32 @p0 $0x1  }
0x13: {  	[smem:$0x3FA8] =	sst s0;
	s0 =	simm.s32 @!p1 $0x0  }
0x14: {  	s2 =	sld [smem:$0x3F8C];
	s0 =	simm.s32 @p1 $0x1  }
0x15: {  	[smem:$0x3FA9] =	sst s0;
	s0 =	simm.s32 @!p2 $0x0  }
0x16: {  	s3 =	sld [smem:$0x3FDB];
	s0 =	simm.s32 @p2 $0x1  }
0x17: {  	s4 =	simm.s32 $0x1BF5;
	[smem:$0x3FAB] =	sst s0  }
0x18: {  	s0 =	sld [smem:$0x3F8E];
	_ =	swait.ge [sflag:s4], $0x0  }
0x19: {  	s7 =	sld [smem:$0x3F8F]  }
0x1a: {  	s8 =	sadd.s32 $0xFFFFE003, lr  }
0x1b: {  	s9 =	sadd.s32 $0xFFFFFEF7, lr;
	s5 =	simm.s32 $0xFFFFFFFF;
	p2 =	slt.u32 s8, $0xFFFFF086  }
0x1c: {  	p1 =	slt.u32 s9, $0xF7A;
	s5 =	simm.s32 @!p2 $0x0  }
0x1d: {  	s5 =	simm.s32 @p1 $0x1;
	p0 =	seq.s32 s7, s2  }
0x1e: {  	s7 =	smul.u32 @!p0 $0xF7A, s2;
	p2 =	seq.s32 @!p0 s5, $0x0  }
0x1f: {  	s9 =	smul.u32 $0xF7A, s1;
	s8 =	simm.s32 @!p0 $0x1BF5;
	p2 =	por !p2, p0  }
0x20: {  	[sflag:s8] =	ssyncset.s32 @!p0 $0xFFFFF086;
	s6 =	sadd.s32 @!p0 s3, s7;
	s7 =	simm.s32 @!p0 $0x108  }
0x21: {  	s3 =	sadd.s32 s3, s9;
	s6 =	sadd.s32 @!p0 $0x88, s6;
	s7 =	simm.s32 @p2 $0x1082  }
0x22: {  	[simem:s7], [sflag:s8] =	dma.local @!p0 [hbm:s6], $0xF7A  }
0x23: {  	s9 =	sor.u32 $0xD0000000, s2;
	s6 =	simm.s32 $0x108;
	_ =	swait.ge @!p0 [sflag:s8], $0x0  }
0x24: {  	s3 =	sadd.s32 $0x88, s3;
	s6 =	simm.s32 @!p1 $0x1082;
	[sflag:s4] =	ssyncset.s32 $0xFFFFF086  }
0x25: {  	[simem:s6], [sflag:s4] =	dma.local [hbm:s3], $0xF7A  }
0x26: {  	[smem:$0x3F8F] =	sst s1;
	(tag) =	ssettag s2;
	_ =	strace s9  }
0x27: {  	s1 =	sld [smem:$0x3F9F]  }
0x28: {  	s2 =	sld [smem:$0x3FA0]  }
0x29: {  	s4 =	sld [smem:$0x3FA2]  }
0x2a: {  	p0 =	seq.s32 s5, $0x0;
	s5 =	sld [smem:$0x3FA3]  }
0x2b: {  	s6 =	sld [smem:$0x3FA4]  }
0x2c: {  	s7 =	sld [smem:$0x3FA5]  }
0x2d: {  	s3 =	simm.s32 $0x108;
	s8 =	sld [smem:$0x3FA6]  }
0x2e: {  	s3 =	simm.s32 @!p0 $0x1082;
	s9 =	sld [smem:$0x3FA7]  }
0x2f: {  	lr =	sadd.s32 s0, s3;
	s0 =	sld [smem:$0x3F9E]  }
0x30: {  	s3 =	sld [smem:$0x3FA1]  }
0x31: {  	[smem:$0x3FAA] =	sst s10  }
0x32: {  	s10 =	sld [smem:$0x3FA8];
	_ =	sdelay $0x3  }
0x33: {  	p0 =	seq.s32 s10, $0x1;
	s10 =	sld [smem:$0x3FAA];
	_ =	sdelay $0x3  }
0x34: {  	[smem:$0x3FAA] =	sst s10  }
0x35: {  	s10 =	sld [smem:$0x3FA9];
	_ =	sdelay $0x3  }
0x36: {  	p1 =	seq.s32 s10, $0x1;
	s10 =	sld [smem:$0x3FAA];
	_ =	sdelay $0x3  }
0x37: {  	[smem:$0x3FAA] =	sst s10  }
0x38: {  	s10 =	sld [smem:$0x3FAB]  }
0x39: {  	_ = 	snop;
	(pc) =	sbr.ind lr, $3  }
0x3a: {  	_ = 	snop  }
0x3b: {  	_ = 	snop  }
0x3c: {  	p2 =	seq.s32 s10, $0x1;
	s10 =	sld [smem:$0x3FAA]  }
0x3d: {  	_ =	shalt  }
0x3e: {  	_ =	shalt  }
0x3f: {  	_ =	shalt  }
0x40: {  	_ =	shalt  }
0x41: {  	_ =	shalt  }
0x42: {  	_ =	shalt  }
0x43: {  	_ =	shalt  }
0x44: {  	_ =	shalt  }
0x45: {  	_ =	shalt  }
0x46: {  	_ =	shalt  }
0x47: {  	_ =	shalt  }
0x48: {  	_ =	shalt  }
0x49: {  	_ =	shalt  }
0x4a: {  	_ =	shalt  }
0x4b: {  	_ =	shalt  }
0x4c: {  	_ =	shalt  }
0x4d: {  	_ =	shalt  }
0x4e: {  	_ =	shalt  }
0x4f: {  	_ =	shalt  }
0x50: {  	_ =	shalt  }
0x51: {  	_ =	shalt  }
0x52: {  	_ =	shalt  }
0x53: {  	_ =	shalt  }
0x54: {  	_ =	shalt  }
0x55: {  	_ =	shalt  }
0x56: {  	_ =	shalt  }
0x57: {  	_ =	shalt  }
0x58: {  	_ =	shalt  }
0x59: {  	_ =	shalt  }
0x5a: {  	_ =	shalt  }
0x5b: {  	_ =	shalt  }
0x5c: {  	_ =	shalt  }
0x5d: {  	_ =	shalt  }
0x5e: {  	_ =	shalt  }
0x5f: {  	_ =	shalt  }
0x60: {  	_ =	shalt  }
0x61: {  	_ =	shalt  }
0x62: {  	_ =	shalt  }
0x63: {  	_ =	shalt  }
0x64: {  	_ =	shalt  }
0x65: {  	_ =	shalt  }
0x66: {  	_ =	shalt  }
0x67: {  	_ =	shalt  }
0x68: {  	_ =	shalt  }
0x69: {  	_ =	shalt  }
0x6a: {  	_ =	shalt  }
0x6b: {  	_ =	shalt  }
0x6c: {  	_ =	shalt  }
0x6d: {  	_ =	shalt  }
0x6e: {  	_ =	shalt  }
0x6f: {  	_ =	shalt  }
0x70: {  	_ =	shalt  }
0x71: {  	_ =	shalt  }
0x72: {  	_ =	shalt  }
0x73: {  	_ =	shalt  }
0x74: {  	_ =	shalt  }
0x75: {  	_ =	shalt  }
0x76: {  	_ =	shalt  }
0x77: {  	_ =	shalt  }
0x78: {  	_ =	shalt  }
0x79: {  	_ =	shalt  }
0x7a: {  	_ =	shalt  }
0x7b: {  	_ =	shalt  }
0x7c: {  	_ =	shalt  }
0x7d: {  	_ =	shalt  }
0x7e: {  	_ =	shalt  }
0x7f: {  	_ =	shalt  }
0x80: {  	_ =	shalt  }
0x81: {  	_ =	shalt  }
0x82: {  	_ =	shalt  }
0x83: {  	_ =	shalt  }
0x84: {  	_ =	shalt  }
0x85: {  	_ =	shalt  }
0x86: {  	_ =	shalt  }
0x87: {  	_ =	shalt  }
.Lfunc_end0:
.L_simem_size_0:
called_computation_lowered:
.L_overlay_start_0:
0x88: {  	s2 =	sld [smem:$0x3FD9]  }
0x89: {  	s3 =	sld [smem:$0x3FFE];
	_ =	sdelay $0x1  }
0x8a: {  	s1 =	srdreg.scid  }
0x8b: {  	s0 =	sand.u32 $0x1, s1  }
0x8c: {  	s17 =	sshll.u32 s0, $0xA;
	s2 =	sadd.s32 s3, s2  }
0x8d: {  	s2 =	sadd.s32 s2, s17  }
0x8e: {  	[smem:$0x3FB6] =	sst s2  }
0x8f: {  	_ = 	snop  }
0x90: {  	s2 =	sld [smem:$0x3FD0];
	(tm) =	ssettm $0x1  }
0x91: {  	s18 =	sld [smem:$0x3FFB];
	_ =	sdelay $0x3  }
0x92: {  	_ =	strace s18  }
0x93: {  	s3 =	sld [smem:$0x3FFC];
	_ =	sdelay $0x3  }
0x94: {  	_ =	strace s3  }
0x95: {  	s3 =	sld [smem:$0x3FFD];
	_ =	sdelay $0x3  }
0x96: {  	_ =	strace s3  }
0x97: {  	_ =	strace $0x8FFFFFFF  }
0x98: {  	s19 =	sld [smem:$0x3FDB];
	_ =	sdelay $0x1  }
0x99: {  	s4 =	simm.s32 $_scs_section_size  }
0x9a: {  	s5 =	simm.s32 $_size__tile_overlayer_lowered;
	s6 =	simm.s32 $_tile_overlayer_lowered  }
0x9b: {  	s22 =	simm.s32 $0x1BFF;
	s21 =	sshll.u32 s6, $0x1;
	s3 =	sadd.s32 s4, s19  }
0x9c: {  	s7 =	simm.s32 $0x0;
	s20 =	sshll.u32 s5, $0x1;
	s5 =	sadd.s32 s21, s3  }
0x9d: {  	[timem:s7], [sflag:s22] =	dma.local [hbm:s5], s20  }
0x9e: {  	_ =	swait.ge [sflag:s22], s20  }
0x9f: {  	s4 =	ssub.s32 $0x0, s20;
	[sflag:s22] =	ssyncset.done $0x0  }
0xa0: {  	[sflag:s22] =	ssyncadd.s32 s4;
	_ =	sdelay $0x1  }
0xa1: {  	s23 =	simm.s32 $0x1B8B  }
0xa2: {  	_ =	swait.ge [sflag:s23], $0x1  }
0xa3: {  	[sflag:s23] =	ssyncset.done $0x0  }
0xa4: {  	s25 =	simm.s32 $0x1B8E;
	s24 =	sld [smem:$0x3FFE];
	[sflag:s23] =	ssyncadd.s32 $0xFFFFFFFF  }
0xa5: {  	s26 =	simm.s32 $execute0_lowered;
	[smem:$0x3FD2] =	sst s25  }
0xa6: {  	s5 =	sshll.u32 s26, $0x1;
	_ =	strace $0x80000046;
	[dreg:$0x1] =	wrdreg $0xFFFFFFFF  }
0xa7: {  	s28 =	simm.s32 $_size_execute0_lowered;
	s3 =	sadd.s32 s3, s5;
	[dreg:$0x0] =	wrdreg $0x0  }
0xa8: {  	s5 =	sshll.u32 s28, $0x1;
	[dreg:$0x2] =	wrdreg s3  }
0xa9: {  	[dreg:$0x3] =	wrdreg s5  }
0xaa: {  	[dreg:$0x4] =	wrdreg $0xC0  }
0xab: {  	_ =	task [dreg:s7], $0x5FFFF  }
0xac: {  	[dreg:$0x1] =	wrdreg $0xFFFFFFFF  }
0xad: {  	[dreg:$0x0] =	wrdreg $0x60  }
0xae: {  	[dreg:$0x2] =	wrdreg s24  }
0xaf: {  	[dreg:$0x3] =	wrdreg s2  }
0xb0: {  	[dreg:$0x4] =	wrdreg $0x98000  }
0xb1: {  	[dreg:$0x5] =	wrdreg $0x9  }
0xb2: {  	_ =	task.clear_ibuf [dreg:s7], $0x6FFFF;
	_ =	strace $0x90000046  }
0xb3: {  	s29 =	simm.s32 $0x9;
	_ =	strace $0x8000004C  }
0xb4: {  	_ =	swait.ge [sflag:s29], $0x1  }
0xb5: {  	[sflag:s29] =	ssyncadd.s32 $0xFFFFFFFF  }
0xb6: {  	_ =	strace $0x9000004C  }
0xb7: {  	_ =	sfence  }
0xb8: {  	s30 =	sld [smem:$0x0];
	_ =	sdelay $0x2  }
0xb9: {  	s31 =	sshll.u32 s1, $0xD;
	s1 =	sshrl.u32 s1, $0x2  }
0xba: {  	s3 =	sand.u32 $0x4000, s31;
	s1 =	sadd.s32 s1, s30  }
0xbb: {  	s0 =	sor.u32 s3, s0;
	s1 =	sshll.u32 s1, $0x11  }
0xbc: {  	s0 =	sor.u32 s1, s0  }
0xbd: {  	s0 =	sadd.s32 $0x8F2B, s0  }
0xbe: {  	[sflag:s0] =	ssyncadd.remote.s32 $0x1  }
0xbf: {  	_ =	sfence.sel $0xFFFF  }
0xc0: {  	[dreg:$0x0] =	wrdreg $0xFFFFFFFF;
	(pc) =	sbr.abs _section_cstart, $3  }
0xc1: {  	[dreg:$0x1] =	wrdreg $0xFFFFFFFF  }
0xc2: {  	_ =	task.clear_ibuf [dreg:s7], $0x2FFFF;
	_ =	strace $0x9FFFFFFF  }
0xc3: {  	(tm) =	ssettm $0x7FFFFFFF  }
tec
execute0_lowered:
.L_overlay_start_1:
0x0: {  	(tag) =	ssettag $0x1  }
0x1: {  	s0 =	rddreg [dreg:$0x0];
	s1 =	srdreg.scid  }
0x2: {  	s13 =	stileid.u32;
	s3 =	rddreg [dreg:$0x2];
	s4 =	simm.s32 $0x0  }
0x3: {  	s26 =	simm.s32 $0xC0;
	s14 =	simm.s32 $0x500;
	s15 =	simm.s32 $0x180  }
0x4: {  	s16 =	simm.s32 $0x1C0;
	s17 =	simm.s32 $0x580;
	s18 =	simm.s32 $0x280  }
0x5: {  	s19 =	simm.s32 $0x2C0;
	s20 =	simm.s32 $0x680;
	s21 =	simm.s32 $0x300  }
0x6: {  	s22 =	simm.s32 $0x340;
	s23 =	simm.s32 $0x700;
	[smem:$0x7FF] =	sst s4  }
0x7: {  	s28 =	simm.s32 $0x5000;
	_ =	strace $0x80000047;
	[dreg:$0x6] =	wrdreg s26  }
0x8: {  	s29 =	simm.s32 $0x7400;
	s30 =	simm.s32 $0x6;
	[dreg:$0xa] =	wrdreg s14  }
0x9: {  	s31 =	simm.s32 $0x8;
	s1 =	sand.u32 $0x1, s1;
	[dreg:$0xb] =	wrdreg s15  }
0xa: {  	s2 =	smul.u32 $0x16020, s13;
	s9 =	sadd.s32 $0x39600, s0;
	[dreg:$0xc] =	wrdreg s16  }
0xb: {  	s10 =	sadd.s32 $0x2F600, s0;
	s7 =	smul.u32 $0x90, s13;
	[dreg:$0xd] =	wrdreg s17  }
0xc: {  	s8 =	sshll.u32 s13, $0x4;
	s13 =	sshll.u32 s13, $0x6;
	[dreg:$0xe] =	wrdreg s18  }
0xd: {  	s5 =	smul.u32 $0x160200, s1;
	s24 =	ssub.s32 $0x2, s1;
	[dreg:$0xf] =	wrdreg s19  }
0xe: {  	p0 =	seq.s32 s1, $0x0;
	s1 =	sor.u32 $0x900, s8;
	[dreg:$0x10] =	wrdreg s20  }
0xf: {  	s15 =	simm.s32 $0x9;
	s16 =	simm.s32 $0x400;
	[dreg:$0x11] =	wrdreg s21  }
0x10: {  	s18 =	simm.s32 $0x600;
	s20 =	simm.s32 $0x40;
	[dreg:$0x12] =	wrdreg s22  }
0x11: {  	s21 =	simm.s32 $0x800;
	[dreg:$0x13] =	wrdreg s23;
	s26 =	simm.s32 $0x780  }
0x12: {  	s11 =	sshrl.u32 s24, $0x1;
	s1 =	smov.u32 @p0 s7;
	[dreg:$0x16] =	wrdreg s26  }
0x13: {  	s6 =	sadd.s32 s2, s5;
	s11 =	ssub.s32 s24, s11;
	s1 =	sshll.u32 s1, $0x4  }
0x14: {  	s24 =	simm.s32 $0x380;
	s7 =	sadd.s32 s9, s1;
	s8 =	sadd.s32 s10, s1  }
0x15: {  	s1 =	sor.u32 $0x40, s1;
	s11 =	smax.u32 s11, $0x1;
	[dreg:$0x14] =	wrdreg s24  }
0x16: {  	s5 =	sadd.s32 $0x3600, s0;
	s9 =	sadd.s32 s9, s1;
	[dreg:$0x1a] =	wrdreg s11  }
0x17: {  	s6 =	sshrl.u32 s6, $0x3;
	s1 =	sadd.s32 s10, s1;
	[dreg:$0x17] =	wrdreg s9  }
0x18: {  	s0 =	sadd.s32 s6, s0;
	s10 =	simm.s32 $0x100;
	[dreg:$0x18] =	wrdreg s1  }
0x19: {  	s2 =	sadd.s32 s2, s3;
	s0 =	sadd.s32 $0x43600, s0;
	[dreg:$0x8] =	wrdreg s10  }
0x1a: {  	s6 =	simm.s32 $0x24;
	s9 =	simm.s32 $0x480;
	[dreg:$0x19] =	wrdreg s0  }
0x1b: {  	s6 =	simm.s32 @!p0 $0x4;
	s10 =	sshrl.u32 s2, $0x3;
	[dreg:$0x7] =	wrdreg s9  }
0x1c: {  	s22 =	simm.s32 $0x2C00;
	s12 =	sadd.s32 $0xFFFFFFFF, s6;
	[dreg:$0x1c] =	wrdreg s10  }
0x1d: {  	s23 =	simm.s32 $0x3;
	s25 =	sshll.u32 s6, $0x6;
	[dreg:$0x4] =	wrdreg s12  }
0x1e: {  	s26 =	simm.s32 $0x80;
	s9 =	sor.u32 $0x1C09, s13;
	[dreg:$0x5] =	wrdreg s25  }
0x1f: {  	s24 =	simm.s32 $0x5;
	s12 =	simm.s32 $0x140;
	[dreg:$0x1b] =	wrdreg s9  }
0x20: {  	s1 =	simm.s32 $0x4;
	s25 =	simm.s32 $0x3C0;
	[dreg:$0x9] =	wrdreg s12  }
0x21: {  	s0 =	simm.s32 $0x0;
	[dreg:$0x15] =	wrdreg s25;
	s25 =	simm.s32 $0x7  }
.LBB2_1:
0x22: {  	_ =	strace $0x80000048  }
0x23: {  	s2 =	rddreg [dreg:$0x1]  }
0x24: {  	[spmem:s10], [sflag:s9] =	dma.local [hbm:s2], $0x2C04  }
0x25: {  	_ =	swait.ge [sflag:s15], $0x2C04  }
0x26: {  	[sflag:s15] =	ssyncset.done $0x0  }
0x27: {  	[sflag:s15] =	ssyncadd.s32 $0xFFFFD3FC  }
0x28: {  	[bflag:$0x0] =	sbarrier.arrive $0xFFFF  }
0x29: {  	_ =	strace $0x90000048  }
0x2a: {  	_ =	strace $0x80000049  }
0x2b: {  	[tilespmem:s4], [sflag:$0x1] =	stream.linear.gather [hbm4b:s7+s4], $0x200, $0x200038;
	[tilespmem:$0x1F820] =	vst v63  }
0x2c: {  	_ = 	snop  }
0x2d: {  	[tilespmem:s16], [sflag:$0x3] =	stream.linear.gather [hbm4b:s8+s4], $0x200, $0x200038;
	[tilespmem:$0x1F820] =	vst v63  }
0x2e: {  	s10 =	simm.s32 $0x200;
	s9 =	rddreg [dreg:$0x17]  }
0x2f: {  	[tilespmem:s10], [sflag:$0x2] =	stream.linear.gather [hbm4b:s9+s4], $0x200, $0x200038;
	[tilespmem:$0x1F820] =	vst v63  }
0x30: {  	s12 =	simm.s32 $0x1;
	s11 =	rddreg [dreg:$0x18]  }
0x31: {  	[tilespmem:s18], [sflag:$0x4] =	stream.linear.gather [hbm4b:s11+s4], $0x200, $0x200038;
	[tilespmem:$0x1F820] =	vst v63  }
0x32: {  	_ =	swait.ge [sflag:s12], $0x200  }
0x33: {  	[sflag:s12] =	ssyncset.done $0x0  }
0x34: {  	[sflag:s12] =	ssyncadd.s32 $0xFFFFFE00  }
0x35: {  	[tilespmem:s21], [sflag:$0x5] =	stream.indirect.gather [hbm4b:s5+s20], $0x90, s4, s20, $0x2000b8;
	[tilespmem:$0x1F820] =	vst v63  }
0x36: {  	_ = 	snop  }
0x37: {  	[tilespmem:s22], [sflag:$0x7] =	stream.indirect.gather [hbm4b:s5+s20], $0x90, s20, s20, $0x2000b8;
	[tilespmem:$0x1F820] =	vst v63  }
0x38: {  	_ =	strace $0x90000049  }
0x39: {  	_ =	strace $0x8000004A  }
0x3a: {  	_ =	swait.ge [sflag:s23], $0x200  }
0x3b: {  	[sflag:s23] =	ssyncset.done $0x0  }
0x3c: {  	[sflag:s23] =	ssyncadd.s32 $0xFFFFFE00  }
0x3d: {  	_ =	swait.ge [sflag:s24], $0x2400  }
0x3e: {  	[sflag:s24] =	ssyncset.done $0x0  }
0x3f: {  	[sflag:s24] =	ssyncadd.s32 $0xFFFFDC00  }
0x40: {  	_ =	swait.ge [sflag:s25], $0x2400  }
0x41: {  	[sflag:s25] =	ssyncset.done $0x0  }
0x42: {  	[sflag:s25] =	ssyncadd.s32 $0xFFFFDC00  }
0x43: {  	[spmem:s3] =	stream.indirect.scatter.add.f32 [tilespmem:s21], [sflag:$0x9], $0x90, s16, s26, $0x2000b8;
	[tilespmem:$0x1F820] =	vst v63  }
0x44: {  	_ =	swait.ge [sflag:s15], $0x4800  }
0x45: {  	[sflag:s15] =	ssyncset.done $0x0  }
0x46: {  	[sflag:s15] =	ssyncadd.s32 $0xFFFFB800  }
0x47: {  	[tilespmem:s28], [sflag:$0x6] =	stream.indirect.gather [hbm4b:s5+s20], $0x90, s26, s20, $0x2000b8;
	[tilespmem:$0x1F820] =	vst v63  }
0x48: {  	s13 =	rddreg [dreg:$0x6]  }
0x49: {  	[tilespmem:s29], [sflag:$0x8] =	stream.indirect.gather [hbm4b:s5+s20], $0x90, s13, s20, $0x2000b8;
	[tilespmem:$0x1F820] =	vst v63  }
0x4a: {  	_ =	swait.ge [sflag:s30], $0x2400  }
0x4b: {  	[sflag:s30] =	ssyncset.done $0x0  }
0x4c: {  	[sflag:s30] =	ssyncadd.s32 $0xFFFFDC00  }
0x4d: {  	_ =	swait.ge [sflag:s31], $0x2400  }
0x4e: {  	[sflag:s31] =	ssyncset.done $0x0  }
0x4f: {  	s14 =	rddreg [dreg:$0x7];
	[sflag:s31] =	ssyncadd.s32 $0xFFFFDC00  }
0x50: {  	[spmem:s3] =	stream.indirect.scatter.add.f32 [tilespmem:s28], [sflag:$0x9], $0x90, s14, s26, $0x2000b8;
	[tilespmem:$0x1F820] =	vst v63  }
0x51: {  	_ =	swait.ge [sflag:s15], $0x4800  }
0x52: {  	[sflag:s15] =	ssyncset.done $0x0  }
0x53: {  	s17 =	rddreg [dreg:$0x8];
	[sflag:s15] =	ssyncadd.s32 $0xFFFFB800  }
0x54: {  	[tilespmem:s21], [sflag:$0x5] =	stream.indirect.gather [hbm4b:s5+s20], $0x90, s17, s20, $0x2000b8;
	[tilespmem:$0x1F820] =	vst v63  }
0x55: {  	s19 =	rddreg [dreg:$0x9]  }
0x56: {  	[tilespmem:s22], [sflag:$0x7] =	stream.indirect.gather [hbm4b:s5+s20], $0x90, s19, s20, $0x2000b8;
	[tilespmem:$0x1F820] =	vst v63  }
0x57: {  	_ =	swait.ge [sflag:s24], $0x2400  }
0x58: {  	[sflag:s24] =	ssyncset.done $0x0  }
0x59: {  	[sflag:s24] =	ssyncadd.s32 $0xFFFFDC00  }
0x5a: {  	_ =	swait.ge [sflag:s25], $0x2400  }
0x5b: {  	[sflag:s25] =	ssyncset.done $0x0  }
0x5c: {  	s10 =	rddreg [dreg:$0xa];
	[sflag:s25] =	ssyncadd.s32 $0xFFFFDC00  }
0x5d: {  	[spmem:s3] =	stream.indirect.scatter.add.f32 [tilespmem:s21], [sflag:$0x9], $0x90, s10, s26, $0x2000b8;
	[tilespmem:$0x1F820] =	vst v63  }
0x5e: {  	_ =	swait.ge [sflag:s15], $0x4800  }
0x5f: {  	[sflag:s15] =	ssyncset.done $0x0  }
0x60: {  	s11 =	rddreg [dreg:$0xb];
	[sflag:s15] =	ssyncadd.s32 $0xFFFFB800  }
0x61: {  	[tilespmem:s28], [sflag:$0x6] =	stream.indirect.gather [hbm4b:s5+s20], $0x90, s11, s20, $0x2000b8;
	[tilespmem:$0x1F820] =	vst v63  }
0x62: {  	s12 =	rddreg [dreg:$0xc]  }
0x63: {  	[tilespmem:s29], [sflag:$0x8] =	stream.indirect.gather [hbm4b:s5+s20], $0x90, s12, s20, $0x2000b8;
	[tilespmem:$0x1F820] =	vst v63  }
0x64: {  	_ =	swait.ge [sflag:s30], $0x2400  }
0x65: {  	[sflag:s30] =	ssyncset.done $0x0  }
0x66: {  	[sflag:s30] =	ssyncadd.s32 $0xFFFFDC00  }
0x67: {  	_ =	swait.ge [sflag:s31], $0x2400  }
0x68: {  	[sflag:s31] =	ssyncset.done $0x0  }
0x69: {  	s13 =	rddreg [dreg:$0xd];
	[sflag:s31] =	ssyncadd.s32 $0xFFFFDC00  }
0x6a: {  	[spmem:s3] =	stream.indirect.scatter.add.f32 [tilespmem:s28], [sflag:$0x9], $0x90, s13, s26, $0x2000b8;
	[tilespmem:$0x1F820] =	vst v63  }
0x6b: {  	_ =	swait.ge [sflag:s15], $0x4800  }
0x6c: {  	s14 =	rddreg [dreg:$0x4]  }
0x6d: {  	[sflag:s15] =	ssyncset.done $0x0;
	p1 =	sle.u32 s14, $0x0  }
0x6e: {  	[sflag:s15] =	ssyncadd.s32 $0xFFFFB800;
	s2 =	simm.s32 @!p1 $0x2  }
0x6f: {  	_ =	swait.ge @!p1 [sflag:s2], $0x200  }
0x70: {  	s9 =	simm.s32 @!p1 $0x800;
	[sflag:s2] =	ssyncset.done @!p1 $0x0  }
0x71: {  	s10 =	simm.s32 @!p1 $0x200;
	[sflag:s2] =	ssyncadd.s32 @!p1 $0xFFFFFE00;
	s2 =	simm.s32 @!p1 $0x40  }
0x72: {  	[tilespmem:s9], [sflag:$0x5] =	stream.indirect.gather @!p1 [hbm4b:s5+s2], $0x90, s10, s2, $0x2000b8;
	[tilespmem:$0x1F820] =	vst v63  }
0x73: {  	p0 =	sle.u32 s6, $0x2;
	s9 =	simm.s32 @!p1 $0x240;
	s10 =	simm.s32 @!p1 $0x2C00  }
0x74: {  	[tilespmem:s10], [sflag:$0x7] =	stream.indirect.gather @!p1 [hbm4b:s5+s2], $0x90, s9, s2, $0x2000b8;
	[tilespmem:$0x1F820] =	vst v63  }
0x75: {  	s2 =	sadd.s32 @!p0 $0x0, s7  }
0x76: {  	s9 =	simm.s32 @!p0 $0x0;
	s10 =	sadd.s32 @!p0 $0x0, s8;
	s2 =	sadd.s32 @!p0 $0x80, s2  }
0x77: {  	[tilespmem:s9], [sflag:$0x1] =	stream.linear.gather @!p0 [hbm4b:s2+s9], $0x200, $0x200038;
	[tilespmem:$0x1F820] =	vst v63  }
0x78: {  	s2 =	sadd.s32 @!p0 $0x80, s10;
	s10 =	simm.s32 @!p0 $0x400  }
0x79: {  	[tilespmem:s10], [sflag:$0x3] =	stream.linear.gather @!p0 [hbm4b:s2+s9], $0x200, $0x200038;
	[tilespmem:$0x1F820] =	vst v63  }
0x7a: {  	_ =	swait.ge [sflag:s1], $0x200  }
0x7b: {  	[sflag:s1] =	ssyncset.done $0x0  }
0x7c: {  	[sflag:s1] =	ssyncadd.s32 $0xFFFFFE00  }
0x7d: {  	_ =	swait.ge [sflag:s24], $0x2400  }
0x7e: {  	[sflag:s24] =	ssyncset.done $0x0  }
0x7f: {  	[sflag:s24] =	ssyncadd.s32 $0xFFFFDC00  }
0x80: {  	_ =	swait.ge [sflag:s25], $0x2400  }
0x81: {  	[sflag:s25] =	ssyncset.done $0x0  }
0x82: {  	[sflag:s25] =	ssyncadd.s32 $0xFFFFDC00  }
0x83: {  	[spmem:s3] =	stream.indirect.scatter.add.f32 [tilespmem:s21], [sflag:$0x9], $0x90, s18, s26, $0x2000b8;
	[tilespmem:$0x1F820] =	vst v63  }
0x84: {  	_ =	swait.ge [sflag:s15], $0x4800  }
0x85: {  	[sflag:s15] =	ssyncset.done $0x0  }
0x86: {  	s17 =	rddreg [dreg:$0xe];
	[sflag:s15] =	ssyncadd.s32 $0xFFFFB800  }
0x87: {  	[tilespmem:s28], [sflag:$0x6] =	stream.indirect.gather [hbm4b:s5+s20], $0x90, s17, s20, $0x2000b8;
	[tilespmem:$0x1F820] =	vst v63  }
0x88: {  	s19 =	rddreg [dreg:$0xf]  }
0x89: {  	[tilespmem:s29], [sflag:$0x8] =	stream.indirect.gather [hbm4b:s5+s20], $0x90, s19, s20, $0x2000b8;
	[tilespmem:$0x1F820] =	vst v63  }
0x8a: {  	_ =	swait.ge [sflag:s30], $0x2400  }
0x8b: {  	[sflag:s30] =	ssyncset.done $0x0  }
0x8c: {  	[sflag:s30] =	ssyncadd.s32 $0xFFFFDC00  }
0x8d: {  	_ =	swait.ge [sflag:s31], $0x2400  }
0x8e: {  	[sflag:s31] =	ssyncset.done $0x0  }
0x8f: {  	s10 =	rddreg [dreg:$0x10];
	[sflag:s31] =	ssyncadd.s32 $0xFFFFDC00  }
0x90: {  	[spmem:s3] =	stream.indirect.scatter.add.f32 [tilespmem:s28], [sflag:$0x9], $0x90, s10, s26, $0x2000b8;
	[tilespmem:$0x1F820] =	vst v63  }
0x91: {  	_ =	swait.ge [sflag:s15], $0x4800  }
0x92: {  	[sflag:s15] =	ssyncset.done $0x0  }
0x93: {  	s11 =	rddreg [dreg:$0x11];
	[sflag:s15] =	ssyncadd.s32 $0xFFFFB800  }
0x94: {  	[tilespmem:s21], [sflag:$0x5] =	stream.indirect.gather [hbm4b:s5+s20], $0x90, s11, s20, $0x2000b8;
	[tilespmem:$0x1F820] =	vst v63  }
0x95: {  	s12 =	rddreg [dreg:$0x12]  }
0x96: {  	[tilespmem:s22], [sflag:$0x7] =	stream.indirect.gather [hbm4b:s5+s20], $0x90, s12, s20, $0x2000b8;
	[tilespmem:$0x1F820] =	vst v63  }
0x97: {  	_ =	swait.ge [sflag:s24], $0x2400  }
0x98: {  	[sflag:s24] =	ssyncset.done $0x0  }
0x99: {  	[sflag:s24] =	ssyncadd.s32 $0xFFFFDC00  }
0x9a: {  	_ =	swait.ge [sflag:s25], $0x2400  }
0x9b: {  	[sflag:s25] =	ssyncset.done $0x0  }
0x9c: {  	s13 =	rddreg [dreg:$0x13];
	[sflag:s25] =	ssyncadd.s32 $0xFFFFDC00  }
0x9d: {  	[spmem:s3] =	stream.indirect.scatter.add.f32 [tilespmem:s21], [sflag:$0x9], $0x90, s13, s26, $0x2000b8;
	[tilespmem:$0x1F820] =	vst v63  }
0x9e: {  	_ =	swait.ge [sflag:s15], $0x4800  }
0x9f: {  	[sflag:s15] =	ssyncset.done $0x0  }
0xa0: {  	s14 =	rddreg [dreg:$0x14];
	[sflag:s15] =	ssyncadd.s32 $0xFFFFB800  }
0xa1: {  	[tilespmem:s28], [sflag:$0x6] =	stream.indirect.gather [hbm4b:s5+s20], $0x90, s14, s20, $0x2000b8;
	[tilespmem:$0x1F820] =	vst v63  }
0xa2: {  	s17 =	rddreg [dreg:$0x15]  }
0xa3: {  	[tilespmem:s29], [sflag:$0x8] =	stream.indirect.gather [hbm4b:s5+s20], $0x90, s17, s20, $0x2000b8;
	[tilespmem:$0x1F820] =	vst v63  }
0xa4: {  	_ =	swait.ge [sflag:s30], $0x2400  }
0xa5: {  	[sflag:s30] =	ssyncset.done $0x0  }
0xa6: {  	[sflag:s30] =	ssyncadd.s32 $0xFFFFDC00  }
0xa7: {  	_ =	swait.ge [sflag:s31], $0x2400  }
0xa8: {  	[sflag:s31] =	ssyncset.done $0x0  }
0xa9: {  	s19 =	rddreg [dreg:$0x16];
	[sflag:s31] =	ssyncadd.s32 $0xFFFFDC00  }
0xaa: {  	[spmem:s3] =	stream.indirect.scatter.add.f32 [tilespmem:s28], [sflag:$0x9], $0x90, s19, s26, $0x2000b8;
	[tilespmem:$0x1F820] =	vst v63  }
0xab: {  	_ =	swait.ge [sflag:s15], $0x4800  }
0xac: {  	[sflag:s15] =	ssyncset.done $0x0  }
0xad: {  	s10 =	simm.s32 @!p0 $0x1;
	[sflag:s15] =	ssyncadd.s32 $0xFFFFB800  }
0xae: {  	_ =	swait.ge @!p0 [sflag:s10], $0x200  }
0xaf: {  	s12 =	simm.s32 @!p0 $0x800;
	[sflag:s10] =	ssyncset.done @!p0 $0x0;
	s11 =	rddreg [dreg:$0x5]  }
0xb0: {  	s19 =	simm.s32 @!p0 $0x40;
	[sflag:s10] =	ssyncadd.s32 @!p0 $0xFFFFFE00;
	p2 =	sne.s32 s11, $0x80  }
0xb1: {  	[tilespmem:s12], [sflag:$0x5] =	stream.indirect.gather @!p0 [hbm4b:s5+s19], $0x90, s9, s19, $0x2000b8;
	[tilespmem:$0x1F820] =	vst v63  }
.Ltmp0:
0xb2: {  	p1 =	sle.u32 s6, $0x3;
	(pc) =	sbr.rel @!p2 .LBB2_3-.Ltmp0, $4  }
0xb3: {  	s2 =	simm.s32 $0x80;
	s17 =	simm.s32 $0x2;
	s9 =	simm.s32 @!p0 $0x2C00  }
0xb4: {  	[tilespmem:s9], [sflag:$0x7] =	stream.indirect.gather @!p0 [hbm4b:s5+s19], $0x90, s19, s19, $0x2000b8;
	[tilespmem:$0x1F820] =	vst v63  }
0xb5: {  	s10 =	simm.s32 @!p1 $0x0;
	s11 =	simm.s32 @!p1 $0x600;
	s9 =	sadd.s32 @!p1 $0x0, s7  }
0xb6: {  	s12 =	simm.s32 @!p1 $0x200;
	s19 =	sadd.s32 @!p1 $0xC0, s9;
	s9 =	sadd.s32 @!p1 $0x0, s8  }
.LBB2_2:
0xb7: {  	[tilespmem:s12], [sflag:$0x2] =	stream.linear.gather @!p1 [hbm4b:s19+s10], $0x200, $0x200038;
	[tilespmem:$0x1F820] =	vst v63  }
0xb8: {  	s12 =	sadd.s32 @!p1 $0xC0, s9  }
0xb9: {  	[tilespmem:s11], [sflag:$0x4] =	stream.linear.gather @!p1 [hbm4b:s12+s10], $0x200, $0x200038;
	[tilespmem:$0x1F820] =	vst v63  }
0xba: {  	_ =	swait.ge [sflag:s23], $0x200  }
0xbb: {  	[sflag:s23] =	ssyncset.done $0x0  }
0xbc: {  	[sflag:s23] =	ssyncadd.s32 $0xFFFFFE00  }
0xbd: {  	_ =	swait.ge [sflag:s24], $0x2400  }
0xbe: {  	[sflag:s24] =	ssyncset.done $0x0  }
0xbf: {  	[sflag:s24] =	ssyncadd.s32 $0xFFFFDC00  }
0xc0: {  	_ =	swait.ge [sflag:s25], $0x2400  }
0xc1: {  	[sflag:s25] =	ssyncset.done $0x0  }
0xc2: {  	[sflag:s25] =	ssyncadd.s32 $0xFFFFDC00  }
0xc3: {  	[spmem:s3] =	stream.indirect.scatter.add.f32 [tilespmem:s21], [sflag:$0x9], $0x90, s16, s26, $0x2000b8;
	[tilespmem:$0x1F820] =	vst v63  }
0xc4: {  	_ =	swait.ge [sflag:s15], $0x4800  }
0xc5: {  	[sflag:s15] =	ssyncset.done $0x0  }
0xc6: {  	[sflag:s15] =	ssyncadd.s32 $0xFFFFB800  }
0xc7: {  	[tilespmem:s28], [sflag:$0x6] =	stream.indirect.gather [hbm4b:s5+s20], $0x90, s26, s20, $0x2000b8;
	[tilespmem:$0x1F820] =	vst v63  }
0xc8: {  	s12 =	rddreg [dreg:$0x6]  }
0xc9: {  	[tilespmem:s29], [sflag:$0x8] =	stream.indirect.gather [hbm4b:s5+s20], $0x90, s12, s20, $0x2000b8;
	[tilespmem:$0x1F820] =	vst v63  }
0xca: {  	_ =	swait.ge [sflag:s30], $0x2400  }
0xcb: {  	[sflag:s30] =	ssyncset.done $0x0  }
0xcc: {  	[sflag:s30] =	ssyncadd.s32 $0xFFFFDC00  }
0xcd: {  	_ =	swait.ge [sflag:s31], $0x2400  }
0xce: {  	[sflag:s31] =	ssyncset.done $0x0  }
0xcf: {  	s13 =	rddreg [dreg:$0x7];
	[sflag:s31] =	ssyncadd.s32 $0xFFFFDC00  }
0xd0: {  	[spmem:s3] =	stream.indirect.scatter.add.f32 [tilespmem:s28], [sflag:$0x9], $0x90, s13, s26, $0x2000b8;
	[tilespmem:$0x1F820] =	vst v63  }
0xd1: {  	_ =	swait.ge [sflag:s15], $0x4800  }
0xd2: {  	[sflag:s15] =	ssyncset.done $0x0  }
0xd3: {  	s14 =	rddreg [dreg:$0x8];
	[sflag:s15] =	ssyncadd.s32 $0xFFFFB800  }
0xd4: {  	[tilespmem:s21], [sflag:$0x5] =	stream.indirect.gather [hbm4b:s5+s20], $0x90, s14, s20, $0x2000b8;
	[tilespmem:$0x1F820] =	vst v63  }
0xd5: {  	s19 =	rddreg [dreg:$0x9]  }
0xd6: {  	[tilespmem:s22], [sflag:$0x7] =	stream.indirect.gather [hbm4b:s5+s20], $0x90, s19, s20, $0x2000b8;
	[tilespmem:$0x1F820] =	vst v63  }
0xd7: {  	_ =	swait.ge [sflag:s24], $0x2400  }
0xd8: {  	[sflag:s24] =	ssyncset.done $0x0  }
0xd9: {  	[sflag:s24] =	ssyncadd.s32 $0xFFFFDC00  }
0xda: {  	_ =	swait.ge [sflag:s25], $0x2400  }
0xdb: {  	[sflag:s25] =	ssyncset.done $0x0  }
0xdc: {  	s12 =	rddreg [dreg:$0xa];
	[sflag:s25] =	ssyncadd.s32 $0xFFFFDC00  }
0xdd: {  	[spmem:s3] =	stream.indirect.scatter.add.f32 [tilespmem:s21], [sflag:$0x9], $0x90, s12, s26, $0x2000b8;
	[tilespmem:$0x1F820] =	vst v63  }
0xde: {  	_ =	swait.ge [sflag:s15], $0x4800  }
0xdf: {  	[sflag:s15] =	ssyncset.done $0x0  }
0xe0: {  	s13 =	rddreg [dreg:$0xb];
	[sflag:s15] =	ssyncadd.s32 $0xFFFFB800  }
0xe1: {  	[tilespmem:s28], [sflag:$0x6] =	stream.indirect.gather [hbm4b:s5+s20], $0x90, s13, s20, $0x2000b8;
	[tilespmem:$0x1F820] =	vst v63  }
0xe2: {  	s14 =	rddreg [dreg:$0xc]  }
0xe3: {  	[tilespmem:s29], [sflag:$0x8] =	stream.indirect.gather [hbm4b:s5+s20], $0x90, s14, s20, $0x2000b8;
	[tilespmem:$0x1F820] =	vst v63  }
0xe4: {  	_ =	swait.ge [sflag:s30], $0x2400  }
0xe5: {  	[sflag:s30] =	ssyncset.done $0x0  }
0xe6: {  	[sflag:s30] =	ssyncadd.s32 $0xFFFFDC00  }
0xe7: {  	_ =	swait.ge [sflag:s31], $0x2400  }
0xe8: {  	[sflag:s31] =	ssyncset.done $0x0  }
0xe9: {  	s19 =	rddreg [dreg:$0xd];
	[sflag:s31] =	ssyncadd.s32 $0xFFFFDC00  }
0xea: {  	[spmem:s3] =	stream.indirect.scatter.add.f32 [tilespmem:s28], [sflag:$0x9], $0x90, s19, s26, $0x2000b8;
	[tilespmem:$0x1F820] =	vst v63  }
0xeb: {  	_ =	swait.ge [sflag:s15], $0x4800  }
0xec: {  	s12 =	rddreg [dreg:$0x4]  }
0xed: {  	[sflag:s15] =	ssyncset.done $0x0;
	p1 =	sge.u32 s17, s12  }
0xee: {  	[sflag:s15] =	ssyncadd.s32 $0xFFFFB800;
	s11 =	simm.s32 @!p1 $0x2  }
0xef: {  	s9 =	smov.u32 s2;
	s10 =	smov.u32 s17;
	_ =	swait.ge @!p1 [sflag:s11], $0x200  }
0xf0: {  	s17 =	sadd.s32 $0x2, s17;
	s12 =	simm.s32 @!p1 $0x800;
	[sflag:s11] =	ssyncset.done @!p1 $0x0  }
0xf1: {  	s19 =	simm.s32 @!p1 $0x200;
	[sflag:s11] =	ssyncadd.s32 @!p1 $0xFFFFFE00;
	s11 =	simm.s32 @!p1 $0x40  }
0xf2: {  	[tilespmem:s12], [sflag:$0x5] =	stream.indirect.gather @!p1 [hbm4b:s5+s11], $0x90, s19, s11, $0x2000b8;
	[tilespmem:$0x1F820] =	vst v63  }
0xf3: {  	p0 =	sge.u32 s17, s6;
	s12 =	simm.s32 @!p1 $0x240;
	s19 =	simm.s32 @!p1 $0x2C00  }
0xf4: {  	[tilespmem:s19], [sflag:$0x7] =	stream.indirect.gather @!p1 [hbm4b:s5+s11], $0x90, s12, s11, $0x2000b8;
	[tilespmem:$0x1F820] =	vst v63  }
0xf5: {  	s12 =	sadd.s32 @!p0 s9, s7  }
0xf6: {  	s11 =	simm.s32 @!p0 $0x0;
	s19 =	sadd.s32 @!p0 s9, s8;
	s12 =	sadd.s32 @!p0 $0x80, s12  }
0xf7: {  	[tilespmem:s11], [sflag:$0x1] =	stream.linear.gather @!p0 [hbm4b:s12+s11], $0x200, $0x200038;
	[tilespmem:$0x1F820] =	vst v63  }
0xf8: {  	s13 =	simm.s32 @!p0 $0x400;
	s19 =	sadd.s32 @!p0 $0x80, s19  }
0xf9: {  	[tilespmem:s13], [sflag:$0x3] =	stream.linear.gather @!p0 [hbm4b:s19+s11], $0x200, $0x200038;
	[tilespmem:$0x1F820] =	vst v63  }
0xfa: {  	_ =	swait.ge [sflag:s1], $0x200  }
0xfb: {  	[sflag:s1] =	ssyncset.done $0x0  }
0xfc: {  	[sflag:s1] =	ssyncadd.s32 $0xFFFFFE00  }
0xfd: {  	_ =	swait.ge [sflag:s24], $0x2400  }
0xfe: {  	[sflag:s24] =	ssyncset.done $0x0  }
0xff: {  	[sflag:s24] =	ssyncadd.s32 $0xFFFFDC00  }
0x100: {  	_ =	swait.ge [sflag:s25], $0x2400  }
0x101: {  	[sflag:s25] =	ssyncset.done $0x0  }
0x102: {  	[sflag:s25] =	ssyncadd.s32 $0xFFFFDC00  }
0x103: {  	[spmem:s3] =	stream.indirect.scatter.add.f32 [tilespmem:s21], [sflag:$0x9], $0x90, s18, s26, $0x2000b8;
	[tilespmem:$0x1F820] =	vst v63  }
0x104: {  	_ =	swait.ge [sflag:s15], $0x4800  }
0x105: {  	[sflag:s15] =	ssyncset.done $0x0  }
0x106: {  	s13 =	rddreg [dreg:$0xe];
	[sflag:s15] =	ssyncadd.s32 $0xFFFFB800  }
0x107: {  	[tilespmem:s28], [sflag:$0x6] =	stream.indirect.gather [hbm4b:s5+s20], $0x90, s13, s20, $0x2000b8;
	[tilespmem:$0x1F820] =	vst v63  }
0x108: {  	s14 =	rddreg [dreg:$0xf]  }
0x109: {  	[tilespmem:s29], [sflag:$0x8] =	stream.indirect.gather [hbm4b:s5+s20], $0x90, s14, s20, $0x2000b8;
	[tilespmem:$0x1F820] =	vst v63  }
0x10a: {  	_ =	swait.ge [sflag:s30], $0x2400  }
0x10b: {  	[sflag:s30] =	ssyncset.done $0x0  }
0x10c: {  	[sflag:s30] =	ssyncadd.s32 $0xFFFFDC00  }
0x10d: {  	_ =	swait.ge [sflag:s31], $0x2400  }
0x10e: {  	[sflag:s31] =	ssyncset.done $0x0  }
0x10f: {  	s19 =	rddreg [dreg:$0x10];
	[sflag:s31] =	ssyncadd.s32 $0xFFFFDC00  }
0x110: {  	[spmem:s3] =	stream.indirect.scatter.add.f32 [tilespmem:s28], [sflag:$0x9], $0x90, s19, s26, $0x2000b8;
	[tilespmem:$0x1F820] =	vst v63  }
0x111: {  	_ =	swait.ge [sflag:s15], $0x4800  }
0x112: {  	[sflag:s15] =	ssyncset.done $0x0  }
0x113: {  	s13 =	rddreg [dreg:$0x11];
	[sflag:s15] =	ssyncadd.s32 $0xFFFFB800  }
0x114: {  	[tilespmem:s21], [sflag:$0x5] =	stream.indirect.gather [hbm4b:s5+s20], $0x90, s13, s20, $0x2000b8;
	[tilespmem:$0x1F820] =	vst v63  }
0x115: {  	s14 =	rddreg [dreg:$0x12]  }
0x116: {  	[tilespmem:s22], [sflag:$0x7] =	stream.indirect.gather [hbm4b:s5+s20], $0x90, s14, s20, $0x2000b8;
	[tilespmem:$0x1F820] =	vst v63  }
0x117: {  	_ =	swait.ge [sflag:s24], $0x2400  }
0x118: {  	[sflag:s24] =	ssyncset.done $0x0  }
0x119: {  	[sflag:s24] =	ssyncadd.s32 $0xFFFFDC00  }
0x11a: {  	_ =	swait.ge [sflag:s25], $0x2400  }
0x11b: {  	[sflag:s25] =	ssyncset.done $0x0  }
0x11c: {  	s19 =	rddreg [dreg:$0x13];
	[sflag:s25] =	ssyncadd.s32 $0xFFFFDC00  }
0x11d: {  	[spmem:s3] =	stream.indirect.scatter.add.f32 [tilespmem:s21], [sflag:$0x9], $0x90, s19, s26, $0x2000b8;
	[tilespmem:$0x1F820] =	vst v63  }
0x11e: {  	_ =	swait.ge [sflag:s15], $0x4800  }
0x11f: {  	[sflag:s15] =	ssyncset.done $0x0  }
0x120: {  	s13 =	rddreg [dreg:$0x14];
	[sflag:s15] =	ssyncadd.s32 $0xFFFFB800  }
0x121: {  	[tilespmem:s28], [sflag:$0x6] =	stream.indirect.gather [hbm4b:s5+s20], $0x90, s13, s20, $0x2000b8;
	[tilespmem:$0x1F820] =	vst v63  }
0x122: {  	s14 =	rddreg [dreg:$0x15]  }
0x123: {  	[tilespmem:s29], [sflag:$0x8] =	stream.indirect.gather [hbm4b:s5+s20], $0x90, s14, s20, $0x2000b8;
	[tilespmem:$0x1F820] =	vst v63  }
0x124: {  	_ =	swait.ge [sflag:s30], $0x2400  }
0x125: {  	[sflag:s30] =	ssyncset.done $0x0  }
0x126: {  	[sflag:s30] =	ssyncadd.s32 $0xFFFFDC00  }
0x127: {  	_ =	swait.ge [sflag:s31], $0x2400  }
0x128: {  	[sflag:s31] =	ssyncset.done $0x0  }
0x129: {  	s19 =	rddreg [dreg:$0x16];
	[sflag:s31] =	ssyncadd.s32 $0xFFFFDC00  }
0x12a: {  	[spmem:s3] =	stream.indirect.scatter.add.f32 [tilespmem:s28], [sflag:$0x9], $0x90, s19, s26, $0x2000b8;
	[tilespmem:$0x1F820] =	vst v63  }
0x12b: {  	_ =	swait.ge [sflag:s15], $0x4800  }
0x12c: {  	[sflag:s15] =	ssyncset.done $0x0  }
0x12d: {  	s10 =	sadd.s32 $0x3, s10;
	s12 =	simm.s32 @!p0 $0x1;
	[sflag:s15] =	ssyncadd.s32 $0xFFFFB800  }
0x12e: {  	p1 =	sge.u32 s10, s6;
	_ =	swait.ge @!p0 [sflag:s12], $0x200  }
0x12f: {  	s2 =	sadd.s32 $0x80, s2;
	s10 =	simm.s32 @!p1 $0x0;
	s14 =	rddreg [dreg:$0x5]  }
0x130: {  	s13 =	simm.s32 @!p0 $0x800;
	[sflag:s12] =	ssyncset.done @!p0 $0x0;
	p2 =	sne.s32 s14, s2  }
.Ltmp1:
0x131: {  	s19 =	simm.s32 @!p0 $0x40;
	[sflag:s12] =	ssyncadd.s32 @!p0 $0xFFFFFE00;
	(pc) =	sbr.rel @p2 .LBB2_2-.Ltmp1, $4  }
0x132: {  	[tilespmem:s13], [sflag:$0x5] =	stream.indirect.gather @!p0 [hbm4b:s5+s19], $0x90, s11, s19, $0x2000b8;
	[tilespmem:$0x1F820] =	vst v63  }
0x133: {  	s12 =	simm.s32 @!p0 $0x2C00;
	s11 =	sadd.s32 @!p1 s9, s7;
	s9 =	sadd.s32 @!p1 s9, s8  }
0x134: {  	[tilespmem:s12], [sflag:$0x7] =	stream.indirect.gather @!p0 [hbm4b:s5+s19], $0x90, s19, s19, $0x2000b8;
	[tilespmem:$0x1F820] =	vst v63  }
0x135: {  	s12 =	simm.s32 @!p1 $0x200;
	s19 =	sadd.s32 @!p1 $0xC0, s11;
	s11 =	simm.s32 @!p1 $0x600  }
.LBB2_3:
0x136: {  	[tilespmem:s12], [sflag:$0x2] =	stream.linear.gather @!p1 [hbm4b:s19+s10], $0x200, $0x200038;
	[tilespmem:$0x1F820] =	vst v63  }
0x137: {  	s2 =	sadd.s32 @!p1 $0xC0, s9  }
0x138: {  	[tilespmem:s11], [sflag:$0x4] =	stream.linear.gather @!p1 [hbm4b:s2+s10], $0x200, $0x200038;
	[tilespmem:$0x1F820] =	vst v63  }
0x139: {  	[bflag:$0x0] =	sbarrier.arrive $0xFFFF  }
0x13a: {  	_ =	strace $0x9000004A  }
0x13b: {  	_ =	strace $0x8000004B  }
0x13c: {  	s17 =	rddreg [dreg:$0x19]  }
0x13d: {  	s9 =	rddreg [dreg:$0x1b]  }
0x13e: {  	s10 =	rddreg [dreg:$0x1c]  }
0x13f: {  	[hbm:s17], [sflag:s9] =	dma.local [spmem:s10], $0x2C04  }
0x140: {  	_ =	swait.ge [sflag:s15], $0x2C04  }
0x141: {  	s0 =	sadd.s32 $0x1, s0;
	s19 =	rddreg [dreg:$0x1a]  }
0x142: {  	p0 =	sne.s32 s0, s19  }
.Ltmp2:
0x143: {  	_ = 	snop;
	(pc) =	sbr.rel @p0 .LBB2_1-.Ltmp2, $4  }
0x144: {  	_ = 	snop  }
0x145: {  	[sflag:s15] =	ssyncset.done $0x0  }
0x146: {  	[sflag:s15] =	ssyncadd.s32 $0xFFFFD3FC  }
0x147: {  	_ =	strace $0x9000004B  }
0x148: {  	_ =	sfence.sel $0x180000  }
0x149: {  	[bflag:$0x0] =	sbarrier.arrive $0xFFFF  }
0x14a: {  	_ =	strace $0x90000047  }
0x14b: {  	s0 =	stileid.u32;
	[bflag:$0x2] =	sbarrier.arrive $0xFFFF  }
0x14c: {  	p0 =	sne.s32 s0, $0x0;
	s0 =	rddreg [dreg:$0x3]  }
0x14d: {  	s0 =	sadd.s32 @!p0 $0x100000, s0  }
0x14e: {  	[sflag:s0] =	ssyncadd.tile.s32 @!p0 $0x1;
	_ =	shalt  }
.Lfunc_end2:
_tile_overlayer_lowered:
.L_overlay_start_2:
0x14f: {  	(tag) =	ssettag $0x2  }
0x150: {  	s0 =	rddreg [dreg:$0x0];
	s2 =	stileid.u32  }
0x151: {  	s1 =	rddreg [dreg:$0x1];
	p0 =	sne.s32 s2, $0x0  }
0x152: {  	s3 =	rddreg [dreg:$0x2];
	[bflag:$0x3] =	sbarrier.arrive $0xFFFF;
	s2 =	simm.s32 @!p0 $0x1C09  }
0x153: {  	[timem:s3], [sflag:s2] =	dma.local @!p0 [hbm:s0], s1  }
0x154: {  	s0 =	simm.s32 @!p0 $0x9  }
0x155: {  	_ =	swait.ge @!p0 [sflag:s0], s1  }
0x156: {  	s1 =	ssub.s32 @!p0 $0x0, s1;
	[sflag:s0] =	ssyncset.done @!p0 $0x0  }
0x157: {  	[sflag:s0] =	ssyncadd.s32 @!p0 s1  }
0x158: {  	[bflag:$0x3] =	sbarrier.arrive $0xFFFF  }
0x159: {  	_ =	shalt  }

</sc_bundles>
